<compile_context>
chip_gen: v7x
topology: tpu7x:2x2x1
jax: 0.10.2.dev20260603
libtpu: 0.0.44.dev20260713+nightly
codegen_flags: <defaults>
</compile_context>

<pallas_src>
import functools
import numpy as np
import jax
import jax.numpy as jnp
from jax import lax
from jax.experimental import pallas as pl
from jax.experimental.pallas import tpu as pltpu
from jax.experimental.pallas import tpu_sc as plsc

W_MAX = 8
STEP = 1
LEAK = 2
KS = (W_MAX - 1) * (STEP + LEAK)
THETA = 512
FODEP = KS
NEURONS = 512
SYNAPSES = 512
BATCH = 32
TIME = 64
TOUT = TIME + KS + 1
TPOT = 96
NV = W_MAX - 1
BN = BATCH * NEURONS
ROW = NEURONS * TOUT


def _base_table():
    t = np.arange(KS, dtype=np.float64)[None, :]
    w = np.arange(W_MAX, dtype=np.float64)[:, None]
    w_step = np.maximum(np.floor(1.0 + t / STEP), 0.0)
    w_leak = np.maximum(np.ceil(w + ((w - 1.0) * STEP - t) / LEAK), 0.0)
    return np.minimum(w_step, w_leak).astype(np.int64)


def _a_cat():
    base = _base_table()
    A = np.zeros((TPOT, NV * TIME), dtype=np.float32)
    for s in range(NV):
        v = s + 1
        for tp in range(TOUT):
            lo = max(0, tp - 1 - (KS - 1))
            hi = min(TIME - 1, tp - 1)
            for t in range(lo, hi + 1):
                A[tp, s * TIME + t] = float(base[v, tp - 1 - t])
    return A


def _pot_kernel(xt_ref, wt_ref, acat_ref, keys_ref, u_ref):
    wt = wt_ref[...]
    xt = xt_ref[...].astype(jnp.bfloat16)
    for s in range(NV):
        m = (wt == (s + 1)).astype(jnp.bfloat16)
        u = jnp.dot(xt, m,
                    preferred_element_type=jnp.float32)
        u_ref[pl.ds(s * TIME, TIME), :, :] = u.reshape(TIME, BATCH, NEURONS)

    u_all = u_ref[...].reshape(NV * TIME, BN)
    pot = jnp.dot(acat_ref[...], u_all,
                  preferred_element_type=jnp.float32)
    pot_i = pot.astype(jnp.int32)

    iota_n = jax.lax.broadcasted_iota(jnp.int32, (TPOT, BN), 1) & (NEURONS - 1)
    key = pot_i * 512 + (NEURONS - 1 - iota_n)
    keys_ref[...] = jnp.max(key.reshape(TPOT, BATCH, NEURONS), axis=2)


def _wta_body(keys_hbm, out_hbm, keys_v, fires_v, wins_v, buf):
    ci = lax.axis_index("c")
    si = lax.axis_index("s")
    kbase = ci * 16
    pltpu.sync_copy(keys_hbm, keys_v)

    zeros16 = jnp.zeros((16,), jnp.int32)

    def zbody(i, carry):
        base = i * 128
        for q in range(8):
            buf[pl.ds(base + q * 16, 16)] = zeros16
        return carry

    lax.fori_loop(0, ROW // 128, zbody, 0)
    for q in range(16 * TPOT // 16):
        fires_v[pl.ds(q * 16, 16)] = zeros16
        wins_v[pl.ds(q * 16, 16)] = zeros16

    iota16 = lax.iota(jnp.int32, 16)
    ones16 = jnp.ones((16,), jnp.int32)
    tkey16 = jnp.full((16,), THETA * 512 + 511, jnp.int32)
    nmask16 = jnp.full((16,), NEURONS - 1, jnp.int32)
    refr16 = jnp.full((16,), FODEP + 1, jnp.int32)
    tpot16 = jnp.full((16,), TPOT, jnp.int32)

    dep_v = zeros16
    for t in range(TOUT):
        row = keys_v[t, pl.ds(kbase, 16)]
        fire_i = (jnp.where(row > tkey16, ones16, zeros16)
                  * jnp.where(dep_v == zeros16, ones16, zeros16))
        win_v = nmask16 - (row & nmask16)
        idx_v = iota16 * tpot16 + jnp.full((16,), t, jnp.int32)
        plsc.store_scatter(fires_v, [idx_v], fire_i)
        plsc.store_scatter(wins_v, [idx_v], win_v)
        dep_v = jnp.maximum(dep_v + fire_i * refr16 - ones16, zeros16)

    mybase = si * TPOT
    tout16 = jnp.full((16,), TOUT, jnp.int32)
    for c2 in range(TPOT // 16):
        f16 = fires_v[pl.ds(mybase + c2 * 16, 16)]
        w16 = wins_v[pl.ds(mybase + c2 * 16, 16)]
        tvec = iota16 + jnp.full((16,), c2 * 16, jnp.int32)
        plsc.store_scatter(buf, [w16 * tout16 + tvec], f16)

    pltpu.sync_copy(buf, out_hbm.at[kbase + si])


def kernel(input_spikes, weight):
    B, C, S, T = input_spikes.shape
    x8 = input_spikes.reshape(B, C * S, T).astype(jnp.int8)
    xt = x8.transpose(2, 0, 1).reshape(T * B, C * S)
    wtT = weight.T.astype(jnp.int32)
    acat = jnp.asarray(_a_cat())

    keys = pl.pallas_call(
        _pot_kernel,
        out_shape=jax.ShapeDtypeStruct((TPOT, BATCH), jnp.int32),
        scratch_shapes=[
            pltpu.VMEM((NV * TIME, BATCH, NEURONS), jnp.float32),
        ],
    )(xt, wtT, acat)

    wta = pl.kernel(
        _wta_body,
        mesh=plsc.VectorSubcoreMesh(core_axis_name="c", subcore_axis_name="s"),
        compiler_params=pltpu.CompilerParams(needs_layout_passes=False),
        out_type=jax.ShapeDtypeStruct((BATCH, ROW), jnp.int32),
        scratch_types=[
            pltpu.VMEM((TPOT, BATCH), jnp.int32),
            pltpu.VMEM((16 * TPOT,), jnp.int32),
            pltpu.VMEM((16 * TPOT,), jnp.int32),
            pltpu.VMEM((ROW,), jnp.int32),
        ],
    )
    out = wta(keys)
    return out.reshape(B, 1, NEURONS, TOUT)

# --- scband reference (transcript-rebuilt; emitter-appended) ---
"""Pipeline reference for scband-full-column-66975720014007 (READ-ONLY COPY).

The authoritative reference and input builder live on the scoring server;
editing this copy changes nothing except your own understanding.
"""

import jax, jax.numpy as jnp
import numpy as np

W_MAX = 8
STEP = 1
LEAK = 2
KS = (W_MAX - 1) * (STEP + LEAK)  # 21
THETA = 512
FODEP = KS
SYNAPSES = 512
NEURONS = 512
IN_CH = 1
OUT_CH = 1
BATCH = 32
TIME = 64


def _build_w_kernel():
    t = jnp.arange(KS, dtype=jnp.float32)[None, :]
    w = jnp.arange(W_MAX, dtype=jnp.float32)[:, None]
    zero = jnp.zeros((W_MAX, KS), dtype=jnp.float32)
    w_step = jnp.maximum(jnp.floor(1.0 + t / STEP), zero)
    w_leak = jnp.maximum(jnp.ceil(w + ((w - 1.0) * STEP - t) / LEAK), zero)
    return jnp.minimum(w_step, w_leak).astype(jnp.int32)[:, ::-1]


def setup_inputs(seed: int = 0):
    key = jax.random.key(seed)
    k1, k2 = jax.random.split(key)
    input_spikes = jax.random.randint(k1, (BATCH, IN_CH, SYNAPSES, TIME), 0, 2, dtype=jnp.int32)
    dense = 2 * THETA // W_MAX
    p = dense / (2.0 * SYNAPSES * IN_CH)
    # Binomial(w_max-1, p) sampled as sum of Bernoullis
    weight = jax.random.bernoulli(k2, p, (W_MAX - 1, OUT_CH * NEURONS, IN_CH * SYNAPSES)).astype(jnp.int32).sum(axis=0)
    return {"input_spikes": input_spikes, "weight": weight}


def reference(input_spikes, weight):
    B, C, S, T = input_spikes.shape
    x = input_spikes.reshape(B, C * S, T).astype(jnp.float32)
    base = _build_w_kernel()
    # get_w_kernel: gather response kernels by integer weight value
    w_kernel = jnp.take(base, weight.reshape(-1), axis=0).reshape(weight.shape[0], weight.shape[1], KS).astype(jnp.float32)
    pot = jax.lax.conv_general_dilated(x, w_kernel, (1,), [(KS, KS)], dimension_numbers=('NCH', 'OIH', 'NCH'))
    pot = pot.astype(jnp.int32)
    Tp = pot.shape[-1]
    pot = pot.reshape(B, OUT_CH, NEURONS, Tp).transpose(3, 0, 1, 2)  # [T', B, O, N]
    bi = jnp.arange(B)[:, None]
    oi = jnp.arange(OUT_CH)[None, :]

    def step(dep, pot_t):
        winner = jnp.argmax(pot_t, axis=-1)  # [B, O]
        maxval = jnp.take_along_axis(pot_t, winner[..., None], axis=-1)[..., 0]
        cond = jnp.logical_and(maxval > THETA, dep == 0).astype(jnp.int32)
        w_t = jnp.zeros((B, OUT_CH, NEURONS), dtype=jnp.int32).at[bi, oi, winner].set(cond)
        new_dep = jnp.maximum(0, dep + w_t.sum(axis=-1) * (FODEP + 1) - 1).astype(dep.dtype)
        return new_dep, w_t

    dep0 = jnp.zeros((B, OUT_CH), dtype=jnp.int32)
    _, winners = jax.lax.scan(step, dep0, pot)
    return winners.transpose(1, 2, 3, 0)  # [B, O, N, T']

if __name__ == "__main__":
    import jax
    _d = setup_inputs()
    print(jax.jit(kernel)(*tuple(_d.values())))

</pallas_src>

<mosaic_0001>
#map = affine_map<(d0, d1) -> (0, 0)>
module attributes {stable_mosaic.version = 14 : i64} {
  func.func @_wta_body(%arg0: i32, %arg1: i32, %arg2: memref<96x32xi32, #tpu.memory_space<hbm>>, %arg3: memref<32x44032xi32, #tpu.memory_space<hbm>>, %arg4: memref<96x32xi32, #tpu.memory_space<vmem>>, %arg5: memref<1536xi32, #tpu.memory_space<vmem>>, %arg6: memref<1536xi32, #tpu.memory_space<vmem>>, %arg7: memref<44032xi32, #tpu.memory_space<vmem>>) attributes {dimension_semantics = [#tpu.dimension_semantics<core_parallel>, #tpu.dimension_semantics<subcore_parallel>], iteration_bounds = array<i64: 2, 16>, scalar_prefetch = 0 : i64, scratch_operands = 4 : i64, tpu.core_type = #tpu.core_type<sc_vector_subcore>, window_params = [{transform_indices = #map}, {transform_indices = #map}]} {
    %mul3A = arith.constant 16 : i32
    %mul3A_0 = arith.muli %arg0, %mul3A : i32
    "tpu.region"() ({
      %run_scoped3A = tpu.sem_alloc : memref<!tpu.dma_semaphore, #tpu.memory_space<semaphore_mem>>
      tpu.enqueue_dma source(%arg2 : memref<96x32xi32, #tpu.memory_space<hbm>>) target(%arg4 : memref<96x32xi32, #tpu.memory_space<vmem>>) target_semaphore(%run_scoped3A : memref<!tpu.dma_semaphore, #tpu.memory_space<semaphore_mem>>)
      tpu.wait_dma2 semaphore(%run_scoped3A : memref<!tpu.dma_semaphore, #tpu.memory_space<semaphore_mem>>) src(%arg2 : memref<96x32xi32, #tpu.memory_space<hbm>>) dst(%arg4 : memref<96x32xi32, #tpu.memory_space<vmem>>)
      tpu.yield
    }) : () -> ()
    %broadcast_in_dim3A = arith.constant 0 : i32
    %broadcast_in_dim3A_1 = vector.broadcast %broadcast_in_dim3A : i32 to vector<16xi32>
    %scan3A = arith.constant 0 : i32
    %scan3A_2 = arith.constant 0 : i32
    %scan3A_3 = arith.constant 344 : i32
    %scan3A_4 = arith.addi %scan3A_2, %scan3A_3 : i32
    %scan3A_5 = arith.constant 1 : i32
    scf.for %scan3A_2109 = %scan3A_2 to %scan3A_4 step %scan3A_5  : i32 {
      %mul3A_2110 = arith.constant 128 : i32
      %mul3A_2111 = arith.muli %scan3A_2109, %mul3A_2110 : i32
      %add3A_2112 = arith.constant 0 : i32
      %add3A_2113 = arith.addi %mul3A_2111, %add3A_2112 : i32
      %swap3A_2114 = arith.index_cast %add3A_2113 : i32 to index
      %swap3A_2115 = tpu.vector_load %arg7[%swap3A_2114] {strides = array<i32>} : memref<44032xi32, #tpu.memory_space<vmem>>, vector<16xi32>,
      tpu.vector_store %arg7[%swap3A_2114], %broadcast_in_dim3A_1 {strides = array<i32>} : memref<44032xi32, #tpu.memory_space<vmem>>, vector<16xi32>,
      %add3A_2116 = arith.constant 16 : i32
      %add3A_2117 = arith.addi %mul3A_2111, %add3A_2116 : i32
      %swap3A_2118 = arith.index_cast %add3A_2117 : i32 to index
      %swap3A_2119 = tpu.vector_load %arg7[%swap3A_2118] {strides = array<i32>} : memref<44032xi32, #tpu.memory_space<vmem>>, vector<16xi32>,
      tpu.vector_store %arg7[%swap3A_2118], %broadcast_in_dim3A_1 {strides = array<i32>} : memref<44032xi32, #tpu.memory_space<vmem>>, vector<16xi32>,
      %add3A_2120 = arith.constant 32 : i32
      %add3A_2121 = arith.addi %mul3A_2111, %add3A_2120 : i32
      %swap3A_2122 = arith.index_cast %add3A_2121 : i32 to index
      %swap3A_2123 = tpu.vector_load %arg7[%swap3A_2122] {strides = array<i32>} : memref<44032xi32, #tpu.memory_space<vmem>>, vector<16xi32>,
      tpu.vector_store %arg7[%swap3A_2122], %broadcast_in_dim3A_1 {strides = array<i32>} : memref<44032xi32, #tpu.memory_space<vmem>>, vector<16xi32>,
      %add3A_2124 = arith.constant 48 : i32
      %add3A_2125 = arith.addi %mul3A_2111, %add3A_2124 : i32
      %swap3A_2126 = arith.index_cast %add3A_2125 : i32 to index
      %swap3A_2127 = tpu.vector_load %arg7[%swap3A_2126] {strides = array<i32>} : memref<44032xi32, #tpu.memory_space<vmem>>, vector<16xi32>,
      tpu.vector_store %arg7[%swap3A_2126], %broadcast_in_dim3A_1 {strides = array<i32>} : memref<44032xi32, #tpu.memory_space<vmem>>, vector<16xi32>,
      %add3A_2128 = arith.constant 64 : i32
      %add3A_2129 = arith.addi %mul3A_2111, %add3A_2128 : i32
      %swap3A_2130 = arith.index_cast %add3A_2129 : i32 to index
      %swap3A_2131 = tpu.vector_load %arg7[%swap3A_2130] {strides = array<i32>} : memref<44032xi32, #tpu.memory_space<vmem>>, vector<16xi32>,
      tpu.vector_store %arg7[%swap3A_2130], %broadcast_in_dim3A_1 {strides = array<i32>} : memref<44032xi32, #tpu.memory_space<vmem>>, vector<16xi32>,
      %add3A_2132 = arith.constant 80 : i32
      %add3A_2133 = arith.addi %mul3A_2111, %add3A_2132 : i32
      %swap3A_2134 = arith.index_cast %add3A_2133 : i32 to index
      %swap3A_2135 = tpu.vector_load %arg7[%swap3A_2134] {strides = array<i32>} : memref<44032xi32, #tpu.memory_space<vmem>>, vector<16xi32>,
      tpu.vector_store %arg7[%swap3A_2134], %broadcast_in_dim3A_1 {strides = array<i32>} : memref<44032xi32, #tpu.memory_space<vmem>>, vector<16xi32>,
      %add3A_2136 = arith.constant 96 : i32
      %add3A_2137 = arith.addi %mul3A_2111, %add3A_2136 : i32
      %swap3A_2138 = arith.index_cast %add3A_2137 : i32 to index
      %swap3A_2139 = tpu.vector_load %arg7[%swap3A_2138] {strides = array<i32>} : memref<44032xi32, #tpu.memory_space<vmem>>, vector<16xi32>,
      tpu.vector_store %arg7[%swap3A_2138], %broadcast_in_dim3A_1 {strides = array<i32>} : memref<44032xi32, #tpu.memory_space<vmem>>, vector<16xi32>,
      %add3A_2140 = arith.constant 112 : i32
      %add3A_2141 = arith.addi %mul3A_2111, %add3A_2140 : i32
      %swap3A_2142 = arith.index_cast %add3A_2141 : i32 to index
      %swap3A_2143 = tpu.vector_load %arg7[%swap3A_2142] {strides = array<i32>} : memref<44032xi32, #tpu.memory_space<vmem>>, vector<16xi32>,
      tpu.vector_store %arg7[%swap3A_2142], %broadcast_in_dim3A_1 {strides = array<i32>} : memref<44032xi32, #tpu.memory_space<vmem>>, vector<16xi32>,
    }
    %scan3A_6 = arith.constant 344 : i32
    %swap3A = arith.constant 0 : index
    %swap3A_7 = tpu.vector_load %arg5[%swap3A] {strides = array<i32>} : memref<1536xi32, #tpu.memory_space<vmem>>, vector<16xi32>,
    tpu.vector_store %arg5[%swap3A], %broadcast_in_dim3A_1 {strides = array<i32>} : memref<1536xi32, #tpu.memory_space<vmem>>, vector<16xi32>,
    %swap3A_8 = arith.constant 0 : index
    %swap3A_9 = tpu.vector_load %arg6[%swap3A_8] {strides = array<i32>} : memref<1536xi32, #tpu.memory_space<vmem>>, vector<16xi32>,
    tpu.vector_store %arg6[%swap3A_8], %broadcast_in_dim3A_1 {strides = array<i32>} : memref<1536xi32, #tpu.memory_space<vmem>>, vector<16xi32>,
    %swap3A_10 = arith.constant 16 : index
    %swap3A_11 = tpu.vector_load %arg5[%swap3A_10] {strides = array<i32>} : memref<1536xi32, #tpu.memory_space<vmem>>, vector<16xi32>,
    tpu.vector_store %arg5[%swap3A_10], %broadcast_in_dim3A_1 {strides = array<i32>} : memref<1536xi32, #tpu.memory_space<vmem>>, vector<16xi32>,
    %swap3A_12 = arith.constant 16 : index
    %swap3A_13 = tpu.vector_load %arg6[%swap3A_12] {strides = array<i32>} : memref<1536xi32, #tpu.memory_space<vmem>>, vector<16xi32>,
    tpu.vector_store %arg6[%swap3A_12], %broadcast_in_dim3A_1 {strides = array<i32>} : memref<1536xi32, #tpu.memory_space<vmem>>, vector<16xi32>,
    %swap3A_14 = arith.constant 32 : index
    %swap3A_15 = tpu.vector_load %arg5[%swap3A_14] {strides = array<i32>} : memref<1536xi32, #tpu.memory_space<vmem>>, vector<16xi32>,
    tpu.vector_store %arg5[%swap3A_14], %broadcast_in_dim3A_1 {strides = array<i32>} : memref<1536xi32, #tpu.memory_space<vmem>>, vector<16xi32>,
    %swap3A_16 = arith.constant 32 : index
    %swap3A_17 = tpu.vector_load %arg6[%swap3A_16] {strides = array<i32>} : memref<1536xi32, #tpu.memory_space<vmem>>, vector<16xi32>,
    tpu.vector_store %arg6[%swap3A_16], %broadcast_in_dim3A_1 {strides = array<i32>} : memref<1536xi32, #tpu.memory_space<vmem>>, vector<16xi32>,
    %swap3A_18 = arith.constant 48 : index
    %swap3A_19 = tpu.vector_load %arg5[%swap3A_18] {strides = array<i32>} : memref<1536xi32, #tpu.memory_space<vmem>>, vector<16xi32>,
    tpu.vector_store %arg5[%swap3A_18], %broadcast_in_dim3A_1 {strides = array<i32>} : memref<1536xi32, #tpu.memory_space<vmem>>, vector<16xi32>,
    %swap3A_20 = arith.constant 48 : index
    %swap3A_21 = tpu.vector_load %arg6[%swap3A_20] {strides = array<i32>} : memref<1536xi32, #tpu.memory_space<vmem>>, vector<16xi32>,
    tpu.vector_store %arg6[%swap3A_20], %broadcast_in_dim3A_1 {strides = array<i32>} : memref<1536xi32, #tpu.memory_space<vmem>>, vector<16xi32>,
    %swap3A_22 = arith.constant 64 : index
    %swap3A_23 = tpu.vector_load %arg5[%swap3A_22] {strides = array<i32>} : memref<1536xi32, #tpu.memory_space<vmem>>, vector<16xi32>,
    tpu.vector_store %arg5[%swap3A_22], %broadcast_in_dim3A_1 {strides = array<i32>} : memref<1536xi32, #tpu.memory_space<vmem>>, vector<16xi32>,
    %swap3A_24 = arith.constant 64 : index
    %swap3A_25 = tpu.vector_load %arg6[%swap3A_24] {strides = array<i32>} : memref<1536xi32, #tpu.memory_space<vmem>>, vector<16xi32>,
    tpu.vector_store %arg6[%swap3A_24], %broadcast_in_dim3A_1 {strides = array<i32>} : memref<1536xi32, #tpu.memory_space<vmem>>, vector<16xi32>,
    %swap3A_26 = arith.constant 80 : index
    %swap3A_27 = tpu.vector_load %arg5[%swap3A_26] {strides = array<i32>} : memref<1536xi32, #tpu.memory_space<vmem>>, vector<16xi32>,
    tpu.vector_store %arg5[%swap3A_26], %broadcast_in_dim3A_1 {strides = array<i32>} : memref<1536xi32, #tpu.memory_space<vmem>>, vector<16xi32>,
    %swap3A_28 = arith.constant 80 : index
    %swap3A_29 = tpu.vector_load %arg6[%swap3A_28] {strides = array<i32>} : memref<1536xi32, #tpu.memory_space<vmem>>, vector<16xi32>,
    tpu.vector_store %arg6[%swap3A_28], %broadcast_in_dim3A_1 {strides = array<i32>} : memref<1536xi32, #tpu.memory_space<vmem>>, vector<16xi32>,
    %swap3A_30 = arith.constant 96 : index
    %swap3A_31 = tpu.vector_load %arg5[%swap3A_30] {strides = array<i32>} : memref<1536xi32, #tpu.memory_space<vmem>>, vector<16xi32>,
    tpu.vector_store %arg5[%swap3A_30], %broadcast_in_dim3A_1 {strides = array<i32>} : memref<1536xi32, #tpu.memory_space<vmem>>, vector<16xi32>,
    %swap3A_32 = arith.constant 96 : index
    %swap3A_33 = tpu.vector_load %arg6[%swap3A_32] {strides = array<i32>} : memref<1536xi32, #tpu.memory_space<vmem>>, vector<16xi32>,
    tpu.vector_store %arg6[%swap3A_32], %broadcast_in_dim3A_1 {strides = array<i32>} : memref<1536xi32, #tpu.memory_space<vmem>>, vector<16xi32>,
    %swap3A_34 = arith.constant 112 : index
    %swap3A_35 = tpu.vector_load %arg5[%swap3A_34] {strides = array<i32>} : memref<1536xi32, #tpu.memory_space<vmem>>, vector<16xi32>,
    tpu.vector_store %arg5[%swap3A_34], %broadcast_in_dim3A_1 {strides = array<i32>} : memref<1536xi32, #tpu.memory_space<vmem>>, vector<16xi32>,
    %swap3A_36 = arith.constant 112 : index
    %swap3A_37 = tpu.vector_load %arg6[%swap3A_36] {strides = array<i32>} : memref<1536xi32, #tpu.memory_space<vmem>>, vector<16xi32>,
    tpu.vector_store %arg6[%swap3A_36], %broadcast_in_dim3A_1 {strides = array<i32>} : memref<1536xi32, #tpu.memory_space<vmem>>, vector<16xi32>,
    %swap3A_38 = arith.constant 128 : index
    %swap3A_39 = tpu.vector_load %arg5[%swap3A_38] {strides = array<i32>} : memref<1536xi32, #tpu.memory_space<vmem>>, vector<16xi32>,
    tpu.vector_store %arg5[%swap3A_38], %broadcast_in_dim3A_1 {strides = array<i32>} : memref<1536xi32, #tpu.memory_space<vmem>>, vector<16xi32>,
    %swap3A_40 = arith.constant 128 : index
    %swap3A_41 = tpu.vector_load %arg6[%swap3A_40] {strides = array<i32>} : memref<1536xi32, #tpu.memory_space<vmem>>, vector<16xi32>,
    tpu.vector_store %arg6[%swap3A_40], %broadcast_in_dim3A_1 {strides = array<i32>} : memref<1536xi32, #tpu.memory_space<vmem>>, vector<16xi32>,
    %swap3A_42 = arith.constant 144 : index
    %swap3A_43 = tpu.vector_load %arg5[%swap3A_42] {strides = array<i32>} : memref<1536xi32, #tpu.memory_space<vmem>>, vector<16xi32>,
    tpu.vector_store %arg5[%swap3A_42], %broadcast_in_dim3A_1 {strides = array<i32>} : memref<1536xi32, #tpu.memory_space<vmem>>, vector<16xi32>,
    %swap3A_44 = arith.constant 144 : index
    %swap3A_45 = tpu.vector_load %arg6[%swap3A_44] {strides = array<i32>} : memref<1536xi32, #tpu.memory_space<vmem>>, vector<16xi32>,
    tpu.vector_store %arg6[%swap3A_44], %broadcast_in_dim3A_1 {strides = array<i32>} : memref<1536xi32, #tpu.memory_space<vmem>>, vector<16xi32>,
    %swap3A_46 = arith.constant 160 : index
    %swap3A_47 = tpu.vector_load %arg5[%swap3A_46] {strides = array<i32>} : memref<1536xi32, #tpu.memory_space<vmem>>, vector<16xi32>,
    tpu.vector_store %arg5[%swap3A_46], %broadcast_in_dim3A_1 {strides = array<i32>} : memref<1536xi32, #tpu.memory_space<vmem>>, vector<16xi32>,
    %swap3A_48 = arith.constant 160 : index
    %swap3A_49 = tpu.vector_load %arg6[%swap3A_48] {strides = array<i32>} : memref<1536xi32, #tpu.memory_space<vmem>>, vector<16xi32>,
    tpu.vector_store %arg6[%swap3A_48], %broadcast_in_dim3A_1 {strides = array<i32>} : memref<1536xi32, #tpu.memory_space<vmem>>, vector<16xi32>,
    %swap3A_50 = arith.constant 176 : index
    %swap3A_51 = tpu.vector_load %arg5[%swap3A_50] {strides = array<i32>} : memref<1536xi32, #tpu.memory_space<vmem>>, vector<16xi32>,
    tpu.vector_store %arg5[%swap3A_50], %broadcast_in_dim3A_1 {strides = array<i32>} : memref<1536xi32, #tpu.memory_space<vmem>>, vector<16xi32>,
    %swap3A_52 = arith.constant 176 : index
    %swap3A_53 = tpu.vector_load %arg6[%swap3A_52] {strides = array<i32>} : memref<1536xi32, #tpu.memory_space<vmem>>, vector<16xi32>,
    tpu.vector_store %arg6[%swap3A_52], %broadcast_in_dim3A_1 {strides = array<i32>} : memref<1536xi32, #tpu.memory_space<vmem>>, vector<16xi32>,
    %swap3A_54 = arith.constant 192 : index
    %swap3A_55 = tpu.vector_load %arg5[%swap3A_54] {strides = array<i32>} : memref<1536xi32, #tpu.memory_space<vmem>>, vector<16xi32>,
    tpu.vector_store %arg5[%swap3A_54], %broadcast_in_dim3A_1 {strides = array<i32>} : memref<1536xi32, #tpu.memory_space<vmem>>, vector<16xi32>,
    %swap3A_56 = arith.constant 192 : index
    %swap3A_57 = tpu.vector_load %arg6[%swap3A_56] {strides = array<i32>} : memref<1536xi32, #tpu.memory_space<vmem>>, vector<16xi32>,
    tpu.vector_store %arg6[%swap3A_56], %broadcast_in_dim3A_1 {strides = array<i32>} : memref<1536xi32, #tpu.memory_space<vmem>>, vector<16xi32>,
    %swap3A_58 = arith.constant 208 : index
    %swap3A_59 = tpu.vector_load %arg5[%swap3A_58] {strides = array<i32>} : memref<1536xi32, #tpu.memory_space<vmem>>, vector<16xi32>,
    tpu.vector_store %arg5[%swap3A_58], %broadcast_in_dim3A_1 {strides = array<i32>} : memref<1536xi32, #tpu.memory_space<vmem>>, vector<16xi32>,
    %swap3A_60 = arith.constant 208 : index
    %swap3A_61 = tpu.vector_load %arg6[%swap3A_60] {strides = array<i32>} : memref<1536xi32, #tpu.memory_space<vmem>>, vector<16xi32>,
    tpu.vector_store %arg6[%swap3A_60], %broadcast_in_dim3A_1 {strides = array<i32>} : memref<1536xi32, #tpu.memory_space<vmem>>, vector<16xi32>,
    %swap3A_62 = arith.constant 224 : index
    %swap3A_63 = tpu.vector_load %arg5[%swap3A_62] {strides = array<i32>} : memref<1536xi32, #tpu.memory_space<vmem>>, vector<16xi32>,
    tpu.vector_store %arg5[%swap3A_62], %broadcast_in_dim3A_1 {strides = array<i32>} : memref<1536xi32, #tpu.memory_space<vmem>>, vector<16xi32>,
    %swap3A_64 = arith.constant 224 : index
    %swap3A_65 = tpu.vector_load %arg6[%swap3A_64] {strides = array<i32>} : memref<1536xi32, #tpu.memory_space<vmem>>, vector<16xi32>,
    tpu.vector_store %arg6[%swap3A_64], %broadcast_in_dim3A_1 {strides = array<i32>} : memref<1536xi32, #tpu.memory_space<vmem>>, vector<16xi32>,
    %swap3A_66 = arith.constant 240 : index
    %swap3A_67 = tpu.vector_load %arg5[%swap3A_66] {strides = array<i32>} : memref<1536xi32, #tpu.memory_space<vmem>>, vector<16xi32>,
    tpu.vector_store %arg5[%swap3A_66], %broadcast_in_dim3A_1 {strides = array<i32>} : memref<1536xi32, #tpu.memory_space<vmem>>, vector<16xi32>,
    %swap3A_68 = arith.constant 240 : index
    %swap3A_69 = tpu.vector_load %arg6[%swap3A_68] {strides = array<i32>} : memref<1536xi32, #tpu.memory_space<vmem>>, vector<16xi32>,
    tpu.vector_store %arg6[%swap3A_68], %broadcast_in_dim3A_1 {strides = array<i32>} : memref<1536xi32, #tpu.memory_space<vmem>>, vector<16xi32>,
    %swap3A_70 = arith.constant 256 : index
    %swap3A_71 = tpu.vector_load %arg5[%swap3A_70] {strides = array<i32>} : memref<1536xi32, #tpu.memory_space<vmem>>, vector<16xi32>,
    tpu.vector_store %arg5[%swap3A_70], %broadcast_in_dim3A_1 {strides = array<i32>} : memref<1536xi32, #tpu.memory_space<vmem>>, vector<16xi32>,
    %swap3A_72 = arith.constant 256 : index
    %swap3A_73 = tpu.vector_load %arg6[%swap3A_72] {strides = array<i32>} : memref<1536xi32, #tpu.memory_space<vmem>>, vector<16xi32>,
    tpu.vector_store %arg6[%swap3A_72], %broadcast_in_dim3A_1 {strides = array<i32>} : memref<1536xi32, #tpu.memory_space<vmem>>, vector<16xi32>,
    %swap3A_74 = arith.constant 272 : index
    %swap3A_75 = tpu.vector_load %arg5[%swap3A_74] {strides = array<i32>} : memref<1536xi32, #tpu.memory_space<vmem>>, vector<16xi32>,
    tpu.vector_store %arg5[%swap3A_74], %broadcast_in_dim3A_1 {strides = array<i32>} : memref<1536xi32, #tpu.memory_space<vmem>>, vector<16xi32>,
    %swap3A_76 = arith.constant 272 : index
    %swap3A_77 = tpu.vector_load %arg6[%swap3A_76] {strides = array<i32>} : memref<1536xi32, #tpu.memory_space<vmem>>, vector<16xi32>,
    tpu.vector_store %arg6[%swap3A_76], %broadcast_in_dim3A_1 {strides = array<i32>} : memref<1536xi32, #tpu.memory_space<vmem>>, vector<16xi32>,
    %swap3A_78 = arith.constant 288 : index
    %swap3A_79 = tpu.vector_load %arg5[%swap3A_78] {strides = array<i32>} : memref<1536xi32, #tpu.memory_space<vmem>>, vector<16xi32>,
    tpu.vector_store %arg5[%swap3A_78], %broadcast_in_dim3A_1 {strides = array<i32>} : memref<1536xi32, #tpu.memory_space<vmem>>, vector<16xi32>,
    %swap3A_80 = arith.constant 288 : index
    %swap3A_81 = tpu.vector_load %arg6[%swap3A_80] {strides = array<i32>} : memref<1536xi32, #tpu.memory_space<vmem>>, vector<16xi32>,
    tpu.vector_store %arg6[%swap3A_80], %broadcast_in_dim3A_1 {strides = array<i32>} : memref<1536xi32, #tpu.memory_space<vmem>>, vector<16xi32>,
    %swap3A_82 = arith.constant 304 : index
    %swap3A_83 = tpu.vector_load %arg5[%swap3A_82] {strides = array<i32>} : memref<1536xi32, #tpu.memory_space<vmem>>, vector<16xi32>,
    tpu.vector_store %arg5[%swap3A_82], %broadcast_in_dim3A_1 {strides = array<i32>} : memref<1536xi32, #tpu.memory_space<vmem>>, vector<16xi32>,
    %swap3A_84 = arith.constant 304 : index
    %swap3A_85 = tpu.vector_load %arg6[%swap3A_84] {strides = array<i32>} : memref<1536xi32, #tpu.memory_space<vmem>>, vector<16xi32>,
    tpu.vector_store %arg6[%swap3A_84], %broadcast_in_dim3A_1 {strides = array<i32>} : memref<1536xi32, #tpu.memory_space<vmem>>, vector<16xi32>,
    %swap3A_86 = arith.constant 320 : index
    %swap3A_87 = tpu.vector_load %arg5[%swap3A_86] {strides = array<i32>} : memref<1536xi32, #tpu.memory_space<vmem>>, vector<16xi32>,
    tpu.vector_store %arg5[%swap3A_86], %broadcast_in_dim3A_1 {strides = array<i32>} : memref<1536xi32, #tpu.memory_space<vmem>>, vector<16xi32>,
    %swap3A_88 = arith.constant 320 : index
    %swap3A_89 = tpu.vector_load %arg6[%swap3A_88] {strides = array<i32>} : memref<1536xi32, #tpu.memory_space<vmem>>, vector<16xi32>,
    tpu.vector_store %arg6[%swap3A_88], %broadcast_in_dim3A_1 {strides = array<i32>} : memref<1536xi32, #tpu.memory_space<vmem>>, vector<16xi32>,
    %swap3A_90 = arith.constant 336 : index
    %swap3A_91 = tpu.vector_load %arg5[%swap3A_90] {strides = array<i32>} : memref<1536xi32, #tpu.memory_space<vmem>>, vector<16xi32>,
    tpu.vector_store %arg5[%swap3A_90], %broadcast_in_dim3A_1 {strides = array<i32>} : memref<1536xi32, #tpu.memory_space<vmem>>, vector<16xi32>,
    %swap3A_92 = arith.constant 336 : index
    %swap3A_93 = tpu.vector_load %arg6[%swap3A_92] {strides = array<i32>} : memref<1536xi32, #tpu.memory_space<vmem>>, vector<16xi32>,
    tpu.vector_store %arg6[%swap3A_92], %broadcast_in_dim3A_1 {strides = array<i32>} : memref<1536xi32, #tpu.memory_space<vmem>>, vector<16xi32>,
    %swap3A_94 = arith.constant 352 : index
    %swap3A_95 = tpu.vector_load %arg5[%swap3A_94] {strides = array<i32>} : memref<1536xi32, #tpu.memory_space<vmem>>, vector<16xi32>,
    tpu.vector_store %arg5[%swap3A_94], %broadcast_in_dim3A_1 {strides = array<i32>} : memref<1536xi32, #tpu.memory_space<vmem>>, vector<16xi32>,
    %swap3A_96 = arith.constant 352 : index
    %swap3A_97 = tpu.vector_load %arg6[%swap3A_96] {strides = array<i32>} : memref<1536xi32, #tpu.memory_space<vmem>>, vector<16xi32>,
    tpu.vector_store %arg6[%swap3A_96], %broadcast_in_dim3A_1 {strides = array<i32>} : memref<1536xi32, #tpu.memory_space<vmem>>, vector<16xi32>,
    %swap3A_98 = arith.constant 368 : index
    %swap3A_99 = tpu.vector_load %arg5[%swap3A_98] {strides = array<i32>} : memref<1536xi32, #tpu.memory_space<vmem>>, vector<16xi32>,
    tpu.vector_store %arg5[%swap3A_98], %broadcast_in_dim3A_1 {strides = array<i32>} : memref<1536xi32, #tpu.memory_space<vmem>>, vector<16xi32>,
    %swap3A_100 = arith.constant 368 : index
    %swap3A_101 = tpu.vector_load %arg6[%swap3A_100] {strides = array<i32>} : memref<1536xi32, #tpu.memory_space<vmem>>, vector<16xi32>,
    tpu.vector_store %arg6[%swap3A_100], %broadcast_in_dim3A_1 {strides = array<i32>} : memref<1536xi32, #tpu.memory_space<vmem>>, vector<16xi32>,
    %swap3A_102 = arith.constant 384 : index
    %swap3A_103 = tpu.vector_load %arg5[%swap3A_102] {strides = array<i32>} : memref<1536xi32, #tpu.memory_space<vmem>>, vector<16xi32>,
    tpu.vector_store %arg5[%swap3A_102], %broadcast_in_dim3A_1 {strides = array<i32>} : memref<1536xi32, #tpu.memory_space<vmem>>, vector<16xi32>,
    %swap3A_104 = arith.constant 384 : index
    %swap3A_105 = tpu.vector_load %arg6[%swap3A_104] {strides = array<i32>} : memref<1536xi32, #tpu.memory_space<vmem>>, vector<16xi32>,
    tpu.vector_store %arg6[%swap3A_104], %broadcast_in_dim3A_1 {strides = array<i32>} : memref<1536xi32, #tpu.memory_space<vmem>>, vector<16xi32>,
    %swap3A_106 = arith.constant 400 : index
    %swap3A_107 = tpu.vector_load %arg5[%swap3A_106] {strides = array<i32>} : memref<1536xi32, #tpu.memory_space<vmem>>, vector<16xi32>,
    tpu.vector_store %arg5[%swap3A_106], %broadcast_in_dim3A_1 {strides = array<i32>} : memref<1536xi32, #tpu.memory_space<vmem>>, vector<16xi32>,
    %swap3A_108 = arith.constant 400 : index
    %swap3A_109 = tpu.vector_load %arg6[%swap3A_108] {strides = array<i32>} : memref<1536xi32, #tpu.memory_space<vmem>>, vector<16xi32>,
    tpu.vector_store %arg6[%swap3A_108], %broadcast_in_dim3A_1 {strides = array<i32>} : memref<1536xi32, #tpu.memory_space<vmem>>, vector<16xi32>,
    %swap3A_110 = arith.constant 416 : index
    %swap3A_111 = tpu.vector_load %arg5[%swap3A_110] {strides = array<i32>} : memref<1536xi32, #tpu.memory_space<vmem>>, vector<16xi32>,
    tpu.vector_store %arg5[%swap3A_110], %broadcast_in_dim3A_1 {strides = array<i32>} : memref<1536xi32, #tpu.memory_space<vmem>>, vector<16xi32>,
    %swap3A_112 = arith.constant 416 : index
    %swap3A_113 = tpu.vector_load %arg6[%swap3A_112] {strides = array<i32>} : memref<1536xi32, #tpu.memory_space<vmem>>, vector<16xi32>,
    tpu.vector_store %arg6[%swap3A_112], %broadcast_in_dim3A_1 {strides = array<i32>} : memref<1536xi32, #tpu.memory_space<vmem>>, vector<16xi32>,
    %swap3A_114 = arith.constant 432 : index
    %swap3A_115 = tpu.vector_load %arg5[%swap3A_114] {strides = array<i32>} : memref<1536xi32, #tpu.memory_space<vmem>>, vector<16xi32>,
    tpu.vector_store %arg5[%swap3A_114], %broadcast_in_dim3A_1 {strides = array<i32>} : memref<1536xi32, #tpu.memory_space<vmem>>, vector<16xi32>,
    %swap3A_116 = arith.constant 432 : index
    %swap3A_117 = tpu.vector_load %arg6[%swap3A_116] {strides = array<i32>} : memref<1536xi32, #tpu.memory_space<vmem>>, vector<16xi32>,
    tpu.vector_store %arg6[%swap3A_116], %broadcast_in_dim3A_1 {strides = array<i32>} : memref<1536xi32, #tpu.memory_space<vmem>>, vector<16xi32>,
    %swap3A_118 = arith.constant 448 : index
    %swap3A_119 = tpu.vector_load %arg5[%swap3A_118] {strides = array<i32>} : memref<1536xi32, #tpu.memory_space<vmem>>, vector<16xi32>,
    tpu.vector_store %arg5[%swap3A_118], %broadcast_in_dim3A_1 {strides = array<i32>} : memref<1536xi32, #tpu.memory_space<vmem>>, vector<16xi32>,
    %swap3A_120 = arith.constant 448 : index
    %swap3A_121 = tpu.vector_load %arg6[%swap3A_120] {strides = array<i32>} : memref<1536xi32, #tpu.memory_space<vmem>>, vector<16xi32>,
    tpu.vector_store %arg6[%swap3A_120], %broadcast_in_dim3A_1 {strides = array<i32>} : memref<1536xi32, #tpu.memory_space<vmem>>, vector<16xi32>,
    %swap3A_122 = arith.constant 464 : index
    %swap3A_123 = tpu.vector_load %arg5[%swap3A_122] {strides = array<i32>} : memref<1536xi32, #tpu.memory_space<vmem>>, vector<16xi32>,
    tpu.vector_store %arg5[%swap3A_122], %broadcast_in_dim3A_1 {strides = array<i32>} : memref<1536xi32, #tpu.memory_space<vmem>>, vector<16xi32>,
    %swap3A_124 = arith.constant 464 : index
    %swap3A_125 = tpu.vector_load %arg6[%swap3A_124] {strides = array<i32>} : memref<1536xi32, #tpu.memory_space<vmem>>, vector<16xi32>,
    tpu.vector_store %arg6[%swap3A_124], %broadcast_in_dim3A_1 {strides = array<i32>} : memref<1536xi32, #tpu.memory_space<vmem>>, vector<16xi32>,
    %swap3A_126 = arith.constant 480 : index
    %swap3A_127 = tpu.vector_load %arg5[%swap3A_126] {strides = array<i32>} : memref<1536xi32, #tpu.memory_space<vmem>>, vector<16xi32>,
    tpu.vector_store %arg5[%swap3A_126], %broadcast_in_dim3A_1 {strides = array<i32>} : memref<1536xi32, #tpu.memory_space<vmem>>, vector<16xi32>,
    %swap3A_128 = arith.constant 480 : index
    %swap3A_129 = tpu.vector_load %arg6[%swap3A_128] {strides = array<i32>} : memref<1536xi32, #tpu.memory_space<vmem>>, vector<16xi32>,
    tpu.vector_store %arg6[%swap3A_128], %broadcast_in_dim3A_1 {strides = array<i32>} : memref<1536xi32, #tpu.memory_space<vmem>>, vector<16xi32>,
    %swap3A_130 = arith.constant 496 : index
    %swap3A_131 = tpu.vector_load %arg5[%swap3A_130] {strides = array<i32>} : memref<1536xi32, #tpu.memory_space<vmem>>, vector<16xi32>,
    tpu.vector_store %arg5[%swap3A_130], %broadcast_in_dim3A_1 {strides = array<i32>} : memref<1536xi32, #tpu.memory_space<vmem>>, vector<16xi32>,
    %swap3A_132 = arith.constant 496 : index
    %swap3A_133 = tpu.vector_load %arg6[%swap3A_132] {strides = array<i32>} : memref<1536xi32, #tpu.memory_space<vmem>>, vector<16xi32>,
    tpu.vector_store %arg6[%swap3A_132], %broadcast_in_dim3A_1 {strides = array<i32>} : memref<1536xi32, #tpu.memory_space<vmem>>, vector<16xi32>,
    %swap3A_134 = arith.constant 512 : index
    %swap3A_135 = tpu.vector_load %arg5[%swap3A_134] {strides = array<i32>} : memref<1536xi32, #tpu.memory_space<vmem>>, vector<16xi32>,
    tpu.vector_store %arg5[%swap3A_134], %broadcast_in_dim3A_1 {strides = array<i32>} : memref<1536xi32, #tpu.memory_space<vmem>>, vector<16xi32>,
    %swap3A_136 = arith.constant 512 : index
    %swap3A_137 = tpu.vector_load %arg6[%swap3A_136] {strides = array<i32>} : memref<1536xi32, #tpu.memory_space<vmem>>, vector<16xi32>,
    tpu.vector_store %arg6[%swap3A_136], %broadcast_in_dim3A_1 {strides = array<i32>} : memref<1536xi32, #tpu.memory_space<vmem>>, vector<16xi32>,
    %swap3A_138 = arith.constant 528 : index
    %swap3A_139 = tpu.vector_load %arg5[%swap3A_138] {strides = array<i32>} : memref<1536xi32, #tpu.memory_space<vmem>>, vector<16xi32>,
    tpu.vector_store %arg5[%swap3A_138], %broadcast_in_dim3A_1 {strides = array<i32>} : memref<1536xi32, #tpu.memory_space<vmem>>, vector<16xi32>,
    %swap3A_140 = arith.constant 528 : index
    %swap3A_141 = tpu.vector_load %arg6[%swap3A_140] {strides = array<i32>} : memref<1536xi32, #tpu.memory_space<vmem>>, vector<16xi32>,
    tpu.vector_store %arg6[%swap3A_140], %broadcast_in_dim3A_1 {strides = array<i32>} : memref<1536xi32, #tpu.memory_space<vmem>>, vector<16xi32>,
    %swap3A_142 = arith.constant 544 : index
    %swap3A_143 = tpu.vector_load %arg5[%swap3A_142] {strides = array<i32>} : memref<1536xi32, #tpu.memory_space<vmem>>, vector<16xi32>,
    tpu.vector_store %arg5[%swap3A_142], %broadcast_in_dim3A_1 {strides = array<i32>} : memref<1536xi32, #tpu.memory_space<vmem>>, vector<16xi32>,
    %swap3A_144 = arith.constant 544 : index
    %swap3A_145 = tpu.vector_load %arg6[%swap3A_144] {strides = array<i32>} : memref<1536xi32, #tpu.memory_space<vmem>>, vector<16xi32>,
    tpu.vector_store %arg6[%swap3A_144], %broadcast_in_dim3A_1 {strides = array<i32>} : memref<1536xi32, #tpu.memory_space<vmem>>, vector<16xi32>,
    %swap3A_146 = arith.constant 560 : index
    %swap3A_147 = tpu.vector_load %arg5[%swap3A_146] {strides = array<i32>} : memref<1536xi32, #tpu.memory_space<vmem>>, vector<16xi32>,
    tpu.vector_store %arg5[%swap3A_146], %broadcast_in_dim3A_1 {strides = array<i32>} : memref<1536xi32, #tpu.memory_space<vmem>>, vector<16xi32>,
    %swap3A_148 = arith.constant 560 : index
    %swap3A_149 = tpu.vector_load %arg6[%swap3A_148] {strides = array<i32>} : memref<1536xi32, #tpu.memory_space<vmem>>, vector<16xi32>,
    tpu.vector_store %arg6[%swap3A_148], %broadcast_in_dim3A_1 {strides = array<i32>} : memref<1536xi32, #tpu.memory_space<vmem>>, vector<16xi32>,
    %swap3A_150 = arith.constant 576 : index
    %swap3A_151 = tpu.vector_load %arg5[%swap3A_150] {strides = array<i32>} : memref<1536xi32, #tpu.memory_space<vmem>>, vector<16xi32>,
    tpu.vector_store %arg5[%swap3A_150], %broadcast_in_dim3A_1 {strides = array<i32>} : memref<1536xi32, #tpu.memory_space<vmem>>, vector<16xi32>,
    %swap3A_152 = arith.constant 576 : index
    %swap3A_153 = tpu.vector_load %arg6[%swap3A_152] {strides = array<i32>} : memref<1536xi32, #tpu.memory_space<vmem>>, vector<16xi32>,
    tpu.vector_store %arg6[%swap3A_152], %broadcast_in_dim3A_1 {strides = array<i32>} : memref<1536xi32, #tpu.memory_space<vmem>>, vector<16xi32>,
    %swap3A_154 = arith.constant 592 : index
    %swap3A_155 = tpu.vector_load %arg5[%swap3A_154] {strides = array<i32>} : memref<1536xi32, #tpu.memory_space<vmem>>, vector<16xi32>,
    tpu.vector_store %arg5[%swap3A_154], %broadcast_in_dim3A_1 {strides = array<i32>} : memref<1536xi32, #tpu.memory_space<vmem>>, vector<16xi32>,
    %swap3A_156 = arith.constant 592 : index
    %swap3A_157 = tpu.vector_load %arg6[%swap3A_156] {strides = array<i32>} : memref<1536xi32, #tpu.memory_space<vmem>>, vector<16xi32>,
    tpu.vector_store %arg6[%swap3A_156], %broadcast_in_dim3A_1 {strides = array<i32>} : memref<1536xi32, #tpu.memory_space<vmem>>, vector<16xi32>,
    %swap3A_158 = arith.constant 608 : index
    %swap3A_159 = tpu.vector_load %arg5[%swap3A_158] {strides = array<i32>} : memref<1536xi32, #tpu.memory_space<vmem>>, vector<16xi32>,
    tpu.vector_store %arg5[%swap3A_158], %broadcast_in_dim3A_1 {strides = array<i32>} : memref<1536xi32, #tpu.memory_space<vmem>>, vector<16xi32>,
    %swap3A_160 = arith.constant 608 : index
    %swap3A_161 = tpu.vector_load %arg6[%swap3A_160] {strides = array<i32>} : memref<1536xi32, #tpu.memory_space<vmem>>, vector<16xi32>,
    tpu.vector_store %arg6[%swap3A_160], %broadcast_in_dim3A_1 {strides = array<i32>} : memref<1536xi32, #tpu.memory_space<vmem>>, vector<16xi32>,
    %swap3A_162 = arith.constant 624 : index
    %swap3A_163 = tpu.vector_load %arg5[%swap3A_162] {strides = array<i32>} : memref<1536xi32, #tpu.memory_space<vmem>>, vector<16xi32>,
    tpu.vector_store %arg5[%swap3A_162], %broadcast_in_dim3A_1 {strides = array<i32>} : memref<1536xi32, #tpu.memory_space<vmem>>, vector<16xi32>,
    %swap3A_164 = arith.constant 624 : index
    %swap3A_165 = tpu.vector_load %arg6[%swap3A_164] {strides = array<i32>} : memref<1536xi32, #tpu.memory_space<vmem>>, vector<16xi32>,
    tpu.vector_store %arg6[%swap3A_164], %broadcast_in_dim3A_1 {strides = array<i32>} : memref<1536xi32, #tpu.memory_space<vmem>>, vector<16xi32>,
    %swap3A_166 = arith.constant 640 : index
    %swap3A_167 = tpu.vector_load %arg5[%swap3A_166] {strides = array<i32>} : memref<1536xi32, #tpu.memory_space<vmem>>, vector<16xi32>,
    tpu.vector_store %arg5[%swap3A_166], %broadcast_in_dim3A_1 {strides = array<i32>} : memref<1536xi32, #tpu.memory_space<vmem>>, vector<16xi32>,
    %swap3A_168 = arith.constant 640 : index
    %swap3A_169 = tpu.vector_load %arg6[%swap3A_168] {strides = array<i32>} : memref<1536xi32, #tpu.memory_space<vmem>>, vector<16xi32>,
    tpu.vector_store %arg6[%swap3A_168], %broadcast_in_dim3A_1 {strides = array<i32>} : memref<1536xi32, #tpu.memory_space<vmem>>, vector<16xi32>,
    %swap3A_170 = arith.constant 656 : index
    %swap3A_171 = tpu.vector_load %arg5[%swap3A_170] {strides = array<i32>} : memref<1536xi32, #tpu.memory_space<vmem>>, vector<16xi32>,
    tpu.vector_store %arg5[%swap3A_170], %broadcast_in_dim3A_1 {strides = array<i32>} : memref<1536xi32, #tpu.memory_space<vmem>>, vector<16xi32>,
    %swap3A_172 = arith.constant 656 : index
    %swap3A_173 = tpu.vector_load %arg6[%swap3A_172] {strides = array<i32>} : memref<1536xi32, #tpu.memory_space<vmem>>, vector<16xi32>,
    tpu.vector_store %arg6[%swap3A_172], %broadcast_in_dim3A_1 {strides = array<i32>} : memref<1536xi32, #tpu.memory_space<vmem>>, vector<16xi32>,
    %swap3A_174 = arith.constant 672 : index
    %swap3A_175 = tpu.vector_load %arg5[%swap3A_174] {strides = array<i32>} : memref<1536xi32, #tpu.memory_space<vmem>>, vector<16xi32>,
    tpu.vector_store %arg5[%swap3A_174], %broadcast_in_dim3A_1 {strides = array<i32>} : memref<1536xi32, #tpu.memory_space<vmem>>, vector<16xi32>,
    %swap3A_176 = arith.constant 672 : index
    %swap3A_177 = tpu.vector_load %arg6[%swap3A_176] {strides = array<i32>} : memref<1536xi32, #tpu.memory_space<vmem>>, vector<16xi32>,
    tpu.vector_store %arg6[%swap3A_176], %broadcast_in_dim3A_1 {strides = array<i32>} : memref<1536xi32, #tpu.memory_space<vmem>>, vector<16xi32>,
    %swap3A_178 = arith.constant 688 : index
    %swap3A_179 = tpu.vector_load %arg5[%swap3A_178] {strides = array<i32>} : memref<1536xi32, #tpu.memory_space<vmem>>, vector<16xi32>,
    tpu.vector_store %arg5[%swap3A_178], %broadcast_in_dim3A_1 {strides = array<i32>} : memref<1536xi32, #tpu.memory_space<vmem>>, vector<16xi32>,
    %swap3A_180 = arith.constant 688 : index
    %swap3A_181 = tpu.vector_load %arg6[%swap3A_180] {strides = array<i32>} : memref<1536xi32, #tpu.memory_space<vmem>>, vector<16xi32>,
    tpu.vector_store %arg6[%swap3A_180], %broadcast_in_dim3A_1 {strides = array<i32>} : memref<1536xi32, #tpu.memory_space<vmem>>, vector<16xi32>,
    %swap3A_182 = arith.constant 704 : index
    %swap3A_183 = tpu.vector_load %arg5[%swap3A_182] {strides = array<i32>} : memref<1536xi32, #tpu.memory_space<vmem>>, vector<16xi32>,
    tpu.vector_store %arg5[%swap3A_182], %broadcast_in_dim3A_1 {strides = array<i32>} : memref<1536xi32, #tpu.memory_space<vmem>>, vector<16xi32>,
    %swap3A_184 = arith.constant 704 : index
    %swap3A_185 = tpu.vector_load %arg6[%swap3A_184] {strides = array<i32>} : memref<1536xi32, #tpu.memory_space<vmem>>, vector<16xi32>,
    tpu.vector_store %arg6[%swap3A_184], %broadcast_in_dim3A_1 {strides = array<i32>} : memref<1536xi32, #tpu.memory_space<vmem>>, vector<16xi32>,
    %swap3A_186 = arith.constant 720 : index
    %swap3A_187 = tpu.vector_load %arg5[%swap3A_186] {strides = array<i32>} : memref<1536xi32, #tpu.memory_space<vmem>>, vector<16xi32>,
    tpu.vector_store %arg5[%swap3A_186], %broadcast_in_dim3A_1 {strides = array<i32>} : memref<1536xi32, #tpu.memory_space<vmem>>, vector<16xi32>,
    %swap3A_188 = arith.constant 720 : index
    %swap3A_189 = tpu.vector_load %arg6[%swap3A_188] {strides = array<i32>} : memref<1536xi32, #tpu.memory_space<vmem>>, vector<16xi32>,
    tpu.vector_store %arg6[%swap3A_188], %broadcast_in_dim3A_1 {strides = array<i32>} : memref<1536xi32, #tpu.memory_space<vmem>>, vector<16xi32>,
    %swap3A_190 = arith.constant 736 : index
    %swap3A_191 = tpu.vector_load %arg5[%swap3A_190] {strides = array<i32>} : memref<1536xi32, #tpu.memory_space<vmem>>, vector<16xi32>,
    tpu.vector_store %arg5[%swap3A_190], %broadcast_in_dim3A_1 {strides = array<i32>} : memref<1536xi32, #tpu.memory_space<vmem>>, vector<16xi32>,
    %swap3A_192 = arith.constant 736 : index
    %swap3A_193 = tpu.vector_load %arg6[%swap3A_192] {strides = array<i32>} : memref<1536xi32, #tpu.memory_space<vmem>>, vector<16xi32>,
    tpu.vector_store %arg6[%swap3A_192], %broadcast_in_dim3A_1 {strides = array<i32>} : memref<1536xi32, #tpu.memory_space<vmem>>, vector<16xi32>,
    %swap3A_194 = arith.constant 752 : index
    %swap3A_195 = tpu.vector_load %arg5[%swap3A_194] {strides = array<i32>} : memref<1536xi32, #tpu.memory_space<vmem>>, vector<16xi32>,
    tpu.vector_store %arg5[%swap3A_194], %broadcast_in_dim3A_1 {strides = array<i32>} : memref<1536xi32, #tpu.memory_space<vmem>>, vector<16xi32>,
    %swap3A_196 = arith.constant 752 : index
    %swap3A_197 = tpu.vector_load %arg6[%swap3A_196] {strides = array<i32>} : memref<1536xi32, #tpu.memory_space<vmem>>, vector<16xi32>,
    tpu.vector_store %arg6[%swap3A_196], %broadcast_in_dim3A_1 {strides = array<i32>} : memref<1536xi32, #tpu.memory_space<vmem>>, vector<16xi32>,
    %swap3A_198 = arith.constant 768 : index
    %swap3A_199 = tpu.vector_load %arg5[%swap3A_198] {strides = array<i32>} : memref<1536xi32, #tpu.memory_space<vmem>>, vector<16xi32>,
    tpu.vector_store %arg5[%swap3A_198], %broadcast_in_dim3A_1 {strides = array<i32>} : memref<1536xi32, #tpu.memory_space<vmem>>, vector<16xi32>,
    %swap3A_200 = arith.constant 768 : index
    %swap3A_201 = tpu.vector_load %arg6[%swap3A_200] {strides = array<i32>} : memref<1536xi32, #tpu.memory_space<vmem>>, vector<16xi32>,
    tpu.vector_store %arg6[%swap3A_200], %broadcast_in_dim3A_1 {strides = array<i32>} : memref<1536xi32, #tpu.memory_space<vmem>>, vector<16xi32>,
    %swap3A_202 = arith.constant 784 : index
    %swap3A_203 = tpu.vector_load %arg5[%swap3A_202] {strides = array<i32>} : memref<1536xi32, #tpu.memory_space<vmem>>, vector<16xi32>,
    tpu.vector_store %arg5[%swap3A_202], %broadcast_in_dim3A_1 {strides = array<i32>} : memref<1536xi32, #tpu.memory_space<vmem>>, vector<16xi32>,
    %swap3A_204 = arith.constant 784 : index
    %swap3A_205 = tpu.vector_load %arg6[%swap3A_204] {strides = array<i32>} : memref<1536xi32, #tpu.memory_space<vmem>>, vector<16xi32>,
    tpu.vector_store %arg6[%swap3A_204], %broadcast_in_dim3A_1 {strides = array<i32>} : memref<1536xi32, #tpu.memory_space<vmem>>, vector<16xi32>,
    %swap3A_206 = arith.constant 800 : index
    %swap3A_207 = tpu.vector_load %arg5[%swap3A_206] {strides = array<i32>} : memref<1536xi32, #tpu.memory_space<vmem>>, vector<16xi32>,
    tpu.vector_store %arg5[%swap3A_206], %broadcast_in_dim3A_1 {strides = array<i32>} : memref<1536xi32, #tpu.memory_space<vmem>>, vector<16xi32>,
    %swap3A_208 = arith.constant 800 : index
    %swap3A_209 = tpu.vector_load %arg6[%swap3A_208] {strides = array<i32>} : memref<1536xi32, #tpu.memory_space<vmem>>, vector<16xi32>,
    tpu.vector_store %arg6[%swap3A_208], %broadcast_in_dim3A_1 {strides = array<i32>} : memref<1536xi32, #tpu.memory_space<vmem>>, vector<16xi32>,
    %swap3A_210 = arith.constant 816 : index
    %swap3A_211 = tpu.vector_load %arg5[%swap3A_210] {strides = array<i32>} : memref<1536xi32, #tpu.memory_space<vmem>>, vector<16xi32>,
    tpu.vector_store %arg5[%swap3A_210], %broadcast_in_dim3A_1 {strides = array<i32>} : memref<1536xi32, #tpu.memory_space<vmem>>, vector<16xi32>,
    %swap3A_212 = arith.constant 816 : index
    %swap3A_213 = tpu.vector_load %arg6[%swap3A_212] {strides = array<i32>} : memref<1536xi32, #tpu.memory_space<vmem>>, vector<16xi32>,
    tpu.vector_store %arg6[%swap3A_212], %broadcast_in_dim3A_1 {strides = array<i32>} : memref<1536xi32, #tpu.memory_space<vmem>>, vector<16xi32>,
    %swap3A_214 = arith.constant 832 : index
    %swap3A_215 = tpu.vector_load %arg5[%swap3A_214] {strides = array<i32>} : memref<1536xi32, #tpu.memory_space<vmem>>, vector<16xi32>,
    tpu.vector_store %arg5[%swap3A_214], %broadcast_in_dim3A_1 {strides = array<i32>} : memref<1536xi32, #tpu.memory_space<vmem>>, vector<16xi32>,
    %swap3A_216 = arith.constant 832 : index
    %swap3A_217 = tpu.vector_load %arg6[%swap3A_216] {strides = array<i32>} : memref<1536xi32, #tpu.memory_space<vmem>>, vector<16xi32>,
    tpu.vector_store %arg6[%swap3A_216], %broadcast_in_dim3A_1 {strides = array<i32>} : memref<1536xi32, #tpu.memory_space<vmem>>, vector<16xi32>,
    %swap3A_218 = arith.constant 848 : index
    %swap3A_219 = tpu.vector_load %arg5[%swap3A_218] {strides = array<i32>} : memref<1536xi32, #tpu.memory_space<vmem>>, vector<16xi32>,
    tpu.vector_store %arg5[%swap3A_218], %broadcast_in_dim3A_1 {strides = array<i32>} : memref<1536xi32, #tpu.memory_space<vmem>>, vector<16xi32>,
    %swap3A_220 = arith.constant 848 : index
    %swap3A_221 = tpu.vector_load %arg6[%swap3A_220] {strides = array<i32>} : memref<1536xi32, #tpu.memory_space<vmem>>, vector<16xi32>,
    tpu.vector_store %arg6[%swap3A_220], %broadcast_in_dim3A_1 {strides = array<i32>} : memref<1536xi32, #tpu.memory_space<vmem>>, vector<16xi32>,
    %swap3A_222 = arith.constant 864 : index
    %swap3A_223 = tpu.vector_load %arg5[%swap3A_222] {strides = array<i32>} : memref<1536xi32, #tpu.memory_space<vmem>>, vector<16xi32>,
    tpu.vector_store %arg5[%swap3A_222], %broadcast_in_dim3A_1 {strides = array<i32>} : memref<1536xi32, #tpu.memory_space<vmem>>, vector<16xi32>,
    %swap3A_224 = arith.constant 864 : index
    %swap3A_225 = tpu.vector_load %arg6[%swap3A_224] {strides = array<i32>} : memref<1536xi32, #tpu.memory_space<vmem>>, vector<16xi32>,
    tpu.vector_store %arg6[%swap3A_224], %broadcast_in_dim3A_1 {strides = array<i32>} : memref<1536xi32, #tpu.memory_space<vmem>>, vector<16xi32>,
    %swap3A_226 = arith.constant 880 : index
    %swap3A_227 = tpu.vector_load %arg5[%swap3A_226] {strides = array<i32>} : memref<1536xi32, #tpu.memory_space<vmem>>, vector<16xi32>,
    tpu.vector_store %arg5[%swap3A_226], %broadcast_in_dim3A_1 {strides = array<i32>} : memref<1536xi32, #tpu.memory_space<vmem>>, vector<16xi32>,
    %swap3A_228 = arith.constant 880 : index
    %swap3A_229 = tpu.vector_load %arg6[%swap3A_228] {strides = array<i32>} : memref<1536xi32, #tpu.memory_space<vmem>>, vector<16xi32>,
    tpu.vector_store %arg6[%swap3A_228], %broadcast_in_dim3A_1 {strides = array<i32>} : memref<1536xi32, #tpu.memory_space<vmem>>, vector<16xi32>,
    %swap3A_230 = arith.constant 896 : index
    %swap3A_231 = tpu.vector_load %arg5[%swap3A_230] {strides = array<i32>} : memref<1536xi32, #tpu.memory_space<vmem>>, vector<16xi32>,
    tpu.vector_store %arg5[%swap3A_230], %broadcast_in_dim3A_1 {strides = array<i32>} : memref<1536xi32, #tpu.memory_space<vmem>>, vector<16xi32>,
    %swap3A_232 = arith.constant 896 : index
    %swap3A_233 = tpu.vector_load %arg6[%swap3A_232] {strides = array<i32>} : memref<1536xi32, #tpu.memory_space<vmem>>, vector<16xi32>,
    tpu.vector_store %arg6[%swap3A_232], %broadcast_in_dim3A_1 {strides = array<i32>} : memref<1536xi32, #tpu.memory_space<vmem>>, vector<16xi32>,
    %swap3A_234 = arith.constant 912 : index
    %swap3A_235 = tpu.vector_load %arg5[%swap3A_234] {strides = array<i32>} : memref<1536xi32, #tpu.memory_space<vmem>>, vector<16xi32>,
    tpu.vector_store %arg5[%swap3A_234], %broadcast_in_dim3A_1 {strides = array<i32>} : memref<1536xi32, #tpu.memory_space<vmem>>, vector<16xi32>,
    %swap3A_236 = arith.constant 912 : index
    %swap3A_237 = tpu.vector_load %arg6[%swap3A_236] {strides = array<i32>} : memref<1536xi32, #tpu.memory_space<vmem>>, vector<16xi32>,
    tpu.vector_store %arg6[%swap3A_236], %broadcast_in_dim3A_1 {strides = array<i32>} : memref<1536xi32, #tpu.memory_space<vmem>>, vector<16xi32>,
    %swap3A_238 = arith.constant 928 : index
    %swap3A_239 = tpu.vector_load %arg5[%swap3A_238] {strides = array<i32>} : memref<1536xi32, #tpu.memory_space<vmem>>, vector<16xi32>,
    tpu.vector_store %arg5[%swap3A_238], %broadcast_in_dim3A_1 {strides = array<i32>} : memref<1536xi32, #tpu.memory_space<vmem>>, vector<16xi32>,
    %swap3A_240 = arith.constant 928 : index
    %swap3A_241 = tpu.vector_load %arg6[%swap3A_240] {strides = array<i32>} : memref<1536xi32, #tpu.memory_space<vmem>>, vector<16xi32>,
    tpu.vector_store %arg6[%swap3A_240], %broadcast_in_dim3A_1 {strides = array<i32>} : memref<1536xi32, #tpu.memory_space<vmem>>, vector<16xi32>,
    %swap3A_242 = arith.constant 944 : index
    %swap3A_243 = tpu.vector_load %arg5[%swap3A_242] {strides = array<i32>} : memref<1536xi32, #tpu.memory_space<vmem>>, vector<16xi32>,
    tpu.vector_store %arg5[%swap3A_242], %broadcast_in_dim3A_1 {strides = array<i32>} : memref<1536xi32, #tpu.memory_space<vmem>>, vector<16xi32>,
    %swap3A_244 = arith.constant 944 : index
    %swap3A_245 = tpu.vector_load %arg6[%swap3A_244] {strides = array<i32>} : memref<1536xi32, #tpu.memory_space<vmem>>, vector<16xi32>,
    tpu.vector_store %arg6[%swap3A_244], %broadcast_in_dim3A_1 {strides = array<i32>} : memref<1536xi32, #tpu.memory_space<vmem>>, vector<16xi32>,
    %swap3A_246 = arith.constant 960 : index
    %swap3A_247 = tpu.vector_load %arg5[%swap3A_246] {strides = array<i32>} : memref<1536xi32, #tpu.memory_space<vmem>>, vector<16xi32>,
    tpu.vector_store %arg5[%swap3A_246], %broadcast_in_dim3A_1 {strides = array<i32>} : memref<1536xi32, #tpu.memory_space<vmem>>, vector<16xi32>,
    %swap3A_248 = arith.constant 960 : index
    %swap3A_249 = tpu.vector_load %arg6[%swap3A_248] {strides = array<i32>} : memref<1536xi32, #tpu.memory_space<vmem>>, vector<16xi32>,
    tpu.vector_store %arg6[%swap3A_248], %broadcast_in_dim3A_1 {strides = array<i32>} : memref<1536xi32, #tpu.memory_space<vmem>>, vector<16xi32>,
    %swap3A_250 = arith.constant 976 : index
    %swap3A_251 = tpu.vector_load %arg5[%swap3A_250] {strides = array<i32>} : memref<1536xi32, #tpu.memory_space<vmem>>, vector<16xi32>,
    tpu.vector_store %arg5[%swap3A_250], %broadcast_in_dim3A_1 {strides = array<i32>} : memref<1536xi32, #tpu.memory_space<vmem>>, vector<16xi32>,
    %swap3A_252 = arith.constant 976 : index
    %swap3A_253 = tpu.vector_load %arg6[%swap3A_252] {strides = array<i32>} : memref<1536xi32, #tpu.memory_space<vmem>>, vector<16xi32>,
    tpu.vector_store %arg6[%swap3A_252], %broadcast_in_dim3A_1 {strides = array<i32>} : memref<1536xi32, #tpu.memory_space<vmem>>, vector<16xi32>,
    %swap3A_254 = arith.constant 992 : index
    %swap3A_255 = tpu.vector_load %arg5[%swap3A_254] {strides = array<i32>} : memref<1536xi32, #tpu.memory_space<vmem>>, vector<16xi32>,
    tpu.vector_store %arg5[%swap3A_254], %broadcast_in_dim3A_1 {strides = array<i32>} : memref<1536xi32, #tpu.memory_space<vmem>>, vector<16xi32>,
    %swap3A_256 = arith.constant 992 : index
    %swap3A_257 = tpu.vector_load %arg6[%swap3A_256] {strides = array<i32>} : memref<1536xi32, #tpu.memory_space<vmem>>, vector<16xi32>,
    tpu.vector_store %arg6[%swap3A_256], %broadcast_in_dim3A_1 {strides = array<i32>} : memref<1536xi32, #tpu.memory_space<vmem>>, vector<16xi32>,
    %swap3A_258 = arith.constant 1008 : index
    %swap3A_259 = tpu.vector_load %arg5[%swap3A_258] {strides = array<i32>} : memref<1536xi32, #tpu.memory_space<vmem>>, vector<16xi32>,
    tpu.vector_store %arg5[%swap3A_258], %broadcast_in_dim3A_1 {strides = array<i32>} : memref<1536xi32, #tpu.memory_space<vmem>>, vector<16xi32>,
    %swap3A_260 = arith.constant 1008 : index
    %swap3A_261 = tpu.vector_load %arg6[%swap3A_260] {strides = array<i32>} : memref<1536xi32, #tpu.memory_space<vmem>>, vector<16xi32>,
    tpu.vector_store %arg6[%swap3A_260], %broadcast_in_dim3A_1 {strides = array<i32>} : memref<1536xi32, #tpu.memory_space<vmem>>, vector<16xi32>,
    %swap3A_262 = arith.constant 1024 : index
    %swap3A_263 = tpu.vector_load %arg5[%swap3A_262] {strides = array<i32>} : memref<1536xi32, #tpu.memory_space<vmem>>, vector<16xi32>,
    tpu.vector_store %arg5[%swap3A_262], %broadcast_in_dim3A_1 {strides = array<i32>} : memref<1536xi32, #tpu.memory_space<vmem>>, vector<16xi32>,
    %swap3A_264 = arith.constant 1024 : index
    %swap3A_265 = tpu.vector_load %arg6[%swap3A_264] {strides = array<i32>} : memref<1536xi32, #tpu.memory_space<vmem>>, vector<16xi32>,
    tpu.vector_store %arg6[%swap3A_264], %broadcast_in_dim3A_1 {strides = array<i32>} : memref<1536xi32, #tpu.memory_space<vmem>>, vector<16xi32>,
    %swap3A_266 = arith.constant 1040 : index
    %swap3A_267 = tpu.vector_load %arg5[%swap3A_266] {strides = array<i32>} : memref<1536xi32, #tpu.memory_space<vmem>>, vector<16xi32>,
    tpu.vector_store %arg5[%swap3A_266], %broadcast_in_dim3A_1 {strides = array<i32>} : memref<1536xi32, #tpu.memory_space<vmem>>, vector<16xi32>,
    %swap3A_268 = arith.constant 1040 : index
    %swap3A_269 = tpu.vector_load %arg6[%swap3A_268] {strides = array<i32>} : memref<1536xi32, #tpu.memory_space<vmem>>, vector<16xi32>,
    tpu.vector_store %arg6[%swap3A_268], %broadcast_in_dim3A_1 {strides = array<i32>} : memref<1536xi32, #tpu.memory_space<vmem>>, vector<16xi32>,
    %swap3A_270 = arith.constant 1056 : index
    %swap3A_271 = tpu.vector_load %arg5[%swap3A_270] {strides = array<i32>} : memref<1536xi32, #tpu.memory_space<vmem>>, vector<16xi32>,
    tpu.vector_store %arg5[%swap3A_270], %broadcast_in_dim3A_1 {strides = array<i32>} : memref<1536xi32, #tpu.memory_space<vmem>>, vector<16xi32>,
    %swap3A_272 = arith.constant 1056 : index
    %swap3A_273 = tpu.vector_load %arg6[%swap3A_272] {strides = array<i32>} : memref<1536xi32, #tpu.memory_space<vmem>>, vector<16xi32>,
    tpu.vector_store %arg6[%swap3A_272], %broadcast_in_dim3A_1 {strides = array<i32>} : memref<1536xi32, #tpu.memory_space<vmem>>, vector<16xi32>,
    %swap3A_274 = arith.constant 1072 : index
    %swap3A_275 = tpu.vector_load %arg5[%swap3A_274] {strides = array<i32>} : memref<1536xi32, #tpu.memory_space<vmem>>, vector<16xi32>,
    tpu.vector_store %arg5[%swap3A_274], %broadcast_in_dim3A_1 {strides = array<i32>} : memref<1536xi32, #tpu.memory_space<vmem>>, vector<16xi32>,
    %swap3A_276 = arith.constant 1072 : index
    %swap3A_277 = tpu.vector_load %arg6[%swap3A_276] {strides = array<i32>} : memref<1536xi32, #tpu.memory_space<vmem>>, vector<16xi32>,
    tpu.vector_store %arg6[%swap3A_276], %broadcast_in_dim3A_1 {strides = array<i32>} : memref<1536xi32, #tpu.memory_space<vmem>>, vector<16xi32>,
    %swap3A_278 = arith.constant 1088 : index
    %swap3A_279 = tpu.vector_load %arg5[%swap3A_278] {strides = array<i32>} : memref<1536xi32, #tpu.memory_space<vmem>>, vector<16xi32>,
    tpu.vector_store %arg5[%swap3A_278], %broadcast_in_dim3A_1 {strides = array<i32>} : memref<1536xi32, #tpu.memory_space<vmem>>, vector<16xi32>,
    %swap3A_280 = arith.constant 1088 : index
    %swap3A_281 = tpu.vector_load %arg6[%swap3A_280] {strides = array<i32>} : memref<1536xi32, #tpu.memory_space<vmem>>, vector<16xi32>,
    tpu.vector_store %arg6[%swap3A_280], %broadcast_in_dim3A_1 {strides = array<i32>} : memref<1536xi32, #tpu.memory_space<vmem>>, vector<16xi32>,
    %swap3A_282 = arith.constant 1104 : index
    %swap3A_283 = tpu.vector_load %arg5[%swap3A_282] {strides = array<i32>} : memref<1536xi32, #tpu.memory_space<vmem>>, vector<16xi32>,
    tpu.vector_store %arg5[%swap3A_282], %broadcast_in_dim3A_1 {strides = array<i32>} : memref<1536xi32, #tpu.memory_space<vmem>>, vector<16xi32>,
    %swap3A_284 = arith.constant 1104 : index
    %swap3A_285 = tpu.vector_load %arg6[%swap3A_284] {strides = array<i32>} : memref<1536xi32, #tpu.memory_space<vmem>>, vector<16xi32>,
    tpu.vector_store %arg6[%swap3A_284], %broadcast_in_dim3A_1 {strides = array<i32>} : memref<1536xi32, #tpu.memory_space<vmem>>, vector<16xi32>,
    %swap3A_286 = arith.constant 1120 : index
    %swap3A_287 = tpu.vector_load %arg5[%swap3A_286] {strides = array<i32>} : memref<1536xi32, #tpu.memory_space<vmem>>, vector<16xi32>,
    tpu.vector_store %arg5[%swap3A_286], %broadcast_in_dim3A_1 {strides = array<i32>} : memref<1536xi32, #tpu.memory_space<vmem>>, vector<16xi32>,
    %swap3A_288 = arith.constant 1120 : index
    %swap3A_289 = tpu.vector_load %arg6[%swap3A_288] {strides = array<i32>} : memref<1536xi32, #tpu.memory_space<vmem>>, vector<16xi32>,
    tpu.vector_store %arg6[%swap3A_288], %broadcast_in_dim3A_1 {strides = array<i32>} : memref<1536xi32, #tpu.memory_space<vmem>>, vector<16xi32>,
    %swap3A_290 = arith.constant 1136 : index
    %swap3A_291 = tpu.vector_load %arg5[%swap3A_290] {strides = array<i32>} : memref<1536xi32, #tpu.memory_space<vmem>>, vector<16xi32>,
    tpu.vector_store %arg5[%swap3A_290], %broadcast_in_dim3A_1 {strides = array<i32>} : memref<1536xi32, #tpu.memory_space<vmem>>, vector<16xi32>,
    %swap3A_292 = arith.constant 1136 : index
    %swap3A_293 = tpu.vector_load %arg6[%swap3A_292] {strides = array<i32>} : memref<1536xi32, #tpu.memory_space<vmem>>, vector<16xi32>,
    tpu.vector_store %arg6[%swap3A_292], %broadcast_in_dim3A_1 {strides = array<i32>} : memref<1536xi32, #tpu.memory_space<vmem>>, vector<16xi32>,
    %swap3A_294 = arith.constant 1152 : index
    %swap3A_295 = tpu.vector_load %arg5[%swap3A_294] {strides = array<i32>} : memref<1536xi32, #tpu.memory_space<vmem>>, vector<16xi32>,
    tpu.vector_store %arg5[%swap3A_294], %broadcast_in_dim3A_1 {strides = array<i32>} : memref<1536xi32, #tpu.memory_space<vmem>>, vector<16xi32>,
    %swap3A_296 = arith.constant 1152 : index
    %swap3A_297 = tpu.vector_load %arg6[%swap3A_296] {strides = array<i32>} : memref<1536xi32, #tpu.memory_space<vmem>>, vector<16xi32>,
    tpu.vector_store %arg6[%swap3A_296], %broadcast_in_dim3A_1 {strides = array<i32>} : memref<1536xi32, #tpu.memory_space<vmem>>, vector<16xi32>,
    %swap3A_298 = arith.constant 1168 : index
    %swap3A_299 = tpu.vector_load %arg5[%swap3A_298] {strides = array<i32>} : memref<1536xi32, #tpu.memory_space<vmem>>, vector<16xi32>,
    tpu.vector_store %arg5[%swap3A_298], %broadcast_in_dim3A_1 {strides = array<i32>} : memref<1536xi32, #tpu.memory_space<vmem>>, vector<16xi32>,
    %swap3A_300 = arith.constant 1168 : index
    %swap3A_301 = tpu.vector_load %arg6[%swap3A_300] {strides = array<i32>} : memref<1536xi32, #tpu.memory_space<vmem>>, vector<16xi32>,
    tpu.vector_store %arg6[%swap3A_300], %broadcast_in_dim3A_1 {strides = array<i32>} : memref<1536xi32, #tpu.memory_space<vmem>>, vector<16xi32>,
    %swap3A_302 = arith.constant 1184 : index
    %swap3A_303 = tpu.vector_load %arg5[%swap3A_302] {strides = array<i32>} : memref<1536xi32, #tpu.memory_space<vmem>>, vector<16xi32>,
    tpu.vector_store %arg5[%swap3A_302], %broadcast_in_dim3A_1 {strides = array<i32>} : memref<1536xi32, #tpu.memory_space<vmem>>, vector<16xi32>,
    %swap3A_304 = arith.constant 1184 : index
    %swap3A_305 = tpu.vector_load %arg6[%swap3A_304] {strides = array<i32>} : memref<1536xi32, #tpu.memory_space<vmem>>, vector<16xi32>,
    tpu.vector_store %arg6[%swap3A_304], %broadcast_in_dim3A_1 {strides = array<i32>} : memref<1536xi32, #tpu.memory_space<vmem>>, vector<16xi32>,
    %swap3A_306 = arith.constant 1200 : index
    %swap3A_307 = tpu.vector_load %arg5[%swap3A_306] {strides = array<i32>} : memref<1536xi32, #tpu.memory_space<vmem>>, vector<16xi32>,
    tpu.vector_store %arg5[%swap3A_306], %broadcast_in_dim3A_1 {strides = array<i32>} : memref<1536xi32, #tpu.memory_space<vmem>>, vector<16xi32>,
    %swap3A_308 = arith.constant 1200 : index
    %swap3A_309 = tpu.vector_load %arg6[%swap3A_308] {strides = array<i32>} : memref<1536xi32, #tpu.memory_space<vmem>>, vector<16xi32>,
    tpu.vector_store %arg6[%swap3A_308], %broadcast_in_dim3A_1 {strides = array<i32>} : memref<1536xi32, #tpu.memory_space<vmem>>, vector<16xi32>,
    %swap3A_310 = arith.constant 1216 : index
    %swap3A_311 = tpu.vector_load %arg5[%swap3A_310] {strides = array<i32>} : memref<1536xi32, #tpu.memory_space<vmem>>, vector<16xi32>,
    tpu.vector_store %arg5[%swap3A_310], %broadcast_in_dim3A_1 {strides = array<i32>} : memref<1536xi32, #tpu.memory_space<vmem>>, vector<16xi32>,
    %swap3A_312 = arith.constant 1216 : index
    %swap3A_313 = tpu.vector_load %arg6[%swap3A_312] {strides = array<i32>} : memref<1536xi32, #tpu.memory_space<vmem>>, vector<16xi32>,
    tpu.vector_store %arg6[%swap3A_312], %broadcast_in_dim3A_1 {strides = array<i32>} : memref<1536xi32, #tpu.memory_space<vmem>>, vector<16xi32>,
    %swap3A_314 = arith.constant 1232 : index
    %swap3A_315 = tpu.vector_load %arg5[%swap3A_314] {strides = array<i32>} : memref<1536xi32, #tpu.memory_space<vmem>>, vector<16xi32>,
    tpu.vector_store %arg5[%swap3A_314], %broadcast_in_dim3A_1 {strides = array<i32>} : memref<1536xi32, #tpu.memory_space<vmem>>, vector<16xi32>,
    %swap3A_316 = arith.constant 1232 : index
    %swap3A_317 = tpu.vector_load %arg6[%swap3A_316] {strides = array<i32>} : memref<1536xi32, #tpu.memory_space<vmem>>, vector<16xi32>,
    tpu.vector_store %arg6[%swap3A_316], %broadcast_in_dim3A_1 {strides = array<i32>} : memref<1536xi32, #tpu.memory_space<vmem>>, vector<16xi32>,
    %swap3A_318 = arith.constant 1248 : index
    %swap3A_319 = tpu.vector_load %arg5[%swap3A_318] {strides = array<i32>} : memref<1536xi32, #tpu.memory_space<vmem>>, vector<16xi32>,
    tpu.vector_store %arg5[%swap3A_318], %broadcast_in_dim3A_1 {strides = array<i32>} : memref<1536xi32, #tpu.memory_space<vmem>>, vector<16xi32>,
    %swap3A_320 = arith.constant 1248 : index
    %swap3A_321 = tpu.vector_load %arg6[%swap3A_320] {strides = array<i32>} : memref<1536xi32, #tpu.memory_space<vmem>>, vector<16xi32>,
    tpu.vector_store %arg6[%swap3A_320], %broadcast_in_dim3A_1 {strides = array<i32>} : memref<1536xi32, #tpu.memory_space<vmem>>, vector<16xi32>,
    %swap3A_322 = arith.constant 1264 : index
    %swap3A_323 = tpu.vector_load %arg5[%swap3A_322] {strides = array<i32>} : memref<1536xi32, #tpu.memory_space<vmem>>, vector<16xi32>,
    tpu.vector_store %arg5[%swap3A_322], %broadcast_in_dim3A_1 {strides = array<i32>} : memref<1536xi32, #tpu.memory_space<vmem>>, vector<16xi32>,
    %swap3A_324 = arith.constant 1264 : index
    %swap3A_325 = tpu.vector_load %arg6[%swap3A_324] {strides = array<i32>} : memref<1536xi32, #tpu.memory_space<vmem>>, vector<16xi32>,
    tpu.vector_store %arg6[%swap3A_324], %broadcast_in_dim3A_1 {strides = array<i32>} : memref<1536xi32, #tpu.memory_space<vmem>>, vector<16xi32>,
    %swap3A_326 = arith.constant 1280 : index
    %swap3A_327 = tpu.vector_load %arg5[%swap3A_326] {strides = array<i32>} : memref<1536xi32, #tpu.memory_space<vmem>>, vector<16xi32>,
    tpu.vector_store %arg5[%swap3A_326], %broadcast_in_dim3A_1 {strides = array<i32>} : memref<1536xi32, #tpu.memory_space<vmem>>, vector<16xi32>,
    %swap3A_328 = arith.constant 1280 : index
    %swap3A_329 = tpu.vector_load %arg6[%swap3A_328] {strides = array<i32>} : memref<1536xi32, #tpu.memory_space<vmem>>, vector<16xi32>,
    tpu.vector_store %arg6[%swap3A_328], %broadcast_in_dim3A_1 {strides = array<i32>} : memref<1536xi32, #tpu.memory_space<vmem>>, vector<16xi32>,
    %swap3A_330 = arith.constant 1296 : index
    %swap3A_331 = tpu.vector_load %arg5[%swap3A_330] {strides = array<i32>} : memref<1536xi32, #tpu.memory_space<vmem>>, vector<16xi32>,
    tpu.vector_store %arg5[%swap3A_330], %broadcast_in_dim3A_1 {strides = array<i32>} : memref<1536xi32, #tpu.memory_space<vmem>>, vector<16xi32>,
    %swap3A_332 = arith.constant 1296 : index
    %swap3A_333 = tpu.vector_load %arg6[%swap3A_332] {strides = array<i32>} : memref<1536xi32, #tpu.memory_space<vmem>>, vector<16xi32>,
    tpu.vector_store %arg6[%swap3A_332], %broadcast_in_dim3A_1 {strides = array<i32>} : memref<1536xi32, #tpu.memory_space<vmem>>, vector<16xi32>,
    %swap3A_334 = arith.constant 1312 : index
    %swap3A_335 = tpu.vector_load %arg5[%swap3A_334] {strides = array<i32>} : memref<1536xi32, #tpu.memory_space<vmem>>, vector<16xi32>,
    tpu.vector_store %arg5[%swap3A_334], %broadcast_in_dim3A_1 {strides = array<i32>} : memref<1536xi32, #tpu.memory_space<vmem>>, vector<16xi32>,
    %swap3A_336 = arith.constant 1312 : index
    %swap3A_337 = tpu.vector_load %arg6[%swap3A_336] {strides = array<i32>} : memref<1536xi32, #tpu.memory_space<vmem>>, vector<16xi32>,
    tpu.vector_store %arg6[%swap3A_336], %broadcast_in_dim3A_1 {strides = array<i32>} : memref<1536xi32, #tpu.memory_space<vmem>>, vector<16xi32>,
    %swap3A_338 = arith.constant 1328 : index
    %swap3A_339 = tpu.vector_load %arg5[%swap3A_338] {strides = array<i32>} : memref<1536xi32, #tpu.memory_space<vmem>>, vector<16xi32>,
    tpu.vector_store %arg5[%swap3A_338], %broadcast_in_dim3A_1 {strides = array<i32>} : memref<1536xi32, #tpu.memory_space<vmem>>, vector<16xi32>,
    %swap3A_340 = arith.constant 1328 : index
    %swap3A_341 = tpu.vector_load %arg6[%swap3A_340] {strides = array<i32>} : memref<1536xi32, #tpu.memory_space<vmem>>, vector<16xi32>,
    tpu.vector_store %arg6[%swap3A_340], %broadcast_in_dim3A_1 {strides = array<i32>} : memref<1536xi32, #tpu.memory_space<vmem>>, vector<16xi32>,
    %swap3A_342 = arith.constant 1344 : index
    %swap3A_343 = tpu.vector_load %arg5[%swap3A_342] {strides = array<i32>} : memref<1536xi32, #tpu.memory_space<vmem>>, vector<16xi32>,
    tpu.vector_store %arg5[%swap3A_342], %broadcast_in_dim3A_1 {strides = array<i32>} : memref<1536xi32, #tpu.memory_space<vmem>>, vector<16xi32>,
    %swap3A_344 = arith.constant 1344 : index
    %swap3A_345 = tpu.vector_load %arg6[%swap3A_344] {strides = array<i32>} : memref<1536xi32, #tpu.memory_space<vmem>>, vector<16xi32>,
    tpu.vector_store %arg6[%swap3A_344], %broadcast_in_dim3A_1 {strides = array<i32>} : memref<1536xi32, #tpu.memory_space<vmem>>, vector<16xi32>,
    %swap3A_346 = arith.constant 1360 : index
    %swap3A_347 = tpu.vector_load %arg5[%swap3A_346] {strides = array<i32>} : memref<1536xi32, #tpu.memory_space<vmem>>, vector<16xi32>,
    tpu.vector_store %arg5[%swap3A_346], %broadcast_in_dim3A_1 {strides = array<i32>} : memref<1536xi32, #tpu.memory_space<vmem>>, vector<16xi32>,
    %swap3A_348 = arith.constant 1360 : index
    %swap3A_349 = tpu.vector_load %arg6[%swap3A_348] {strides = array<i32>} : memref<1536xi32, #tpu.memory_space<vmem>>, vector<16xi32>,
    tpu.vector_store %arg6[%swap3A_348], %broadcast_in_dim3A_1 {strides = array<i32>} : memref<1536xi32, #tpu.memory_space<vmem>>, vector<16xi32>,
    %swap3A_350 = arith.constant 1376 : index
    %swap3A_351 = tpu.vector_load %arg5[%swap3A_350] {strides = array<i32>} : memref<1536xi32, #tpu.memory_space<vmem>>, vector<16xi32>,
    tpu.vector_store %arg5[%swap3A_350], %broadcast_in_dim3A_1 {strides = array<i32>} : memref<1536xi32, #tpu.memory_space<vmem>>, vector<16xi32>,
    %swap3A_352 = arith.constant 1376 : index
    %swap3A_353 = tpu.vector_load %arg6[%swap3A_352] {strides = array<i32>} : memref<1536xi32, #tpu.memory_space<vmem>>, vector<16xi32>,
    tpu.vector_store %arg6[%swap3A_352], %broadcast_in_dim3A_1 {strides = array<i32>} : memref<1536xi32, #tpu.memory_space<vmem>>, vector<16xi32>,
    %swap3A_354 = arith.constant 1392 : index
    %swap3A_355 = tpu.vector_load %arg5[%swap3A_354] {strides = array<i32>} : memref<1536xi32, #tpu.memory_space<vmem>>, vector<16xi32>,
    tpu.vector_store %arg5[%swap3A_354], %broadcast_in_dim3A_1 {strides = array<i32>} : memref<1536xi32, #tpu.memory_space<vmem>>, vector<16xi32>,
    %swap3A_356 = arith.constant 1392 : index
    %swap3A_357 = tpu.vector_load %arg6[%swap3A_356] {strides = array<i32>} : memref<1536xi32, #tpu.memory_space<vmem>>, vector<16xi32>,
    tpu.vector_store %arg6[%swap3A_356], %broadcast_in_dim3A_1 {strides = array<i32>} : memref<1536xi32, #tpu.memory_space<vmem>>, vector<16xi32>,
    %swap3A_358 = arith.constant 1408 : index
    %swap3A_359 = tpu.vector_load %arg5[%swap3A_358] {strides = array<i32>} : memref<1536xi32, #tpu.memory_space<vmem>>, vector<16xi32>,
    tpu.vector_store %arg5[%swap3A_358], %broadcast_in_dim3A_1 {strides = array<i32>} : memref<1536xi32, #tpu.memory_space<vmem>>, vector<16xi32>,
    %swap3A_360 = arith.constant 1408 : index
    %swap3A_361 = tpu.vector_load %arg6[%swap3A_360] {strides = array<i32>} : memref<1536xi32, #tpu.memory_space<vmem>>, vector<16xi32>,
    tpu.vector_store %arg6[%swap3A_360], %broadcast_in_dim3A_1 {strides = array<i32>} : memref<1536xi32, #tpu.memory_space<vmem>>, vector<16xi32>,
    %swap3A_362 = arith.constant 1424 : index
    %swap3A_363 = tpu.vector_load %arg5[%swap3A_362] {strides = array<i32>} : memref<1536xi32, #tpu.memory_space<vmem>>, vector<16xi32>,
    tpu.vector_store %arg5[%swap3A_362], %broadcast_in_dim3A_1 {strides = array<i32>} : memref<1536xi32, #tpu.memory_space<vmem>>, vector<16xi32>,
    %swap3A_364 = arith.constant 1424 : index
    %swap3A_365 = tpu.vector_load %arg6[%swap3A_364] {strides = array<i32>} : memref<1536xi32, #tpu.memory_space<vmem>>, vector<16xi32>,
    tpu.vector_store %arg6[%swap3A_364], %broadcast_in_dim3A_1 {strides = array<i32>} : memref<1536xi32, #tpu.memory_space<vmem>>, vector<16xi32>,
    %swap3A_366 = arith.constant 1440 : index
    %swap3A_367 = tpu.vector_load %arg5[%swap3A_366] {strides = array<i32>} : memref<1536xi32, #tpu.memory_space<vmem>>, vector<16xi32>,
    tpu.vector_store %arg5[%swap3A_366], %broadcast_in_dim3A_1 {strides = array<i32>} : memref<1536xi32, #tpu.memory_space<vmem>>, vector<16xi32>,
    %swap3A_368 = arith.constant 1440 : index
    %swap3A_369 = tpu.vector_load %arg6[%swap3A_368] {strides = array<i32>} : memref<1536xi32, #tpu.memory_space<vmem>>, vector<16xi32>,
    tpu.vector_store %arg6[%swap3A_368], %broadcast_in_dim3A_1 {strides = array<i32>} : memref<1536xi32, #tpu.memory_space<vmem>>, vector<16xi32>,
    %swap3A_370 = arith.constant 1456 : index
    %swap3A_371 = tpu.vector_load %arg5[%swap3A_370] {strides = array<i32>} : memref<1536xi32, #tpu.memory_space<vmem>>, vector<16xi32>,
    tpu.vector_store %arg5[%swap3A_370], %broadcast_in_dim3A_1 {strides = array<i32>} : memref<1536xi32, #tpu.memory_space<vmem>>, vector<16xi32>,
    %swap3A_372 = arith.constant 1456 : index
    %swap3A_373 = tpu.vector_load %arg6[%swap3A_372] {strides = array<i32>} : memref<1536xi32, #tpu.memory_space<vmem>>, vector<16xi32>,
    tpu.vector_store %arg6[%swap3A_372], %broadcast_in_dim3A_1 {strides = array<i32>} : memref<1536xi32, #tpu.memory_space<vmem>>, vector<16xi32>,
    %swap3A_374 = arith.constant 1472 : index
    %swap3A_375 = tpu.vector_load %arg5[%swap3A_374] {strides = array<i32>} : memref<1536xi32, #tpu.memory_space<vmem>>, vector<16xi32>,
    tpu.vector_store %arg5[%swap3A_374], %broadcast_in_dim3A_1 {strides = array<i32>} : memref<1536xi32, #tpu.memory_space<vmem>>, vector<16xi32>,
    %swap3A_376 = arith.constant 1472 : index
    %swap3A_377 = tpu.vector_load %arg6[%swap3A_376] {strides = array<i32>} : memref<1536xi32, #tpu.memory_space<vmem>>, vector<16xi32>,
    tpu.vector_store %arg6[%swap3A_376], %broadcast_in_dim3A_1 {strides = array<i32>} : memref<1536xi32, #tpu.memory_space<vmem>>, vector<16xi32>,
    %swap3A_378 = arith.constant 1488 : index
    %swap3A_379 = tpu.vector_load %arg5[%swap3A_378] {strides = array<i32>} : memref<1536xi32, #tpu.memory_space<vmem>>, vector<16xi32>,
    tpu.vector_store %arg5[%swap3A_378], %broadcast_in_dim3A_1 {strides = array<i32>} : memref<1536xi32, #tpu.memory_space<vmem>>, vector<16xi32>,
    %swap3A_380 = arith.constant 1488 : index
    %swap3A_381 = tpu.vector_load %arg6[%swap3A_380] {strides = array<i32>} : memref<1536xi32, #tpu.memory_space<vmem>>, vector<16xi32>,
    tpu.vector_store %arg6[%swap3A_380], %broadcast_in_dim3A_1 {strides = array<i32>} : memref<1536xi32, #tpu.memory_space<vmem>>, vector<16xi32>,
    %swap3A_382 = arith.constant 1504 : index
    %swap3A_383 = tpu.vector_load %arg5[%swap3A_382] {strides = array<i32>} : memref<1536xi32, #tpu.memory_space<vmem>>, vector<16xi32>,
    tpu.vector_store %arg5[%swap3A_382], %broadcast_in_dim3A_1 {strides = array<i32>} : memref<1536xi32, #tpu.memory_space<vmem>>, vector<16xi32>,
    %swap3A_384 = arith.constant 1504 : index
    %swap3A_385 = tpu.vector_load %arg6[%swap3A_384] {strides = array<i32>} : memref<1536xi32, #tpu.memory_space<vmem>>, vector<16xi32>,
    tpu.vector_store %arg6[%swap3A_384], %broadcast_in_dim3A_1 {strides = array<i32>} : memref<1536xi32, #tpu.memory_space<vmem>>, vector<16xi32>,
    %swap3A_386 = arith.constant 1520 : index
    %swap3A_387 = tpu.vector_load %arg5[%swap3A_386] {strides = array<i32>} : memref<1536xi32, #tpu.memory_space<vmem>>, vector<16xi32>,
    tpu.vector_store %arg5[%swap3A_386], %broadcast_in_dim3A_1 {strides = array<i32>} : memref<1536xi32, #tpu.memory_space<vmem>>, vector<16xi32>,
    %swap3A_388 = arith.constant 1520 : index
    %swap3A_389 = tpu.vector_load %arg6[%swap3A_388] {strides = array<i32>} : memref<1536xi32, #tpu.memory_space<vmem>>, vector<16xi32>,
    tpu.vector_store %arg6[%swap3A_388], %broadcast_in_dim3A_1 {strides = array<i32>} : memref<1536xi32, #tpu.memory_space<vmem>>, vector<16xi32>,
    %iota3A = tpu.iota {dimensions = array<i32: 0>} : vector<16xi32>
    %broadcast_in_dim3A_390 = arith.constant 1 : i32
    %broadcast_in_dim3A_391 = vector.broadcast %broadcast_in_dim3A_390 : i32 to vector<16xi32>
    %broadcast_in_dim3A_392 = arith.constant 262655 : i32
    %broadcast_in_dim3A_393 = vector.broadcast %broadcast_in_dim3A_392 : i32 to vector<16xi32>
    %broadcast_in_dim3A_394 = arith.constant 511 : i32
    %broadcast_in_dim3A_395 = vector.broadcast %broadcast_in_dim3A_394 : i32 to vector<16xi32>
    %broadcast_in_dim3A_396 = arith.constant 22 : i32
    %broadcast_in_dim3A_397 = vector.broadcast %broadcast_in_dim3A_396 : i32 to vector<16xi32>
    %broadcast_in_dim3A_398 = arith.constant 96 : i32
    %broadcast_in_dim3A_399 = vector.broadcast %broadcast_in_dim3A_398 : i32 to vector<16xi32>
    %get3A = arith.constant 0 : i32
    %get3A_400 = arith.index_cast %get3A : i32 to index
    %get3A_401 = arith.index_cast %mul3A_0 : i32 to index
    %get3A_402 = tpu.vector_load %arg4[%get3A_400, %get3A_401] {strides = array<i32>} : memref<96x32xi32, #tpu.memory_space<vmem>>, vector<16xi32>,
    %gt3A = arith.cmpi sgt, %get3A_402, %broadcast_in_dim3A_393 : vector<16xi32>
    %select_n3A = arith.select %gt3A, %broadcast_in_dim3A_391, %broadcast_in_dim3A_1 : vector<16xi1>, vector<16xi32>
    %eq3A = arith.cmpi eq, %broadcast_in_dim3A_1, %broadcast_in_dim3A_1 : vector<16xi32>
    %select_n3A_403 = arith.select %eq3A, %broadcast_in_dim3A_391, %broadcast_in_dim3A_1 : vector<16xi1>, vector<16xi32>
    %mul3A_404 = arith.muli %select_n3A, %select_n3A_403 : vector<16xi32>
    %and3A = arith.andi %get3A_402, %broadcast_in_dim3A_395 : vector<16xi32>
    %sub3A = arith.subi %broadcast_in_dim3A_395, %and3A : vector<16xi32>
    %mul3A_405 = arith.muli %iota3A, %broadcast_in_dim3A_399 : vector<16xi32>
    %broadcast_in_dim3A_406 = arith.constant 0 : i32
    %broadcast_in_dim3A_407 = vector.broadcast %broadcast_in_dim3A_406 : i32 to vector<16xi32>
    %add3A = arith.addi %mul3A_405, %broadcast_in_dim3A_407 : vector<16xi32>
    tpu.vector_store_idx %arg5[%add3A], %mul3A_404 : memref<1536xi32, #tpu.memory_space<vmem>>[vector<16xi32>], vector<16xi32>,
    tpu.vector_store_idx %arg6[%add3A], %sub3A : memref<1536xi32, #tpu.memory_space<vmem>>[vector<16xi32>], vector<16xi32>,
    %mul3A_408 = arith.muli %mul3A_404, %broadcast_in_dim3A_397 : vector<16xi32>
    %add3A_409 = arith.addi %broadcast_in_dim3A_1, %mul3A_408 : vector<16xi32>
    %sub3A_410 = arith.subi %add3A_409, %broadcast_in_dim3A_391 : vector<16xi32>
    %max3A = arith.maxsi %sub3A_410, %broadcast_in_dim3A_1 : vector<16xi32>
    %get3A_411 = arith.constant 1 : i32
    %get3A_412 = arith.index_cast %get3A_411 : i32 to index
    %get3A_413 = arith.index_cast %mul3A_0 : i32 to index
    %get3A_414 = tpu.vector_load %arg4[%get3A_412, %get3A_413] {strides = array<i32>} : memref<96x32xi32, #tpu.memory_space<vmem>>, vector<16xi32>,
    %gt3A_415 = arith.cmpi sgt, %get3A_414, %broadcast_in_dim3A_393 : vector<16xi32>
    %select_n3A_416 = arith.select %gt3A_415, %broadcast_in_dim3A_391, %broadcast_in_dim3A_1 : vector<16xi1>, vector<16xi32>
    %eq3A_417 = arith.cmpi eq, %max3A, %broadcast_in_dim3A_1 : vector<16xi32>
    %select_n3A_418 = arith.select %eq3A_417, %broadcast_in_dim3A_391, %broadcast_in_dim3A_1 : vector<16xi1>, vector<16xi32>
    %mul3A_419 = arith.muli %select_n3A_416, %select_n3A_418 : vector<16xi32>
    %and3A_420 = arith.andi %get3A_414, %broadcast_in_dim3A_395 : vector<16xi32>
    %sub3A_421 = arith.subi %broadcast_in_dim3A_395, %and3A_420 : vector<16xi32>
    %mul3A_422 = arith.muli %iota3A, %broadcast_in_dim3A_399 : vector<16xi32>
    %broadcast_in_dim3A_423 = arith.constant 1 : i32
    %broadcast_in_dim3A_424 = vector.broadcast %broadcast_in_dim3A_423 : i32 to vector<16xi32>
    %add3A_425 = arith.addi %mul3A_422, %broadcast_in_dim3A_424 : vector<16xi32>
    tpu.vector_store_idx %arg5[%add3A_425], %mul3A_419 : memref<1536xi32, #tpu.memory_space<vmem>>[vector<16xi32>], vector<16xi32>,
    tpu.vector_store_idx %arg6[%add3A_425], %sub3A_421 : memref<1536xi32, #tpu.memory_space<vmem>>[vector<16xi32>], vector<16xi32>,
    %mul3A_426 = arith.muli %mul3A_419, %broadcast_in_dim3A_397 : vector<16xi32>
    %add3A_427 = arith.addi %max3A, %mul3A_426 : vector<16xi32>
    %sub3A_428 = arith.subi %add3A_427, %broadcast_in_dim3A_391 : vector<16xi32>
    %max3A_429 = arith.maxsi %sub3A_428, %broadcast_in_dim3A_1 : vector<16xi32>
    %get3A_430 = arith.constant 2 : i32
    %get3A_431 = arith.index_cast %get3A_430 : i32 to index
    %get3A_432 = arith.index_cast %mul3A_0 : i32 to index
    %get3A_433 = tpu.vector_load %arg4[%get3A_431, %get3A_432] {strides = array<i32>} : memref<96x32xi32, #tpu.memory_space<vmem>>, vector<16xi32>,
    %gt3A_434 = arith.cmpi sgt, %get3A_433, %broadcast_in_dim3A_393 : vector<16xi32>
    %select_n3A_435 = arith.select %gt3A_434, %broadcast_in_dim3A_391, %broadcast_in_dim3A_1 : vector<16xi1>, vector<16xi32>
    %eq3A_436 = arith.cmpi eq, %max3A_429, %broadcast_in_dim3A_1 : vector<16xi32>
    %select_n3A_437 = arith.select %eq3A_436, %broadcast_in_dim3A_391, %broadcast_in_dim3A_1 : vector<16xi1>, vector<16xi32>
    %mul3A_438 = arith.muli %select_n3A_435, %select_n3A_437 : vector<16xi32>
    %and3A_439 = arith.andi %get3A_433, %broadcast_in_dim3A_395 : vector<16xi32>
    %sub3A_440 = arith.subi %broadcast_in_dim3A_395, %and3A_439 : vector<16xi32>
    %mul3A_441 = arith.muli %iota3A, %broadcast_in_dim3A_399 : vector<16xi32>
    %broadcast_in_dim3A_442 = arith.constant 2 : i32
    %broadcast_in_dim3A_443 = vector.broadcast %broadcast_in_dim3A_442 : i32 to vector<16xi32>
    %add3A_444 = arith.addi %mul3A_441, %broadcast_in_dim3A_443 : vector<16xi32>
    tpu.vector_store_idx %arg5[%add3A_444], %mul3A_438 : memref<1536xi32, #tpu.memory_space<vmem>>[vector<16xi32>], vector<16xi32>,
    tpu.vector_store_idx %arg6[%add3A_444], %sub3A_440 : memref<1536xi32, #tpu.memory_space<vmem>>[vector<16xi32>], vector<16xi32>,
    %mul3A_445 = arith.muli %mul3A_438, %broadcast_in_dim3A_397 : vector<16xi32>
    %add3A_446 = arith.addi %max3A_429, %mul3A_445 : vector<16xi32>
    %sub3A_447 = arith.subi %add3A_446, %broadcast_in_dim3A_391 : vector<16xi32>
    %max3A_448 = arith.maxsi %sub3A_447, %broadcast_in_dim3A_1 : vector<16xi32>
    %get3A_449 = arith.constant 3 : i32
    %get3A_450 = arith.index_cast %get3A_449 : i32 to index
    %get3A_451 = arith.index_cast %mul3A_0 : i32 to index
    %get3A_452 = tpu.vector_load %arg4[%get3A_450, %get3A_451] {strides = array<i32>} : memref<96x32xi32, #tpu.memory_space<vmem>>, vector<16xi32>,
    %gt3A_453 = arith.cmpi sgt, %get3A_452, %broadcast_in_dim3A_393 : vector<16xi32>
    %select_n3A_454 = arith.select %gt3A_453, %broadcast_in_dim3A_391, %broadcast_in_dim3A_1 : vector<16xi1>, vector<16xi32>
    %eq3A_455 = arith.cmpi eq, %max3A_448, %broadcast_in_dim3A_1 : vector<16xi32>
    %select_n3A_456 = arith.select %eq3A_455, %broadcast_in_dim3A_391, %broadcast_in_dim3A_1 : vector<16xi1>, vector<16xi32>
    %mul3A_457 = arith.muli %select_n3A_454, %select_n3A_456 : vector<16xi32>
    %and3A_458 = arith.andi %get3A_452, %broadcast_in_dim3A_395 : vector<16xi32>
    %sub3A_459 = arith.subi %broadcast_in_dim3A_395, %and3A_458 : vector<16xi32>
    %mul3A_460 = arith.muli %iota3A, %broadcast_in_dim3A_399 : vector<16xi32>
    %broadcast_in_dim3A_461 = arith.constant 3 : i32
    %broadcast_in_dim3A_462 = vector.broadcast %broadcast_in_dim3A_461 : i32 to vector<16xi32>
    %add3A_463 = arith.addi %mul3A_460, %broadcast_in_dim3A_462 : vector<16xi32>
    tpu.vector_store_idx %arg5[%add3A_463], %mul3A_457 : memref<1536xi32, #tpu.memory_space<vmem>>[vector<16xi32>], vector<16xi32>,
    tpu.vector_store_idx %arg6[%add3A_463], %sub3A_459 : memref<1536xi32, #tpu.memory_space<vmem>>[vector<16xi32>], vector<16xi32>,
    %mul3A_464 = arith.muli %mul3A_457, %broadcast_in_dim3A_397 : vector<16xi32>
    %add3A_465 = arith.addi %max3A_448, %mul3A_464 : vector<16xi32>
    %sub3A_466 = arith.subi %add3A_465, %broadcast_in_dim3A_391 : vector<16xi32>
    %max3A_467 = arith.maxsi %sub3A_466, %broadcast_in_dim3A_1 : vector<16xi32>
    %get3A_468 = arith.constant 4 : i32
    %get3A_469 = arith.index_cast %get3A_468 : i32 to index
    %get3A_470 = arith.index_cast %mul3A_0 : i32 to index
    %get3A_471 = tpu.vector_load %arg4[%get3A_469, %get3A_470] {strides = array<i32>} : memref<96x32xi32, #tpu.memory_space<vmem>>, vector<16xi32>,
    %gt3A_472 = arith.cmpi sgt, %get3A_471, %broadcast_in_dim3A_393 : vector<16xi32>
    %select_n3A_473 = arith.select %gt3A_472, %broadcast_in_dim3A_391, %broadcast_in_dim3A_1 : vector<16xi1>, vector<16xi32>
    %eq3A_474 = arith.cmpi eq, %max3A_467, %broadcast_in_dim3A_1 : vector<16xi32>
    %select_n3A_475 = arith.select %eq3A_474, %broadcast_in_dim3A_391, %broadcast_in_dim3A_1 : vector<16xi1>, vector<16xi32>
    %mul3A_476 = arith.muli %select_n3A_473, %select_n3A_475 : vector<16xi32>
    %and3A_477 = arith.andi %get3A_471, %broadcast_in_dim3A_395 : vector<16xi32>
    %sub3A_478 = arith.subi %broadcast_in_dim3A_395, %and3A_477 : vector<16xi32>
    %mul3A_479 = arith.muli %iota3A, %broadcast_in_dim3A_399 : vector<16xi32>
    %broadcast_in_dim3A_480 = arith.constant 4 : i32
    %broadcast_in_dim3A_481 = vector.broadcast %broadcast_in_dim3A_480 : i32 to vector<16xi32>
    %add3A_482 = arith.addi %mul3A_479, %broadcast_in_dim3A_481 : vector<16xi32>
    tpu.vector_store_idx %arg5[%add3A_482], %mul3A_476 : memref<1536xi32, #tpu.memory_space<vmem>>[vector<16xi32>], vector<16xi32>,
    tpu.vector_store_idx %arg6[%add3A_482], %sub3A_478 : memref<1536xi32, #tpu.memory_space<vmem>>[vector<16xi32>], vector<16xi32>,
    %mul3A_483 = arith.muli %mul3A_476, %broadcast_in_dim3A_397 : vector<16xi32>
    %add3A_484 = arith.addi %max3A_467, %mul3A_483 : vector<16xi32>
    %sub3A_485 = arith.subi %add3A_484, %broadcast_in_dim3A_391 : vector<16xi32>
    %max3A_486 = arith.maxsi %sub3A_485, %broadcast_in_dim3A_1 : vector<16xi32>
    %get3A_487 = arith.constant 5 : i32
    %get3A_488 = arith.index_cast %get3A_487 : i32 to index
    %get3A_489 = arith.index_cast %mul3A_0 : i32 to index
    %get3A_490 = tpu.vector_load %arg4[%get3A_488, %get3A_489] {strides = array<i32>} : memref<96x32xi32, #tpu.memory_space<vmem>>, vector<16xi32>,
    %gt3A_491 = arith.cmpi sgt, %get3A_490, %broadcast_in_dim3A_393 : vector<16xi32>
    %select_n3A_492 = arith.select %gt3A_491, %broadcast_in_dim3A_391, %broadcast_in_dim3A_1 : vector<16xi1>, vector<16xi32>
    %eq3A_493 = arith.cmpi eq, %max3A_486, %broadcast_in_dim3A_1 : vector<16xi32>
    %select_n3A_494 = arith.select %eq3A_493, %broadcast_in_dim3A_391, %broadcast_in_dim3A_1 : vector<16xi1>, vector<16xi32>
    %mul3A_495 = arith.muli %select_n3A_492, %select_n3A_494 : vector<16xi32>
    %and3A_496 = arith.andi %get3A_490, %broadcast_in_dim3A_395 : vector<16xi32>
    %sub3A_497 = arith.subi %broadcast_in_dim3A_395, %and3A_496 : vector<16xi32>
    %mul3A_498 = arith.muli %iota3A, %broadcast_in_dim3A_399 : vector<16xi32>
    %broadcast_in_dim3A_499 = arith.constant 5 : i32
    %broadcast_in_dim3A_500 = vector.broadcast %broadcast_in_dim3A_499 : i32 to vector<16xi32>
    %add3A_501 = arith.addi %mul3A_498, %broadcast_in_dim3A_500 : vector<16xi32>
    tpu.vector_store_idx %arg5[%add3A_501], %mul3A_495 : memref<1536xi32, #tpu.memory_space<vmem>>[vector<16xi32>], vector<16xi32>,
    tpu.vector_store_idx %arg6[%add3A_501], %sub3A_497 : memref<1536xi32, #tpu.memory_space<vmem>>[vector<16xi32>], vector<16xi32>,
    %mul3A_502 = arith.muli %mul3A_495, %broadcast_in_dim3A_397 : vector<16xi32>
    %add3A_503 = arith.addi %max3A_486, %mul3A_502 : vector<16xi32>
    %sub3A_504 = arith.subi %add3A_503, %broadcast_in_dim3A_391 : vector<16xi32>
    %max3A_505 = arith.maxsi %sub3A_504, %broadcast_in_dim3A_1 : vector<16xi32>
    %get3A_506 = arith.constant 6 : i32
    %get3A_507 = arith.index_cast %get3A_506 : i32 to index
    %get3A_508 = arith.index_cast %mul3A_0 : i32 to index
    %get3A_509 = tpu.vector_load %arg4[%get3A_507, %get3A_508] {strides = array<i32>} : memref<96x32xi32, #tpu.memory_space<vmem>>, vector<16xi32>,
    %gt3A_510 = arith.cmpi sgt, %get3A_509, %broadcast_in_dim3A_393 : vector<16xi32>
    %select_n3A_511 = arith.select %gt3A_510, %broadcast_in_dim3A_391, %broadcast_in_dim3A_1 : vector<16xi1>, vector<16xi32>
    %eq3A_512 = arith.cmpi eq, %max3A_505, %broadcast_in_dim3A_1 : vector<16xi32>
    %select_n3A_513 = arith.select %eq3A_512, %broadcast_in_dim3A_391, %broadcast_in_dim3A_1 : vector<16xi1>, vector<16xi32>
    %mul3A_514 = arith.muli %select_n3A_511, %select_n3A_513 : vector<16xi32>
    %and3A_515 = arith.andi %get3A_509, %broadcast_in_dim3A_395 : vector<16xi32>
    %sub3A_516 = arith.subi %broadcast_in_dim3A_395, %and3A_515 : vector<16xi32>
    %mul3A_517 = arith.muli %iota3A, %broadcast_in_dim3A_399 : vector<16xi32>
    %broadcast_in_dim3A_518 = arith.constant 6 : i32
    %broadcast_in_dim3A_519 = vector.broadcast %broadcast_in_dim3A_518 : i32 to vector<16xi32>
    %add3A_520 = arith.addi %mul3A_517, %broadcast_in_dim3A_519 : vector<16xi32>
    tpu.vector_store_idx %arg5[%add3A_520], %mul3A_514 : memref<1536xi32, #tpu.memory_space<vmem>>[vector<16xi32>], vector<16xi32>,
    tpu.vector_store_idx %arg6[%add3A_520], %sub3A_516 : memref<1536xi32, #tpu.memory_space<vmem>>[vector<16xi32>], vector<16xi32>,
    %mul3A_521 = arith.muli %mul3A_514, %broadcast_in_dim3A_397 : vector<16xi32>
    %add3A_522 = arith.addi %max3A_505, %mul3A_521 : vector<16xi32>
    %sub3A_523 = arith.subi %add3A_522, %broadcast_in_dim3A_391 : vector<16xi32>
    %max3A_524 = arith.maxsi %sub3A_523, %broadcast_in_dim3A_1 : vector<16xi32>
    %get3A_525 = arith.constant 7 : i32
    %get3A_526 = arith.index_cast %get3A_525 : i32 to index
    %get3A_527 = arith.index_cast %mul3A_0 : i32 to index
    %get3A_528 = tpu.vector_load %arg4[%get3A_526, %get3A_527] {strides = array<i32>} : memref<96x32xi32, #tpu.memory_space<vmem>>, vector<16xi32>,
    %gt3A_529 = arith.cmpi sgt, %get3A_528, %broadcast_in_dim3A_393 : vector<16xi32>
    %select_n3A_530 = arith.select %gt3A_529, %broadcast_in_dim3A_391, %broadcast_in_dim3A_1 : vector<16xi1>, vector<16xi32>
    %eq3A_531 = arith.cmpi eq, %max3A_524, %broadcast_in_dim3A_1 : vector<16xi32>
    %select_n3A_532 = arith.select %eq3A_531, %broadcast_in_dim3A_391, %broadcast_in_dim3A_1 : vector<16xi1>, vector<16xi32>
    %mul3A_533 = arith.muli %select_n3A_530, %select_n3A_532 : vector<16xi32>
    %and3A_534 = arith.andi %get3A_528, %broadcast_in_dim3A_395 : vector<16xi32>
    %sub3A_535 = arith.subi %broadcast_in_dim3A_395, %and3A_534 : vector<16xi32>
    %mul3A_536 = arith.muli %iota3A, %broadcast_in_dim3A_399 : vector<16xi32>
    %broadcast_in_dim3A_537 = arith.constant 7 : i32
    %broadcast_in_dim3A_538 = vector.broadcast %broadcast_in_dim3A_537 : i32 to vector<16xi32>
    %add3A_539 = arith.addi %mul3A_536, %broadcast_in_dim3A_538 : vector<16xi32>
    tpu.vector_store_idx %arg5[%add3A_539], %mul3A_533 : memref<1536xi32, #tpu.memory_space<vmem>>[vector<16xi32>], vector<16xi32>,
    tpu.vector_store_idx %arg6[%add3A_539], %sub3A_535 : memref<1536xi32, #tpu.memory_space<vmem>>[vector<16xi32>], vector<16xi32>,
    %mul3A_540 = arith.muli %mul3A_533, %broadcast_in_dim3A_397 : vector<16xi32>
    %add3A_541 = arith.addi %max3A_524, %mul3A_540 : vector<16xi32>
    %sub3A_542 = arith.subi %add3A_541, %broadcast_in_dim3A_391 : vector<16xi32>
    %max3A_543 = arith.maxsi %sub3A_542, %broadcast_in_dim3A_1 : vector<16xi32>
    %get3A_544 = arith.constant 8 : i32
    %get3A_545 = arith.index_cast %get3A_544 : i32 to index
    %get3A_546 = arith.index_cast %mul3A_0 : i32 to index
    %get3A_547 = tpu.vector_load %arg4[%get3A_545, %get3A_546] {strides = array<i32>} : memref<96x32xi32, #tpu.memory_space<vmem>>, vector<16xi32>,
    %gt3A_548 = arith.cmpi sgt, %get3A_547, %broadcast_in_dim3A_393 : vector<16xi32>
    %select_n3A_549 = arith.select %gt3A_548, %broadcast_in_dim3A_391, %broadcast_in_dim3A_1 : vector<16xi1>, vector<16xi32>
    %eq3A_550 = arith.cmpi eq, %max3A_543, %broadcast_in_dim3A_1 : vector<16xi32>
    %select_n3A_551 = arith.select %eq3A_550, %broadcast_in_dim3A_391, %broadcast_in_dim3A_1 : vector<16xi1>, vector<16xi32>
    %mul3A_552 = arith.muli %select_n3A_549, %select_n3A_551 : vector<16xi32>
    %and3A_553 = arith.andi %get3A_547, %broadcast_in_dim3A_395 : vector<16xi32>
    %sub3A_554 = arith.subi %broadcast_in_dim3A_395, %and3A_553 : vector<16xi32>
    %mul3A_555 = arith.muli %iota3A, %broadcast_in_dim3A_399 : vector<16xi32>
    %broadcast_in_dim3A_556 = arith.constant 8 : i32
    %broadcast_in_dim3A_557 = vector.broadcast %broadcast_in_dim3A_556 : i32 to vector<16xi32>
    %add3A_558 = arith.addi %mul3A_555, %broadcast_in_dim3A_557 : vector<16xi32>
    tpu.vector_store_idx %arg5[%add3A_558], %mul3A_552 : memref<1536xi32, #tpu.memory_space<vmem>>[vector<16xi32>], vector<16xi32>,
    tpu.vector_store_idx %arg6[%add3A_558], %sub3A_554 : memref<1536xi32, #tpu.memory_space<vmem>>[vector<16xi32>], vector<16xi32>,
    %mul3A_559 = arith.muli %mul3A_552, %broadcast_in_dim3A_397 : vector<16xi32>
    %add3A_560 = arith.addi %max3A_543, %mul3A_559 : vector<16xi32>
    %sub3A_561 = arith.subi %add3A_560, %broadcast_in_dim3A_391 : vector<16xi32>
    %max3A_562 = arith.maxsi %sub3A_561, %broadcast_in_dim3A_1 : vector<16xi32>
    %get3A_563 = arith.constant 9 : i32
    %get3A_564 = arith.index_cast %get3A_563 : i32 to index
    %get3A_565 = arith.index_cast %mul3A_0 : i32 to index
    %get3A_566 = tpu.vector_load %arg4[%get3A_564, %get3A_565] {strides = array<i32>} : memref<96x32xi32, #tpu.memory_space<vmem>>, vector<16xi32>,
    %gt3A_567 = arith.cmpi sgt, %get3A_566, %broadcast_in_dim3A_393 : vector<16xi32>
    %select_n3A_568 = arith.select %gt3A_567, %broadcast_in_dim3A_391, %broadcast_in_dim3A_1 : vector<16xi1>, vector<16xi32>
    %eq3A_569 = arith.cmpi eq, %max3A_562, %broadcast_in_dim3A_1 : vector<16xi32>
    %select_n3A_570 = arith.select %eq3A_569, %broadcast_in_dim3A_391, %broadcast_in_dim3A_1 : vector<16xi1>, vector<16xi32>
    %mul3A_571 = arith.muli %select_n3A_568, %select_n3A_570 : vector<16xi32>
    %and3A_572 = arith.andi %get3A_566, %broadcast_in_dim3A_395 : vector<16xi32>
    %sub3A_573 = arith.subi %broadcast_in_dim3A_395, %and3A_572 : vector<16xi32>
    %mul3A_574 = arith.muli %iota3A, %broadcast_in_dim3A_399 : vector<16xi32>
    %broadcast_in_dim3A_575 = arith.constant 9 : i32
    %broadcast_in_dim3A_576 = vector.broadcast %broadcast_in_dim3A_575 : i32 to vector<16xi32>
    %add3A_577 = arith.addi %mul3A_574, %broadcast_in_dim3A_576 : vector<16xi32>
    tpu.vector_store_idx %arg5[%add3A_577], %mul3A_571 : memref<1536xi32, #tpu.memory_space<vmem>>[vector<16xi32>], vector<16xi32>,
    tpu.vector_store_idx %arg6[%add3A_577], %sub3A_573 : memref<1536xi32, #tpu.memory_space<vmem>>[vector<16xi32>], vector<16xi32>,
    %mul3A_578 = arith.muli %mul3A_571, %broadcast_in_dim3A_397 : vector<16xi32>
    %add3A_579 = arith.addi %max3A_562, %mul3A_578 : vector<16xi32>
    %sub3A_580 = arith.subi %add3A_579, %broadcast_in_dim3A_391 : vector<16xi32>
    %max3A_581 = arith.maxsi %sub3A_580, %broadcast_in_dim3A_1 : vector<16xi32>
    %get3A_582 = arith.constant 10 : i32
    %get3A_583 = arith.index_cast %get3A_582 : i32 to index
    %get3A_584 = arith.index_cast %mul3A_0 : i32 to index
    %get3A_585 = tpu.vector_load %arg4[%get3A_583, %get3A_584] {strides = array<i32>} : memref<96x32xi32, #tpu.memory_space<vmem>>, vector<16xi32>,
    %gt3A_586 = arith.cmpi sgt, %get3A_585, %broadcast_in_dim3A_393 : vector<16xi32>
    %select_n3A_587 = arith.select %gt3A_586, %broadcast_in_dim3A_391, %broadcast_in_dim3A_1 : vector<16xi1>, vector<16xi32>
    %eq3A_588 = arith.cmpi eq, %max3A_581, %broadcast_in_dim3A_1 : vector<16xi32>
    %select_n3A_589 = arith.select %eq3A_588, %broadcast_in_dim3A_391, %broadcast_in_dim3A_1 : vector<16xi1>, vector<16xi32>
    %mul3A_590 = arith.muli %select_n3A_587, %select_n3A_589 : vector<16xi32>
    %and3A_591 = arith.andi %get3A_585, %broadcast_in_dim3A_395 : vector<16xi32>
    %sub3A_592 = arith.subi %broadcast_in_dim3A_395, %and3A_591 : vector<16xi32>
    %mul3A_593 = arith.muli %iota3A, %broadcast_in_dim3A_399 : vector<16xi32>
    %broadcast_in_dim3A_594 = arith.constant 10 : i32
    %broadcast_in_dim3A_595 = vector.broadcast %broadcast_in_dim3A_594 : i32 to vector<16xi32>
    %add3A_596 = arith.addi %mul3A_593, %broadcast_in_dim3A_595 : vector<16xi32>
    tpu.vector_store_idx %arg5[%add3A_596], %mul3A_590 : memref<1536xi32, #tpu.memory_space<vmem>>[vector<16xi32>], vector<16xi32>,
    tpu.vector_store_idx %arg6[%add3A_596], %sub3A_592 : memref<1536xi32, #tpu.memory_space<vmem>>[vector<16xi32>], vector<16xi32>,
    %mul3A_597 = arith.muli %mul3A_590, %broadcast_in_dim3A_397 : vector<16xi32>
    %add3A_598 = arith.addi %max3A_581, %mul3A_597 : vector<16xi32>
    %sub3A_599 = arith.subi %add3A_598, %broadcast_in_dim3A_391 : vector<16xi32>
    %max3A_600 = arith.maxsi %sub3A_599, %broadcast_in_dim3A_1 : vector<16xi32>
    %get3A_601 = arith.constant 11 : i32
    %get3A_602 = arith.index_cast %get3A_601 : i32 to index
    %get3A_603 = arith.index_cast %mul3A_0 : i32 to index
    %get3A_604 = tpu.vector_load %arg4[%get3A_602, %get3A_603] {strides = array<i32>} : memref<96x32xi32, #tpu.memory_space<vmem>>, vector<16xi32>,
    %gt3A_605 = arith.cmpi sgt, %get3A_604, %broadcast_in_dim3A_393 : vector<16xi32>
    %select_n3A_606 = arith.select %gt3A_605, %broadcast_in_dim3A_391, %broadcast_in_dim3A_1 : vector<16xi1>, vector<16xi32>
    %eq3A_607 = arith.cmpi eq, %max3A_600, %broadcast_in_dim3A_1 : vector<16xi32>
    %select_n3A_608 = arith.select %eq3A_607, %broadcast_in_dim3A_391, %broadcast_in_dim3A_1 : vector<16xi1>, vector<16xi32>
    %mul3A_609 = arith.muli %select_n3A_606, %select_n3A_608 : vector<16xi32>
    %and3A_610 = arith.andi %get3A_604, %broadcast_in_dim3A_395 : vector<16xi32>
    %sub3A_611 = arith.subi %broadcast_in_dim3A_395, %and3A_610 : vector<16xi32>
    %mul3A_612 = arith.muli %iota3A, %broadcast_in_dim3A_399 : vector<16xi32>
    %broadcast_in_dim3A_613 = arith.constant 11 : i32
    %broadcast_in_dim3A_614 = vector.broadcast %broadcast_in_dim3A_613 : i32 to vector<16xi32>
    %add3A_615 = arith.addi %mul3A_612, %broadcast_in_dim3A_614 : vector<16xi32>
    tpu.vector_store_idx %arg5[%add3A_615], %mul3A_609 : memref<1536xi32, #tpu.memory_space<vmem>>[vector<16xi32>], vector<16xi32>,
    tpu.vector_store_idx %arg6[%add3A_615], %sub3A_611 : memref<1536xi32, #tpu.memory_space<vmem>>[vector<16xi32>], vector<16xi32>,
    %mul3A_616 = arith.muli %mul3A_609, %broadcast_in_dim3A_397 : vector<16xi32>
    %add3A_617 = arith.addi %max3A_600, %mul3A_616 : vector<16xi32>
    %sub3A_618 = arith.subi %add3A_617, %broadcast_in_dim3A_391 : vector<16xi32>
    %max3A_619 = arith.maxsi %sub3A_618, %broadcast_in_dim3A_1 : vector<16xi32>
    %get3A_620 = arith.constant 12 : i32
    %get3A_621 = arith.index_cast %get3A_620 : i32 to index
    %get3A_622 = arith.index_cast %mul3A_0 : i32 to index
    %get3A_623 = tpu.vector_load %arg4[%get3A_621, %get3A_622] {strides = array<i32>} : memref<96x32xi32, #tpu.memory_space<vmem>>, vector<16xi32>,
    %gt3A_624 = arith.cmpi sgt, %get3A_623, %broadcast_in_dim3A_393 : vector<16xi32>
    %select_n3A_625 = arith.select %gt3A_624, %broadcast_in_dim3A_391, %broadcast_in_dim3A_1 : vector<16xi1>, vector<16xi32>
    %eq3A_626 = arith.cmpi eq, %max3A_619, %broadcast_in_dim3A_1 : vector<16xi32>
    %select_n3A_627 = arith.select %eq3A_626, %broadcast_in_dim3A_391, %broadcast_in_dim3A_1 : vector<16xi1>, vector<16xi32>
    %mul3A_628 = arith.muli %select_n3A_625, %select_n3A_627 : vector<16xi32>
    %and3A_629 = arith.andi %get3A_623, %broadcast_in_dim3A_395 : vector<16xi32>
    %sub3A_630 = arith.subi %broadcast_in_dim3A_395, %and3A_629 : vector<16xi32>
    %mul3A_631 = arith.muli %iota3A, %broadcast_in_dim3A_399 : vector<16xi32>
    %broadcast_in_dim3A_632 = arith.constant 12 : i32
    %broadcast_in_dim3A_633 = vector.broadcast %broadcast_in_dim3A_632 : i32 to vector<16xi32>
    %add3A_634 = arith.addi %mul3A_631, %broadcast_in_dim3A_633 : vector<16xi32>
    tpu.vector_store_idx %arg5[%add3A_634], %mul3A_628 : memref<1536xi32, #tpu.memory_space<vmem>>[vector<16xi32>], vector<16xi32>,
    tpu.vector_store_idx %arg6[%add3A_634], %sub3A_630 : memref<1536xi32, #tpu.memory_space<vmem>>[vector<16xi32>], vector<16xi32>,
    %mul3A_635 = arith.muli %mul3A_628, %broadcast_in_dim3A_397 : vector<16xi32>
    %add3A_636 = arith.addi %max3A_619, %mul3A_635 : vector<16xi32>
    %sub3A_637 = arith.subi %add3A_636, %broadcast_in_dim3A_391 : vector<16xi32>
    %max3A_638 = arith.maxsi %sub3A_637, %broadcast_in_dim3A_1 : vector<16xi32>
    %get3A_639 = arith.constant 13 : i32
    %get3A_640 = arith.index_cast %get3A_639 : i32 to index
    %get3A_641 = arith.index_cast %mul3A_0 : i32 to index
    %get3A_642 = tpu.vector_load %arg4[%get3A_640, %get3A_641] {strides = array<i32>} : memref<96x32xi32, #tpu.memory_space<vmem>>, vector<16xi32>,
    %gt3A_643 = arith.cmpi sgt, %get3A_642, %broadcast_in_dim3A_393 : vector<16xi32>
    %select_n3A_644 = arith.select %gt3A_643, %broadcast_in_dim3A_391, %broadcast_in_dim3A_1 : vector<16xi1>, vector<16xi32>
    %eq3A_645 = arith.cmpi eq, %max3A_638, %broadcast_in_dim3A_1 : vector<16xi32>
    %select_n3A_646 = arith.select %eq3A_645, %broadcast_in_dim3A_391, %broadcast_in_dim3A_1 : vector<16xi1>, vector<16xi32>
    %mul3A_647 = arith.muli %select_n3A_644, %select_n3A_646 : vector<16xi32>
    %and3A_648 = arith.andi %get3A_642, %broadcast_in_dim3A_395 : vector<16xi32>
    %sub3A_649 = arith.subi %broadcast_in_dim3A_395, %and3A_648 : vector<16xi32>
    %mul3A_650 = arith.muli %iota3A, %broadcast_in_dim3A_399 : vector<16xi32>
    %broadcast_in_dim3A_651 = arith.constant 13 : i32
    %broadcast_in_dim3A_652 = vector.broadcast %broadcast_in_dim3A_651 : i32 to vector<16xi32>
    %add3A_653 = arith.addi %mul3A_650, %broadcast_in_dim3A_652 : vector<16xi32>
    tpu.vector_store_idx %arg5[%add3A_653], %mul3A_647 : memref<1536xi32, #tpu.memory_space<vmem>>[vector<16xi32>], vector<16xi32>,
    tpu.vector_store_idx %arg6[%add3A_653], %sub3A_649 : memref<1536xi32, #tpu.memory_space<vmem>>[vector<16xi32>], vector<16xi32>,
    %mul3A_654 = arith.muli %mul3A_647, %broadcast_in_dim3A_397 : vector<16xi32>
    %add3A_655 = arith.addi %max3A_638, %mul3A_654 : vector<16xi32>
    %sub3A_656 = arith.subi %add3A_655, %broadcast_in_dim3A_391 : vector<16xi32>
    %max3A_657 = arith.maxsi %sub3A_656, %broadcast_in_dim3A_1 : vector<16xi32>
    %get3A_658 = arith.constant 14 : i32
    %get3A_659 = arith.index_cast %get3A_658 : i32 to index
    %get3A_660 = arith.index_cast %mul3A_0 : i32 to index
    %get3A_661 = tpu.vector_load %arg4[%get3A_659, %get3A_660] {strides = array<i32>} : memref<96x32xi32, #tpu.memory_space<vmem>>, vector<16xi32>,
    %gt3A_662 = arith.cmpi sgt, %get3A_661, %broadcast_in_dim3A_393 : vector<16xi32>
    %select_n3A_663 = arith.select %gt3A_662, %broadcast_in_dim3A_391, %broadcast_in_dim3A_1 : vector<16xi1>, vector<16xi32>
    %eq3A_664 = arith.cmpi eq, %max3A_657, %broadcast_in_dim3A_1 : vector<16xi32>
    %select_n3A_665 = arith.select %eq3A_664, %broadcast_in_dim3A_391, %broadcast_in_dim3A_1 : vector<16xi1>, vector<16xi32>
    %mul3A_666 = arith.muli %select_n3A_663, %select_n3A_665 : vector<16xi32>
    %and3A_667 = arith.andi %get3A_661, %broadcast_in_dim3A_395 : vector<16xi32>
    %sub3A_668 = arith.subi %broadcast_in_dim3A_395, %and3A_667 : vector<16xi32>
    %mul3A_669 = arith.muli %iota3A, %broadcast_in_dim3A_399 : vector<16xi32>
    %broadcast_in_dim3A_670 = arith.constant 14 : i32
    %broadcast_in_dim3A_671 = vector.broadcast %broadcast_in_dim3A_670 : i32 to vector<16xi32>
    %add3A_672 = arith.addi %mul3A_669, %broadcast_in_dim3A_671 : vector<16xi32>
    tpu.vector_store_idx %arg5[%add3A_672], %mul3A_666 : memref<1536xi32, #tpu.memory_space<vmem>>[vector<16xi32>], vector<16xi32>,
    tpu.vector_store_idx %arg6[%add3A_672], %sub3A_668 : memref<1536xi32, #tpu.memory_space<vmem>>[vector<16xi32>], vector<16xi32>,
    %mul3A_673 = arith.muli %mul3A_666, %broadcast_in_dim3A_397 : vector<16xi32>
    %add3A_674 = arith.addi %max3A_657, %mul3A_673 : vector<16xi32>
    %sub3A_675 = arith.subi %add3A_674, %broadcast_in_dim3A_391 : vector<16xi32>
    %max3A_676 = arith.maxsi %sub3A_675, %broadcast_in_dim3A_1 : vector<16xi32>
    %get3A_677 = arith.constant 15 : i32
    %get3A_678 = arith.index_cast %get3A_677 : i32 to index
    %get3A_679 = arith.index_cast %mul3A_0 : i32 to index
    %get3A_680 = tpu.vector_load %arg4[%get3A_678, %get3A_679] {strides = array<i32>} : memref<96x32xi32, #tpu.memory_space<vmem>>, vector<16xi32>,
    %gt3A_681 = arith.cmpi sgt, %get3A_680, %broadcast_in_dim3A_393 : vector<16xi32>
    %select_n3A_682 = arith.select %gt3A_681, %broadcast_in_dim3A_391, %broadcast_in_dim3A_1 : vector<16xi1>, vector<16xi32>
    %eq3A_683 = arith.cmpi eq, %max3A_676, %broadcast_in_dim3A_1 : vector<16xi32>
    %select_n3A_684 = arith.select %eq3A_683, %broadcast_in_dim3A_391, %broadcast_in_dim3A_1 : vector<16xi1>, vector<16xi32>
    %mul3A_685 = arith.muli %select_n3A_682, %select_n3A_684 : vector<16xi32>
    %and3A_686 = arith.andi %get3A_680, %broadcast_in_dim3A_395 : vector<16xi32>
    %sub3A_687 = arith.subi %broadcast_in_dim3A_395, %and3A_686 : vector<16xi32>
    %mul3A_688 = arith.muli %iota3A, %broadcast_in_dim3A_399 : vector<16xi32>
    %broadcast_in_dim3A_689 = arith.constant 15 : i32
    %broadcast_in_dim3A_690 = vector.broadcast %broadcast_in_dim3A_689 : i32 to vector<16xi32>
    %add3A_691 = arith.addi %mul3A_688, %broadcast_in_dim3A_690 : vector<16xi32>
    tpu.vector_store_idx %arg5[%add3A_691], %mul3A_685 : memref<1536xi32, #tpu.memory_space<vmem>>[vector<16xi32>], vector<16xi32>,
    tpu.vector_store_idx %arg6[%add3A_691], %sub3A_687 : memref<1536xi32, #tpu.memory_space<vmem>>[vector<16xi32>], vector<16xi32>,
    %mul3A_692 = arith.muli %mul3A_685, %broadcast_in_dim3A_397 : vector<16xi32>
    %add3A_693 = arith.addi %max3A_676, %mul3A_692 : vector<16xi32>
    %sub3A_694 = arith.subi %add3A_693, %broadcast_in_dim3A_391 : vector<16xi32>
    %max3A_695 = arith.maxsi %sub3A_694, %broadcast_in_dim3A_1 : vector<16xi32>
    %get3A_696 = arith.constant 16 : i32
    %get3A_697 = arith.index_cast %get3A_696 : i32 to index
    %get3A_698 = arith.index_cast %mul3A_0 : i32 to index
    %get3A_699 = tpu.vector_load %arg4[%get3A_697, %get3A_698] {strides = array<i32>} : memref<96x32xi32, #tpu.memory_space<vmem>>, vector<16xi32>,
    %gt3A_700 = arith.cmpi sgt, %get3A_699, %broadcast_in_dim3A_393 : vector<16xi32>
    %select_n3A_701 = arith.select %gt3A_700, %broadcast_in_dim3A_391, %broadcast_in_dim3A_1 : vector<16xi1>, vector<16xi32>
    %eq3A_702 = arith.cmpi eq, %max3A_695, %broadcast_in_dim3A_1 : vector<16xi32>
    %select_n3A_703 = arith.select %eq3A_702, %broadcast_in_dim3A_391, %broadcast_in_dim3A_1 : vector<16xi1>, vector<16xi32>
    %mul3A_704 = arith.muli %select_n3A_701, %select_n3A_703 : vector<16xi32>
    %and3A_705 = arith.andi %get3A_699, %broadcast_in_dim3A_395 : vector<16xi32>
    %sub3A_706 = arith.subi %broadcast_in_dim3A_395, %and3A_705 : vector<16xi32>
    %mul3A_707 = arith.muli %iota3A, %broadcast_in_dim3A_399 : vector<16xi32>
    %broadcast_in_dim3A_708 = arith.constant 16 : i32
    %broadcast_in_dim3A_709 = vector.broadcast %broadcast_in_dim3A_708 : i32 to vector<16xi32>
    %add3A_710 = arith.addi %mul3A_707, %broadcast_in_dim3A_709 : vector<16xi32>
    tpu.vector_store_idx %arg5[%add3A_710], %mul3A_704 : memref<1536xi32, #tpu.memory_space<vmem>>[vector<16xi32>], vector<16xi32>,
    tpu.vector_store_idx %arg6[%add3A_710], %sub3A_706 : memref<1536xi32, #tpu.memory_space<vmem>>[vector<16xi32>], vector<16xi32>,
    %mul3A_711 = arith.muli %mul3A_704, %broadcast_in_dim3A_397 : vector<16xi32>
    %add3A_712 = arith.addi %max3A_695, %mul3A_711 : vector<16xi32>
    %sub3A_713 = arith.subi %add3A_712, %broadcast_in_dim3A_391 : vector<16xi32>
    %max3A_714 = arith.maxsi %sub3A_713, %broadcast_in_dim3A_1 : vector<16xi32>
    %get3A_715 = arith.constant 17 : i32
    %get3A_716 = arith.index_cast %get3A_715 : i32 to index
    %get3A_717 = arith.index_cast %mul3A_0 : i32 to index
    %get3A_718 = tpu.vector_load %arg4[%get3A_716, %get3A_717] {strides = array<i32>} : memref<96x32xi32, #tpu.memory_space<vmem>>, vector<16xi32>,
    %gt3A_719 = arith.cmpi sgt, %get3A_718, %broadcast_in_dim3A_393 : vector<16xi32>
    %select_n3A_720 = arith.select %gt3A_719, %broadcast_in_dim3A_391, %broadcast_in_dim3A_1 : vector<16xi1>, vector<16xi32>
    %eq3A_721 = arith.cmpi eq, %max3A_714, %broadcast_in_dim3A_1 : vector<16xi32>
    %select_n3A_722 = arith.select %eq3A_721, %broadcast_in_dim3A_391, %broadcast_in_dim3A_1 : vector<16xi1>, vector<16xi32>
    %mul3A_723 = arith.muli %select_n3A_720, %select_n3A_722 : vector<16xi32>
    %and3A_724 = arith.andi %get3A_718, %broadcast_in_dim3A_395 : vector<16xi32>
    %sub3A_725 = arith.subi %broadcast_in_dim3A_395, %and3A_724 : vector<16xi32>
    %mul3A_726 = arith.muli %iota3A, %broadcast_in_dim3A_399 : vector<16xi32>
    %broadcast_in_dim3A_727 = arith.constant 17 : i32
    %broadcast_in_dim3A_728 = vector.broadcast %broadcast_in_dim3A_727 : i32 to vector<16xi32>
    %add3A_729 = arith.addi %mul3A_726, %broadcast_in_dim3A_728 : vector<16xi32>
    tpu.vector_store_idx %arg5[%add3A_729], %mul3A_723 : memref<1536xi32, #tpu.memory_space<vmem>>[vector<16xi32>], vector<16xi32>,
    tpu.vector_store_idx %arg6[%add3A_729], %sub3A_725 : memref<1536xi32, #tpu.memory_space<vmem>>[vector<16xi32>], vector<16xi32>,
    %mul3A_730 = arith.muli %mul3A_723, %broadcast_in_dim3A_397 : vector<16xi32>
    %add3A_731 = arith.addi %max3A_714, %mul3A_730 : vector<16xi32>
    %sub3A_732 = arith.subi %add3A_731, %broadcast_in_dim3A_391 : vector<16xi32>
    %max3A_733 = arith.maxsi %sub3A_732, %broadcast_in_dim3A_1 : vector<16xi32>
    %get3A_734 = arith.constant 18 : i32
    %get3A_735 = arith.index_cast %get3A_734 : i32 to index
    %get3A_736 = arith.index_cast %mul3A_0 : i32 to index
    %get3A_737 = tpu.vector_load %arg4[%get3A_735, %get3A_736] {strides = array<i32>} : memref<96x32xi32, #tpu.memory_space<vmem>>, vector<16xi32>,
    %gt3A_738 = arith.cmpi sgt, %get3A_737, %broadcast_in_dim3A_393 : vector<16xi32>
    %select_n3A_739 = arith.select %gt3A_738, %broadcast_in_dim3A_391, %broadcast_in_dim3A_1 : vector<16xi1>, vector<16xi32>
    %eq3A_740 = arith.cmpi eq, %max3A_733, %broadcast_in_dim3A_1 : vector<16xi32>
    %select_n3A_741 = arith.select %eq3A_740, %broadcast_in_dim3A_391, %broadcast_in_dim3A_1 : vector<16xi1>, vector<16xi32>
    %mul3A_742 = arith.muli %select_n3A_739, %select_n3A_741 : vector<16xi32>
    %and3A_743 = arith.andi %get3A_737, %broadcast_in_dim3A_395 : vector<16xi32>
    %sub3A_744 = arith.subi %broadcast_in_dim3A_395, %and3A_743 : vector<16xi32>
    %mul3A_745 = arith.muli %iota3A, %broadcast_in_dim3A_399 : vector<16xi32>
    %broadcast_in_dim3A_746 = arith.constant 18 : i32
    %broadcast_in_dim3A_747 = vector.broadcast %broadcast_in_dim3A_746 : i32 to vector<16xi32>
    %add3A_748 = arith.addi %mul3A_745, %broadcast_in_dim3A_747 : vector<16xi32>
    tpu.vector_store_idx %arg5[%add3A_748], %mul3A_742 : memref<1536xi32, #tpu.memory_space<vmem>>[vector<16xi32>], vector<16xi32>,
    tpu.vector_store_idx %arg6[%add3A_748], %sub3A_744 : memref<1536xi32, #tpu.memory_space<vmem>>[vector<16xi32>], vector<16xi32>,
    %mul3A_749 = arith.muli %mul3A_742, %broadcast_in_dim3A_397 : vector<16xi32>
    %add3A_750 = arith.addi %max3A_733, %mul3A_749 : vector<16xi32>
    %sub3A_751 = arith.subi %add3A_750, %broadcast_in_dim3A_391 : vector<16xi32>
    %max3A_752 = arith.maxsi %sub3A_751, %broadcast_in_dim3A_1 : vector<16xi32>
    %get3A_753 = arith.constant 19 : i32
    %get3A_754 = arith.index_cast %get3A_753 : i32 to index
    %get3A_755 = arith.index_cast %mul3A_0 : i32 to index
    %get3A_756 = tpu.vector_load %arg4[%get3A_754, %get3A_755] {strides = array<i32>} : memref<96x32xi32, #tpu.memory_space<vmem>>, vector<16xi32>,
    %gt3A_757 = arith.cmpi sgt, %get3A_756, %broadcast_in_dim3A_393 : vector<16xi32>
    %select_n3A_758 = arith.select %gt3A_757, %broadcast_in_dim3A_391, %broadcast_in_dim3A_1 : vector<16xi1>, vector<16xi32>
    %eq3A_759 = arith.cmpi eq, %max3A_752, %broadcast_in_dim3A_1 : vector<16xi32>
    %select_n3A_760 = arith.select %eq3A_759, %broadcast_in_dim3A_391, %broadcast_in_dim3A_1 : vector<16xi1>, vector<16xi32>
    %mul3A_761 = arith.muli %select_n3A_758, %select_n3A_760 : vector<16xi32>
    %and3A_762 = arith.andi %get3A_756, %broadcast_in_dim3A_395 : vector<16xi32>
    %sub3A_763 = arith.subi %broadcast_in_dim3A_395, %and3A_762 : vector<16xi32>
    %mul3A_764 = arith.muli %iota3A, %broadcast_in_dim3A_399 : vector<16xi32>
    %broadcast_in_dim3A_765 = arith.constant 19 : i32
    %broadcast_in_dim3A_766 = vector.broadcast %broadcast_in_dim3A_765 : i32 to vector<16xi32>
    %add3A_767 = arith.addi %mul3A_764, %broadcast_in_dim3A_766 : vector<16xi32>
    tpu.vector_store_idx %arg5[%add3A_767], %mul3A_761 : memref<1536xi32, #tpu.memory_space<vmem>>[vector<16xi32>], vector<16xi32>,
    tpu.vector_store_idx %arg6[%add3A_767], %sub3A_763 : memref<1536xi32, #tpu.memory_space<vmem>>[vector<16xi32>], vector<16xi32>,
    %mul3A_768 = arith.muli %mul3A_761, %broadcast_in_dim3A_397 : vector<16xi32>
    %add3A_769 = arith.addi %max3A_752, %mul3A_768 : vector<16xi32>
    %sub3A_770 = arith.subi %add3A_769, %broadcast_in_dim3A_391 : vector<16xi32>
    %max3A_771 = arith.maxsi %sub3A_770, %broadcast_in_dim3A_1 : vector<16xi32>
    %get3A_772 = arith.constant 20 : i32
    %get3A_773 = arith.index_cast %get3A_772 : i32 to index
    %get3A_774 = arith.index_cast %mul3A_0 : i32 to index
    %get3A_775 = tpu.vector_load %arg4[%get3A_773, %get3A_774] {strides = array<i32>} : memref<96x32xi32, #tpu.memory_space<vmem>>, vector<16xi32>,
    %gt3A_776 = arith.cmpi sgt, %get3A_775, %broadcast_in_dim3A_393 : vector<16xi32>
    %select_n3A_777 = arith.select %gt3A_776, %broadcast_in_dim3A_391, %broadcast_in_dim3A_1 : vector<16xi1>, vector<16xi32>
    %eq3A_778 = arith.cmpi eq, %max3A_771, %broadcast_in_dim3A_1 : vector<16xi32>
    %select_n3A_779 = arith.select %eq3A_778, %broadcast_in_dim3A_391, %broadcast_in_dim3A_1 : vector<16xi1>, vector<16xi32>
    %mul3A_780 = arith.muli %select_n3A_777, %select_n3A_779 : vector<16xi32>
    %and3A_781 = arith.andi %get3A_775, %broadcast_in_dim3A_395 : vector<16xi32>
    %sub3A_782 = arith.subi %broadcast_in_dim3A_395, %and3A_781 : vector<16xi32>
    %mul3A_783 = arith.muli %iota3A, %broadcast_in_dim3A_399 : vector<16xi32>
    %broadcast_in_dim3A_784 = arith.constant 20 : i32
    %broadcast_in_dim3A_785 = vector.broadcast %broadcast_in_dim3A_784 : i32 to vector<16xi32>
    %add3A_786 = arith.addi %mul3A_783, %broadcast_in_dim3A_785 : vector<16xi32>
    tpu.vector_store_idx %arg5[%add3A_786], %mul3A_780 : memref<1536xi32, #tpu.memory_space<vmem>>[vector<16xi32>], vector<16xi32>,
    tpu.vector_store_idx %arg6[%add3A_786], %sub3A_782 : memref<1536xi32, #tpu.memory_space<vmem>>[vector<16xi32>], vector<16xi32>,
    %mul3A_787 = arith.muli %mul3A_780, %broadcast_in_dim3A_397 : vector<16xi32>
    %add3A_788 = arith.addi %max3A_771, %mul3A_787 : vector<16xi32>
    %sub3A_789 = arith.subi %add3A_788, %broadcast_in_dim3A_391 : vector<16xi32>
    %max3A_790 = arith.maxsi %sub3A_789, %broadcast_in_dim3A_1 : vector<16xi32>
    %get3A_791 = arith.constant 21 : i32
    %get3A_792 = arith.index_cast %get3A_791 : i32 to index
    %get3A_793 = arith.index_cast %mul3A_0 : i32 to index
    %get3A_794 = tpu.vector_load %arg4[%get3A_792, %get3A_793] {strides = array<i32>} : memref<96x32xi32, #tpu.memory_space<vmem>>, vector<16xi32>,
    %gt3A_795 = arith.cmpi sgt, %get3A_794, %broadcast_in_dim3A_393 : vector<16xi32>
    %select_n3A_796 = arith.select %gt3A_795, %broadcast_in_dim3A_391, %broadcast_in_dim3A_1 : vector<16xi1>, vector<16xi32>
    %eq3A_797 = arith.cmpi eq, %max3A_790, %broadcast_in_dim3A_1 : vector<16xi32>
    %select_n3A_798 = arith.select %eq3A_797, %broadcast_in_dim3A_391, %broadcast_in_dim3A_1 : vector<16xi1>, vector<16xi32>
    %mul3A_799 = arith.muli %select_n3A_796, %select_n3A_798 : vector<16xi32>
    %and3A_800 = arith.andi %get3A_794, %broadcast_in_dim3A_395 : vector<16xi32>
    %sub3A_801 = arith.subi %broadcast_in_dim3A_395, %and3A_800 : vector<16xi32>
    %mul3A_802 = arith.muli %iota3A, %broadcast_in_dim3A_399 : vector<16xi32>
    %broadcast_in_dim3A_803 = arith.constant 21 : i32
    %broadcast_in_dim3A_804 = vector.broadcast %broadcast_in_dim3A_803 : i32 to vector<16xi32>
    %add3A_805 = arith.addi %mul3A_802, %broadcast_in_dim3A_804 : vector<16xi32>
    tpu.vector_store_idx %arg5[%add3A_805], %mul3A_799 : memref<1536xi32, #tpu.memory_space<vmem>>[vector<16xi32>], vector<16xi32>,
    tpu.vector_store_idx %arg6[%add3A_805], %sub3A_801 : memref<1536xi32, #tpu.memory_space<vmem>>[vector<16xi32>], vector<16xi32>,
    %mul3A_806 = arith.muli %mul3A_799, %broadcast_in_dim3A_397 : vector<16xi32>
    %add3A_807 = arith.addi %max3A_790, %mul3A_806 : vector<16xi32>
    %sub3A_808 = arith.subi %add3A_807, %broadcast_in_dim3A_391 : vector<16xi32>
    %max3A_809 = arith.maxsi %sub3A_808, %broadcast_in_dim3A_1 : vector<16xi32>
    %get3A_810 = arith.constant 22 : i32
    %get3A_811 = arith.index_cast %get3A_810 : i32 to index
    %get3A_812 = arith.index_cast %mul3A_0 : i32 to index
    %get3A_813 = tpu.vector_load %arg4[%get3A_811, %get3A_812] {strides = array<i32>} : memref<96x32xi32, #tpu.memory_space<vmem>>, vector<16xi32>,
    %gt3A_814 = arith.cmpi sgt, %get3A_813, %broadcast_in_dim3A_393 : vector<16xi32>
    %select_n3A_815 = arith.select %gt3A_814, %broadcast_in_dim3A_391, %broadcast_in_dim3A_1 : vector<16xi1>, vector<16xi32>
    %eq3A_816 = arith.cmpi eq, %max3A_809, %broadcast_in_dim3A_1 : vector<16xi32>
    %select_n3A_817 = arith.select %eq3A_816, %broadcast_in_dim3A_391, %broadcast_in_dim3A_1 : vector<16xi1>, vector<16xi32>
    %mul3A_818 = arith.muli %select_n3A_815, %select_n3A_817 : vector<16xi32>
    %and3A_819 = arith.andi %get3A_813, %broadcast_in_dim3A_395 : vector<16xi32>
    %sub3A_820 = arith.subi %broadcast_in_dim3A_395, %and3A_819 : vector<16xi32>
    %mul3A_821 = arith.muli %iota3A, %broadcast_in_dim3A_399 : vector<16xi32>
    %broadcast_in_dim3A_822 = arith.constant 22 : i32
    %broadcast_in_dim3A_823 = vector.broadcast %broadcast_in_dim3A_822 : i32 to vector<16xi32>
    %add3A_824 = arith.addi %mul3A_821, %broadcast_in_dim3A_823 : vector<16xi32>
    tpu.vector_store_idx %arg5[%add3A_824], %mul3A_818 : memref<1536xi32, #tpu.memory_space<vmem>>[vector<16xi32>], vector<16xi32>,
    tpu.vector_store_idx %arg6[%add3A_824], %sub3A_820 : memref<1536xi32, #tpu.memory_space<vmem>>[vector<16xi32>], vector<16xi32>,
    %mul3A_825 = arith.muli %mul3A_818, %broadcast_in_dim3A_397 : vector<16xi32>
    %add3A_826 = arith.addi %max3A_809, %mul3A_825 : vector<16xi32>
    %sub3A_827 = arith.subi %add3A_826, %broadcast_in_dim3A_391 : vector<16xi32>
    %max3A_828 = arith.maxsi %sub3A_827, %broadcast_in_dim3A_1 : vector<16xi32>
    %get3A_829 = arith.constant 23 : i32
    %get3A_830 = arith.index_cast %get3A_829 : i32 to index
    %get3A_831 = arith.index_cast %mul3A_0 : i32 to index
    %get3A_832 = tpu.vector_load %arg4[%get3A_830, %get3A_831] {strides = array<i32>} : memref<96x32xi32, #tpu.memory_space<vmem>>, vector<16xi32>,
    %gt3A_833 = arith.cmpi sgt, %get3A_832, %broadcast_in_dim3A_393 : vector<16xi32>
    %select_n3A_834 = arith.select %gt3A_833, %broadcast_in_dim3A_391, %broadcast_in_dim3A_1 : vector<16xi1>, vector<16xi32>
    %eq3A_835 = arith.cmpi eq, %max3A_828, %broadcast_in_dim3A_1 : vector<16xi32>
    %select_n3A_836 = arith.select %eq3A_835, %broadcast_in_dim3A_391, %broadcast_in_dim3A_1 : vector<16xi1>, vector<16xi32>
    %mul3A_837 = arith.muli %select_n3A_834, %select_n3A_836 : vector<16xi32>
    %and3A_838 = arith.andi %get3A_832, %broadcast_in_dim3A_395 : vector<16xi32>
    %sub3A_839 = arith.subi %broadcast_in_dim3A_395, %and3A_838 : vector<16xi32>
    %mul3A_840 = arith.muli %iota3A, %broadcast_in_dim3A_399 : vector<16xi32>
    %broadcast_in_dim3A_841 = arith.constant 23 : i32
    %broadcast_in_dim3A_842 = vector.broadcast %broadcast_in_dim3A_841 : i32 to vector<16xi32>
    %add3A_843 = arith.addi %mul3A_840, %broadcast_in_dim3A_842 : vector<16xi32>
    tpu.vector_store_idx %arg5[%add3A_843], %mul3A_837 : memref<1536xi32, #tpu.memory_space<vmem>>[vector<16xi32>], vector<16xi32>,
    tpu.vector_store_idx %arg6[%add3A_843], %sub3A_839 : memref<1536xi32, #tpu.memory_space<vmem>>[vector<16xi32>], vector<16xi32>,
    %mul3A_844 = arith.muli %mul3A_837, %broadcast_in_dim3A_397 : vector<16xi32>
    %add3A_845 = arith.addi %max3A_828, %mul3A_844 : vector<16xi32>
    %sub3A_846 = arith.subi %add3A_845, %broadcast_in_dim3A_391 : vector<16xi32>
    %max3A_847 = arith.maxsi %sub3A_846, %broadcast_in_dim3A_1 : vector<16xi32>
    %get3A_848 = arith.constant 24 : i32
    %get3A_849 = arith.index_cast %get3A_848 : i32 to index
    %get3A_850 = arith.index_cast %mul3A_0 : i32 to index
    %get3A_851 = tpu.vector_load %arg4[%get3A_849, %get3A_850] {strides = array<i32>} : memref<96x32xi32, #tpu.memory_space<vmem>>, vector<16xi32>,
    %gt3A_852 = arith.cmpi sgt, %get3A_851, %broadcast_in_dim3A_393 : vector<16xi32>
    %select_n3A_853 = arith.select %gt3A_852, %broadcast_in_dim3A_391, %broadcast_in_dim3A_1 : vector<16xi1>, vector<16xi32>
    %eq3A_854 = arith.cmpi eq, %max3A_847, %broadcast_in_dim3A_1 : vector<16xi32>
    %select_n3A_855 = arith.select %eq3A_854, %broadcast_in_dim3A_391, %broadcast_in_dim3A_1 : vector<16xi1>, vector<16xi32>
    %mul3A_856 = arith.muli %select_n3A_853, %select_n3A_855 : vector<16xi32>
    %and3A_857 = arith.andi %get3A_851, %broadcast_in_dim3A_395 : vector<16xi32>
    %sub3A_858 = arith.subi %broadcast_in_dim3A_395, %and3A_857 : vector<16xi32>
    %mul3A_859 = arith.muli %iota3A, %broadcast_in_dim3A_399 : vector<16xi32>
    %broadcast_in_dim3A_860 = arith.constant 24 : i32
    %broadcast_in_dim3A_861 = vector.broadcast %broadcast_in_dim3A_860 : i32 to vector<16xi32>
    %add3A_862 = arith.addi %mul3A_859, %broadcast_in_dim3A_861 : vector<16xi32>
    tpu.vector_store_idx %arg5[%add3A_862], %mul3A_856 : memref<1536xi32, #tpu.memory_space<vmem>>[vector<16xi32>], vector<16xi32>,
    tpu.vector_store_idx %arg6[%add3A_862], %sub3A_858 : memref<1536xi32, #tpu.memory_space<vmem>>[vector<16xi32>], vector<16xi32>,
    %mul3A_863 = arith.muli %mul3A_856, %broadcast_in_dim3A_397 : vector<16xi32>
    %add3A_864 = arith.addi %max3A_847, %mul3A_863 : vector<16xi32>
    %sub3A_865 = arith.subi %add3A_864, %broadcast_in_dim3A_391 : vector<16xi32>
    %max3A_866 = arith.maxsi %sub3A_865, %broadcast_in_dim3A_1 : vector<16xi32>
    %get3A_867 = arith.constant 25 : i32
    %get3A_868 = arith.index_cast %get3A_867 : i32 to index
    %get3A_869 = arith.index_cast %mul3A_0 : i32 to index
    %get3A_870 = tpu.vector_load %arg4[%get3A_868, %get3A_869] {strides = array<i32>} : memref<96x32xi32, #tpu.memory_space<vmem>>, vector<16xi32>,
    %gt3A_871 = arith.cmpi sgt, %get3A_870, %broadcast_in_dim3A_393 : vector<16xi32>
    %select_n3A_872 = arith.select %gt3A_871, %broadcast_in_dim3A_391, %broadcast_in_dim3A_1 : vector<16xi1>, vector<16xi32>
    %eq3A_873 = arith.cmpi eq, %max3A_866, %broadcast_in_dim3A_1 : vector<16xi32>
    %select_n3A_874 = arith.select %eq3A_873, %broadcast_in_dim3A_391, %broadcast_in_dim3A_1 : vector<16xi1>, vector<16xi32>
    %mul3A_875 = arith.muli %select_n3A_872, %select_n3A_874 : vector<16xi32>
    %and3A_876 = arith.andi %get3A_870, %broadcast_in_dim3A_395 : vector<16xi32>
    %sub3A_877 = arith.subi %broadcast_in_dim3A_395, %and3A_876 : vector<16xi32>
    %mul3A_878 = arith.muli %iota3A, %broadcast_in_dim3A_399 : vector<16xi32>
    %broadcast_in_dim3A_879 = arith.constant 25 : i32
    %broadcast_in_dim3A_880 = vector.broadcast %broadcast_in_dim3A_879 : i32 to vector<16xi32>
    %add3A_881 = arith.addi %mul3A_878, %broadcast_in_dim3A_880 : vector<16xi32>
    tpu.vector_store_idx %arg5[%add3A_881], %mul3A_875 : memref<1536xi32, #tpu.memory_space<vmem>>[vector<16xi32>], vector<16xi32>,
    tpu.vector_store_idx %arg6[%add3A_881], %sub3A_877 : memref<1536xi32, #tpu.memory_space<vmem>>[vector<16xi32>], vector<16xi32>,
    %mul3A_882 = arith.muli %mul3A_875, %broadcast_in_dim3A_397 : vector<16xi32>
    %add3A_883 = arith.addi %max3A_866, %mul3A_882 : vector<16xi32>
    %sub3A_884 = arith.subi %add3A_883, %broadcast_in_dim3A_391 : vector<16xi32>
    %max3A_885 = arith.maxsi %sub3A_884, %broadcast_in_dim3A_1 : vector<16xi32>
    %get3A_886 = arith.constant 26 : i32
    %get3A_887 = arith.index_cast %get3A_886 : i32 to index
    %get3A_888 = arith.index_cast %mul3A_0 : i32 to index
    %get3A_889 = tpu.vector_load %arg4[%get3A_887, %get3A_888] {strides = array<i32>} : memref<96x32xi32, #tpu.memory_space<vmem>>, vector<16xi32>,
    %gt3A_890 = arith.cmpi sgt, %get3A_889, %broadcast_in_dim3A_393 : vector<16xi32>
    %select_n3A_891 = arith.select %gt3A_890, %broadcast_in_dim3A_391, %broadcast_in_dim3A_1 : vector<16xi1>, vector<16xi32>
    %eq3A_892 = arith.cmpi eq, %max3A_885, %broadcast_in_dim3A_1 : vector<16xi32>
    %select_n3A_893 = arith.select %eq3A_892, %broadcast_in_dim3A_391, %broadcast_in_dim3A_1 : vector<16xi1>, vector<16xi32>
    %mul3A_894 = arith.muli %select_n3A_891, %select_n3A_893 : vector<16xi32>
    %and3A_895 = arith.andi %get3A_889, %broadcast_in_dim3A_395 : vector<16xi32>
    %sub3A_896 = arith.subi %broadcast_in_dim3A_395, %and3A_895 : vector<16xi32>
    %mul3A_897 = arith.muli %iota3A, %broadcast_in_dim3A_399 : vector<16xi32>
    %broadcast_in_dim3A_898 = arith.constant 26 : i32
    %broadcast_in_dim3A_899 = vector.broadcast %broadcast_in_dim3A_898 : i32 to vector<16xi32>
    %add3A_900 = arith.addi %mul3A_897, %broadcast_in_dim3A_899 : vector<16xi32>
    tpu.vector_store_idx %arg5[%add3A_900], %mul3A_894 : memref<1536xi32, #tpu.memory_space<vmem>>[vector<16xi32>], vector<16xi32>,
    tpu.vector_store_idx %arg6[%add3A_900], %sub3A_896 : memref<1536xi32, #tpu.memory_space<vmem>>[vector<16xi32>], vector<16xi32>,
    %mul3A_901 = arith.muli %mul3A_894, %broadcast_in_dim3A_397 : vector<16xi32>
    %add3A_902 = arith.addi %max3A_885, %mul3A_901 : vector<16xi32>
    %sub3A_903 = arith.subi %add3A_902, %broadcast_in_dim3A_391 : vector<16xi32>
    %max3A_904 = arith.maxsi %sub3A_903, %broadcast_in_dim3A_1 : vector<16xi32>
    %get3A_905 = arith.constant 27 : i32
    %get3A_906 = arith.index_cast %get3A_905 : i32 to index
    %get3A_907 = arith.index_cast %mul3A_0 : i32 to index
    %get3A_908 = tpu.vector_load %arg4[%get3A_906, %get3A_907] {strides = array<i32>} : memref<96x32xi32, #tpu.memory_space<vmem>>, vector<16xi32>,
    %gt3A_909 = arith.cmpi sgt, %get3A_908, %broadcast_in_dim3A_393 : vector<16xi32>
    %select_n3A_910 = arith.select %gt3A_909, %broadcast_in_dim3A_391, %broadcast_in_dim3A_1 : vector<16xi1>, vector<16xi32>
    %eq3A_911 = arith.cmpi eq, %max3A_904, %broadcast_in_dim3A_1 : vector<16xi32>
    %select_n3A_912 = arith.select %eq3A_911, %broadcast_in_dim3A_391, %broadcast_in_dim3A_1 : vector<16xi1>, vector<16xi32>
    %mul3A_913 = arith.muli %select_n3A_910, %select_n3A_912 : vector<16xi32>
    %and3A_914 = arith.andi %get3A_908, %broadcast_in_dim3A_395 : vector<16xi32>
    %sub3A_915 = arith.subi %broadcast_in_dim3A_395, %and3A_914 : vector<16xi32>
    %mul3A_916 = arith.muli %iota3A, %broadcast_in_dim3A_399 : vector<16xi32>
    %broadcast_in_dim3A_917 = arith.constant 27 : i32
    %broadcast_in_dim3A_918 = vector.broadcast %broadcast_in_dim3A_917 : i32 to vector<16xi32>
    %add3A_919 = arith.addi %mul3A_916, %broadcast_in_dim3A_918 : vector<16xi32>
    tpu.vector_store_idx %arg5[%add3A_919], %mul3A_913 : memref<1536xi32, #tpu.memory_space<vmem>>[vector<16xi32>], vector<16xi32>,
    tpu.vector_store_idx %arg6[%add3A_919], %sub3A_915 : memref<1536xi32, #tpu.memory_space<vmem>>[vector<16xi32>], vector<16xi32>,
    %mul3A_920 = arith.muli %mul3A_913, %broadcast_in_dim3A_397 : vector<16xi32>
    %add3A_921 = arith.addi %max3A_904, %mul3A_920 : vector<16xi32>
    %sub3A_922 = arith.subi %add3A_921, %broadcast_in_dim3A_391 : vector<16xi32>
    %max3A_923 = arith.maxsi %sub3A_922, %broadcast_in_dim3A_1 : vector<16xi32>
    %get3A_924 = arith.constant 28 : i32
    %get3A_925 = arith.index_cast %get3A_924 : i32 to index
    %get3A_926 = arith.index_cast %mul3A_0 : i32 to index
    %get3A_927 = tpu.vector_load %arg4[%get3A_925, %get3A_926] {strides = array<i32>} : memref<96x32xi32, #tpu.memory_space<vmem>>, vector<16xi32>,
    %gt3A_928 = arith.cmpi sgt, %get3A_927, %broadcast_in_dim3A_393 : vector<16xi32>
    %select_n3A_929 = arith.select %gt3A_928, %broadcast_in_dim3A_391, %broadcast_in_dim3A_1 : vector<16xi1>, vector<16xi32>
    %eq3A_930 = arith.cmpi eq, %max3A_923, %broadcast_in_dim3A_1 : vector<16xi32>
    %select_n3A_931 = arith.select %eq3A_930, %broadcast_in_dim3A_391, %broadcast_in_dim3A_1 : vector<16xi1>, vector<16xi32>
    %mul3A_932 = arith.muli %select_n3A_929, %select_n3A_931 : vector<16xi32>
    %and3A_933 = arith.andi %get3A_927, %broadcast_in_dim3A_395 : vector<16xi32>
    %sub3A_934 = arith.subi %broadcast_in_dim3A_395, %and3A_933 : vector<16xi32>
    %mul3A_935 = arith.muli %iota3A, %broadcast_in_dim3A_399 : vector<16xi32>
    %broadcast_in_dim3A_936 = arith.constant 28 : i32
    %broadcast_in_dim3A_937 = vector.broadcast %broadcast_in_dim3A_936 : i32 to vector<16xi32>
    %add3A_938 = arith.addi %mul3A_935, %broadcast_in_dim3A_937 : vector<16xi32>
    tpu.vector_store_idx %arg5[%add3A_938], %mul3A_932 : memref<1536xi32, #tpu.memory_space<vmem>>[vector<16xi32>], vector<16xi32>,
    tpu.vector_store_idx %arg6[%add3A_938], %sub3A_934 : memref<1536xi32, #tpu.memory_space<vmem>>[vector<16xi32>], vector<16xi32>,
    %mul3A_939 = arith.muli %mul3A_932, %broadcast_in_dim3A_397 : vector<16xi32>
    %add3A_940 = arith.addi %max3A_923, %mul3A_939 : vector<16xi32>
    %sub3A_941 = arith.subi %add3A_940, %broadcast_in_dim3A_391 : vector<16xi32>
    %max3A_942 = arith.maxsi %sub3A_941, %broadcast_in_dim3A_1 : vector<16xi32>
    %get3A_943 = arith.constant 29 : i32
    %get3A_944 = arith.index_cast %get3A_943 : i32 to index
    %get3A_945 = arith.index_cast %mul3A_0 : i32 to index
    %get3A_946 = tpu.vector_load %arg4[%get3A_944, %get3A_945] {strides = array<i32>} : memref<96x32xi32, #tpu.memory_space<vmem>>, vector<16xi32>,
    %gt3A_947 = arith.cmpi sgt, %get3A_946, %broadcast_in_dim3A_393 : vector<16xi32>
    %select_n3A_948 = arith.select %gt3A_947, %broadcast_in_dim3A_391, %broadcast_in_dim3A_1 : vector<16xi1>, vector<16xi32>
    %eq3A_949 = arith.cmpi eq, %max3A_942, %broadcast_in_dim3A_1 : vector<16xi32>
    %select_n3A_950 = arith.select %eq3A_949, %broadcast_in_dim3A_391, %broadcast_in_dim3A_1 : vector<16xi1>, vector<16xi32>
    %mul3A_951 = arith.muli %select_n3A_948, %select_n3A_950 : vector<16xi32>
    %and3A_952 = arith.andi %get3A_946, %broadcast_in_dim3A_395 : vector<16xi32>
    %sub3A_953 = arith.subi %broadcast_in_dim3A_395, %and3A_952 : vector<16xi32>
    %mul3A_954 = arith.muli %iota3A, %broadcast_in_dim3A_399 : vector<16xi32>
    %broadcast_in_dim3A_955 = arith.constant 29 : i32
    %broadcast_in_dim3A_956 = vector.broadcast %broadcast_in_dim3A_955 : i32 to vector<16xi32>
    %add3A_957 = arith.addi %mul3A_954, %broadcast_in_dim3A_956 : vector<16xi32>
    tpu.vector_store_idx %arg5[%add3A_957], %mul3A_951 : memref<1536xi32, #tpu.memory_space<vmem>>[vector<16xi32>], vector<16xi32>,
    tpu.vector_store_idx %arg6[%add3A_957], %sub3A_953 : memref<1536xi32, #tpu.memory_space<vmem>>[vector<16xi32>], vector<16xi32>,
    %mul3A_958 = arith.muli %mul3A_951, %broadcast_in_dim3A_397 : vector<16xi32>
    %add3A_959 = arith.addi %max3A_942, %mul3A_958 : vector<16xi32>
    %sub3A_960 = arith.subi %add3A_959, %broadcast_in_dim3A_391 : vector<16xi32>
    %max3A_961 = arith.maxsi %sub3A_960, %broadcast_in_dim3A_1 : vector<16xi32>
    %get3A_962 = arith.constant 30 : i32
    %get3A_963 = arith.index_cast %get3A_962 : i32 to index
    %get3A_964 = arith.index_cast %mul3A_0 : i32 to index
    %get3A_965 = tpu.vector_load %arg4[%get3A_963, %get3A_964] {strides = array<i32>} : memref<96x32xi32, #tpu.memory_space<vmem>>, vector<16xi32>,
    %gt3A_966 = arith.cmpi sgt, %get3A_965, %broadcast_in_dim3A_393 : vector<16xi32>
    %select_n3A_967 = arith.select %gt3A_966, %broadcast_in_dim3A_391, %broadcast_in_dim3A_1 : vector<16xi1>, vector<16xi32>
    %eq3A_968 = arith.cmpi eq, %max3A_961, %broadcast_in_dim3A_1 : vector<16xi32>
    %select_n3A_969 = arith.select %eq3A_968, %broadcast_in_dim3A_391, %broadcast_in_dim3A_1 : vector<16xi1>, vector<16xi32>
    %mul3A_970 = arith.muli %select_n3A_967, %select_n3A_969 : vector<16xi32>
    %and3A_971 = arith.andi %get3A_965, %broadcast_in_dim3A_395 : vector<16xi32>
    %sub3A_972 = arith.subi %broadcast_in_dim3A_395, %and3A_971 : vector<16xi32>
    %mul3A_973 = arith.muli %iota3A, %broadcast_in_dim3A_399 : vector<16xi32>
    %broadcast_in_dim3A_974 = arith.constant 30 : i32
    %broadcast_in_dim3A_975 = vector.broadcast %broadcast_in_dim3A_974 : i32 to vector<16xi32>
    %add3A_976 = arith.addi %mul3A_973, %broadcast_in_dim3A_975 : vector<16xi32>
    tpu.vector_store_idx %arg5[%add3A_976], %mul3A_970 : memref<1536xi32, #tpu.memory_space<vmem>>[vector<16xi32>], vector<16xi32>,
    tpu.vector_store_idx %arg6[%add3A_976], %sub3A_972 : memref<1536xi32, #tpu.memory_space<vmem>>[vector<16xi32>], vector<16xi32>,
    %mul3A_977 = arith.muli %mul3A_970, %broadcast_in_dim3A_397 : vector<16xi32>
    %add3A_978 = arith.addi %max3A_961, %mul3A_977 : vector<16xi32>
    %sub3A_979 = arith.subi %add3A_978, %broadcast_in_dim3A_391 : vector<16xi32>
    %max3A_980 = arith.maxsi %sub3A_979, %broadcast_in_dim3A_1 : vector<16xi32>
    %get3A_981 = arith.constant 31 : i32
    %get3A_982 = arith.index_cast %get3A_981 : i32 to index
    %get3A_983 = arith.index_cast %mul3A_0 : i32 to index
    %get3A_984 = tpu.vector_load %arg4[%get3A_982, %get3A_983] {strides = array<i32>} : memref<96x32xi32, #tpu.memory_space<vmem>>, vector<16xi32>,
    %gt3A_985 = arith.cmpi sgt, %get3A_984, %broadcast_in_dim3A_393 : vector<16xi32>
    %select_n3A_986 = arith.select %gt3A_985, %broadcast_in_dim3A_391, %broadcast_in_dim3A_1 : vector<16xi1>, vector<16xi32>
    %eq3A_987 = arith.cmpi eq, %max3A_980, %broadcast_in_dim3A_1 : vector<16xi32>
    %select_n3A_988 = arith.select %eq3A_987, %broadcast_in_dim3A_391, %broadcast_in_dim3A_1 : vector<16xi1>, vector<16xi32>
    %mul3A_989 = arith.muli %select_n3A_986, %select_n3A_988 : vector<16xi32>
    %and3A_990 = arith.andi %get3A_984, %broadcast_in_dim3A_395 : vector<16xi32>
    %sub3A_991 = arith.subi %broadcast_in_dim3A_395, %and3A_990 : vector<16xi32>
    %mul3A_992 = arith.muli %iota3A, %broadcast_in_dim3A_399 : vector<16xi32>
    %broadcast_in_dim3A_993 = arith.constant 31 : i32
    %broadcast_in_dim3A_994 = vector.broadcast %broadcast_in_dim3A_993 : i32 to vector<16xi32>
    %add3A_995 = arith.addi %mul3A_992, %broadcast_in_dim3A_994 : vector<16xi32>
    tpu.vector_store_idx %arg5[%add3A_995], %mul3A_989 : memref<1536xi32, #tpu.memory_space<vmem>>[vector<16xi32>], vector<16xi32>,
    tpu.vector_store_idx %arg6[%add3A_995], %sub3A_991 : memref<1536xi32, #tpu.memory_space<vmem>>[vector<16xi32>], vector<16xi32>,
    %mul3A_996 = arith.muli %mul3A_989, %broadcast_in_dim3A_397 : vector<16xi32>
    %add3A_997 = arith.addi %max3A_980, %mul3A_996 : vector<16xi32>
    %sub3A_998 = arith.subi %add3A_997, %broadcast_in_dim3A_391 : vector<16xi32>
    %max3A_999 = arith.maxsi %sub3A_998, %broadcast_in_dim3A_1 : vector<16xi32>
    %get3A_1000 = arith.constant 32 : i32
    %get3A_1001 = arith.index_cast %get3A_1000 : i32 to index
    %get3A_1002 = arith.index_cast %mul3A_0 : i32 to index
    %get3A_1003 = tpu.vector_load %arg4[%get3A_1001, %get3A_1002] {strides = array<i32>} : memref<96x32xi32, #tpu.memory_space<vmem>>, vector<16xi32>,
    %gt3A_1004 = arith.cmpi sgt, %get3A_1003, %broadcast_in_dim3A_393 : vector<16xi32>
    %select_n3A_1005 = arith.select %gt3A_1004, %broadcast_in_dim3A_391, %broadcast_in_dim3A_1 : vector<16xi1>, vector<16xi32>
    %eq3A_1006 = arith.cmpi eq, %max3A_999, %broadcast_in_dim3A_1 : vector<16xi32>
    %select_n3A_1007 = arith.select %eq3A_1006, %broadcast_in_dim3A_391, %broadcast_in_dim3A_1 : vector<16xi1>, vector<16xi32>
    %mul3A_1008 = arith.muli %select_n3A_1005, %select_n3A_1007 : vector<16xi32>
    %and3A_1009 = arith.andi %get3A_1003, %broadcast_in_dim3A_395 : vector<16xi32>
    %sub3A_1010 = arith.subi %broadcast_in_dim3A_395, %and3A_1009 : vector<16xi32>
    %mul3A_1011 = arith.muli %iota3A, %broadcast_in_dim3A_399 : vector<16xi32>
    %broadcast_in_dim3A_1012 = arith.constant 32 : i32
    %broadcast_in_dim3A_1013 = vector.broadcast %broadcast_in_dim3A_1012 : i32 to vector<16xi32>
    %add3A_1014 = arith.addi %mul3A_1011, %broadcast_in_dim3A_1013 : vector<16xi32>
    tpu.vector_store_idx %arg5[%add3A_1014], %mul3A_1008 : memref<1536xi32, #tpu.memory_space<vmem>>[vector<16xi32>], vector<16xi32>,
    tpu.vector_store_idx %arg6[%add3A_1014], %sub3A_1010 : memref<1536xi32, #tpu.memory_space<vmem>>[vector<16xi32>], vector<16xi32>,
    %mul3A_1015 = arith.muli %mul3A_1008, %broadcast_in_dim3A_397 : vector<16xi32>
    %add3A_1016 = arith.addi %max3A_999, %mul3A_1015 : vector<16xi32>
    %sub3A_1017 = arith.subi %add3A_1016, %broadcast_in_dim3A_391 : vector<16xi32>
    %max3A_1018 = arith.maxsi %sub3A_1017, %broadcast_in_dim3A_1 : vector<16xi32>
    %get3A_1019 = arith.constant 33 : i32
    %get3A_1020 = arith.index_cast %get3A_1019 : i32 to index
    %get3A_1021 = arith.index_cast %mul3A_0 : i32 to index
    %get3A_1022 = tpu.vector_load %arg4[%get3A_1020, %get3A_1021] {strides = array<i32>} : memref<96x32xi32, #tpu.memory_space<vmem>>, vector<16xi32>,
    %gt3A_1023 = arith.cmpi sgt, %get3A_1022, %broadcast_in_dim3A_393 : vector<16xi32>
    %select_n3A_1024 = arith.select %gt3A_1023, %broadcast_in_dim3A_391, %broadcast_in_dim3A_1 : vector<16xi1>, vector<16xi32>
    %eq3A_1025 = arith.cmpi eq, %max3A_1018, %broadcast_in_dim3A_1 : vector<16xi32>
    %select_n3A_1026 = arith.select %eq3A_1025, %broadcast_in_dim3A_391, %broadcast_in_dim3A_1 : vector<16xi1>, vector<16xi32>
    %mul3A_1027 = arith.muli %select_n3A_1024, %select_n3A_1026 : vector<16xi32>
    %and3A_1028 = arith.andi %get3A_1022, %broadcast_in_dim3A_395 : vector<16xi32>
    %sub3A_1029 = arith.subi %broadcast_in_dim3A_395, %and3A_1028 : vector<16xi32>
    %mul3A_1030 = arith.muli %iota3A, %broadcast_in_dim3A_399 : vector<16xi32>
    %broadcast_in_dim3A_1031 = arith.constant 33 : i32
    %broadcast_in_dim3A_1032 = vector.broadcast %broadcast_in_dim3A_1031 : i32 to vector<16xi32>
    %add3A_1033 = arith.addi %mul3A_1030, %broadcast_in_dim3A_1032 : vector<16xi32>
    tpu.vector_store_idx %arg5[%add3A_1033], %mul3A_1027 : memref<1536xi32, #tpu.memory_space<vmem>>[vector<16xi32>], vector<16xi32>,
    tpu.vector_store_idx %arg6[%add3A_1033], %sub3A_1029 : memref<1536xi32, #tpu.memory_space<vmem>>[vector<16xi32>], vector<16xi32>,
    %mul3A_1034 = arith.muli %mul3A_1027, %broadcast_in_dim3A_397 : vector<16xi32>
    %add3A_1035 = arith.addi %max3A_1018, %mul3A_1034 : vector<16xi32>
    %sub3A_1036 = arith.subi %add3A_1035, %broadcast_in_dim3A_391 : vector<16xi32>
    %max3A_1037 = arith.maxsi %sub3A_1036, %broadcast_in_dim3A_1 : vector<16xi32>
    %get3A_1038 = arith.constant 34 : i32
    %get3A_1039 = arith.index_cast %get3A_1038 : i32 to index
    %get3A_1040 = arith.index_cast %mul3A_0 : i32 to index
    %get3A_1041 = tpu.vector_load %arg4[%get3A_1039, %get3A_1040] {strides = array<i32>} : memref<96x32xi32, #tpu.memory_space<vmem>>, vector<16xi32>,
    %gt3A_1042 = arith.cmpi sgt, %get3A_1041, %broadcast_in_dim3A_393 : vector<16xi32>
    %select_n3A_1043 = arith.select %gt3A_1042, %broadcast_in_dim3A_391, %broadcast_in_dim3A_1 : vector<16xi1>, vector<16xi32>
    %eq3A_1044 = arith.cmpi eq, %max3A_1037, %broadcast_in_dim3A_1 : vector<16xi32>
    %select_n3A_1045 = arith.select %eq3A_1044, %broadcast_in_dim3A_391, %broadcast_in_dim3A_1 : vector<16xi1>, vector<16xi32>
    %mul3A_1046 = arith.muli %select_n3A_1043, %select_n3A_1045 : vector<16xi32>
    %and3A_1047 = arith.andi %get3A_1041, %broadcast_in_dim3A_395 : vector<16xi32>
    %sub3A_1048 = arith.subi %broadcast_in_dim3A_395, %and3A_1047 : vector<16xi32>
    %mul3A_1049 = arith.muli %iota3A, %broadcast_in_dim3A_399 : vector<16xi32>
    %broadcast_in_dim3A_1050 = arith.constant 34 : i32
    %broadcast_in_dim3A_1051 = vector.broadcast %broadcast_in_dim3A_1050 : i32 to vector<16xi32>
    %add3A_1052 = arith.addi %mul3A_1049, %broadcast_in_dim3A_1051 : vector<16xi32>
    tpu.vector_store_idx %arg5[%add3A_1052], %mul3A_1046 : memref<1536xi32, #tpu.memory_space<vmem>>[vector<16xi32>], vector<16xi32>,
    tpu.vector_store_idx %arg6[%add3A_1052], %sub3A_1048 : memref<1536xi32, #tpu.memory_space<vmem>>[vector<16xi32>], vector<16xi32>,
    %mul3A_1053 = arith.muli %mul3A_1046, %broadcast_in_dim3A_397 : vector<16xi32>
    %add3A_1054 = arith.addi %max3A_1037, %mul3A_1053 : vector<16xi32>
    %sub3A_1055 = arith.subi %add3A_1054, %broadcast_in_dim3A_391 : vector<16xi32>
    %max3A_1056 = arith.maxsi %sub3A_1055, %broadcast_in_dim3A_1 : vector<16xi32>
    %get3A_1057 = arith.constant 35 : i32
    %get3A_1058 = arith.index_cast %get3A_1057 : i32 to index
    %get3A_1059 = arith.index_cast %mul3A_0 : i32 to index
    %get3A_1060 = tpu.vector_load %arg4[%get3A_1058, %get3A_1059] {strides = array<i32>} : memref<96x32xi32, #tpu.memory_space<vmem>>, vector<16xi32>,
    %gt3A_1061 = arith.cmpi sgt, %get3A_1060, %broadcast_in_dim3A_393 : vector<16xi32>
    %select_n3A_1062 = arith.select %gt3A_1061, %broadcast_in_dim3A_391, %broadcast_in_dim3A_1 : vector<16xi1>, vector<16xi32>
    %eq3A_1063 = arith.cmpi eq, %max3A_1056, %broadcast_in_dim3A_1 : vector<16xi32>
    %select_n3A_1064 = arith.select %eq3A_1063, %broadcast_in_dim3A_391, %broadcast_in_dim3A_1 : vector<16xi1>, vector<16xi32>
    %mul3A_1065 = arith.muli %select_n3A_1062, %select_n3A_1064 : vector<16xi32>
    %and3A_1066 = arith.andi %get3A_1060, %broadcast_in_dim3A_395 : vector<16xi32>
    %sub3A_1067 = arith.subi %broadcast_in_dim3A_395, %and3A_1066 : vector<16xi32>
    %mul3A_1068 = arith.muli %iota3A, %broadcast_in_dim3A_399 : vector<16xi32>
    %broadcast_in_dim3A_1069 = arith.constant 35 : i32
    %broadcast_in_dim3A_1070 = vector.broadcast %broadcast_in_dim3A_1069 : i32 to vector<16xi32>
    %add3A_1071 = arith.addi %mul3A_1068, %broadcast_in_dim3A_1070 : vector<16xi32>
    tpu.vector_store_idx %arg5[%add3A_1071], %mul3A_1065 : memref<1536xi32, #tpu.memory_space<vmem>>[vector<16xi32>], vector<16xi32>,
    tpu.vector_store_idx %arg6[%add3A_1071], %sub3A_1067 : memref<1536xi32, #tpu.memory_space<vmem>>[vector<16xi32>], vector<16xi32>,
    %mul3A_1072 = arith.muli %mul3A_1065, %broadcast_in_dim3A_397 : vector<16xi32>
    %add3A_1073 = arith.addi %max3A_1056, %mul3A_1072 : vector<16xi32>
    %sub3A_1074 = arith.subi %add3A_1073, %broadcast_in_dim3A_391 : vector<16xi32>
    %max3A_1075 = arith.maxsi %sub3A_1074, %broadcast_in_dim3A_1 : vector<16xi32>
    %get3A_1076 = arith.constant 36 : i32
    %get3A_1077 = arith.index_cast %get3A_1076 : i32 to index
    %get3A_1078 = arith.index_cast %mul3A_0 : i32 to index
    %get3A_1079 = tpu.vector_load %arg4[%get3A_1077, %get3A_1078] {strides = array<i32>} : memref<96x32xi32, #tpu.memory_space<vmem>>, vector<16xi32>,
    %gt3A_1080 = arith.cmpi sgt, %get3A_1079, %broadcast_in_dim3A_393 : vector<16xi32>
    %select_n3A_1081 = arith.select %gt3A_1080, %broadcast_in_dim3A_391, %broadcast_in_dim3A_1 : vector<16xi1>, vector<16xi32>
    %eq3A_1082 = arith.cmpi eq, %max3A_1075, %broadcast_in_dim3A_1 : vector<16xi32>
    %select_n3A_1083 = arith.select %eq3A_1082, %broadcast_in_dim3A_391, %broadcast_in_dim3A_1 : vector<16xi1>, vector<16xi32>
    %mul3A_1084 = arith.muli %select_n3A_1081, %select_n3A_1083 : vector<16xi32>
    %and3A_1085 = arith.andi %get3A_1079, %broadcast_in_dim3A_395 : vector<16xi32>
    %sub3A_1086 = arith.subi %broadcast_in_dim3A_395, %and3A_1085 : vector<16xi32>
    %mul3A_1087 = arith.muli %iota3A, %broadcast_in_dim3A_399 : vector<16xi32>
    %broadcast_in_dim3A_1088 = arith.constant 36 : i32
    %broadcast_in_dim3A_1089 = vector.broadcast %broadcast_in_dim3A_1088 : i32 to vector<16xi32>
    %add3A_1090 = arith.addi %mul3A_1087, %broadcast_in_dim3A_1089 : vector<16xi32>
    tpu.vector_store_idx %arg5[%add3A_1090], %mul3A_1084 : memref<1536xi32, #tpu.memory_space<vmem>>[vector<16xi32>], vector<16xi32>,
    tpu.vector_store_idx %arg6[%add3A_1090], %sub3A_1086 : memref<1536xi32, #tpu.memory_space<vmem>>[vector<16xi32>], vector<16xi32>,
    %mul3A_1091 = arith.muli %mul3A_1084, %broadcast_in_dim3A_397 : vector<16xi32>
    %add3A_1092 = arith.addi %max3A_1075, %mul3A_1091 : vector<16xi32>
    %sub3A_1093 = arith.subi %add3A_1092, %broadcast_in_dim3A_391 : vector<16xi32>
    %max3A_1094 = arith.maxsi %sub3A_1093, %broadcast_in_dim3A_1 : vector<16xi32>
    %get3A_1095 = arith.constant 37 : i32
    %get3A_1096 = arith.index_cast %get3A_1095 : i32 to index
    %get3A_1097 = arith.index_cast %mul3A_0 : i32 to index
    %get3A_1098 = tpu.vector_load %arg4[%get3A_1096, %get3A_1097] {strides = array<i32>} : memref<96x32xi32, #tpu.memory_space<vmem>>, vector<16xi32>,
    %gt3A_1099 = arith.cmpi sgt, %get3A_1098, %broadcast_in_dim3A_393 : vector<16xi32>
    %select_n3A_1100 = arith.select %gt3A_1099, %broadcast_in_dim3A_391, %broadcast_in_dim3A_1 : vector<16xi1>, vector<16xi32>
    %eq3A_1101 = arith.cmpi eq, %max3A_1094, %broadcast_in_dim3A_1 : vector<16xi32>
    %select_n3A_1102 = arith.select %eq3A_1101, %broadcast_in_dim3A_391, %broadcast_in_dim3A_1 : vector<16xi1>, vector<16xi32>
    %mul3A_1103 = arith.muli %select_n3A_1100, %select_n3A_1102 : vector<16xi32>
    %and3A_1104 = arith.andi %get3A_1098, %broadcast_in_dim3A_395 : vector<16xi32>
    %sub3A_1105 = arith.subi %broadcast_in_dim3A_395, %and3A_1104 : vector<16xi32>
    %mul3A_1106 = arith.muli %iota3A, %broadcast_in_dim3A_399 : vector<16xi32>
    %broadcast_in_dim3A_1107 = arith.constant 37 : i32
    %broadcast_in_dim3A_1108 = vector.broadcast %broadcast_in_dim3A_1107 : i32 to vector<16xi32>
    %add3A_1109 = arith.addi %mul3A_1106, %broadcast_in_dim3A_1108 : vector<16xi32>
    tpu.vector_store_idx %arg5[%add3A_1109], %mul3A_1103 : memref<1536xi32, #tpu.memory_space<vmem>>[vector<16xi32>], vector<16xi32>,
    tpu.vector_store_idx %arg6[%add3A_1109], %sub3A_1105 : memref<1536xi32, #tpu.memory_space<vmem>>[vector<16xi32>], vector<16xi32>,
    %mul3A_1110 = arith.muli %mul3A_1103, %broadcast_in_dim3A_397 : vector<16xi32>
    %add3A_1111 = arith.addi %max3A_1094, %mul3A_1110 : vector<16xi32>
    %sub3A_1112 = arith.subi %add3A_1111, %broadcast_in_dim3A_391 : vector<16xi32>
    %max3A_1113 = arith.maxsi %sub3A_1112, %broadcast_in_dim3A_1 : vector<16xi32>
    %get3A_1114 = arith.constant 38 : i32
    %get3A_1115 = arith.index_cast %get3A_1114 : i32 to index
    %get3A_1116 = arith.index_cast %mul3A_0 : i32 to index
    %get3A_1117 = tpu.vector_load %arg4[%get3A_1115, %get3A_1116] {strides = array<i32>} : memref<96x32xi32, #tpu.memory_space<vmem>>, vector<16xi32>,
    %gt3A_1118 = arith.cmpi sgt, %get3A_1117, %broadcast_in_dim3A_393 : vector<16xi32>
    %select_n3A_1119 = arith.select %gt3A_1118, %broadcast_in_dim3A_391, %broadcast_in_dim3A_1 : vector<16xi1>, vector<16xi32>
    %eq3A_1120 = arith.cmpi eq, %max3A_1113, %broadcast_in_dim3A_1 : vector<16xi32>
    %select_n3A_1121 = arith.select %eq3A_1120, %broadcast_in_dim3A_391, %broadcast_in_dim3A_1 : vector<16xi1>, vector<16xi32>
    %mul3A_1122 = arith.muli %select_n3A_1119, %select_n3A_1121 : vector<16xi32>
    %and3A_1123 = arith.andi %get3A_1117, %broadcast_in_dim3A_395 : vector<16xi32>
    %sub3A_1124 = arith.subi %broadcast_in_dim3A_395, %and3A_1123 : vector<16xi32>
    %mul3A_1125 = arith.muli %iota3A, %broadcast_in_dim3A_399 : vector<16xi32>
    %broadcast_in_dim3A_1126 = arith.constant 38 : i32
    %broadcast_in_dim3A_1127 = vector.broadcast %broadcast_in_dim3A_1126 : i32 to vector<16xi32>
    %add3A_1128 = arith.addi %mul3A_1125, %broadcast_in_dim3A_1127 : vector<16xi32>
    tpu.vector_store_idx %arg5[%add3A_1128], %mul3A_1122 : memref<1536xi32, #tpu.memory_space<vmem>>[vector<16xi32>], vector<16xi32>,
    tpu.vector_store_idx %arg6[%add3A_1128], %sub3A_1124 : memref<1536xi32, #tpu.memory_space<vmem>>[vector<16xi32>], vector<16xi32>,
    %mul3A_1129 = arith.muli %mul3A_1122, %broadcast_in_dim3A_397 : vector<16xi32>
    %add3A_1130 = arith.addi %max3A_1113, %mul3A_1129 : vector<16xi32>
    %sub3A_1131 = arith.subi %add3A_1130, %broadcast_in_dim3A_391 : vector<16xi32>
    %max3A_1132 = arith.maxsi %sub3A_1131, %broadcast_in_dim3A_1 : vector<16xi32>
    %get3A_1133 = arith.constant 39 : i32
    %get3A_1134 = arith.index_cast %get3A_1133 : i32 to index
    %get3A_1135 = arith.index_cast %mul3A_0 : i32 to index
    %get3A_1136 = tpu.vector_load %arg4[%get3A_1134, %get3A_1135] {strides = array<i32>} : memref<96x32xi32, #tpu.memory_space<vmem>>, vector<16xi32>,
    %gt3A_1137 = arith.cmpi sgt, %get3A_1136, %broadcast_in_dim3A_393 : vector<16xi32>
    %select_n3A_1138 = arith.select %gt3A_1137, %broadcast_in_dim3A_391, %broadcast_in_dim3A_1 : vector<16xi1>, vector<16xi32>
    %eq3A_1139 = arith.cmpi eq, %max3A_1132, %broadcast_in_dim3A_1 : vector<16xi32>
    %select_n3A_1140 = arith.select %eq3A_1139, %broadcast_in_dim3A_391, %broadcast_in_dim3A_1 : vector<16xi1>, vector<16xi32>
    %mul3A_1141 = arith.muli %select_n3A_1138, %select_n3A_1140 : vector<16xi32>
    %and3A_1142 = arith.andi %get3A_1136, %broadcast_in_dim3A_395 : vector<16xi32>
    %sub3A_1143 = arith.subi %broadcast_in_dim3A_395, %and3A_1142 : vector<16xi32>
    %mul3A_1144 = arith.muli %iota3A, %broadcast_in_dim3A_399 : vector<16xi32>
    %broadcast_in_dim3A_1145 = arith.constant 39 : i32
    %broadcast_in_dim3A_1146 = vector.broadcast %broadcast_in_dim3A_1145 : i32 to vector<16xi32>
    %add3A_1147 = arith.addi %mul3A_1144, %broadcast_in_dim3A_1146 : vector<16xi32>
    tpu.vector_store_idx %arg5[%add3A_1147], %mul3A_1141 : memref<1536xi32, #tpu.memory_space<vmem>>[vector<16xi32>], vector<16xi32>,
    tpu.vector_store_idx %arg6[%add3A_1147], %sub3A_1143 : memref<1536xi32, #tpu.memory_space<vmem>>[vector<16xi32>], vector<16xi32>,
    %mul3A_1148 = arith.muli %mul3A_1141, %broadcast_in_dim3A_397 : vector<16xi32>
    %add3A_1149 = arith.addi %max3A_1132, %mul3A_1148 : vector<16xi32>
    %sub3A_1150 = arith.subi %add3A_1149, %broadcast_in_dim3A_391 : vector<16xi32>
    %max3A_1151 = arith.maxsi %sub3A_1150, %broadcast_in_dim3A_1 : vector<16xi32>
    %get3A_1152 = arith.constant 40 : i32
    %get3A_1153 = arith.index_cast %get3A_1152 : i32 to index
    %get3A_1154 = arith.index_cast %mul3A_0 : i32 to index
    %get3A_1155 = tpu.vector_load %arg4[%get3A_1153, %get3A_1154] {strides = array<i32>} : memref<96x32xi32, #tpu.memory_space<vmem>>, vector<16xi32>,
    %gt3A_1156 = arith.cmpi sgt, %get3A_1155, %broadcast_in_dim3A_393 : vector<16xi32>
    %select_n3A_1157 = arith.select %gt3A_1156, %broadcast_in_dim3A_391, %broadcast_in_dim3A_1 : vector<16xi1>, vector<16xi32>
    %eq3A_1158 = arith.cmpi eq, %max3A_1151, %broadcast_in_dim3A_1 : vector<16xi32>
    %select_n3A_1159 = arith.select %eq3A_1158, %broadcast_in_dim3A_391, %broadcast_in_dim3A_1 : vector<16xi1>, vector<16xi32>
    %mul3A_1160 = arith.muli %select_n3A_1157, %select_n3A_1159 : vector<16xi32>
    %and3A_1161 = arith.andi %get3A_1155, %broadcast_in_dim3A_395 : vector<16xi32>
    %sub3A_1162 = arith.subi %broadcast_in_dim3A_395, %and3A_1161 : vector<16xi32>
    %mul3A_1163 = arith.muli %iota3A, %broadcast_in_dim3A_399 : vector<16xi32>
    %broadcast_in_dim3A_1164 = arith.constant 40 : i32
    %broadcast_in_dim3A_1165 = vector.broadcast %broadcast_in_dim3A_1164 : i32 to vector<16xi32>
    %add3A_1166 = arith.addi %mul3A_1163, %broadcast_in_dim3A_1165 : vector<16xi32>
    tpu.vector_store_idx %arg5[%add3A_1166], %mul3A_1160 : memref<1536xi32, #tpu.memory_space<vmem>>[vector<16xi32>], vector<16xi32>,
    tpu.vector_store_idx %arg6[%add3A_1166], %sub3A_1162 : memref<1536xi32, #tpu.memory_space<vmem>>[vector<16xi32>], vector<16xi32>,
    %mul3A_1167 = arith.muli %mul3A_1160, %broadcast_in_dim3A_397 : vector<16xi32>
    %add3A_1168 = arith.addi %max3A_1151, %mul3A_1167 : vector<16xi32>
    %sub3A_1169 = arith.subi %add3A_1168, %broadcast_in_dim3A_391 : vector<16xi32>
    %max3A_1170 = arith.maxsi %sub3A_1169, %broadcast_in_dim3A_1 : vector<16xi32>
    %get3A_1171 = arith.constant 41 : i32
    %get3A_1172 = arith.index_cast %get3A_1171 : i32 to index
    %get3A_1173 = arith.index_cast %mul3A_0 : i32 to index
    %get3A_1174 = tpu.vector_load %arg4[%get3A_1172, %get3A_1173] {strides = array<i32>} : memref<96x32xi32, #tpu.memory_space<vmem>>, vector<16xi32>,
    %gt3A_1175 = arith.cmpi sgt, %get3A_1174, %broadcast_in_dim3A_393 : vector<16xi32>
    %select_n3A_1176 = arith.select %gt3A_1175, %broadcast_in_dim3A_391, %broadcast_in_dim3A_1 : vector<16xi1>, vector<16xi32>
    %eq3A_1177 = arith.cmpi eq, %max3A_1170, %broadcast_in_dim3A_1 : vector<16xi32>
    %select_n3A_1178 = arith.select %eq3A_1177, %broadcast_in_dim3A_391, %broadcast_in_dim3A_1 : vector<16xi1>, vector<16xi32>
    %mul3A_1179 = arith.muli %select_n3A_1176, %select_n3A_1178 : vector<16xi32>
    %and3A_1180 = arith.andi %get3A_1174, %broadcast_in_dim3A_395 : vector<16xi32>
    %sub3A_1181 = arith.subi %broadcast_in_dim3A_395, %and3A_1180 : vector<16xi32>
    %mul3A_1182 = arith.muli %iota3A, %broadcast_in_dim3A_399 : vector<16xi32>
    %broadcast_in_dim3A_1183 = arith.constant 41 : i32
    %broadcast_in_dim3A_1184 = vector.broadcast %broadcast_in_dim3A_1183 : i32 to vector<16xi32>
    %add3A_1185 = arith.addi %mul3A_1182, %broadcast_in_dim3A_1184 : vector<16xi32>
    tpu.vector_store_idx %arg5[%add3A_1185], %mul3A_1179 : memref<1536xi32, #tpu.memory_space<vmem>>[vector<16xi32>], vector<16xi32>,
    tpu.vector_store_idx %arg6[%add3A_1185], %sub3A_1181 : memref<1536xi32, #tpu.memory_space<vmem>>[vector<16xi32>], vector<16xi32>,
    %mul3A_1186 = arith.muli %mul3A_1179, %broadcast_in_dim3A_397 : vector<16xi32>
    %add3A_1187 = arith.addi %max3A_1170, %mul3A_1186 : vector<16xi32>
    %sub3A_1188 = arith.subi %add3A_1187, %broadcast_in_dim3A_391 : vector<16xi32>
    %max3A_1189 = arith.maxsi %sub3A_1188, %broadcast_in_dim3A_1 : vector<16xi32>
    %get3A_1190 = arith.constant 42 : i32
    %get3A_1191 = arith.index_cast %get3A_1190 : i32 to index
    %get3A_1192 = arith.index_cast %mul3A_0 : i32 to index
    %get3A_1193 = tpu.vector_load %arg4[%get3A_1191, %get3A_1192] {strides = array<i32>} : memref<96x32xi32, #tpu.memory_space<vmem>>, vector<16xi32>,
    %gt3A_1194 = arith.cmpi sgt, %get3A_1193, %broadcast_in_dim3A_393 : vector<16xi32>
    %select_n3A_1195 = arith.select %gt3A_1194, %broadcast_in_dim3A_391, %broadcast_in_dim3A_1 : vector<16xi1>, vector<16xi32>
    %eq3A_1196 = arith.cmpi eq, %max3A_1189, %broadcast_in_dim3A_1 : vector<16xi32>
    %select_n3A_1197 = arith.select %eq3A_1196, %broadcast_in_dim3A_391, %broadcast_in_dim3A_1 : vector<16xi1>, vector<16xi32>
    %mul3A_1198 = arith.muli %select_n3A_1195, %select_n3A_1197 : vector<16xi32>
    %and3A_1199 = arith.andi %get3A_1193, %broadcast_in_dim3A_395 : vector<16xi32>
    %sub3A_1200 = arith.subi %broadcast_in_dim3A_395, %and3A_1199 : vector<16xi32>
    %mul3A_1201 = arith.muli %iota3A, %broadcast_in_dim3A_399 : vector<16xi32>
    %broadcast_in_dim3A_1202 = arith.constant 42 : i32
    %broadcast_in_dim3A_1203 = vector.broadcast %broadcast_in_dim3A_1202 : i32 to vector<16xi32>
    %add3A_1204 = arith.addi %mul3A_1201, %broadcast_in_dim3A_1203 : vector<16xi32>
    tpu.vector_store_idx %arg5[%add3A_1204], %mul3A_1198 : memref<1536xi32, #tpu.memory_space<vmem>>[vector<16xi32>], vector<16xi32>,
    tpu.vector_store_idx %arg6[%add3A_1204], %sub3A_1200 : memref<1536xi32, #tpu.memory_space<vmem>>[vector<16xi32>], vector<16xi32>,
    %mul3A_1205 = arith.muli %mul3A_1198, %broadcast_in_dim3A_397 : vector<16xi32>
    %add3A_1206 = arith.addi %max3A_1189, %mul3A_1205 : vector<16xi32>
    %sub3A_1207 = arith.subi %add3A_1206, %broadcast_in_dim3A_391 : vector<16xi32>
    %max3A_1208 = arith.maxsi %sub3A_1207, %broadcast_in_dim3A_1 : vector<16xi32>
    %get3A_1209 = arith.constant 43 : i32
    %get3A_1210 = arith.index_cast %get3A_1209 : i32 to index
    %get3A_1211 = arith.index_cast %mul3A_0 : i32 to index
    %get3A_1212 = tpu.vector_load %arg4[%get3A_1210, %get3A_1211] {strides = array<i32>} : memref<96x32xi32, #tpu.memory_space<vmem>>, vector<16xi32>,
    %gt3A_1213 = arith.cmpi sgt, %get3A_1212, %broadcast_in_dim3A_393 : vector<16xi32>
    %select_n3A_1214 = arith.select %gt3A_1213, %broadcast_in_dim3A_391, %broadcast_in_dim3A_1 : vector<16xi1>, vector<16xi32>
    %eq3A_1215 = arith.cmpi eq, %max3A_1208, %broadcast_in_dim3A_1 : vector<16xi32>
    %select_n3A_1216 = arith.select %eq3A_1215, %broadcast_in_dim3A_391, %broadcast_in_dim3A_1 : vector<16xi1>, vector<16xi32>
    %mul3A_1217 = arith.muli %select_n3A_1214, %select_n3A_1216 : vector<16xi32>
    %and3A_1218 = arith.andi %get3A_1212, %broadcast_in_dim3A_395 : vector<16xi32>
    %sub3A_1219 = arith.subi %broadcast_in_dim3A_395, %and3A_1218 : vector<16xi32>
    %mul3A_1220 = arith.muli %iota3A, %broadcast_in_dim3A_399 : vector<16xi32>
    %broadcast_in_dim3A_1221 = arith.constant 43 : i32
    %broadcast_in_dim3A_1222 = vector.broadcast %broadcast_in_dim3A_1221 : i32 to vector<16xi32>
    %add3A_1223 = arith.addi %mul3A_1220, %broadcast_in_dim3A_1222 : vector<16xi32>
    tpu.vector_store_idx %arg5[%add3A_1223], %mul3A_1217 : memref<1536xi32, #tpu.memory_space<vmem>>[vector<16xi32>], vector<16xi32>,
    tpu.vector_store_idx %arg6[%add3A_1223], %sub3A_1219 : memref<1536xi32, #tpu.memory_space<vmem>>[vector<16xi32>], vector<16xi32>,
    %mul3A_1224 = arith.muli %mul3A_1217, %broadcast_in_dim3A_397 : vector<16xi32>
    %add3A_1225 = arith.addi %max3A_1208, %mul3A_1224 : vector<16xi32>
    %sub3A_1226 = arith.subi %add3A_1225, %broadcast_in_dim3A_391 : vector<16xi32>
    %max3A_1227 = arith.maxsi %sub3A_1226, %broadcast_in_dim3A_1 : vector<16xi32>
    %get3A_1228 = arith.constant 44 : i32
    %get3A_1229 = arith.index_cast %get3A_1228 : i32 to index
    %get3A_1230 = arith.index_cast %mul3A_0 : i32 to index
    %get3A_1231 = tpu.vector_load %arg4[%get3A_1229, %get3A_1230] {strides = array<i32>} : memref<96x32xi32, #tpu.memory_space<vmem>>, vector<16xi32>,
    %gt3A_1232 = arith.cmpi sgt, %get3A_1231, %broadcast_in_dim3A_393 : vector<16xi32>
    %select_n3A_1233 = arith.select %gt3A_1232, %broadcast_in_dim3A_391, %broadcast_in_dim3A_1 : vector<16xi1>, vector<16xi32>
    %eq3A_1234 = arith.cmpi eq, %max3A_1227, %broadcast_in_dim3A_1 : vector<16xi32>
    %select_n3A_1235 = arith.select %eq3A_1234, %broadcast_in_dim3A_391, %broadcast_in_dim3A_1 : vector<16xi1>, vector<16xi32>
    %mul3A_1236 = arith.muli %select_n3A_1233, %select_n3A_1235 : vector<16xi32>
    %and3A_1237 = arith.andi %get3A_1231, %broadcast_in_dim3A_395 : vector<16xi32>
    %sub3A_1238 = arith.subi %broadcast_in_dim3A_395, %and3A_1237 : vector<16xi32>
    %mul3A_1239 = arith.muli %iota3A, %broadcast_in_dim3A_399 : vector<16xi32>
    %broadcast_in_dim3A_1240 = arith.constant 44 : i32
    %broadcast_in_dim3A_1241 = vector.broadcast %broadcast_in_dim3A_1240 : i32 to vector<16xi32>
    %add3A_1242 = arith.addi %mul3A_1239, %broadcast_in_dim3A_1241 : vector<16xi32>
    tpu.vector_store_idx %arg5[%add3A_1242], %mul3A_1236 : memref<1536xi32, #tpu.memory_space<vmem>>[vector<16xi32>], vector<16xi32>,
    tpu.vector_store_idx %arg6[%add3A_1242], %sub3A_1238 : memref<1536xi32, #tpu.memory_space<vmem>>[vector<16xi32>], vector<16xi32>,
    %mul3A_1243 = arith.muli %mul3A_1236, %broadcast_in_dim3A_397 : vector<16xi32>
    %add3A_1244 = arith.addi %max3A_1227, %mul3A_1243 : vector<16xi32>
    %sub3A_1245 = arith.subi %add3A_1244, %broadcast_in_dim3A_391 : vector<16xi32>
    %max3A_1246 = arith.maxsi %sub3A_1245, %broadcast_in_dim3A_1 : vector<16xi32>
    %get3A_1247 = arith.constant 45 : i32
    %get3A_1248 = arith.index_cast %get3A_1247 : i32 to index
    %get3A_1249 = arith.index_cast %mul3A_0 : i32 to index
    %get3A_1250 = tpu.vector_load %arg4[%get3A_1248, %get3A_1249] {strides = array<i32>} : memref<96x32xi32, #tpu.memory_space<vmem>>, vector<16xi32>,
    %gt3A_1251 = arith.cmpi sgt, %get3A_1250, %broadcast_in_dim3A_393 : vector<16xi32>
    %select_n3A_1252 = arith.select %gt3A_1251, %broadcast_in_dim3A_391, %broadcast_in_dim3A_1 : vector<16xi1>, vector<16xi32>
    %eq3A_1253 = arith.cmpi eq, %max3A_1246, %broadcast_in_dim3A_1 : vector<16xi32>
    %select_n3A_1254 = arith.select %eq3A_1253, %broadcast_in_dim3A_391, %broadcast_in_dim3A_1 : vector<16xi1>, vector<16xi32>
    %mul3A_1255 = arith.muli %select_n3A_1252, %select_n3A_1254 : vector<16xi32>
    %and3A_1256 = arith.andi %get3A_1250, %broadcast_in_dim3A_395 : vector<16xi32>
    %sub3A_1257 = arith.subi %broadcast_in_dim3A_395, %and3A_1256 : vector<16xi32>
    %mul3A_1258 = arith.muli %iota3A, %broadcast_in_dim3A_399 : vector<16xi32>
    %broadcast_in_dim3A_1259 = arith.constant 45 : i32
    %broadcast_in_dim3A_1260 = vector.broadcast %broadcast_in_dim3A_1259 : i32 to vector<16xi32>
    %add3A_1261 = arith.addi %mul3A_1258, %broadcast_in_dim3A_1260 : vector<16xi32>
    tpu.vector_store_idx %arg5[%add3A_1261], %mul3A_1255 : memref<1536xi32, #tpu.memory_space<vmem>>[vector<16xi32>], vector<16xi32>,
    tpu.vector_store_idx %arg6[%add3A_1261], %sub3A_1257 : memref<1536xi32, #tpu.memory_space<vmem>>[vector<16xi32>], vector<16xi32>,
    %mul3A_1262 = arith.muli %mul3A_1255, %broadcast_in_dim3A_397 : vector<16xi32>
    %add3A_1263 = arith.addi %max3A_1246, %mul3A_1262 : vector<16xi32>
    %sub3A_1264 = arith.subi %add3A_1263, %broadcast_in_dim3A_391 : vector<16xi32>
    %max3A_1265 = arith.maxsi %sub3A_1264, %broadcast_in_dim3A_1 : vector<16xi32>
    %get3A_1266 = arith.constant 46 : i32
    %get3A_1267 = arith.index_cast %get3A_1266 : i32 to index
    %get3A_1268 = arith.index_cast %mul3A_0 : i32 to index
    %get3A_1269 = tpu.vector_load %arg4[%get3A_1267, %get3A_1268] {strides = array<i32>} : memref<96x32xi32, #tpu.memory_space<vmem>>, vector<16xi32>,
    %gt3A_1270 = arith.cmpi sgt, %get3A_1269, %broadcast_in_dim3A_393 : vector<16xi32>
    %select_n3A_1271 = arith.select %gt3A_1270, %broadcast_in_dim3A_391, %broadcast_in_dim3A_1 : vector<16xi1>, vector<16xi32>
    %eq3A_1272 = arith.cmpi eq, %max3A_1265, %broadcast_in_dim3A_1 : vector<16xi32>
    %select_n3A_1273 = arith.select %eq3A_1272, %broadcast_in_dim3A_391, %broadcast_in_dim3A_1 : vector<16xi1>, vector<16xi32>
    %mul3A_1274 = arith.muli %select_n3A_1271, %select_n3A_1273 : vector<16xi32>
    %and3A_1275 = arith.andi %get3A_1269, %broadcast_in_dim3A_395 : vector<16xi32>
    %sub3A_1276 = arith.subi %broadcast_in_dim3A_395, %and3A_1275 : vector<16xi32>
    %mul3A_1277 = arith.muli %iota3A, %broadcast_in_dim3A_399 : vector<16xi32>
    %broadcast_in_dim3A_1278 = arith.constant 46 : i32
    %broadcast_in_dim3A_1279 = vector.broadcast %broadcast_in_dim3A_1278 : i32 to vector<16xi32>
    %add3A_1280 = arith.addi %mul3A_1277, %broadcast_in_dim3A_1279 : vector<16xi32>
    tpu.vector_store_idx %arg5[%add3A_1280], %mul3A_1274 : memref<1536xi32, #tpu.memory_space<vmem>>[vector<16xi32>], vector<16xi32>,
    tpu.vector_store_idx %arg6[%add3A_1280], %sub3A_1276 : memref<1536xi32, #tpu.memory_space<vmem>>[vector<16xi32>], vector<16xi32>,
    %mul3A_1281 = arith.muli %mul3A_1274, %broadcast_in_dim3A_397 : vector<16xi32>
    %add3A_1282 = arith.addi %max3A_1265, %mul3A_1281 : vector<16xi32>
    %sub3A_1283 = arith.subi %add3A_1282, %broadcast_in_dim3A_391 : vector<16xi32>
    %max3A_1284 = arith.maxsi %sub3A_1283, %broadcast_in_dim3A_1 : vector<16xi32>
    %get3A_1285 = arith.constant 47 : i32
    %get3A_1286 = arith.index_cast %get3A_1285 : i32 to index
    %get3A_1287 = arith.index_cast %mul3A_0 : i32 to index
    %get3A_1288 = tpu.vector_load %arg4[%get3A_1286, %get3A_1287] {strides = array<i32>} : memref<96x32xi32, #tpu.memory_space<vmem>>, vector<16xi32>,
    %gt3A_1289 = arith.cmpi sgt, %get3A_1288, %broadcast_in_dim3A_393 : vector<16xi32>
    %select_n3A_1290 = arith.select %gt3A_1289, %broadcast_in_dim3A_391, %broadcast_in_dim3A_1 : vector<16xi1>, vector<16xi32>
    %eq3A_1291 = arith.cmpi eq, %max3A_1284, %broadcast_in_dim3A_1 : vector<16xi32>
    %select_n3A_1292 = arith.select %eq3A_1291, %broadcast_in_dim3A_391, %broadcast_in_dim3A_1 : vector<16xi1>, vector<16xi32>
    %mul3A_1293 = arith.muli %select_n3A_1290, %select_n3A_1292 : vector<16xi32>
    %and3A_1294 = arith.andi %get3A_1288, %broadcast_in_dim3A_395 : vector<16xi32>
    %sub3A_1295 = arith.subi %broadcast_in_dim3A_395, %and3A_1294 : vector<16xi32>
    %mul3A_1296 = arith.muli %iota3A, %broadcast_in_dim3A_399 : vector<16xi32>
    %broadcast_in_dim3A_1297 = arith.constant 47 : i32
    %broadcast_in_dim3A_1298 = vector.broadcast %broadcast_in_dim3A_1297 : i32 to vector<16xi32>
    %add3A_1299 = arith.addi %mul3A_1296, %broadcast_in_dim3A_1298 : vector<16xi32>
    tpu.vector_store_idx %arg5[%add3A_1299], %mul3A_1293 : memref<1536xi32, #tpu.memory_space<vmem>>[vector<16xi32>], vector<16xi32>,
    tpu.vector_store_idx %arg6[%add3A_1299], %sub3A_1295 : memref<1536xi32, #tpu.memory_space<vmem>>[vector<16xi32>], vector<16xi32>,
    %mul3A_1300 = arith.muli %mul3A_1293, %broadcast_in_dim3A_397 : vector<16xi32>
    %add3A_1301 = arith.addi %max3A_1284, %mul3A_1300 : vector<16xi32>
    %sub3A_1302 = arith.subi %add3A_1301, %broadcast_in_dim3A_391 : vector<16xi32>
    %max3A_1303 = arith.maxsi %sub3A_1302, %broadcast_in_dim3A_1 : vector<16xi32>
    %get3A_1304 = arith.constant 48 : i32
    %get3A_1305 = arith.index_cast %get3A_1304 : i32 to index
    %get3A_1306 = arith.index_cast %mul3A_0 : i32 to index
    %get3A_1307 = tpu.vector_load %arg4[%get3A_1305, %get3A_1306] {strides = array<i32>} : memref<96x32xi32, #tpu.memory_space<vmem>>, vector<16xi32>,
    %gt3A_1308 = arith.cmpi sgt, %get3A_1307, %broadcast_in_dim3A_393 : vector<16xi32>
    %select_n3A_1309 = arith.select %gt3A_1308, %broadcast_in_dim3A_391, %broadcast_in_dim3A_1 : vector<16xi1>, vector<16xi32>
    %eq3A_1310 = arith.cmpi eq, %max3A_1303, %broadcast_in_dim3A_1 : vector<16xi32>
    %select_n3A_1311 = arith.select %eq3A_1310, %broadcast_in_dim3A_391, %broadcast_in_dim3A_1 : vector<16xi1>, vector<16xi32>
    %mul3A_1312 = arith.muli %select_n3A_1309, %select_n3A_1311 : vector<16xi32>
    %and3A_1313 = arith.andi %get3A_1307, %broadcast_in_dim3A_395 : vector<16xi32>
    %sub3A_1314 = arith.subi %broadcast_in_dim3A_395, %and3A_1313 : vector<16xi32>
    %mul3A_1315 = arith.muli %iota3A, %broadcast_in_dim3A_399 : vector<16xi32>
    %broadcast_in_dim3A_1316 = arith.constant 48 : i32
    %broadcast_in_dim3A_1317 = vector.broadcast %broadcast_in_dim3A_1316 : i32 to vector<16xi32>
    %add3A_1318 = arith.addi %mul3A_1315, %broadcast_in_dim3A_1317 : vector<16xi32>
    tpu.vector_store_idx %arg5[%add3A_1318], %mul3A_1312 : memref<1536xi32, #tpu.memory_space<vmem>>[vector<16xi32>], vector<16xi32>,
    tpu.vector_store_idx %arg6[%add3A_1318], %sub3A_1314 : memref<1536xi32, #tpu.memory_space<vmem>>[vector<16xi32>], vector<16xi32>,
    %mul3A_1319 = arith.muli %mul3A_1312, %broadcast_in_dim3A_397 : vector<16xi32>
    %add3A_1320 = arith.addi %max3A_1303, %mul3A_1319 : vector<16xi32>
    %sub3A_1321 = arith.subi %add3A_1320, %broadcast_in_dim3A_391 : vector<16xi32>
    %max3A_1322 = arith.maxsi %sub3A_1321, %broadcast_in_dim3A_1 : vector<16xi32>
    %get3A_1323 = arith.constant 49 : i32
    %get3A_1324 = arith.index_cast %get3A_1323 : i32 to index
    %get3A_1325 = arith.index_cast %mul3A_0 : i32 to index
    %get3A_1326 = tpu.vector_load %arg4[%get3A_1324, %get3A_1325] {strides = array<i32>} : memref<96x32xi32, #tpu.memory_space<vmem>>, vector<16xi32>,
    %gt3A_1327 = arith.cmpi sgt, %get3A_1326, %broadcast_in_dim3A_393 : vector<16xi32>
    %select_n3A_1328 = arith.select %gt3A_1327, %broadcast_in_dim3A_391, %broadcast_in_dim3A_1 : vector<16xi1>, vector<16xi32>
    %eq3A_1329 = arith.cmpi eq, %max3A_1322, %broadcast_in_dim3A_1 : vector<16xi32>
    %select_n3A_1330 = arith.select %eq3A_1329, %broadcast_in_dim3A_391, %broadcast_in_dim3A_1 : vector<16xi1>, vector<16xi32>
    %mul3A_1331 = arith.muli %select_n3A_1328, %select_n3A_1330 : vector<16xi32>
    %and3A_1332 = arith.andi %get3A_1326, %broadcast_in_dim3A_395 : vector<16xi32>
    %sub3A_1333 = arith.subi %broadcast_in_dim3A_395, %and3A_1332 : vector<16xi32>
    %mul3A_1334 = arith.muli %iota3A, %broadcast_in_dim3A_399 : vector<16xi32>
    %broadcast_in_dim3A_1335 = arith.constant 49 : i32
    %broadcast_in_dim3A_1336 = vector.broadcast %broadcast_in_dim3A_1335 : i32 to vector<16xi32>
    %add3A_1337 = arith.addi %mul3A_1334, %broadcast_in_dim3A_1336 : vector<16xi32>
    tpu.vector_store_idx %arg5[%add3A_1337], %mul3A_1331 : memref<1536xi32, #tpu.memory_space<vmem>>[vector<16xi32>], vector<16xi32>,
    tpu.vector_store_idx %arg6[%add3A_1337], %sub3A_1333 : memref<1536xi32, #tpu.memory_space<vmem>>[vector<16xi32>], vector<16xi32>,
    %mul3A_1338 = arith.muli %mul3A_1331, %broadcast_in_dim3A_397 : vector<16xi32>
    %add3A_1339 = arith.addi %max3A_1322, %mul3A_1338 : vector<16xi32>
    %sub3A_1340 = arith.subi %add3A_1339, %broadcast_in_dim3A_391 : vector<16xi32>
    %max3A_1341 = arith.maxsi %sub3A_1340, %broadcast_in_dim3A_1 : vector<16xi32>
    %get3A_1342 = arith.constant 50 : i32
    %get3A_1343 = arith.index_cast %get3A_1342 : i32 to index
    %get3A_1344 = arith.index_cast %mul3A_0 : i32 to index
    %get3A_1345 = tpu.vector_load %arg4[%get3A_1343, %get3A_1344] {strides = array<i32>} : memref<96x32xi32, #tpu.memory_space<vmem>>, vector<16xi32>,
    %gt3A_1346 = arith.cmpi sgt, %get3A_1345, %broadcast_in_dim3A_393 : vector<16xi32>
    %select_n3A_1347 = arith.select %gt3A_1346, %broadcast_in_dim3A_391, %broadcast_in_dim3A_1 : vector<16xi1>, vector<16xi32>
    %eq3A_1348 = arith.cmpi eq, %max3A_1341, %broadcast_in_dim3A_1 : vector<16xi32>
    %select_n3A_1349 = arith.select %eq3A_1348, %broadcast_in_dim3A_391, %broadcast_in_dim3A_1 : vector<16xi1>, vector<16xi32>
    %mul3A_1350 = arith.muli %select_n3A_1347, %select_n3A_1349 : vector<16xi32>
    %and3A_1351 = arith.andi %get3A_1345, %broadcast_in_dim3A_395 : vector<16xi32>
    %sub3A_1352 = arith.subi %broadcast_in_dim3A_395, %and3A_1351 : vector<16xi32>
    %mul3A_1353 = arith.muli %iota3A, %broadcast_in_dim3A_399 : vector<16xi32>
    %broadcast_in_dim3A_1354 = arith.constant 50 : i32
    %broadcast_in_dim3A_1355 = vector.broadcast %broadcast_in_dim3A_1354 : i32 to vector<16xi32>
    %add3A_1356 = arith.addi %mul3A_1353, %broadcast_in_dim3A_1355 : vector<16xi32>
    tpu.vector_store_idx %arg5[%add3A_1356], %mul3A_1350 : memref<1536xi32, #tpu.memory_space<vmem>>[vector<16xi32>], vector<16xi32>,
    tpu.vector_store_idx %arg6[%add3A_1356], %sub3A_1352 : memref<1536xi32, #tpu.memory_space<vmem>>[vector<16xi32>], vector<16xi32>,
    %mul3A_1357 = arith.muli %mul3A_1350, %broadcast_in_dim3A_397 : vector<16xi32>
    %add3A_1358 = arith.addi %max3A_1341, %mul3A_1357 : vector<16xi32>
    %sub3A_1359 = arith.subi %add3A_1358, %broadcast_in_dim3A_391 : vector<16xi32>
    %max3A_1360 = arith.maxsi %sub3A_1359, %broadcast_in_dim3A_1 : vector<16xi32>
    %get3A_1361 = arith.constant 51 : i32
    %get3A_1362 = arith.index_cast %get3A_1361 : i32 to index
    %get3A_1363 = arith.index_cast %mul3A_0 : i32 to index
    %get3A_1364 = tpu.vector_load %arg4[%get3A_1362, %get3A_1363] {strides = array<i32>} : memref<96x32xi32, #tpu.memory_space<vmem>>, vector<16xi32>,
    %gt3A_1365 = arith.cmpi sgt, %get3A_1364, %broadcast_in_dim3A_393 : vector<16xi32>
    %select_n3A_1366 = arith.select %gt3A_1365, %broadcast_in_dim3A_391, %broadcast_in_dim3A_1 : vector<16xi1>, vector<16xi32>
    %eq3A_1367 = arith.cmpi eq, %max3A_1360, %broadcast_in_dim3A_1 : vector<16xi32>
    %select_n3A_1368 = arith.select %eq3A_1367, %broadcast_in_dim3A_391, %broadcast_in_dim3A_1 : vector<16xi1>, vector<16xi32>
    %mul3A_1369 = arith.muli %select_n3A_1366, %select_n3A_1368 : vector<16xi32>
    %and3A_1370 = arith.andi %get3A_1364, %broadcast_in_dim3A_395 : vector<16xi32>
    %sub3A_1371 = arith.subi %broadcast_in_dim3A_395, %and3A_1370 : vector<16xi32>
    %mul3A_1372 = arith.muli %iota3A, %broadcast_in_dim3A_399 : vector<16xi32>
    %broadcast_in_dim3A_1373 = arith.constant 51 : i32
    %broadcast_in_dim3A_1374 = vector.broadcast %broadcast_in_dim3A_1373 : i32 to vector<16xi32>
    %add3A_1375 = arith.addi %mul3A_1372, %broadcast_in_dim3A_1374 : vector<16xi32>
    tpu.vector_store_idx %arg5[%add3A_1375], %mul3A_1369 : memref<1536xi32, #tpu.memory_space<vmem>>[vector<16xi32>], vector<16xi32>,
    tpu.vector_store_idx %arg6[%add3A_1375], %sub3A_1371 : memref<1536xi32, #tpu.memory_space<vmem>>[vector<16xi32>], vector<16xi32>,
    %mul3A_1376 = arith.muli %mul3A_1369, %broadcast_in_dim3A_397 : vector<16xi32>
    %add3A_1377 = arith.addi %max3A_1360, %mul3A_1376 : vector<16xi32>
    %sub3A_1378 = arith.subi %add3A_1377, %broadcast_in_dim3A_391 : vector<16xi32>
    %max3A_1379 = arith.maxsi %sub3A_1378, %broadcast_in_dim3A_1 : vector<16xi32>
    %get3A_1380 = arith.constant 52 : i32
    %get3A_1381 = arith.index_cast %get3A_1380 : i32 to index
    %get3A_1382 = arith.index_cast %mul3A_0 : i32 to index
    %get3A_1383 = tpu.vector_load %arg4[%get3A_1381, %get3A_1382] {strides = array<i32>} : memref<96x32xi32, #tpu.memory_space<vmem>>, vector<16xi32>,
    %gt3A_1384 = arith.cmpi sgt, %get3A_1383, %broadcast_in_dim3A_393 : vector<16xi32>
    %select_n3A_1385 = arith.select %gt3A_1384, %broadcast_in_dim3A_391, %broadcast_in_dim3A_1 : vector<16xi1>, vector<16xi32>
    %eq3A_1386 = arith.cmpi eq, %max3A_1379, %broadcast_in_dim3A_1 : vector<16xi32>
    %select_n3A_1387 = arith.select %eq3A_1386, %broadcast_in_dim3A_391, %broadcast_in_dim3A_1 : vector<16xi1>, vector<16xi32>
    %mul3A_1388 = arith.muli %select_n3A_1385, %select_n3A_1387 : vector<16xi32>
    %and3A_1389 = arith.andi %get3A_1383, %broadcast_in_dim3A_395 : vector<16xi32>
    %sub3A_1390 = arith.subi %broadcast_in_dim3A_395, %and3A_1389 : vector<16xi32>
    %mul3A_1391 = arith.muli %iota3A, %broadcast_in_dim3A_399 : vector<16xi32>
    %broadcast_in_dim3A_1392 = arith.constant 52 : i32
    %broadcast_in_dim3A_1393 = vector.broadcast %broadcast_in_dim3A_1392 : i32 to vector<16xi32>
    %add3A_1394 = arith.addi %mul3A_1391, %broadcast_in_dim3A_1393 : vector<16xi32>
    tpu.vector_store_idx %arg5[%add3A_1394], %mul3A_1388 : memref<1536xi32, #tpu.memory_space<vmem>>[vector<16xi32>], vector<16xi32>,
    tpu.vector_store_idx %arg6[%add3A_1394], %sub3A_1390 : memref<1536xi32, #tpu.memory_space<vmem>>[vector<16xi32>], vector<16xi32>,
    %mul3A_1395 = arith.muli %mul3A_1388, %broadcast_in_dim3A_397 : vector<16xi32>
    %add3A_1396 = arith.addi %max3A_1379, %mul3A_1395 : vector<16xi32>
    %sub3A_1397 = arith.subi %add3A_1396, %broadcast_in_dim3A_391 : vector<16xi32>
    %max3A_1398 = arith.maxsi %sub3A_1397, %broadcast_in_dim3A_1 : vector<16xi32>
    %get3A_1399 = arith.constant 53 : i32
    %get3A_1400 = arith.index_cast %get3A_1399 : i32 to index
    %get3A_1401 = arith.index_cast %mul3A_0 : i32 to index
    %get3A_1402 = tpu.vector_load %arg4[%get3A_1400, %get3A_1401] {strides = array<i32>} : memref<96x32xi32, #tpu.memory_space<vmem>>, vector<16xi32>,
    %gt3A_1403 = arith.cmpi sgt, %get3A_1402, %broadcast_in_dim3A_393 : vector<16xi32>
    %select_n3A_1404 = arith.select %gt3A_1403, %broadcast_in_dim3A_391, %broadcast_in_dim3A_1 : vector<16xi1>, vector<16xi32>
    %eq3A_1405 = arith.cmpi eq, %max3A_1398, %broadcast_in_dim3A_1 : vector<16xi32>
    %select_n3A_1406 = arith.select %eq3A_1405, %broadcast_in_dim3A_391, %broadcast_in_dim3A_1 : vector<16xi1>, vector<16xi32>
    %mul3A_1407 = arith.muli %select_n3A_1404, %select_n3A_1406 : vector<16xi32>
    %and3A_1408 = arith.andi %get3A_1402, %broadcast_in_dim3A_395 : vector<16xi32>
    %sub3A_1409 = arith.subi %broadcast_in_dim3A_395, %and3A_1408 : vector<16xi32>
    %mul3A_1410 = arith.muli %iota3A, %broadcast_in_dim3A_399 : vector<16xi32>
    %broadcast_in_dim3A_1411 = arith.constant 53 : i32
    %broadcast_in_dim3A_1412 = vector.broadcast %broadcast_in_dim3A_1411 : i32 to vector<16xi32>
    %add3A_1413 = arith.addi %mul3A_1410, %broadcast_in_dim3A_1412 : vector<16xi32>
    tpu.vector_store_idx %arg5[%add3A_1413], %mul3A_1407 : memref<1536xi32, #tpu.memory_space<vmem>>[vector<16xi32>], vector<16xi32>,
    tpu.vector_store_idx %arg6[%add3A_1413], %sub3A_1409 : memref<1536xi32, #tpu.memory_space<vmem>>[vector<16xi32>], vector<16xi32>,
    %mul3A_1414 = arith.muli %mul3A_1407, %broadcast_in_dim3A_397 : vector<16xi32>
    %add3A_1415 = arith.addi %max3A_1398, %mul3A_1414 : vector<16xi32>
    %sub3A_1416 = arith.subi %add3A_1415, %broadcast_in_dim3A_391 : vector<16xi32>
    %max3A_1417 = arith.maxsi %sub3A_1416, %broadcast_in_dim3A_1 : vector<16xi32>
    %get3A_1418 = arith.constant 54 : i32
    %get3A_1419 = arith.index_cast %get3A_1418 : i32 to index
    %get3A_1420 = arith.index_cast %mul3A_0 : i32 to index
    %get3A_1421 = tpu.vector_load %arg4[%get3A_1419, %get3A_1420] {strides = array<i32>} : memref<96x32xi32, #tpu.memory_space<vmem>>, vector<16xi32>,
    %gt3A_1422 = arith.cmpi sgt, %get3A_1421, %broadcast_in_dim3A_393 : vector<16xi32>
    %select_n3A_1423 = arith.select %gt3A_1422, %broadcast_in_dim3A_391, %broadcast_in_dim3A_1 : vector<16xi1>, vector<16xi32>
    %eq3A_1424 = arith.cmpi eq, %max3A_1417, %broadcast_in_dim3A_1 : vector<16xi32>
    %select_n3A_1425 = arith.select %eq3A_1424, %broadcast_in_dim3A_391, %broadcast_in_dim3A_1 : vector<16xi1>, vector<16xi32>
    %mul3A_1426 = arith.muli %select_n3A_1423, %select_n3A_1425 : vector<16xi32>
    %and3A_1427 = arith.andi %get3A_1421, %broadcast_in_dim3A_395 : vector<16xi32>
    %sub3A_1428 = arith.subi %broadcast_in_dim3A_395, %and3A_1427 : vector<16xi32>
    %mul3A_1429 = arith.muli %iota3A, %broadcast_in_dim3A_399 : vector<16xi32>
    %broadcast_in_dim3A_1430 = arith.constant 54 : i32
    %broadcast_in_dim3A_1431 = vector.broadcast %broadcast_in_dim3A_1430 : i32 to vector<16xi32>
    %add3A_1432 = arith.addi %mul3A_1429, %broadcast_in_dim3A_1431 : vector<16xi32>
    tpu.vector_store_idx %arg5[%add3A_1432], %mul3A_1426 : memref<1536xi32, #tpu.memory_space<vmem>>[vector<16xi32>], vector<16xi32>,
    tpu.vector_store_idx %arg6[%add3A_1432], %sub3A_1428 : memref<1536xi32, #tpu.memory_space<vmem>>[vector<16xi32>], vector<16xi32>,
    %mul3A_1433 = arith.muli %mul3A_1426, %broadcast_in_dim3A_397 : vector<16xi32>
    %add3A_1434 = arith.addi %max3A_1417, %mul3A_1433 : vector<16xi32>
    %sub3A_1435 = arith.subi %add3A_1434, %broadcast_in_dim3A_391 : vector<16xi32>
    %max3A_1436 = arith.maxsi %sub3A_1435, %broadcast_in_dim3A_1 : vector<16xi32>
    %get3A_1437 = arith.constant 55 : i32
    %get3A_1438 = arith.index_cast %get3A_1437 : i32 to index
    %get3A_1439 = arith.index_cast %mul3A_0 : i32 to index
    %get3A_1440 = tpu.vector_load %arg4[%get3A_1438, %get3A_1439] {strides = array<i32>} : memref<96x32xi32, #tpu.memory_space<vmem>>, vector<16xi32>,
    %gt3A_1441 = arith.cmpi sgt, %get3A_1440, %broadcast_in_dim3A_393 : vector<16xi32>
    %select_n3A_1442 = arith.select %gt3A_1441, %broadcast_in_dim3A_391, %broadcast_in_dim3A_1 : vector<16xi1>, vector<16xi32>
    %eq3A_1443 = arith.cmpi eq, %max3A_1436, %broadcast_in_dim3A_1 : vector<16xi32>
    %select_n3A_1444 = arith.select %eq3A_1443, %broadcast_in_dim3A_391, %broadcast_in_dim3A_1 : vector<16xi1>, vector<16xi32>
    %mul3A_1445 = arith.muli %select_n3A_1442, %select_n3A_1444 : vector<16xi32>
    %and3A_1446 = arith.andi %get3A_1440, %broadcast_in_dim3A_395 : vector<16xi32>
    %sub3A_1447 = arith.subi %broadcast_in_dim3A_395, %and3A_1446 : vector<16xi32>
    %mul3A_1448 = arith.muli %iota3A, %broadcast_in_dim3A_399 : vector<16xi32>
    %broadcast_in_dim3A_1449 = arith.constant 55 : i32
    %broadcast_in_dim3A_1450 = vector.broadcast %broadcast_in_dim3A_1449 : i32 to vector<16xi32>
    %add3A_1451 = arith.addi %mul3A_1448, %broadcast_in_dim3A_1450 : vector<16xi32>
    tpu.vector_store_idx %arg5[%add3A_1451], %mul3A_1445 : memref<1536xi32, #tpu.memory_space<vmem>>[vector<16xi32>], vector<16xi32>,
    tpu.vector_store_idx %arg6[%add3A_1451], %sub3A_1447 : memref<1536xi32, #tpu.memory_space<vmem>>[vector<16xi32>], vector<16xi32>,
    %mul3A_1452 = arith.muli %mul3A_1445, %broadcast_in_dim3A_397 : vector<16xi32>
    %add3A_1453 = arith.addi %max3A_1436, %mul3A_1452 : vector<16xi32>
    %sub3A_1454 = arith.subi %add3A_1453, %broadcast_in_dim3A_391 : vector<16xi32>
    %max3A_1455 = arith.maxsi %sub3A_1454, %broadcast_in_dim3A_1 : vector<16xi32>
    %get3A_1456 = arith.constant 56 : i32
    %get3A_1457 = arith.index_cast %get3A_1456 : i32 to index
    %get3A_1458 = arith.index_cast %mul3A_0 : i32 to index
    %get3A_1459 = tpu.vector_load %arg4[%get3A_1457, %get3A_1458] {strides = array<i32>} : memref<96x32xi32, #tpu.memory_space<vmem>>, vector<16xi32>,
    %gt3A_1460 = arith.cmpi sgt, %get3A_1459, %broadcast_in_dim3A_393 : vector<16xi32>
    %select_n3A_1461 = arith.select %gt3A_1460, %broadcast_in_dim3A_391, %broadcast_in_dim3A_1 : vector<16xi1>, vector<16xi32>
    %eq3A_1462 = arith.cmpi eq, %max3A_1455, %broadcast_in_dim3A_1 : vector<16xi32>
    %select_n3A_1463 = arith.select %eq3A_1462, %broadcast_in_dim3A_391, %broadcast_in_dim3A_1 : vector<16xi1>, vector<16xi32>
    %mul3A_1464 = arith.muli %select_n3A_1461, %select_n3A_1463 : vector<16xi32>
    %and3A_1465 = arith.andi %get3A_1459, %broadcast_in_dim3A_395 : vector<16xi32>
    %sub3A_1466 = arith.subi %broadcast_in_dim3A_395, %and3A_1465 : vector<16xi32>
    %mul3A_1467 = arith.muli %iota3A, %broadcast_in_dim3A_399 : vector<16xi32>
    %broadcast_in_dim3A_1468 = arith.constant 56 : i32
    %broadcast_in_dim3A_1469 = vector.broadcast %broadcast_in_dim3A_1468 : i32 to vector<16xi32>
    %add3A_1470 = arith.addi %mul3A_1467, %broadcast_in_dim3A_1469 : vector<16xi32>
    tpu.vector_store_idx %arg5[%add3A_1470], %mul3A_1464 : memref<1536xi32, #tpu.memory_space<vmem>>[vector<16xi32>], vector<16xi32>,
    tpu.vector_store_idx %arg6[%add3A_1470], %sub3A_1466 : memref<1536xi32, #tpu.memory_space<vmem>>[vector<16xi32>], vector<16xi32>,
    %mul3A_1471 = arith.muli %mul3A_1464, %broadcast_in_dim3A_397 : vector<16xi32>
    %add3A_1472 = arith.addi %max3A_1455, %mul3A_1471 : vector<16xi32>
    %sub3A_1473 = arith.subi %add3A_1472, %broadcast_in_dim3A_391 : vector<16xi32>
    %max3A_1474 = arith.maxsi %sub3A_1473, %broadcast_in_dim3A_1 : vector<16xi32>
    %get3A_1475 = arith.constant 57 : i32
    %get3A_1476 = arith.index_cast %get3A_1475 : i32 to index
    %get3A_1477 = arith.index_cast %mul3A_0 : i32 to index
    %get3A_1478 = tpu.vector_load %arg4[%get3A_1476, %get3A_1477] {strides = array<i32>} : memref<96x32xi32, #tpu.memory_space<vmem>>, vector<16xi32>,
    %gt3A_1479 = arith.cmpi sgt, %get3A_1478, %broadcast_in_dim3A_393 : vector<16xi32>
    %select_n3A_1480 = arith.select %gt3A_1479, %broadcast_in_dim3A_391, %broadcast_in_dim3A_1 : vector<16xi1>, vector<16xi32>
    %eq3A_1481 = arith.cmpi eq, %max3A_1474, %broadcast_in_dim3A_1 : vector<16xi32>
    %select_n3A_1482 = arith.select %eq3A_1481, %broadcast_in_dim3A_391, %broadcast_in_dim3A_1 : vector<16xi1>, vector<16xi32>
    %mul3A_1483 = arith.muli %select_n3A_1480, %select_n3A_1482 : vector<16xi32>
    %and3A_1484 = arith.andi %get3A_1478, %broadcast_in_dim3A_395 : vector<16xi32>
    %sub3A_1485 = arith.subi %broadcast_in_dim3A_395, %and3A_1484 : vector<16xi32>
    %mul3A_1486 = arith.muli %iota3A, %broadcast_in_dim3A_399 : vector<16xi32>
    %broadcast_in_dim3A_1487 = arith.constant 57 : i32
    %broadcast_in_dim3A_1488 = vector.broadcast %broadcast_in_dim3A_1487 : i32 to vector<16xi32>
    %add3A_1489 = arith.addi %mul3A_1486, %broadcast_in_dim3A_1488 : vector<16xi32>
    tpu.vector_store_idx %arg5[%add3A_1489], %mul3A_1483 : memref<1536xi32, #tpu.memory_space<vmem>>[vector<16xi32>], vector<16xi32>,
    tpu.vector_store_idx %arg6[%add3A_1489], %sub3A_1485 : memref<1536xi32, #tpu.memory_space<vmem>>[vector<16xi32>], vector<16xi32>,
    %mul3A_1490 = arith.muli %mul3A_1483, %broadcast_in_dim3A_397 : vector<16xi32>
    %add3A_1491 = arith.addi %max3A_1474, %mul3A_1490 : vector<16xi32>
    %sub3A_1492 = arith.subi %add3A_1491, %broadcast_in_dim3A_391 : vector<16xi32>
    %max3A_1493 = arith.maxsi %sub3A_1492, %broadcast_in_dim3A_1 : vector<16xi32>
    %get3A_1494 = arith.constant 58 : i32
    %get3A_1495 = arith.index_cast %get3A_1494 : i32 to index
    %get3A_1496 = arith.index_cast %mul3A_0 : i32 to index
    %get3A_1497 = tpu.vector_load %arg4[%get3A_1495, %get3A_1496] {strides = array<i32>} : memref<96x32xi32, #tpu.memory_space<vmem>>, vector<16xi32>,
    %gt3A_1498 = arith.cmpi sgt, %get3A_1497, %broadcast_in_dim3A_393 : vector<16xi32>
    %select_n3A_1499 = arith.select %gt3A_1498, %broadcast_in_dim3A_391, %broadcast_in_dim3A_1 : vector<16xi1>, vector<16xi32>
    %eq3A_1500 = arith.cmpi eq, %max3A_1493, %broadcast_in_dim3A_1 : vector<16xi32>
    %select_n3A_1501 = arith.select %eq3A_1500, %broadcast_in_dim3A_391, %broadcast_in_dim3A_1 : vector<16xi1>, vector<16xi32>
    %mul3A_1502 = arith.muli %select_n3A_1499, %select_n3A_1501 : vector<16xi32>
    %and3A_1503 = arith.andi %get3A_1497, %broadcast_in_dim3A_395 : vector<16xi32>
    %sub3A_1504 = arith.subi %broadcast_in_dim3A_395, %and3A_1503 : vector<16xi32>
    %mul3A_1505 = arith.muli %iota3A, %broadcast_in_dim3A_399 : vector<16xi32>
    %broadcast_in_dim3A_1506 = arith.constant 58 : i32
    %broadcast_in_dim3A_1507 = vector.broadcast %broadcast_in_dim3A_1506 : i32 to vector<16xi32>
    %add3A_1508 = arith.addi %mul3A_1505, %broadcast_in_dim3A_1507 : vector<16xi32>
    tpu.vector_store_idx %arg5[%add3A_1508], %mul3A_1502 : memref<1536xi32, #tpu.memory_space<vmem>>[vector<16xi32>], vector<16xi32>,
    tpu.vector_store_idx %arg6[%add3A_1508], %sub3A_1504 : memref<1536xi32, #tpu.memory_space<vmem>>[vector<16xi32>], vector<16xi32>,
    %mul3A_1509 = arith.muli %mul3A_1502, %broadcast_in_dim3A_397 : vector<16xi32>
    %add3A_1510 = arith.addi %max3A_1493, %mul3A_1509 : vector<16xi32>
    %sub3A_1511 = arith.subi %add3A_1510, %broadcast_in_dim3A_391 : vector<16xi32>
    %max3A_1512 = arith.maxsi %sub3A_1511, %broadcast_in_dim3A_1 : vector<16xi32>
    %get3A_1513 = arith.constant 59 : i32
    %get3A_1514 = arith.index_cast %get3A_1513 : i32 to index
    %get3A_1515 = arith.index_cast %mul3A_0 : i32 to index
    %get3A_1516 = tpu.vector_load %arg4[%get3A_1514, %get3A_1515] {strides = array<i32>} : memref<96x32xi32, #tpu.memory_space<vmem>>, vector<16xi32>,
    %gt3A_1517 = arith.cmpi sgt, %get3A_1516, %broadcast_in_dim3A_393 : vector<16xi32>
    %select_n3A_1518 = arith.select %gt3A_1517, %broadcast_in_dim3A_391, %broadcast_in_dim3A_1 : vector<16xi1>, vector<16xi32>
    %eq3A_1519 = arith.cmpi eq, %max3A_1512, %broadcast_in_dim3A_1 : vector<16xi32>
    %select_n3A_1520 = arith.select %eq3A_1519, %broadcast_in_dim3A_391, %broadcast_in_dim3A_1 : vector<16xi1>, vector<16xi32>
    %mul3A_1521 = arith.muli %select_n3A_1518, %select_n3A_1520 : vector<16xi32>
    %and3A_1522 = arith.andi %get3A_1516, %broadcast_in_dim3A_395 : vector<16xi32>
    %sub3A_1523 = arith.subi %broadcast_in_dim3A_395, %and3A_1522 : vector<16xi32>
    %mul3A_1524 = arith.muli %iota3A, %broadcast_in_dim3A_399 : vector<16xi32>
    %broadcast_in_dim3A_1525 = arith.constant 59 : i32
    %broadcast_in_dim3A_1526 = vector.broadcast %broadcast_in_dim3A_1525 : i32 to vector<16xi32>
    %add3A_1527 = arith.addi %mul3A_1524, %broadcast_in_dim3A_1526 : vector<16xi32>
    tpu.vector_store_idx %arg5[%add3A_1527], %mul3A_1521 : memref<1536xi32, #tpu.memory_space<vmem>>[vector<16xi32>], vector<16xi32>,
    tpu.vector_store_idx %arg6[%add3A_1527], %sub3A_1523 : memref<1536xi32, #tpu.memory_space<vmem>>[vector<16xi32>], vector<16xi32>,
    %mul3A_1528 = arith.muli %mul3A_1521, %broadcast_in_dim3A_397 : vector<16xi32>
    %add3A_1529 = arith.addi %max3A_1512, %mul3A_1528 : vector<16xi32>
    %sub3A_1530 = arith.subi %add3A_1529, %broadcast_in_dim3A_391 : vector<16xi32>
    %max3A_1531 = arith.maxsi %sub3A_1530, %broadcast_in_dim3A_1 : vector<16xi32>
    %get3A_1532 = arith.constant 60 : i32
    %get3A_1533 = arith.index_cast %get3A_1532 : i32 to index
    %get3A_1534 = arith.index_cast %mul3A_0 : i32 to index
    %get3A_1535 = tpu.vector_load %arg4[%get3A_1533, %get3A_1534] {strides = array<i32>} : memref<96x32xi32, #tpu.memory_space<vmem>>, vector<16xi32>,
    %gt3A_1536 = arith.cmpi sgt, %get3A_1535, %broadcast_in_dim3A_393 : vector<16xi32>
    %select_n3A_1537 = arith.select %gt3A_1536, %broadcast_in_dim3A_391, %broadcast_in_dim3A_1 : vector<16xi1>, vector<16xi32>
    %eq3A_1538 = arith.cmpi eq, %max3A_1531, %broadcast_in_dim3A_1 : vector<16xi32>
    %select_n3A_1539 = arith.select %eq3A_1538, %broadcast_in_dim3A_391, %broadcast_in_dim3A_1 : vector<16xi1>, vector<16xi32>
    %mul3A_1540 = arith.muli %select_n3A_1537, %select_n3A_1539 : vector<16xi32>
    %and3A_1541 = arith.andi %get3A_1535, %broadcast_in_dim3A_395 : vector<16xi32>
    %sub3A_1542 = arith.subi %broadcast_in_dim3A_395, %and3A_1541 : vector<16xi32>
    %mul3A_1543 = arith.muli %iota3A, %broadcast_in_dim3A_399 : vector<16xi32>
    %broadcast_in_dim3A_1544 = arith.constant 60 : i32
    %broadcast_in_dim3A_1545 = vector.broadcast %broadcast_in_dim3A_1544 : i32 to vector<16xi32>
    %add3A_1546 = arith.addi %mul3A_1543, %broadcast_in_dim3A_1545 : vector<16xi32>
    tpu.vector_store_idx %arg5[%add3A_1546], %mul3A_1540 : memref<1536xi32, #tpu.memory_space<vmem>>[vector<16xi32>], vector<16xi32>,
    tpu.vector_store_idx %arg6[%add3A_1546], %sub3A_1542 : memref<1536xi32, #tpu.memory_space<vmem>>[vector<16xi32>], vector<16xi32>,
    %mul3A_1547 = arith.muli %mul3A_1540, %broadcast_in_dim3A_397 : vector<16xi32>
    %add3A_1548 = arith.addi %max3A_1531, %mul3A_1547 : vector<16xi32>
    %sub3A_1549 = arith.subi %add3A_1548, %broadcast_in_dim3A_391 : vector<16xi32>
    %max3A_1550 = arith.maxsi %sub3A_1549, %broadcast_in_dim3A_1 : vector<16xi32>
    %get3A_1551 = arith.constant 61 : i32
    %get3A_1552 = arith.index_cast %get3A_1551 : i32 to index
    %get3A_1553 = arith.index_cast %mul3A_0 : i32 to index
    %get3A_1554 = tpu.vector_load %arg4[%get3A_1552, %get3A_1553] {strides = array<i32>} : memref<96x32xi32, #tpu.memory_space<vmem>>, vector<16xi32>,
    %gt3A_1555 = arith.cmpi sgt, %get3A_1554, %broadcast_in_dim3A_393 : vector<16xi32>
    %select_n3A_1556 = arith.select %gt3A_1555, %broadcast_in_dim3A_391, %broadcast_in_dim3A_1 : vector<16xi1>, vector<16xi32>
    %eq3A_1557 = arith.cmpi eq, %max3A_1550, %broadcast_in_dim3A_1 : vector<16xi32>
    %select_n3A_1558 = arith.select %eq3A_1557, %broadcast_in_dim3A_391, %broadcast_in_dim3A_1 : vector<16xi1>, vector<16xi32>
    %mul3A_1559 = arith.muli %select_n3A_1556, %select_n3A_1558 : vector<16xi32>
    %and3A_1560 = arith.andi %get3A_1554, %broadcast_in_dim3A_395 : vector<16xi32>
    %sub3A_1561 = arith.subi %broadcast_in_dim3A_395, %and3A_1560 : vector<16xi32>
    %mul3A_1562 = arith.muli %iota3A, %broadcast_in_dim3A_399 : vector<16xi32>
    %broadcast_in_dim3A_1563 = arith.constant 61 : i32
    %broadcast_in_dim3A_1564 = vector.broadcast %broadcast_in_dim3A_1563 : i32 to vector<16xi32>
    %add3A_1565 = arith.addi %mul3A_1562, %broadcast_in_dim3A_1564 : vector<16xi32>
    tpu.vector_store_idx %arg5[%add3A_1565], %mul3A_1559 : memref<1536xi32, #tpu.memory_space<vmem>>[vector<16xi32>], vector<16xi32>,
    tpu.vector_store_idx %arg6[%add3A_1565], %sub3A_1561 : memref<1536xi32, #tpu.memory_space<vmem>>[vector<16xi32>], vector<16xi32>,
    %mul3A_1566 = arith.muli %mul3A_1559, %broadcast_in_dim3A_397 : vector<16xi32>
    %add3A_1567 = arith.addi %max3A_1550, %mul3A_1566 : vector<16xi32>
    %sub3A_1568 = arith.subi %add3A_1567, %broadcast_in_dim3A_391 : vector<16xi32>
    %max3A_1569 = arith.maxsi %sub3A_1568, %broadcast_in_dim3A_1 : vector<16xi32>
    %get3A_1570 = arith.constant 62 : i32
    %get3A_1571 = arith.index_cast %get3A_1570 : i32 to index
    %get3A_1572 = arith.index_cast %mul3A_0 : i32 to index
    %get3A_1573 = tpu.vector_load %arg4[%get3A_1571, %get3A_1572] {strides = array<i32>} : memref<96x32xi32, #tpu.memory_space<vmem>>, vector<16xi32>,
    %gt3A_1574 = arith.cmpi sgt, %get3A_1573, %broadcast_in_dim3A_393 : vector<16xi32>
    %select_n3A_1575 = arith.select %gt3A_1574, %broadcast_in_dim3A_391, %broadcast_in_dim3A_1 : vector<16xi1>, vector<16xi32>
    %eq3A_1576 = arith.cmpi eq, %max3A_1569, %broadcast_in_dim3A_1 : vector<16xi32>
    %select_n3A_1577 = arith.select %eq3A_1576, %broadcast_in_dim3A_391, %broadcast_in_dim3A_1 : vector<16xi1>, vector<16xi32>
    %mul3A_1578 = arith.muli %select_n3A_1575, %select_n3A_1577 : vector<16xi32>
    %and3A_1579 = arith.andi %get3A_1573, %broadcast_in_dim3A_395 : vector<16xi32>
    %sub3A_1580 = arith.subi %broadcast_in_dim3A_395, %and3A_1579 : vector<16xi32>
    %mul3A_1581 = arith.muli %iota3A, %broadcast_in_dim3A_399 : vector<16xi32>
    %broadcast_in_dim3A_1582 = arith.constant 62 : i32
    %broadcast_in_dim3A_1583 = vector.broadcast %broadcast_in_dim3A_1582 : i32 to vector<16xi32>
    %add3A_1584 = arith.addi %mul3A_1581, %broadcast_in_dim3A_1583 : vector<16xi32>
    tpu.vector_store_idx %arg5[%add3A_1584], %mul3A_1578 : memref<1536xi32, #tpu.memory_space<vmem>>[vector<16xi32>], vector<16xi32>,
    tpu.vector_store_idx %arg6[%add3A_1584], %sub3A_1580 : memref<1536xi32, #tpu.memory_space<vmem>>[vector<16xi32>], vector<16xi32>,
    %mul3A_1585 = arith.muli %mul3A_1578, %broadcast_in_dim3A_397 : vector<16xi32>
    %add3A_1586 = arith.addi %max3A_1569, %mul3A_1585 : vector<16xi32>
    %sub3A_1587 = arith.subi %add3A_1586, %broadcast_in_dim3A_391 : vector<16xi32>
    %max3A_1588 = arith.maxsi %sub3A_1587, %broadcast_in_dim3A_1 : vector<16xi32>
    %get3A_1589 = arith.constant 63 : i32
    %get3A_1590 = arith.index_cast %get3A_1589 : i32 to index
    %get3A_1591 = arith.index_cast %mul3A_0 : i32 to index
    %get3A_1592 = tpu.vector_load %arg4[%get3A_1590, %get3A_1591] {strides = array<i32>} : memref<96x32xi32, #tpu.memory_space<vmem>>, vector<16xi32>,
    %gt3A_1593 = arith.cmpi sgt, %get3A_1592, %broadcast_in_dim3A_393 : vector<16xi32>
    %select_n3A_1594 = arith.select %gt3A_1593, %broadcast_in_dim3A_391, %broadcast_in_dim3A_1 : vector<16xi1>, vector<16xi32>
    %eq3A_1595 = arith.cmpi eq, %max3A_1588, %broadcast_in_dim3A_1 : vector<16xi32>
    %select_n3A_1596 = arith.select %eq3A_1595, %broadcast_in_dim3A_391, %broadcast_in_dim3A_1 : vector<16xi1>, vector<16xi32>
    %mul3A_1597 = arith.muli %select_n3A_1594, %select_n3A_1596 : vector<16xi32>
    %and3A_1598 = arith.andi %get3A_1592, %broadcast_in_dim3A_395 : vector<16xi32>
    %sub3A_1599 = arith.subi %broadcast_in_dim3A_395, %and3A_1598 : vector<16xi32>
    %mul3A_1600 = arith.muli %iota3A, %broadcast_in_dim3A_399 : vector<16xi32>
    %broadcast_in_dim3A_1601 = arith.constant 63 : i32
    %broadcast_in_dim3A_1602 = vector.broadcast %broadcast_in_dim3A_1601 : i32 to vector<16xi32>
    %add3A_1603 = arith.addi %mul3A_1600, %broadcast_in_dim3A_1602 : vector<16xi32>
    tpu.vector_store_idx %arg5[%add3A_1603], %mul3A_1597 : memref<1536xi32, #tpu.memory_space<vmem>>[vector<16xi32>], vector<16xi32>,
    tpu.vector_store_idx %arg6[%add3A_1603], %sub3A_1599 : memref<1536xi32, #tpu.memory_space<vmem>>[vector<16xi32>], vector<16xi32>,
    %mul3A_1604 = arith.muli %mul3A_1597, %broadcast_in_dim3A_397 : vector<16xi32>
    %add3A_1605 = arith.addi %max3A_1588, %mul3A_1604 : vector<16xi32>
    %sub3A_1606 = arith.subi %add3A_1605, %broadcast_in_dim3A_391 : vector<16xi32>
    %max3A_1607 = arith.maxsi %sub3A_1606, %broadcast_in_dim3A_1 : vector<16xi32>
    %get3A_1608 = arith.constant 64 : i32
    %get3A_1609 = arith.index_cast %get3A_1608 : i32 to index
    %get3A_1610 = arith.index_cast %mul3A_0 : i32 to index
    %get3A_1611 = tpu.vector_load %arg4[%get3A_1609, %get3A_1610] {strides = array<i32>} : memref<96x32xi32, #tpu.memory_space<vmem>>, vector<16xi32>,
    %gt3A_1612 = arith.cmpi sgt, %get3A_1611, %broadcast_in_dim3A_393 : vector<16xi32>
    %select_n3A_1613 = arith.select %gt3A_1612, %broadcast_in_dim3A_391, %broadcast_in_dim3A_1 : vector<16xi1>, vector<16xi32>
    %eq3A_1614 = arith.cmpi eq, %max3A_1607, %broadcast_in_dim3A_1 : vector<16xi32>
    %select_n3A_1615 = arith.select %eq3A_1614, %broadcast_in_dim3A_391, %broadcast_in_dim3A_1 : vector<16xi1>, vector<16xi32>
    %mul3A_1616 = arith.muli %select_n3A_1613, %select_n3A_1615 : vector<16xi32>
    %and3A_1617 = arith.andi %get3A_1611, %broadcast_in_dim3A_395 : vector<16xi32>
    %sub3A_1618 = arith.subi %broadcast_in_dim3A_395, %and3A_1617 : vector<16xi32>
    %mul3A_1619 = arith.muli %iota3A, %broadcast_in_dim3A_399 : vector<16xi32>
    %broadcast_in_dim3A_1620 = arith.constant 64 : i32
    %broadcast_in_dim3A_1621 = vector.broadcast %broadcast_in_dim3A_1620 : i32 to vector<16xi32>
    %add3A_1622 = arith.addi %mul3A_1619, %broadcast_in_dim3A_1621 : vector<16xi32>
    tpu.vector_store_idx %arg5[%add3A_1622], %mul3A_1616 : memref<1536xi32, #tpu.memory_space<vmem>>[vector<16xi32>], vector<16xi32>,
    tpu.vector_store_idx %arg6[%add3A_1622], %sub3A_1618 : memref<1536xi32, #tpu.memory_space<vmem>>[vector<16xi32>], vector<16xi32>,
    %mul3A_1623 = arith.muli %mul3A_1616, %broadcast_in_dim3A_397 : vector<16xi32>
    %add3A_1624 = arith.addi %max3A_1607, %mul3A_1623 : vector<16xi32>
    %sub3A_1625 = arith.subi %add3A_1624, %broadcast_in_dim3A_391 : vector<16xi32>
    %max3A_1626 = arith.maxsi %sub3A_1625, %broadcast_in_dim3A_1 : vector<16xi32>
    %get3A_1627 = arith.constant 65 : i32
    %get3A_1628 = arith.index_cast %get3A_1627 : i32 to index
    %get3A_1629 = arith.index_cast %mul3A_0 : i32 to index
    %get3A_1630 = tpu.vector_load %arg4[%get3A_1628, %get3A_1629] {strides = array<i32>} : memref<96x32xi32, #tpu.memory_space<vmem>>, vector<16xi32>,
    %gt3A_1631 = arith.cmpi sgt, %get3A_1630, %broadcast_in_dim3A_393 : vector<16xi32>
    %select_n3A_1632 = arith.select %gt3A_1631, %broadcast_in_dim3A_391, %broadcast_in_dim3A_1 : vector<16xi1>, vector<16xi32>
    %eq3A_1633 = arith.cmpi eq, %max3A_1626, %broadcast_in_dim3A_1 : vector<16xi32>
    %select_n3A_1634 = arith.select %eq3A_1633, %broadcast_in_dim3A_391, %broadcast_in_dim3A_1 : vector<16xi1>, vector<16xi32>
    %mul3A_1635 = arith.muli %select_n3A_1632, %select_n3A_1634 : vector<16xi32>
    %and3A_1636 = arith.andi %get3A_1630, %broadcast_in_dim3A_395 : vector<16xi32>
    %sub3A_1637 = arith.subi %broadcast_in_dim3A_395, %and3A_1636 : vector<16xi32>
    %mul3A_1638 = arith.muli %iota3A, %broadcast_in_dim3A_399 : vector<16xi32>
    %broadcast_in_dim3A_1639 = arith.constant 65 : i32
    %broadcast_in_dim3A_1640 = vector.broadcast %broadcast_in_dim3A_1639 : i32 to vector<16xi32>
    %add3A_1641 = arith.addi %mul3A_1638, %broadcast_in_dim3A_1640 : vector<16xi32>
    tpu.vector_store_idx %arg5[%add3A_1641], %mul3A_1635 : memref<1536xi32, #tpu.memory_space<vmem>>[vector<16xi32>], vector<16xi32>,
    tpu.vector_store_idx %arg6[%add3A_1641], %sub3A_1637 : memref<1536xi32, #tpu.memory_space<vmem>>[vector<16xi32>], vector<16xi32>,
    %mul3A_1642 = arith.muli %mul3A_1635, %broadcast_in_dim3A_397 : vector<16xi32>
    %add3A_1643 = arith.addi %max3A_1626, %mul3A_1642 : vector<16xi32>
    %sub3A_1644 = arith.subi %add3A_1643, %broadcast_in_dim3A_391 : vector<16xi32>
    %max3A_1645 = arith.maxsi %sub3A_1644, %broadcast_in_dim3A_1 : vector<16xi32>
    %get3A_1646 = arith.constant 66 : i32
    %get3A_1647 = arith.index_cast %get3A_1646 : i32 to index
    %get3A_1648 = arith.index_cast %mul3A_0 : i32 to index
    %get3A_1649 = tpu.vector_load %arg4[%get3A_1647, %get3A_1648] {strides = array<i32>} : memref<96x32xi32, #tpu.memory_space<vmem>>, vector<16xi32>,
    %gt3A_1650 = arith.cmpi sgt, %get3A_1649, %broadcast_in_dim3A_393 : vector<16xi32>
    %select_n3A_1651 = arith.select %gt3A_1650, %broadcast_in_dim3A_391, %broadcast_in_dim3A_1 : vector<16xi1>, vector<16xi32>
    %eq3A_1652 = arith.cmpi eq, %max3A_1645, %broadcast_in_dim3A_1 : vector<16xi32>
    %select_n3A_1653 = arith.select %eq3A_1652, %broadcast_in_dim3A_391, %broadcast_in_dim3A_1 : vector<16xi1>, vector<16xi32>
    %mul3A_1654 = arith.muli %select_n3A_1651, %select_n3A_1653 : vector<16xi32>
    %and3A_1655 = arith.andi %get3A_1649, %broadcast_in_dim3A_395 : vector<16xi32>
    %sub3A_1656 = arith.subi %broadcast_in_dim3A_395, %and3A_1655 : vector<16xi32>
    %mul3A_1657 = arith.muli %iota3A, %broadcast_in_dim3A_399 : vector<16xi32>
    %broadcast_in_dim3A_1658 = arith.constant 66 : i32
    %broadcast_in_dim3A_1659 = vector.broadcast %broadcast_in_dim3A_1658 : i32 to vector<16xi32>
    %add3A_1660 = arith.addi %mul3A_1657, %broadcast_in_dim3A_1659 : vector<16xi32>
    tpu.vector_store_idx %arg5[%add3A_1660], %mul3A_1654 : memref<1536xi32, #tpu.memory_space<vmem>>[vector<16xi32>], vector<16xi32>,
    tpu.vector_store_idx %arg6[%add3A_1660], %sub3A_1656 : memref<1536xi32, #tpu.memory_space<vmem>>[vector<16xi32>], vector<16xi32>,
    %mul3A_1661 = arith.muli %mul3A_1654, %broadcast_in_dim3A_397 : vector<16xi32>
    %add3A_1662 = arith.addi %max3A_1645, %mul3A_1661 : vector<16xi32>
    %sub3A_1663 = arith.subi %add3A_1662, %broadcast_in_dim3A_391 : vector<16xi32>
    %max3A_1664 = arith.maxsi %sub3A_1663, %broadcast_in_dim3A_1 : vector<16xi32>
    %get3A_1665 = arith.constant 67 : i32
    %get3A_1666 = arith.index_cast %get3A_1665 : i32 to index
    %get3A_1667 = arith.index_cast %mul3A_0 : i32 to index
    %get3A_1668 = tpu.vector_load %arg4[%get3A_1666, %get3A_1667] {strides = array<i32>} : memref<96x32xi32, #tpu.memory_space<vmem>>, vector<16xi32>,
    %gt3A_1669 = arith.cmpi sgt, %get3A_1668, %broadcast_in_dim3A_393 : vector<16xi32>
    %select_n3A_1670 = arith.select %gt3A_1669, %broadcast_in_dim3A_391, %broadcast_in_dim3A_1 : vector<16xi1>, vector<16xi32>
    %eq3A_1671 = arith.cmpi eq, %max3A_1664, %broadcast_in_dim3A_1 : vector<16xi32>
    %select_n3A_1672 = arith.select %eq3A_1671, %broadcast_in_dim3A_391, %broadcast_in_dim3A_1 : vector<16xi1>, vector<16xi32>
    %mul3A_1673 = arith.muli %select_n3A_1670, %select_n3A_1672 : vector<16xi32>
    %and3A_1674 = arith.andi %get3A_1668, %broadcast_in_dim3A_395 : vector<16xi32>
    %sub3A_1675 = arith.subi %broadcast_in_dim3A_395, %and3A_1674 : vector<16xi32>
    %mul3A_1676 = arith.muli %iota3A, %broadcast_in_dim3A_399 : vector<16xi32>
    %broadcast_in_dim3A_1677 = arith.constant 67 : i32
    %broadcast_in_dim3A_1678 = vector.broadcast %broadcast_in_dim3A_1677 : i32 to vector<16xi32>
    %add3A_1679 = arith.addi %mul3A_1676, %broadcast_in_dim3A_1678 : vector<16xi32>
    tpu.vector_store_idx %arg5[%add3A_1679], %mul3A_1673 : memref<1536xi32, #tpu.memory_space<vmem>>[vector<16xi32>], vector<16xi32>,
    tpu.vector_store_idx %arg6[%add3A_1679], %sub3A_1675 : memref<1536xi32, #tpu.memory_space<vmem>>[vector<16xi32>], vector<16xi32>,
    %mul3A_1680 = arith.muli %mul3A_1673, %broadcast_in_dim3A_397 : vector<16xi32>
    %add3A_1681 = arith.addi %max3A_1664, %mul3A_1680 : vector<16xi32>
    %sub3A_1682 = arith.subi %add3A_1681, %broadcast_in_dim3A_391 : vector<16xi32>
    %max3A_1683 = arith.maxsi %sub3A_1682, %broadcast_in_dim3A_1 : vector<16xi32>
    %get3A_1684 = arith.constant 68 : i32
    %get3A_1685 = arith.index_cast %get3A_1684 : i32 to index
    %get3A_1686 = arith.index_cast %mul3A_0 : i32 to index
    %get3A_1687 = tpu.vector_load %arg4[%get3A_1685, %get3A_1686] {strides = array<i32>} : memref<96x32xi32, #tpu.memory_space<vmem>>, vector<16xi32>,
    %gt3A_1688 = arith.cmpi sgt, %get3A_1687, %broadcast_in_dim3A_393 : vector<16xi32>
    %select_n3A_1689 = arith.select %gt3A_1688, %broadcast_in_dim3A_391, %broadcast_in_dim3A_1 : vector<16xi1>, vector<16xi32>
    %eq3A_1690 = arith.cmpi eq, %max3A_1683, %broadcast_in_dim3A_1 : vector<16xi32>
    %select_n3A_1691 = arith.select %eq3A_1690, %broadcast_in_dim3A_391, %broadcast_in_dim3A_1 : vector<16xi1>, vector<16xi32>
    %mul3A_1692 = arith.muli %select_n3A_1689, %select_n3A_1691 : vector<16xi32>
    %and3A_1693 = arith.andi %get3A_1687, %broadcast_in_dim3A_395 : vector<16xi32>
    %sub3A_1694 = arith.subi %broadcast_in_dim3A_395, %and3A_1693 : vector<16xi32>
    %mul3A_1695 = arith.muli %iota3A, %broadcast_in_dim3A_399 : vector<16xi32>
    %broadcast_in_dim3A_1696 = arith.constant 68 : i32
    %broadcast_in_dim3A_1697 = vector.broadcast %broadcast_in_dim3A_1696 : i32 to vector<16xi32>
    %add3A_1698 = arith.addi %mul3A_1695, %broadcast_in_dim3A_1697 : vector<16xi32>
    tpu.vector_store_idx %arg5[%add3A_1698], %mul3A_1692 : memref<1536xi32, #tpu.memory_space<vmem>>[vector<16xi32>], vector<16xi32>,
    tpu.vector_store_idx %arg6[%add3A_1698], %sub3A_1694 : memref<1536xi32, #tpu.memory_space<vmem>>[vector<16xi32>], vector<16xi32>,
    %mul3A_1699 = arith.muli %mul3A_1692, %broadcast_in_dim3A_397 : vector<16xi32>
    %add3A_1700 = arith.addi %max3A_1683, %mul3A_1699 : vector<16xi32>
    %sub3A_1701 = arith.subi %add3A_1700, %broadcast_in_dim3A_391 : vector<16xi32>
    %max3A_1702 = arith.maxsi %sub3A_1701, %broadcast_in_dim3A_1 : vector<16xi32>
    %get3A_1703 = arith.constant 69 : i32
    %get3A_1704 = arith.index_cast %get3A_1703 : i32 to index
    %get3A_1705 = arith.index_cast %mul3A_0 : i32 to index
    %get3A_1706 = tpu.vector_load %arg4[%get3A_1704, %get3A_1705] {strides = array<i32>} : memref<96x32xi32, #tpu.memory_space<vmem>>, vector<16xi32>,
    %gt3A_1707 = arith.cmpi sgt, %get3A_1706, %broadcast_in_dim3A_393 : vector<16xi32>
    %select_n3A_1708 = arith.select %gt3A_1707, %broadcast_in_dim3A_391, %broadcast_in_dim3A_1 : vector<16xi1>, vector<16xi32>
    %eq3A_1709 = arith.cmpi eq, %max3A_1702, %broadcast_in_dim3A_1 : vector<16xi32>
    %select_n3A_1710 = arith.select %eq3A_1709, %broadcast_in_dim3A_391, %broadcast_in_dim3A_1 : vector<16xi1>, vector<16xi32>
    %mul3A_1711 = arith.muli %select_n3A_1708, %select_n3A_1710 : vector<16xi32>
    %and3A_1712 = arith.andi %get3A_1706, %broadcast_in_dim3A_395 : vector<16xi32>
    %sub3A_1713 = arith.subi %broadcast_in_dim3A_395, %and3A_1712 : vector<16xi32>
    %mul3A_1714 = arith.muli %iota3A, %broadcast_in_dim3A_399 : vector<16xi32>
    %broadcast_in_dim3A_1715 = arith.constant 69 : i32
    %broadcast_in_dim3A_1716 = vector.broadcast %broadcast_in_dim3A_1715 : i32 to vector<16xi32>
    %add3A_1717 = arith.addi %mul3A_1714, %broadcast_in_dim3A_1716 : vector<16xi32>
    tpu.vector_store_idx %arg5[%add3A_1717], %mul3A_1711 : memref<1536xi32, #tpu.memory_space<vmem>>[vector<16xi32>], vector<16xi32>,
    tpu.vector_store_idx %arg6[%add3A_1717], %sub3A_1713 : memref<1536xi32, #tpu.memory_space<vmem>>[vector<16xi32>], vector<16xi32>,
    %mul3A_1718 = arith.muli %mul3A_1711, %broadcast_in_dim3A_397 : vector<16xi32>
    %add3A_1719 = arith.addi %max3A_1702, %mul3A_1718 : vector<16xi32>
    %sub3A_1720 = arith.subi %add3A_1719, %broadcast_in_dim3A_391 : vector<16xi32>
    %max3A_1721 = arith.maxsi %sub3A_1720, %broadcast_in_dim3A_1 : vector<16xi32>
    %get3A_1722 = arith.constant 70 : i32
    %get3A_1723 = arith.index_cast %get3A_1722 : i32 to index
    %get3A_1724 = arith.index_cast %mul3A_0 : i32 to index
    %get3A_1725 = tpu.vector_load %arg4[%get3A_1723, %get3A_1724] {strides = array<i32>} : memref<96x32xi32, #tpu.memory_space<vmem>>, vector<16xi32>,
    %gt3A_1726 = arith.cmpi sgt, %get3A_1725, %broadcast_in_dim3A_393 : vector<16xi32>
    %select_n3A_1727 = arith.select %gt3A_1726, %broadcast_in_dim3A_391, %broadcast_in_dim3A_1 : vector<16xi1>, vector<16xi32>
    %eq3A_1728 = arith.cmpi eq, %max3A_1721, %broadcast_in_dim3A_1 : vector<16xi32>
    %select_n3A_1729 = arith.select %eq3A_1728, %broadcast_in_dim3A_391, %broadcast_in_dim3A_1 : vector<16xi1>, vector<16xi32>
    %mul3A_1730 = arith.muli %select_n3A_1727, %select_n3A_1729 : vector<16xi32>
    %and3A_1731 = arith.andi %get3A_1725, %broadcast_in_dim3A_395 : vector<16xi32>
    %sub3A_1732 = arith.subi %broadcast_in_dim3A_395, %and3A_1731 : vector<16xi32>
    %mul3A_1733 = arith.muli %iota3A, %broadcast_in_dim3A_399 : vector<16xi32>
    %broadcast_in_dim3A_1734 = arith.constant 70 : i32
    %broadcast_in_dim3A_1735 = vector.broadcast %broadcast_in_dim3A_1734 : i32 to vector<16xi32>
    %add3A_1736 = arith.addi %mul3A_1733, %broadcast_in_dim3A_1735 : vector<16xi32>
    tpu.vector_store_idx %arg5[%add3A_1736], %mul3A_1730 : memref<1536xi32, #tpu.memory_space<vmem>>[vector<16xi32>], vector<16xi32>,
    tpu.vector_store_idx %arg6[%add3A_1736], %sub3A_1732 : memref<1536xi32, #tpu.memory_space<vmem>>[vector<16xi32>], vector<16xi32>,
    %mul3A_1737 = arith.muli %mul3A_1730, %broadcast_in_dim3A_397 : vector<16xi32>
    %add3A_1738 = arith.addi %max3A_1721, %mul3A_1737 : vector<16xi32>
    %sub3A_1739 = arith.subi %add3A_1738, %broadcast_in_dim3A_391 : vector<16xi32>
    %max3A_1740 = arith.maxsi %sub3A_1739, %broadcast_in_dim3A_1 : vector<16xi32>
    %get3A_1741 = arith.constant 71 : i32
    %get3A_1742 = arith.index_cast %get3A_1741 : i32 to index
    %get3A_1743 = arith.index_cast %mul3A_0 : i32 to index
    %get3A_1744 = tpu.vector_load %arg4[%get3A_1742, %get3A_1743] {strides = array<i32>} : memref<96x32xi32, #tpu.memory_space<vmem>>, vector<16xi32>,
    %gt3A_1745 = arith.cmpi sgt, %get3A_1744, %broadcast_in_dim3A_393 : vector<16xi32>
    %select_n3A_1746 = arith.select %gt3A_1745, %broadcast_in_dim3A_391, %broadcast_in_dim3A_1 : vector<16xi1>, vector<16xi32>
    %eq3A_1747 = arith.cmpi eq, %max3A_1740, %broadcast_in_dim3A_1 : vector<16xi32>
    %select_n3A_1748 = arith.select %eq3A_1747, %broadcast_in_dim3A_391, %broadcast_in_dim3A_1 : vector<16xi1>, vector<16xi32>
    %mul3A_1749 = arith.muli %select_n3A_1746, %select_n3A_1748 : vector<16xi32>
    %and3A_1750 = arith.andi %get3A_1744, %broadcast_in_dim3A_395 : vector<16xi32>
    %sub3A_1751 = arith.subi %broadcast_in_dim3A_395, %and3A_1750 : vector<16xi32>
    %mul3A_1752 = arith.muli %iota3A, %broadcast_in_dim3A_399 : vector<16xi32>
    %broadcast_in_dim3A_1753 = arith.constant 71 : i32
    %broadcast_in_dim3A_1754 = vector.broadcast %broadcast_in_dim3A_1753 : i32 to vector<16xi32>
    %add3A_1755 = arith.addi %mul3A_1752, %broadcast_in_dim3A_1754 : vector<16xi32>
    tpu.vector_store_idx %arg5[%add3A_1755], %mul3A_1749 : memref<1536xi32, #tpu.memory_space<vmem>>[vector<16xi32>], vector<16xi32>,
    tpu.vector_store_idx %arg6[%add3A_1755], %sub3A_1751 : memref<1536xi32, #tpu.memory_space<vmem>>[vector<16xi32>], vector<16xi32>,
    %mul3A_1756 = arith.muli %mul3A_1749, %broadcast_in_dim3A_397 : vector<16xi32>
    %add3A_1757 = arith.addi %max3A_1740, %mul3A_1756 : vector<16xi32>
    %sub3A_1758 = arith.subi %add3A_1757, %broadcast_in_dim3A_391 : vector<16xi32>
    %max3A_1759 = arith.maxsi %sub3A_1758, %broadcast_in_dim3A_1 : vector<16xi32>
    %get3A_1760 = arith.constant 72 : i32
    %get3A_1761 = arith.index_cast %get3A_1760 : i32 to index
    %get3A_1762 = arith.index_cast %mul3A_0 : i32 to index
    %get3A_1763 = tpu.vector_load %arg4[%get3A_1761, %get3A_1762] {strides = array<i32>} : memref<96x32xi32, #tpu.memory_space<vmem>>, vector<16xi32>,
    %gt3A_1764 = arith.cmpi sgt, %get3A_1763, %broadcast_in_dim3A_393 : vector<16xi32>
    %select_n3A_1765 = arith.select %gt3A_1764, %broadcast_in_dim3A_391, %broadcast_in_dim3A_1 : vector<16xi1>, vector<16xi32>
    %eq3A_1766 = arith.cmpi eq, %max3A_1759, %broadcast_in_dim3A_1 : vector<16xi32>
    %select_n3A_1767 = arith.select %eq3A_1766, %broadcast_in_dim3A_391, %broadcast_in_dim3A_1 : vector<16xi1>, vector<16xi32>
    %mul3A_1768 = arith.muli %select_n3A_1765, %select_n3A_1767 : vector<16xi32>
    %and3A_1769 = arith.andi %get3A_1763, %broadcast_in_dim3A_395 : vector<16xi32>
    %sub3A_1770 = arith.subi %broadcast_in_dim3A_395, %and3A_1769 : vector<16xi32>
    %mul3A_1771 = arith.muli %iota3A, %broadcast_in_dim3A_399 : vector<16xi32>
    %broadcast_in_dim3A_1772 = arith.constant 72 : i32
    %broadcast_in_dim3A_1773 = vector.broadcast %broadcast_in_dim3A_1772 : i32 to vector<16xi32>
    %add3A_1774 = arith.addi %mul3A_1771, %broadcast_in_dim3A_1773 : vector<16xi32>
    tpu.vector_store_idx %arg5[%add3A_1774], %mul3A_1768 : memref<1536xi32, #tpu.memory_space<vmem>>[vector<16xi32>], vector<16xi32>,
    tpu.vector_store_idx %arg6[%add3A_1774], %sub3A_1770 : memref<1536xi32, #tpu.memory_space<vmem>>[vector<16xi32>], vector<16xi32>,
    %mul3A_1775 = arith.muli %mul3A_1768, %broadcast_in_dim3A_397 : vector<16xi32>
    %add3A_1776 = arith.addi %max3A_1759, %mul3A_1775 : vector<16xi32>
    %sub3A_1777 = arith.subi %add3A_1776, %broadcast_in_dim3A_391 : vector<16xi32>
    %max3A_1778 = arith.maxsi %sub3A_1777, %broadcast_in_dim3A_1 : vector<16xi32>
    %get3A_1779 = arith.constant 73 : i32
    %get3A_1780 = arith.index_cast %get3A_1779 : i32 to index
    %get3A_1781 = arith.index_cast %mul3A_0 : i32 to index
    %get3A_1782 = tpu.vector_load %arg4[%get3A_1780, %get3A_1781] {strides = array<i32>} : memref<96x32xi32, #tpu.memory_space<vmem>>, vector<16xi32>,
    %gt3A_1783 = arith.cmpi sgt, %get3A_1782, %broadcast_in_dim3A_393 : vector<16xi32>
    %select_n3A_1784 = arith.select %gt3A_1783, %broadcast_in_dim3A_391, %broadcast_in_dim3A_1 : vector<16xi1>, vector<16xi32>
    %eq3A_1785 = arith.cmpi eq, %max3A_1778, %broadcast_in_dim3A_1 : vector<16xi32>
    %select_n3A_1786 = arith.select %eq3A_1785, %broadcast_in_dim3A_391, %broadcast_in_dim3A_1 : vector<16xi1>, vector<16xi32>
    %mul3A_1787 = arith.muli %select_n3A_1784, %select_n3A_1786 : vector<16xi32>
    %and3A_1788 = arith.andi %get3A_1782, %broadcast_in_dim3A_395 : vector<16xi32>
    %sub3A_1789 = arith.subi %broadcast_in_dim3A_395, %and3A_1788 : vector<16xi32>
    %mul3A_1790 = arith.muli %iota3A, %broadcast_in_dim3A_399 : vector<16xi32>
    %broadcast_in_dim3A_1791 = arith.constant 73 : i32
    %broadcast_in_dim3A_1792 = vector.broadcast %broadcast_in_dim3A_1791 : i32 to vector<16xi32>
    %add3A_1793 = arith.addi %mul3A_1790, %broadcast_in_dim3A_1792 : vector<16xi32>
    tpu.vector_store_idx %arg5[%add3A_1793], %mul3A_1787 : memref<1536xi32, #tpu.memory_space<vmem>>[vector<16xi32>], vector<16xi32>,
    tpu.vector_store_idx %arg6[%add3A_1793], %sub3A_1789 : memref<1536xi32, #tpu.memory_space<vmem>>[vector<16xi32>], vector<16xi32>,
    %mul3A_1794 = arith.muli %mul3A_1787, %broadcast_in_dim3A_397 : vector<16xi32>
    %add3A_1795 = arith.addi %max3A_1778, %mul3A_1794 : vector<16xi32>
    %sub3A_1796 = arith.subi %add3A_1795, %broadcast_in_dim3A_391 : vector<16xi32>
    %max3A_1797 = arith.maxsi %sub3A_1796, %broadcast_in_dim3A_1 : vector<16xi32>
    %get3A_1798 = arith.constant 74 : i32
    %get3A_1799 = arith.index_cast %get3A_1798 : i32 to index
    %get3A_1800 = arith.index_cast %mul3A_0 : i32 to index
    %get3A_1801 = tpu.vector_load %arg4[%get3A_1799, %get3A_1800] {strides = array<i32>} : memref<96x32xi32, #tpu.memory_space<vmem>>, vector<16xi32>,
    %gt3A_1802 = arith.cmpi sgt, %get3A_1801, %broadcast_in_dim3A_393 : vector<16xi32>
    %select_n3A_1803 = arith.select %gt3A_1802, %broadcast_in_dim3A_391, %broadcast_in_dim3A_1 : vector<16xi1>, vector<16xi32>
    %eq3A_1804 = arith.cmpi eq, %max3A_1797, %broadcast_in_dim3A_1 : vector<16xi32>
    %select_n3A_1805 = arith.select %eq3A_1804, %broadcast_in_dim3A_391, %broadcast_in_dim3A_1 : vector<16xi1>, vector<16xi32>
    %mul3A_1806 = arith.muli %select_n3A_1803, %select_n3A_1805 : vector<16xi32>
    %and3A_1807 = arith.andi %get3A_1801, %broadcast_in_dim3A_395 : vector<16xi32>
    %sub3A_1808 = arith.subi %broadcast_in_dim3A_395, %and3A_1807 : vector<16xi32>
    %mul3A_1809 = arith.muli %iota3A, %broadcast_in_dim3A_399 : vector<16xi32>
    %broadcast_in_dim3A_1810 = arith.constant 74 : i32
    %broadcast_in_dim3A_1811 = vector.broadcast %broadcast_in_dim3A_1810 : i32 to vector<16xi32>
    %add3A_1812 = arith.addi %mul3A_1809, %broadcast_in_dim3A_1811 : vector<16xi32>
    tpu.vector_store_idx %arg5[%add3A_1812], %mul3A_1806 : memref<1536xi32, #tpu.memory_space<vmem>>[vector<16xi32>], vector<16xi32>,
    tpu.vector_store_idx %arg6[%add3A_1812], %sub3A_1808 : memref<1536xi32, #tpu.memory_space<vmem>>[vector<16xi32>], vector<16xi32>,
    %mul3A_1813 = arith.muli %mul3A_1806, %broadcast_in_dim3A_397 : vector<16xi32>
    %add3A_1814 = arith.addi %max3A_1797, %mul3A_1813 : vector<16xi32>
    %sub3A_1815 = arith.subi %add3A_1814, %broadcast_in_dim3A_391 : vector<16xi32>
    %max3A_1816 = arith.maxsi %sub3A_1815, %broadcast_in_dim3A_1 : vector<16xi32>
    %get3A_1817 = arith.constant 75 : i32
    %get3A_1818 = arith.index_cast %get3A_1817 : i32 to index
    %get3A_1819 = arith.index_cast %mul3A_0 : i32 to index
    %get3A_1820 = tpu.vector_load %arg4[%get3A_1818, %get3A_1819] {strides = array<i32>} : memref<96x32xi32, #tpu.memory_space<vmem>>, vector<16xi32>,
    %gt3A_1821 = arith.cmpi sgt, %get3A_1820, %broadcast_in_dim3A_393 : vector<16xi32>
    %select_n3A_1822 = arith.select %gt3A_1821, %broadcast_in_dim3A_391, %broadcast_in_dim3A_1 : vector<16xi1>, vector<16xi32>
    %eq3A_1823 = arith.cmpi eq, %max3A_1816, %broadcast_in_dim3A_1 : vector<16xi32>
    %select_n3A_1824 = arith.select %eq3A_1823, %broadcast_in_dim3A_391, %broadcast_in_dim3A_1 : vector<16xi1>, vector<16xi32>
    %mul3A_1825 = arith.muli %select_n3A_1822, %select_n3A_1824 : vector<16xi32>
    %and3A_1826 = arith.andi %get3A_1820, %broadcast_in_dim3A_395 : vector<16xi32>
    %sub3A_1827 = arith.subi %broadcast_in_dim3A_395, %and3A_1826 : vector<16xi32>
    %mul3A_1828 = arith.muli %iota3A, %broadcast_in_dim3A_399 : vector<16xi32>
    %broadcast_in_dim3A_1829 = arith.constant 75 : i32
    %broadcast_in_dim3A_1830 = vector.broadcast %broadcast_in_dim3A_1829 : i32 to vector<16xi32>
    %add3A_1831 = arith.addi %mul3A_1828, %broadcast_in_dim3A_1830 : vector<16xi32>
    tpu.vector_store_idx %arg5[%add3A_1831], %mul3A_1825 : memref<1536xi32, #tpu.memory_space<vmem>>[vector<16xi32>], vector<16xi32>,
    tpu.vector_store_idx %arg6[%add3A_1831], %sub3A_1827 : memref<1536xi32, #tpu.memory_space<vmem>>[vector<16xi32>], vector<16xi32>,
    %mul3A_1832 = arith.muli %mul3A_1825, %broadcast_in_dim3A_397 : vector<16xi32>
    %add3A_1833 = arith.addi %max3A_1816, %mul3A_1832 : vector<16xi32>
    %sub3A_1834 = arith.subi %add3A_1833, %broadcast_in_dim3A_391 : vector<16xi32>
    %max3A_1835 = arith.maxsi %sub3A_1834, %broadcast_in_dim3A_1 : vector<16xi32>
    %get3A_1836 = arith.constant 76 : i32
    %get3A_1837 = arith.index_cast %get3A_1836 : i32 to index
    %get3A_1838 = arith.index_cast %mul3A_0 : i32 to index
    %get3A_1839 = tpu.vector_load %arg4[%get3A_1837, %get3A_1838] {strides = array<i32>} : memref<96x32xi32, #tpu.memory_space<vmem>>, vector<16xi32>,
    %gt3A_1840 = arith.cmpi sgt, %get3A_1839, %broadcast_in_dim3A_393 : vector<16xi32>
    %select_n3A_1841 = arith.select %gt3A_1840, %broadcast_in_dim3A_391, %broadcast_in_dim3A_1 : vector<16xi1>, vector<16xi32>
    %eq3A_1842 = arith.cmpi eq, %max3A_1835, %broadcast_in_dim3A_1 : vector<16xi32>
    %select_n3A_1843 = arith.select %eq3A_1842, %broadcast_in_dim3A_391, %broadcast_in_dim3A_1 : vector<16xi1>, vector<16xi32>
    %mul3A_1844 = arith.muli %select_n3A_1841, %select_n3A_1843 : vector<16xi32>
    %and3A_1845 = arith.andi %get3A_1839, %broadcast_in_dim3A_395 : vector<16xi32>
    %sub3A_1846 = arith.subi %broadcast_in_dim3A_395, %and3A_1845 : vector<16xi32>
    %mul3A_1847 = arith.muli %iota3A, %broadcast_in_dim3A_399 : vector<16xi32>
    %broadcast_in_dim3A_1848 = arith.constant 76 : i32
    %broadcast_in_dim3A_1849 = vector.broadcast %broadcast_in_dim3A_1848 : i32 to vector<16xi32>
    %add3A_1850 = arith.addi %mul3A_1847, %broadcast_in_dim3A_1849 : vector<16xi32>
    tpu.vector_store_idx %arg5[%add3A_1850], %mul3A_1844 : memref<1536xi32, #tpu.memory_space<vmem>>[vector<16xi32>], vector<16xi32>,
    tpu.vector_store_idx %arg6[%add3A_1850], %sub3A_1846 : memref<1536xi32, #tpu.memory_space<vmem>>[vector<16xi32>], vector<16xi32>,
    %mul3A_1851 = arith.muli %mul3A_1844, %broadcast_in_dim3A_397 : vector<16xi32>
    %add3A_1852 = arith.addi %max3A_1835, %mul3A_1851 : vector<16xi32>
    %sub3A_1853 = arith.subi %add3A_1852, %broadcast_in_dim3A_391 : vector<16xi32>
    %max3A_1854 = arith.maxsi %sub3A_1853, %broadcast_in_dim3A_1 : vector<16xi32>
    %get3A_1855 = arith.constant 77 : i32
    %get3A_1856 = arith.index_cast %get3A_1855 : i32 to index
    %get3A_1857 = arith.index_cast %mul3A_0 : i32 to index
    %get3A_1858 = tpu.vector_load %arg4[%get3A_1856, %get3A_1857] {strides = array<i32>} : memref<96x32xi32, #tpu.memory_space<vmem>>, vector<16xi32>,
    %gt3A_1859 = arith.cmpi sgt, %get3A_1858, %broadcast_in_dim3A_393 : vector<16xi32>
    %select_n3A_1860 = arith.select %gt3A_1859, %broadcast_in_dim3A_391, %broadcast_in_dim3A_1 : vector<16xi1>, vector<16xi32>
    %eq3A_1861 = arith.cmpi eq, %max3A_1854, %broadcast_in_dim3A_1 : vector<16xi32>
    %select_n3A_1862 = arith.select %eq3A_1861, %broadcast_in_dim3A_391, %broadcast_in_dim3A_1 : vector<16xi1>, vector<16xi32>
    %mul3A_1863 = arith.muli %select_n3A_1860, %select_n3A_1862 : vector<16xi32>
    %and3A_1864 = arith.andi %get3A_1858, %broadcast_in_dim3A_395 : vector<16xi32>
    %sub3A_1865 = arith.subi %broadcast_in_dim3A_395, %and3A_1864 : vector<16xi32>
    %mul3A_1866 = arith.muli %iota3A, %broadcast_in_dim3A_399 : vector<16xi32>
    %broadcast_in_dim3A_1867 = arith.constant 77 : i32
    %broadcast_in_dim3A_1868 = vector.broadcast %broadcast_in_dim3A_1867 : i32 to vector<16xi32>
    %add3A_1869 = arith.addi %mul3A_1866, %broadcast_in_dim3A_1868 : vector<16xi32>
    tpu.vector_store_idx %arg5[%add3A_1869], %mul3A_1863 : memref<1536xi32, #tpu.memory_space<vmem>>[vector<16xi32>], vector<16xi32>,
    tpu.vector_store_idx %arg6[%add3A_1869], %sub3A_1865 : memref<1536xi32, #tpu.memory_space<vmem>>[vector<16xi32>], vector<16xi32>,
    %mul3A_1870 = arith.muli %mul3A_1863, %broadcast_in_dim3A_397 : vector<16xi32>
    %add3A_1871 = arith.addi %max3A_1854, %mul3A_1870 : vector<16xi32>
    %sub3A_1872 = arith.subi %add3A_1871, %broadcast_in_dim3A_391 : vector<16xi32>
    %max3A_1873 = arith.maxsi %sub3A_1872, %broadcast_in_dim3A_1 : vector<16xi32>
    %get3A_1874 = arith.constant 78 : i32
    %get3A_1875 = arith.index_cast %get3A_1874 : i32 to index
    %get3A_1876 = arith.index_cast %mul3A_0 : i32 to index
    %get3A_1877 = tpu.vector_load %arg4[%get3A_1875, %get3A_1876] {strides = array<i32>} : memref<96x32xi32, #tpu.memory_space<vmem>>, vector<16xi32>,
    %gt3A_1878 = arith.cmpi sgt, %get3A_1877, %broadcast_in_dim3A_393 : vector<16xi32>
    %select_n3A_1879 = arith.select %gt3A_1878, %broadcast_in_dim3A_391, %broadcast_in_dim3A_1 : vector<16xi1>, vector<16xi32>
    %eq3A_1880 = arith.cmpi eq, %max3A_1873, %broadcast_in_dim3A_1 : vector<16xi32>
    %select_n3A_1881 = arith.select %eq3A_1880, %broadcast_in_dim3A_391, %broadcast_in_dim3A_1 : vector<16xi1>, vector<16xi32>
    %mul3A_1882 = arith.muli %select_n3A_1879, %select_n3A_1881 : vector<16xi32>
    %and3A_1883 = arith.andi %get3A_1877, %broadcast_in_dim3A_395 : vector<16xi32>
    %sub3A_1884 = arith.subi %broadcast_in_dim3A_395, %and3A_1883 : vector<16xi32>
    %mul3A_1885 = arith.muli %iota3A, %broadcast_in_dim3A_399 : vector<16xi32>
    %broadcast_in_dim3A_1886 = arith.constant 78 : i32
    %broadcast_in_dim3A_1887 = vector.broadcast %broadcast_in_dim3A_1886 : i32 to vector<16xi32>
    %add3A_1888 = arith.addi %mul3A_1885, %broadcast_in_dim3A_1887 : vector<16xi32>
    tpu.vector_store_idx %arg5[%add3A_1888], %mul3A_1882 : memref<1536xi32, #tpu.memory_space<vmem>>[vector<16xi32>], vector<16xi32>,
    tpu.vector_store_idx %arg6[%add3A_1888], %sub3A_1884 : memref<1536xi32, #tpu.memory_space<vmem>>[vector<16xi32>], vector<16xi32>,
    %mul3A_1889 = arith.muli %mul3A_1882, %broadcast_in_dim3A_397 : vector<16xi32>
    %add3A_1890 = arith.addi %max3A_1873, %mul3A_1889 : vector<16xi32>
    %sub3A_1891 = arith.subi %add3A_1890, %broadcast_in_dim3A_391 : vector<16xi32>
    %max3A_1892 = arith.maxsi %sub3A_1891, %broadcast_in_dim3A_1 : vector<16xi32>
    %get3A_1893 = arith.constant 79 : i32
    %get3A_1894 = arith.index_cast %get3A_1893 : i32 to index
    %get3A_1895 = arith.index_cast %mul3A_0 : i32 to index
    %get3A_1896 = tpu.vector_load %arg4[%get3A_1894, %get3A_1895] {strides = array<i32>} : memref<96x32xi32, #tpu.memory_space<vmem>>, vector<16xi32>,
    %gt3A_1897 = arith.cmpi sgt, %get3A_1896, %broadcast_in_dim3A_393 : vector<16xi32>
    %select_n3A_1898 = arith.select %gt3A_1897, %broadcast_in_dim3A_391, %broadcast_in_dim3A_1 : vector<16xi1>, vector<16xi32>
    %eq3A_1899 = arith.cmpi eq, %max3A_1892, %broadcast_in_dim3A_1 : vector<16xi32>
    %select_n3A_1900 = arith.select %eq3A_1899, %broadcast_in_dim3A_391, %broadcast_in_dim3A_1 : vector<16xi1>, vector<16xi32>
    %mul3A_1901 = arith.muli %select_n3A_1898, %select_n3A_1900 : vector<16xi32>
    %and3A_1902 = arith.andi %get3A_1896, %broadcast_in_dim3A_395 : vector<16xi32>
    %sub3A_1903 = arith.subi %broadcast_in_dim3A_395, %and3A_1902 : vector<16xi32>
    %mul3A_1904 = arith.muli %iota3A, %broadcast_in_dim3A_399 : vector<16xi32>
    %broadcast_in_dim3A_1905 = arith.constant 79 : i32
    %broadcast_in_dim3A_1906 = vector.broadcast %broadcast_in_dim3A_1905 : i32 to vector<16xi32>
    %add3A_1907 = arith.addi %mul3A_1904, %broadcast_in_dim3A_1906 : vector<16xi32>
    tpu.vector_store_idx %arg5[%add3A_1907], %mul3A_1901 : memref<1536xi32, #tpu.memory_space<vmem>>[vector<16xi32>], vector<16xi32>,
    tpu.vector_store_idx %arg6[%add3A_1907], %sub3A_1903 : memref<1536xi32, #tpu.memory_space<vmem>>[vector<16xi32>], vector<16xi32>,
    %mul3A_1908 = arith.muli %mul3A_1901, %broadcast_in_dim3A_397 : vector<16xi32>
    %add3A_1909 = arith.addi %max3A_1892, %mul3A_1908 : vector<16xi32>
    %sub3A_1910 = arith.subi %add3A_1909, %broadcast_in_dim3A_391 : vector<16xi32>
    %max3A_1911 = arith.maxsi %sub3A_1910, %broadcast_in_dim3A_1 : vector<16xi32>
    %get3A_1912 = arith.constant 80 : i32
    %get3A_1913 = arith.index_cast %get3A_1912 : i32 to index
    %get3A_1914 = arith.index_cast %mul3A_0 : i32 to index
    %get3A_1915 = tpu.vector_load %arg4[%get3A_1913, %get3A_1914] {strides = array<i32>} : memref<96x32xi32, #tpu.memory_space<vmem>>, vector<16xi32>,
    %gt3A_1916 = arith.cmpi sgt, %get3A_1915, %broadcast_in_dim3A_393 : vector<16xi32>
    %select_n3A_1917 = arith.select %gt3A_1916, %broadcast_in_dim3A_391, %broadcast_in_dim3A_1 : vector<16xi1>, vector<16xi32>
    %eq3A_1918 = arith.cmpi eq, %max3A_1911, %broadcast_in_dim3A_1 : vector<16xi32>
    %select_n3A_1919 = arith.select %eq3A_1918, %broadcast_in_dim3A_391, %broadcast_in_dim3A_1 : vector<16xi1>, vector<16xi32>
    %mul3A_1920 = arith.muli %select_n3A_1917, %select_n3A_1919 : vector<16xi32>
    %and3A_1921 = arith.andi %get3A_1915, %broadcast_in_dim3A_395 : vector<16xi32>
    %sub3A_1922 = arith.subi %broadcast_in_dim3A_395, %and3A_1921 : vector<16xi32>
    %mul3A_1923 = arith.muli %iota3A, %broadcast_in_dim3A_399 : vector<16xi32>
    %broadcast_in_dim3A_1924 = arith.constant 80 : i32
    %broadcast_in_dim3A_1925 = vector.broadcast %broadcast_in_dim3A_1924 : i32 to vector<16xi32>
    %add3A_1926 = arith.addi %mul3A_1923, %broadcast_in_dim3A_1925 : vector<16xi32>
    tpu.vector_store_idx %arg5[%add3A_1926], %mul3A_1920 : memref<1536xi32, #tpu.memory_space<vmem>>[vector<16xi32>], vector<16xi32>,
    tpu.vector_store_idx %arg6[%add3A_1926], %sub3A_1922 : memref<1536xi32, #tpu.memory_space<vmem>>[vector<16xi32>], vector<16xi32>,
    %mul3A_1927 = arith.muli %mul3A_1920, %broadcast_in_dim3A_397 : vector<16xi32>
    %add3A_1928 = arith.addi %max3A_1911, %mul3A_1927 : vector<16xi32>
    %sub3A_1929 = arith.subi %add3A_1928, %broadcast_in_dim3A_391 : vector<16xi32>
    %max3A_1930 = arith.maxsi %sub3A_1929, %broadcast_in_dim3A_1 : vector<16xi32>
    %get3A_1931 = arith.constant 81 : i32
    %get3A_1932 = arith.index_cast %get3A_1931 : i32 to index
    %get3A_1933 = arith.index_cast %mul3A_0 : i32 to index
    %get3A_1934 = tpu.vector_load %arg4[%get3A_1932, %get3A_1933] {strides = array<i32>} : memref<96x32xi32, #tpu.memory_space<vmem>>, vector<16xi32>,
    %gt3A_1935 = arith.cmpi sgt, %get3A_1934, %broadcast_in_dim3A_393 : vector<16xi32>
    %select_n3A_1936 = arith.select %gt3A_1935, %broadcast_in_dim3A_391, %broadcast_in_dim3A_1 : vector<16xi1>, vector<16xi32>
    %eq3A_1937 = arith.cmpi eq, %max3A_1930, %broadcast_in_dim3A_1 : vector<16xi32>
    %select_n3A_1938 = arith.select %eq3A_1937, %broadcast_in_dim3A_391, %broadcast_in_dim3A_1 : vector<16xi1>, vector<16xi32>
    %mul3A_1939 = arith.muli %select_n3A_1936, %select_n3A_1938 : vector<16xi32>
    %and3A_1940 = arith.andi %get3A_1934, %broadcast_in_dim3A_395 : vector<16xi32>
    %sub3A_1941 = arith.subi %broadcast_in_dim3A_395, %and3A_1940 : vector<16xi32>
    %mul3A_1942 = arith.muli %iota3A, %broadcast_in_dim3A_399 : vector<16xi32>
    %broadcast_in_dim3A_1943 = arith.constant 81 : i32
    %broadcast_in_dim3A_1944 = vector.broadcast %broadcast_in_dim3A_1943 : i32 to vector<16xi32>
    %add3A_1945 = arith.addi %mul3A_1942, %broadcast_in_dim3A_1944 : vector<16xi32>
    tpu.vector_store_idx %arg5[%add3A_1945], %mul3A_1939 : memref<1536xi32, #tpu.memory_space<vmem>>[vector<16xi32>], vector<16xi32>,
    tpu.vector_store_idx %arg6[%add3A_1945], %sub3A_1941 : memref<1536xi32, #tpu.memory_space<vmem>>[vector<16xi32>], vector<16xi32>,
    %mul3A_1946 = arith.muli %mul3A_1939, %broadcast_in_dim3A_397 : vector<16xi32>
    %add3A_1947 = arith.addi %max3A_1930, %mul3A_1946 : vector<16xi32>
    %sub3A_1948 = arith.subi %add3A_1947, %broadcast_in_dim3A_391 : vector<16xi32>
    %max3A_1949 = arith.maxsi %sub3A_1948, %broadcast_in_dim3A_1 : vector<16xi32>
    %get3A_1950 = arith.constant 82 : i32
    %get3A_1951 = arith.index_cast %get3A_1950 : i32 to index
    %get3A_1952 = arith.index_cast %mul3A_0 : i32 to index
    %get3A_1953 = tpu.vector_load %arg4[%get3A_1951, %get3A_1952] {strides = array<i32>} : memref<96x32xi32, #tpu.memory_space<vmem>>, vector<16xi32>,
    %gt3A_1954 = arith.cmpi sgt, %get3A_1953, %broadcast_in_dim3A_393 : vector<16xi32>
    %select_n3A_1955 = arith.select %gt3A_1954, %broadcast_in_dim3A_391, %broadcast_in_dim3A_1 : vector<16xi1>, vector<16xi32>
    %eq3A_1956 = arith.cmpi eq, %max3A_1949, %broadcast_in_dim3A_1 : vector<16xi32>
    %select_n3A_1957 = arith.select %eq3A_1956, %broadcast_in_dim3A_391, %broadcast_in_dim3A_1 : vector<16xi1>, vector<16xi32>
    %mul3A_1958 = arith.muli %select_n3A_1955, %select_n3A_1957 : vector<16xi32>
    %and3A_1959 = arith.andi %get3A_1953, %broadcast_in_dim3A_395 : vector<16xi32>
    %sub3A_1960 = arith.subi %broadcast_in_dim3A_395, %and3A_1959 : vector<16xi32>
    %mul3A_1961 = arith.muli %iota3A, %broadcast_in_dim3A_399 : vector<16xi32>
    %broadcast_in_dim3A_1962 = arith.constant 82 : i32
    %broadcast_in_dim3A_1963 = vector.broadcast %broadcast_in_dim3A_1962 : i32 to vector<16xi32>
    %add3A_1964 = arith.addi %mul3A_1961, %broadcast_in_dim3A_1963 : vector<16xi32>
    tpu.vector_store_idx %arg5[%add3A_1964], %mul3A_1958 : memref<1536xi32, #tpu.memory_space<vmem>>[vector<16xi32>], vector<16xi32>,
    tpu.vector_store_idx %arg6[%add3A_1964], %sub3A_1960 : memref<1536xi32, #tpu.memory_space<vmem>>[vector<16xi32>], vector<16xi32>,
    %mul3A_1965 = arith.muli %mul3A_1958, %broadcast_in_dim3A_397 : vector<16xi32>
    %add3A_1966 = arith.addi %max3A_1949, %mul3A_1965 : vector<16xi32>
    %sub3A_1967 = arith.subi %add3A_1966, %broadcast_in_dim3A_391 : vector<16xi32>
    %max3A_1968 = arith.maxsi %sub3A_1967, %broadcast_in_dim3A_1 : vector<16xi32>
    %get3A_1969 = arith.constant 83 : i32
    %get3A_1970 = arith.index_cast %get3A_1969 : i32 to index
    %get3A_1971 = arith.index_cast %mul3A_0 : i32 to index
    %get3A_1972 = tpu.vector_load %arg4[%get3A_1970, %get3A_1971] {strides = array<i32>} : memref<96x32xi32, #tpu.memory_space<vmem>>, vector<16xi32>,
    %gt3A_1973 = arith.cmpi sgt, %get3A_1972, %broadcast_in_dim3A_393 : vector<16xi32>
    %select_n3A_1974 = arith.select %gt3A_1973, %broadcast_in_dim3A_391, %broadcast_in_dim3A_1 : vector<16xi1>, vector<16xi32>
    %eq3A_1975 = arith.cmpi eq, %max3A_1968, %broadcast_in_dim3A_1 : vector<16xi32>
    %select_n3A_1976 = arith.select %eq3A_1975, %broadcast_in_dim3A_391, %broadcast_in_dim3A_1 : vector<16xi1>, vector<16xi32>
    %mul3A_1977 = arith.muli %select_n3A_1974, %select_n3A_1976 : vector<16xi32>
    %and3A_1978 = arith.andi %get3A_1972, %broadcast_in_dim3A_395 : vector<16xi32>
    %sub3A_1979 = arith.subi %broadcast_in_dim3A_395, %and3A_1978 : vector<16xi32>
    %mul3A_1980 = arith.muli %iota3A, %broadcast_in_dim3A_399 : vector<16xi32>
    %broadcast_in_dim3A_1981 = arith.constant 83 : i32
    %broadcast_in_dim3A_1982 = vector.broadcast %broadcast_in_dim3A_1981 : i32 to vector<16xi32>
    %add3A_1983 = arith.addi %mul3A_1980, %broadcast_in_dim3A_1982 : vector<16xi32>
    tpu.vector_store_idx %arg5[%add3A_1983], %mul3A_1977 : memref<1536xi32, #tpu.memory_space<vmem>>[vector<16xi32>], vector<16xi32>,
    tpu.vector_store_idx %arg6[%add3A_1983], %sub3A_1979 : memref<1536xi32, #tpu.memory_space<vmem>>[vector<16xi32>], vector<16xi32>,
    %mul3A_1984 = arith.muli %mul3A_1977, %broadcast_in_dim3A_397 : vector<16xi32>
    %add3A_1985 = arith.addi %max3A_1968, %mul3A_1984 : vector<16xi32>
    %sub3A_1986 = arith.subi %add3A_1985, %broadcast_in_dim3A_391 : vector<16xi32>
    %max3A_1987 = arith.maxsi %sub3A_1986, %broadcast_in_dim3A_1 : vector<16xi32>
    %get3A_1988 = arith.constant 84 : i32
    %get3A_1989 = arith.index_cast %get3A_1988 : i32 to index
    %get3A_1990 = arith.index_cast %mul3A_0 : i32 to index
    %get3A_1991 = tpu.vector_load %arg4[%get3A_1989, %get3A_1990] {strides = array<i32>} : memref<96x32xi32, #tpu.memory_space<vmem>>, vector<16xi32>,
    %gt3A_1992 = arith.cmpi sgt, %get3A_1991, %broadcast_in_dim3A_393 : vector<16xi32>
    %select_n3A_1993 = arith.select %gt3A_1992, %broadcast_in_dim3A_391, %broadcast_in_dim3A_1 : vector<16xi1>, vector<16xi32>
    %eq3A_1994 = arith.cmpi eq, %max3A_1987, %broadcast_in_dim3A_1 : vector<16xi32>
    %select_n3A_1995 = arith.select %eq3A_1994, %broadcast_in_dim3A_391, %broadcast_in_dim3A_1 : vector<16xi1>, vector<16xi32>
    %mul3A_1996 = arith.muli %select_n3A_1993, %select_n3A_1995 : vector<16xi32>
    %and3A_1997 = arith.andi %get3A_1991, %broadcast_in_dim3A_395 : vector<16xi32>
    %sub3A_1998 = arith.subi %broadcast_in_dim3A_395, %and3A_1997 : vector<16xi32>
    %mul3A_1999 = arith.muli %iota3A, %broadcast_in_dim3A_399 : vector<16xi32>
    %broadcast_in_dim3A_2000 = arith.constant 84 : i32
    %broadcast_in_dim3A_2001 = vector.broadcast %broadcast_in_dim3A_2000 : i32 to vector<16xi32>
    %add3A_2002 = arith.addi %mul3A_1999, %broadcast_in_dim3A_2001 : vector<16xi32>
    tpu.vector_store_idx %arg5[%add3A_2002], %mul3A_1996 : memref<1536xi32, #tpu.memory_space<vmem>>[vector<16xi32>], vector<16xi32>,
    tpu.vector_store_idx %arg6[%add3A_2002], %sub3A_1998 : memref<1536xi32, #tpu.memory_space<vmem>>[vector<16xi32>], vector<16xi32>,
    %mul3A_2003 = arith.muli %mul3A_1996, %broadcast_in_dim3A_397 : vector<16xi32>
    %add3A_2004 = arith.addi %max3A_1987, %mul3A_2003 : vector<16xi32>
    %sub3A_2005 = arith.subi %add3A_2004, %broadcast_in_dim3A_391 : vector<16xi32>
    %max3A_2006 = arith.maxsi %sub3A_2005, %broadcast_in_dim3A_1 : vector<16xi32>
    %get3A_2007 = arith.constant 85 : i32
    %get3A_2008 = arith.index_cast %get3A_2007 : i32 to index
    %get3A_2009 = arith.index_cast %mul3A_0 : i32 to index
    %get3A_2010 = tpu.vector_load %arg4[%get3A_2008, %get3A_2009] {strides = array<i32>} : memref<96x32xi32, #tpu.memory_space<vmem>>, vector<16xi32>,
    %gt3A_2011 = arith.cmpi sgt, %get3A_2010, %broadcast_in_dim3A_393 : vector<16xi32>
    %select_n3A_2012 = arith.select %gt3A_2011, %broadcast_in_dim3A_391, %broadcast_in_dim3A_1 : vector<16xi1>, vector<16xi32>
    %eq3A_2013 = arith.cmpi eq, %max3A_2006, %broadcast_in_dim3A_1 : vector<16xi32>
    %select_n3A_2014 = arith.select %eq3A_2013, %broadcast_in_dim3A_391, %broadcast_in_dim3A_1 : vector<16xi1>, vector<16xi32>
    %mul3A_2015 = arith.muli %select_n3A_2012, %select_n3A_2014 : vector<16xi32>
    %and3A_2016 = arith.andi %get3A_2010, %broadcast_in_dim3A_395 : vector<16xi32>
    %sub3A_2017 = arith.subi %broadcast_in_dim3A_395, %and3A_2016 : vector<16xi32>
    %mul3A_2018 = arith.muli %iota3A, %broadcast_in_dim3A_399 : vector<16xi32>
    %broadcast_in_dim3A_2019 = arith.constant 85 : i32
    %broadcast_in_dim3A_2020 = vector.broadcast %broadcast_in_dim3A_2019 : i32 to vector<16xi32>
    %add3A_2021 = arith.addi %mul3A_2018, %broadcast_in_dim3A_2020 : vector<16xi32>
    tpu.vector_store_idx %arg5[%add3A_2021], %mul3A_2015 : memref<1536xi32, #tpu.memory_space<vmem>>[vector<16xi32>], vector<16xi32>,
    tpu.vector_store_idx %arg6[%add3A_2021], %sub3A_2017 : memref<1536xi32, #tpu.memory_space<vmem>>[vector<16xi32>], vector<16xi32>,
    %mul3A_2022 = arith.muli %mul3A_2015, %broadcast_in_dim3A_397 : vector<16xi32>
    %add3A_2023 = arith.addi %max3A_2006, %mul3A_2022 : vector<16xi32>
    %sub3A_2024 = arith.subi %add3A_2023, %broadcast_in_dim3A_391 : vector<16xi32>
    %max3A_2025 = arith.maxsi %sub3A_2024, %broadcast_in_dim3A_1 : vector<16xi32>
    %mul3A_2026 = arith.constant 96 : i32
    %mul3A_2027 = arith.muli %arg1, %mul3A_2026 : i32
    %broadcast_in_dim3A_2028 = arith.constant 86 : i32
    %broadcast_in_dim3A_2029 = vector.broadcast %broadcast_in_dim3A_2028 : i32 to vector<16xi32>
    %add3A_2030 = arith.constant 0 : i32
    %add3A_2031 = arith.addi %mul3A_2027, %add3A_2030 : i32
    %get3A_2032 = arith.index_cast %add3A_2031 : i32 to index
    %get3A_2033 = tpu.vector_load %arg5[%get3A_2032] {strides = array<i32>} : memref<1536xi32, #tpu.memory_space<vmem>>, vector<16xi32>,
    %add3A_2034 = arith.constant 0 : i32
    %add3A_2035 = arith.addi %mul3A_2027, %add3A_2034 : i32
    %get3A_2036 = arith.index_cast %add3A_2035 : i32 to index
    %get3A_2037 = tpu.vector_load %arg6[%get3A_2036] {strides = array<i32>} : memref<1536xi32, #tpu.memory_space<vmem>>, vector<16xi32>,
    %broadcast_in_dim3A_2038 = arith.constant 0 : i32
    %broadcast_in_dim3A_2039 = vector.broadcast %broadcast_in_dim3A_2038 : i32 to vector<16xi32>
    %add3A_2040 = arith.addi %iota3A, %broadcast_in_dim3A_2039 : vector<16xi32>
    %mul3A_2041 = arith.muli %get3A_2037, %broadcast_in_dim3A_2029 : vector<16xi32>
    %add3A_2042 = arith.addi %mul3A_2041, %add3A_2040 : vector<16xi32>
    tpu.vector_store_idx %arg7[%add3A_2042], %get3A_2033 : memref<44032xi32, #tpu.memory_space<vmem>>[vector<16xi32>], vector<16xi32>,
    %add3A_2043 = arith.constant 16 : i32
    %add3A_2044 = arith.addi %mul3A_2027, %add3A_2043 : i32
    %get3A_2045 = arith.index_cast %add3A_2044 : i32 to index
    %get3A_2046 = tpu.vector_load %arg5[%get3A_2045] {strides = array<i32>} : memref<1536xi32, #tpu.memory_space<vmem>>, vector<16xi32>,
    %add3A_2047 = arith.constant 16 : i32
    %add3A_2048 = arith.addi %mul3A_2027, %add3A_2047 : i32
    %get3A_2049 = arith.index_cast %add3A_2048 : i32 to index
    %get3A_2050 = tpu.vector_load %arg6[%get3A_2049] {strides = array<i32>} : memref<1536xi32, #tpu.memory_space<vmem>>, vector<16xi32>,
    %broadcast_in_dim3A_2051 = arith.constant 16 : i32
    %broadcast_in_dim3A_2052 = vector.broadcast %broadcast_in_dim3A_2051 : i32 to vector<16xi32>
    %add3A_2053 = arith.addi %iota3A, %broadcast_in_dim3A_2052 : vector<16xi32>
    %mul3A_2054 = arith.muli %get3A_2050, %broadcast_in_dim3A_2029 : vector<16xi32>
    %add3A_2055 = arith.addi %mul3A_2054, %add3A_2053 : vector<16xi32>
    tpu.vector_store_idx %arg7[%add3A_2055], %get3A_2046 : memref<44032xi32, #tpu.memory_space<vmem>>[vector<16xi32>], vector<16xi32>,
    %add3A_2056 = arith.constant 32 : i32
    %add3A_2057 = arith.addi %mul3A_2027, %add3A_2056 : i32
    %get3A_2058 = arith.index_cast %add3A_2057 : i32 to index
    %get3A_2059 = tpu.vector_load %arg5[%get3A_2058] {strides = array<i32>} : memref<1536xi32, #tpu.memory_space<vmem>>, vector<16xi32>,
    %add3A_2060 = arith.constant 32 : i32
    %add3A_2061 = arith.addi %mul3A_2027, %add3A_2060 : i32
    %get3A_2062 = arith.index_cast %add3A_2061 : i32 to index
    %get3A_2063 = tpu.vector_load %arg6[%get3A_2062] {strides = array<i32>} : memref<1536xi32, #tpu.memory_space<vmem>>, vector<16xi32>,
    %broadcast_in_dim3A_2064 = arith.constant 32 : i32
    %broadcast_in_dim3A_2065 = vector.broadcast %broadcast_in_dim3A_2064 : i32 to vector<16xi32>
    %add3A_2066 = arith.addi %iota3A, %broadcast_in_dim3A_2065 : vector<16xi32>
    %mul3A_2067 = arith.muli %get3A_2063, %broadcast_in_dim3A_2029 : vector<16xi32>
    %add3A_2068 = arith.addi %mul3A_2067, %add3A_2066 : vector<16xi32>
    tpu.vector_store_idx %arg7[%add3A_2068], %get3A_2059 : memref<44032xi32, #tpu.memory_space<vmem>>[vector<16xi32>], vector<16xi32>,
    %add3A_2069 = arith.constant 48 : i32
    %add3A_2070 = arith.addi %mul3A_2027, %add3A_2069 : i32
    %get3A_2071 = arith.index_cast %add3A_2070 : i32 to index
    %get3A_2072 = tpu.vector_load %arg5[%get3A_2071] {strides = array<i32>} : memref<1536xi32, #tpu.memory_space<vmem>>, vector<16xi32>,
    %add3A_2073 = arith.constant 48 : i32
    %add3A_2074 = arith.addi %mul3A_2027, %add3A_2073 : i32
    %get3A_2075 = arith.index_cast %add3A_2074 : i32 to index
    %get3A_2076 = tpu.vector_load %arg6[%get3A_2075] {strides = array<i32>} : memref<1536xi32, #tpu.memory_space<vmem>>, vector<16xi32>,
    %broadcast_in_dim3A_2077 = arith.constant 48 : i32
    %broadcast_in_dim3A_2078 = vector.broadcast %broadcast_in_dim3A_2077 : i32 to vector<16xi32>
    %add3A_2079 = arith.addi %iota3A, %broadcast_in_dim3A_2078 : vector<16xi32>
    %mul3A_2080 = arith.muli %get3A_2076, %broadcast_in_dim3A_2029 : vector<16xi32>
    %add3A_2081 = arith.addi %mul3A_2080, %add3A_2079 : vector<16xi32>
    tpu.vector_store_idx %arg7[%add3A_2081], %get3A_2072 : memref<44032xi32, #tpu.memory_space<vmem>>[vector<16xi32>], vector<16xi32>,
    %add3A_2082 = arith.constant 64 : i32
    %add3A_2083 = arith.addi %mul3A_2027, %add3A_2082 : i32
    %get3A_2084 = arith.index_cast %add3A_2083 : i32 to index
    %get3A_2085 = tpu.vector_load %arg5[%get3A_2084] {strides = array<i32>} : memref<1536xi32, #tpu.memory_space<vmem>>, vector<16xi32>,
    %add3A_2086 = arith.constant 64 : i32
    %add3A_2087 = arith.addi %mul3A_2027, %add3A_2086 : i32
    %get3A_2088 = arith.index_cast %add3A_2087 : i32 to index
    %get3A_2089 = tpu.vector_load %arg6[%get3A_2088] {strides = array<i32>} : memref<1536xi32, #tpu.memory_space<vmem>>, vector<16xi32>,
    %broadcast_in_dim3A_2090 = arith.constant 64 : i32
    %broadcast_in_dim3A_2091 = vector.broadcast %broadcast_in_dim3A_2090 : i32 to vector<16xi32>
    %add3A_2092 = arith.addi %iota3A, %broadcast_in_dim3A_2091 : vector<16xi32>
    %mul3A_2093 = arith.muli %get3A_2089, %broadcast_in_dim3A_2029 : vector<16xi32>
    %add3A_2094 = arith.addi %mul3A_2093, %add3A_2092 : vector<16xi32>
    tpu.vector_store_idx %arg7[%add3A_2094], %get3A_2085 : memref<44032xi32, #tpu.memory_space<vmem>>[vector<16xi32>], vector<16xi32>,
    %add3A_2095 = arith.constant 80 : i32
    %add3A_2096 = arith.addi %mul3A_2027, %add3A_2095 : i32
    %get3A_2097 = arith.index_cast %add3A_2096 : i32 to index
    %get3A_2098 = tpu.vector_load %arg5[%get3A_2097] {strides = array<i32>} : memref<1536xi32, #tpu.memory_space<vmem>>, vector<16xi32>,
    %add3A_2099 = arith.constant 80 : i32
    %add3A_2100 = arith.addi %mul3A_2027, %add3A_2099 : i32
    %get3A_2101 = arith.index_cast %add3A_2100 : i32 to index
    %get3A_2102 = tpu.vector_load %arg6[%get3A_2101] {strides = array<i32>} : memref<1536xi32, #tpu.memory_space<vmem>>, vector<16xi32>,
    %broadcast_in_dim3A_2103 = arith.constant 80 : i32
    %broadcast_in_dim3A_2104 = vector.broadcast %broadcast_in_dim3A_2103 : i32 to vector<16xi32>
    %add3A_2105 = arith.addi %iota3A, %broadcast_in_dim3A_2104 : vector<16xi32>
    %mul3A_2106 = arith.muli %get3A_2102, %broadcast_in_dim3A_2029 : vector<16xi32>
    %add3A_2107 = arith.addi %mul3A_2106, %add3A_2105 : vector<16xi32>
    tpu.vector_store_idx %arg7[%add3A_2107], %get3A_2098 : memref<44032xi32, #tpu.memory_space<vmem>>[vector<16xi32>], vector<16xi32>,
    %add3A_2108 = arith.addi %mul3A_0, %arg1 : i32
    "tpu.region"() ({
      %run_scoped3A = tpu.sem_alloc : memref<!tpu.dma_semaphore, #tpu.memory_space<semaphore_mem>>
      %dma_start3A = arith.constant 0 : i32
      %dma_start3A_2109 = tpu.memref_slice %arg3[%add3A_2108, %dma_start3A] : memref<32x44032xi32, #tpu.memory_space<hbm>> -> memref<1x44032xi32, #tpu.memory_space<hbm>>
      %dma_start3A_2110 = tpu.memref_squeeze %dma_start3A_2109 : memref<1x44032xi32, #tpu.memory_space<hbm>> -> memref<44032xi32, #tpu.memory_space<hbm>>
      %dma_start3A_2111 = arith.constant 0 : i32
      %dma_start3A_2112 = tpu.memref_slice %arg3[%add3A_2108, %dma_start3A_2111] : memref<32x44032xi32, #tpu.memory_space<hbm>> -> memref<1x44032xi32, #tpu.memory_space<hbm>>
      %dma_start3A_2113 = tpu.memref_squeeze %dma_start3A_2112 : memref<1x44032xi32, #tpu.memory_space<hbm>> -> memref<44032xi32, #tpu.memory_space<hbm>>
      tpu.enqueue_dma source(%arg7 : memref<44032xi32, #tpu.memory_space<vmem>>) target(%dma_start3A_2113 : memref<44032xi32, #tpu.memory_space<hbm>>) target_semaphore(%run_scoped3A : memref<!tpu.dma_semaphore, #tpu.memory_space<semaphore_mem>>)
      %dma_wait3A = arith.constant 0 : i32
      %dma_wait3A_2114 = tpu.memref_slice %arg3[%add3A_2108, %dma_wait3A] : memref<32x44032xi32, #tpu.memory_space<hbm>> -> memref<1x44032xi32, #tpu.memory_space<hbm>>
      %dma_wait3A_2115 = tpu.memref_squeeze %dma_wait3A_2114 : memref<1x44032xi32, #tpu.memory_space<hbm>> -> memref<44032xi32, #tpu.memory_space<hbm>>
      %dma_wait3A_2116 = arith.constant 0 : i32
      %dma_wait3A_2117 = tpu.memref_slice %arg3[%add3A_2108, %dma_wait3A_2116] : memref<32x44032xi32, #tpu.memory_space<hbm>> -> memref<1x44032xi32, #tpu.memory_space<hbm>>
      %dma_wait3A_2118 = tpu.memref_squeeze %dma_wait3A_2117 : memref<1x44032xi32, #tpu.memory_space<hbm>> -> memref<44032xi32, #tpu.memory_space<hbm>>
      tpu.wait_dma2 semaphore(%run_scoped3A : memref<!tpu.dma_semaphore, #tpu.memory_space<semaphore_mem>>) src(%arg7 : memref<44032xi32, #tpu.memory_space<vmem>>) dst(%dma_wait3A_2118 : memref<44032xi32, #tpu.memory_space<hbm>>)
      tpu.yield
    }) : () -> ()
    return
  }
}

module attributes {stable_mosaic.version = 14 : i64} {
  func.func @_pot_kernel(%arg0: memref<2048x512xi8, #tpu.memory_space<vmem>>, %arg1: memref<512x512xi32, #tpu.memory_space<vmem>>, %arg2: memref<96x448xf32, #tpu.memory_space<vmem>>, %arg3: memref<96x32xi32, #tpu.memory_space<vmem>>, %arg4: memref<448x32x512xf32, #tpu.memory_space<vmem>>) attributes {dimension_semantics = [], scalar_prefetch = 0 : i64, scratch_operands = 1 : i64, tpu.core_type = #tpu.core_type<tc>} {
    %get3A = arith.constant 0 : index
    %get3A_0 = arith.constant 0 : index
    %get3A_1 = vector.load %arg1[%get3A, %get3A_0] : memref<512x512xi32, #tpu.memory_space<vmem>>, vector<512x512xi32>
    %get3A_2 = arith.constant 0 : index
    %get3A_3 = arith.constant 0 : index
    %get3A_4 = vector.load %arg0[%get3A_2, %get3A_3] : memref<2048x512xi8, #tpu.memory_space<vmem>>, vector<2048x512xi8>
    %convert_element_type3A = arith.sitofp %get3A_4 : vector<2048x512xi8> to vector<2048x512xbf16>
    %eq3A = arith.constant 1 : i32
    %eq3A_5 = vector.broadcast %eq3A : i32 to vector<512x512xi32>
    %eq3A_6 = arith.cmpi eq, %get3A_1, %eq3A_5 : vector<512x512xi32>
    %convert_element_type3A_7 = arith.extui %eq3A_6 : vector<512x512xi1> to vector<512x512xi32>
    %convert_element_type3A_8 = arith.sitofp %convert_element_type3A_7 : vector<512x512xi32> to vector<512x512xf32>
    %convert_element_type3A_9 = arith.truncf %convert_element_type3A_8 : vector<512x512xf32> to vector<512x512xbf16>
    %dot_general3A = arith.constant dense<0.000000e+00> : vector<2048x512xf32>
    %dot_general3A_10 = tpu.matmul %convert_element_type3A, %convert_element_type3A_9, %dot_general3A {dimension_numbers = #tpu.dot_dimension_numbers<[1], [0], [0], [1], [0, 0, 1, 1], [], []>, transpose_lhs_hint = false} : vector<2048x512xbf16>, vector<512x512xbf16>, vector<2048x512xf32> -> vector<2048x512xf32>
    %reshape3A = vector.shape_cast %dot_general3A_10 : vector<2048x512xf32> to vector<64x32x512xf32>
    %swap3A = arith.constant 0 : index
    %swap3A_11 = arith.constant 0 : index
    %swap3A_12 = arith.constant 0 : index
    %swap3A_13 = vector.load %arg4[%swap3A, %swap3A_11, %swap3A_12] : memref<448x32x512xf32, #tpu.memory_space<vmem>>, vector<64x32x512xf32>
    tpu.vector_store %arg4[%swap3A, %swap3A_11, %swap3A_12], %reshape3A {strides = array<i32>} : memref<448x32x512xf32, #tpu.memory_space<vmem>>, vector<64x32x512xf32>,
    %eq3A_14 = arith.constant 2 : i32
    %eq3A_15 = vector.broadcast %eq3A_14 : i32 to vector<512x512xi32>
    %eq3A_16 = arith.cmpi eq, %get3A_1, %eq3A_15 : vector<512x512xi32>
    %convert_element_type3A_17 = arith.extui %eq3A_16 : vector<512x512xi1> to vector<512x512xi32>
    %convert_element_type3A_18 = arith.sitofp %convert_element_type3A_17 : vector<512x512xi32> to vector<512x512xf32>
    %convert_element_type3A_19 = arith.truncf %convert_element_type3A_18 : vector<512x512xf32> to vector<512x512xbf16>
    %dot_general3A_20 = arith.constant dense<0.000000e+00> : vector<2048x512xf32>
    %dot_general3A_21 = tpu.matmul %convert_element_type3A, %convert_element_type3A_19, %dot_general3A_20 {dimension_numbers = #tpu.dot_dimension_numbers<[1], [0], [0], [1], [0, 0, 1, 1], [], []>, transpose_lhs_hint = false} : vector<2048x512xbf16>, vector<512x512xbf16>, vector<2048x512xf32> -> vector<2048x512xf32>
    %reshape3A_22 = vector.shape_cast %dot_general3A_21 : vector<2048x512xf32> to vector<64x32x512xf32>
    %swap3A_23 = arith.constant 64 : index
    %swap3A_24 = arith.constant 0 : index
    %swap3A_25 = arith.constant 0 : index
    %swap3A_26 = vector.load %arg4[%swap3A_23, %swap3A_24, %swap3A_25] : memref<448x32x512xf32, #tpu.memory_space<vmem>>, vector<64x32x512xf32>
    tpu.vector_store %arg4[%swap3A_23, %swap3A_24, %swap3A_25], %reshape3A_22 {strides = array<i32>} : memref<448x32x512xf32, #tpu.memory_space<vmem>>, vector<64x32x512xf32>,
    %eq3A_27 = arith.constant 3 : i32
    %eq3A_28 = vector.broadcast %eq3A_27 : i32 to vector<512x512xi32>
    %eq3A_29 = arith.cmpi eq, %get3A_1, %eq3A_28 : vector<512x512xi32>
    %convert_element_type3A_30 = arith.extui %eq3A_29 : vector<512x512xi1> to vector<512x512xi32>
    %convert_element_type3A_31 = arith.sitofp %convert_element_type3A_30 : vector<512x512xi32> to vector<512x512xf32>
    %convert_element_type3A_32 = arith.truncf %convert_element_type3A_31 : vector<512x512xf32> to vector<512x512xbf16>
    %dot_general3A_33 = arith.constant dense<0.000000e+00> : vector<2048x512xf32>
    %dot_general3A_34 = tpu.matmul %convert_element_type3A, %convert_element_type3A_32, %dot_general3A_33 {dimension_numbers = #tpu.dot_dimension_numbers<[1], [0], [0], [1], [0, 0, 1, 1], [], []>, transpose_lhs_hint = false} : vector<2048x512xbf16>, vector<512x512xbf16>, vector<2048x512xf32> -> vector<2048x512xf32>
    %reshape3A_35 = vector.shape_cast %dot_general3A_34 : vector<2048x512xf32> to vector<64x32x512xf32>
    %swap3A_36 = arith.constant 128 : index
    %swap3A_37 = arith.constant 0 : index
    %swap3A_38 = arith.constant 0 : index
    %swap3A_39 = vector.load %arg4[%swap3A_36, %swap3A_37, %swap3A_38] : memref<448x32x512xf32, #tpu.memory_space<vmem>>, vector<64x32x512xf32>
    tpu.vector_store %arg4[%swap3A_36, %swap3A_37, %swap3A_38], %reshape3A_35 {strides = array<i32>} : memref<448x32x512xf32, #tpu.memory_space<vmem>>, vector<64x32x512xf32>,
    %eq3A_40 = arith.constant 4 : i32
    %eq3A_41 = vector.broadcast %eq3A_40 : i32 to vector<512x512xi32>
    %eq3A_42 = arith.cmpi eq, %get3A_1, %eq3A_41 : vector<512x512xi32>
    %convert_element_type3A_43 = arith.extui %eq3A_42 : vector<512x512xi1> to vector<512x512xi32>
    %convert_element_type3A_44 = arith.sitofp %convert_element_type3A_43 : vector<512x512xi32> to vector<512x512xf32>
    %convert_element_type3A_45 = arith.truncf %convert_element_type3A_44 : vector<512x512xf32> to vector<512x512xbf16>
    %dot_general3A_46 = arith.constant dense<0.000000e+00> : vector<2048x512xf32>
    %dot_general3A_47 = tpu.matmul %convert_element_type3A, %convert_element_type3A_45, %dot_general3A_46 {dimension_numbers = #tpu.dot_dimension_numbers<[1], [0], [0], [1], [0, 0, 1, 1], [], []>, transpose_lhs_hint = false} : vector<2048x512xbf16>, vector<512x512xbf16>, vector<2048x512xf32> -> vector<2048x512xf32>
    %reshape3A_48 = vector.shape_cast %dot_general3A_47 : vector<2048x512xf32> to vector<64x32x512xf32>
    %swap3A_49 = arith.constant 192 : index
    %swap3A_50 = arith.constant 0 : index
    %swap3A_51 = arith.constant 0 : index
    %swap3A_52 = vector.load %arg4[%swap3A_49, %swap3A_50, %swap3A_51] : memref<448x32x512xf32, #tpu.memory_space<vmem>>, vector<64x32x512xf32>
    tpu.vector_store %arg4[%swap3A_49, %swap3A_50, %swap3A_51], %reshape3A_48 {strides = array<i32>} : memref<448x32x512xf32, #tpu.memory_space<vmem>>, vector<64x32x512xf32>,
    %eq3A_53 = arith.constant 5 : i32
    %eq3A_54 = vector.broadcast %eq3A_53 : i32 to vector<512x512xi32>
    %eq3A_55 = arith.cmpi eq, %get3A_1, %eq3A_54 : vector<512x512xi32>
    %convert_element_type3A_56 = arith.extui %eq3A_55 : vector<512x512xi1> to vector<512x512xi32>
    %convert_element_type3A_57 = arith.sitofp %convert_element_type3A_56 : vector<512x512xi32> to vector<512x512xf32>
    %convert_element_type3A_58 = arith.truncf %convert_element_type3A_57 : vector<512x512xf32> to vector<512x512xbf16>
    %dot_general3A_59 = arith.constant dense<0.000000e+00> : vector<2048x512xf32>
    %dot_general3A_60 = tpu.matmul %convert_element_type3A, %convert_element_type3A_58, %dot_general3A_59 {dimension_numbers = #tpu.dot_dimension_numbers<[1], [0], [0], [1], [0, 0, 1, 1], [], []>, transpose_lhs_hint = false} : vector<2048x512xbf16>, vector<512x512xbf16>, vector<2048x512xf32> -> vector<2048x512xf32>
    %reshape3A_61 = vector.shape_cast %dot_general3A_60 : vector<2048x512xf32> to vector<64x32x512xf32>
    %swap3A_62 = arith.constant 256 : index
    %swap3A_63 = arith.constant 0 : index
    %swap3A_64 = arith.constant 0 : index
    %swap3A_65 = vector.load %arg4[%swap3A_62, %swap3A_63, %swap3A_64] : memref<448x32x512xf32, #tpu.memory_space<vmem>>, vector<64x32x512xf32>
    tpu.vector_store %arg4[%swap3A_62, %swap3A_63, %swap3A_64], %reshape3A_61 {strides = array<i32>} : memref<448x32x512xf32, #tpu.memory_space<vmem>>, vector<64x32x512xf32>,
    %eq3A_66 = arith.constant 6 : i32
    %eq3A_67 = vector.broadcast %eq3A_66 : i32 to vector<512x512xi32>
    %eq3A_68 = arith.cmpi eq, %get3A_1, %eq3A_67 : vector<512x512xi32>
    %convert_element_type3A_69 = arith.extui %eq3A_68 : vector<512x512xi1> to vector<512x512xi32>
    %convert_element_type3A_70 = arith.sitofp %convert_element_type3A_69 : vector<512x512xi32> to vector<512x512xf32>
    %convert_element_type3A_71 = arith.truncf %convert_element_type3A_70 : vector<512x512xf32> to vector<512x512xbf16>
    %dot_general3A_72 = arith.constant dense<0.000000e+00> : vector<2048x512xf32>
    %dot_general3A_73 = tpu.matmul %convert_element_type3A, %convert_element_type3A_71, %dot_general3A_72 {dimension_numbers = #tpu.dot_dimension_numbers<[1], [0], [0], [1], [0, 0, 1, 1], [], []>, transpose_lhs_hint = false} : vector<2048x512xbf16>, vector<512x512xbf16>, vector<2048x512xf32> -> vector<2048x512xf32>
    %reshape3A_74 = vector.shape_cast %dot_general3A_73 : vector<2048x512xf32> to vector<64x32x512xf32>
    %swap3A_75 = arith.constant 320 : index
    %swap3A_76 = arith.constant 0 : index
    %swap3A_77 = arith.constant 0 : index
    %swap3A_78 = vector.load %arg4[%swap3A_75, %swap3A_76, %swap3A_77] : memref<448x32x512xf32, #tpu.memory_space<vmem>>, vector<64x32x512xf32>
    tpu.vector_store %arg4[%swap3A_75, %swap3A_76, %swap3A_77], %reshape3A_74 {strides = array<i32>} : memref<448x32x512xf32, #tpu.memory_space<vmem>>, vector<64x32x512xf32>,
    %eq3A_79 = arith.constant 7 : i32
    %eq3A_80 = vector.broadcast %eq3A_79 : i32 to vector<512x512xi32>
    %eq3A_81 = arith.cmpi eq, %get3A_1, %eq3A_80 : vector<512x512xi32>
    %convert_element_type3A_82 = arith.extui %eq3A_81 : vector<512x512xi1> to vector<512x512xi32>
    %convert_element_type3A_83 = arith.sitofp %convert_element_type3A_82 : vector<512x512xi32> to vector<512x512xf32>
    %convert_element_type3A_84 = arith.truncf %convert_element_type3A_83 : vector<512x512xf32> to vector<512x512xbf16>
    %dot_general3A_85 = arith.constant dense<0.000000e+00> : vector<2048x512xf32>
    %dot_general3A_86 = tpu.matmul %convert_element_type3A, %convert_element_type3A_84, %dot_general3A_85 {dimension_numbers = #tpu.dot_dimension_numbers<[1], [0], [0], [1], [0, 0, 1, 1], [], []>, transpose_lhs_hint = false} : vector<2048x512xbf16>, vector<512x512xbf16>, vector<2048x512xf32> -> vector<2048x512xf32>
    %reshape3A_87 = vector.shape_cast %dot_general3A_86 : vector<2048x512xf32> to vector<64x32x512xf32>
    %swap3A_88 = arith.constant 384 : index
    %swap3A_89 = arith.constant 0 : index
    %swap3A_90 = arith.constant 0 : index
    %swap3A_91 = vector.load %arg4[%swap3A_88, %swap3A_89, %swap3A_90] : memref<448x32x512xf32, #tpu.memory_space<vmem>>, vector<64x32x512xf32>
    tpu.vector_store %arg4[%swap3A_88, %swap3A_89, %swap3A_90], %reshape3A_87 {strides = array<i32>} : memref<448x32x512xf32, #tpu.memory_space<vmem>>, vector<64x32x512xf32>,
    %get3A_92 = arith.constant 0 : index
    %get3A_93 = arith.constant 0 : index
    %get3A_94 = arith.constant 0 : index
    %get3A_95 = vector.load %arg4[%get3A_92, %get3A_93, %get3A_94] : memref<448x32x512xf32, #tpu.memory_space<vmem>>, vector<448x32x512xf32>
    %reshape3A_96 = vector.shape_cast %get3A_95 : vector<448x32x512xf32> to vector<448x16384xf32>
    %get3A_97 = arith.constant 0 : index
    %get3A_98 = arith.constant 0 : index
    %get3A_99 = vector.load %arg2[%get3A_97, %get3A_98] : memref<96x448xf32, #tpu.memory_space<vmem>>, vector<96x448xf32>
    %dot_general3A_100 = arith.constant dense<0.000000e+00> : vector<96x16384xf32>
    %dot_general3A_101 = tpu.matmul %get3A_99, %reshape3A_96, %dot_general3A_100 {dimension_numbers = #tpu.dot_dimension_numbers<[1], [0], [0], [1], [0, 0, 1, 1], [], []>, transpose_lhs_hint = false} : vector<96x448xf32>, vector<448x16384xf32>, vector<96x16384xf32> -> vector<96x16384xf32>
    %convert_element_type3A_102 = arith.fptosi %dot_general3A_101 : vector<96x16384xf32> to vector<96x16384xi32>
    %iota3A = tpu.iota {dimensions = array<i32: 1>} : vector<96x16384xi32>
    %and3A = arith.constant 511 : i32
    %and3A_103 = vector.broadcast %and3A : i32 to vector<96x16384xi32>
    %and3A_104 = arith.andi %iota3A, %and3A_103 : vector<96x16384xi32>
    %mul3A = arith.constant 512 : i32
    %mul3A_105 = vector.broadcast %mul3A : i32 to vector<96x16384xi32>
    %mul3A_106 = arith.muli %convert_element_type3A_102, %mul3A_105 : vector<96x16384xi32>
    %sub3A = arith.constant 511 : i32
    %sub3A_107 = vector.broadcast %sub3A : i32 to vector<96x16384xi32>
    %sub3A_108 = arith.subi %sub3A_107, %and3A_104 : vector<96x16384xi32>
    %add3A = arith.addi %mul3A_106, %sub3A_108 : vector<96x16384xi32>
    %reshape3A_109 = vector.shape_cast %add3A : vector<96x16384xi32> to vector<96x32x512xi32>
    %reduce_max3A = arith.constant dense<-2147483648> : vector<96x32xi32>
    %reduce_max3A_110 = vector.multi_reduction <maxsi>, %reshape3A_109, %reduce_max3A [2] : vector<96x32x512xi32> to vector<96x32xi32>
    %swap3A_111 = arith.constant 0 : index
    %swap3A_112 = arith.constant 0 : index
    %swap3A_113 = vector.load %arg3[%swap3A_111, %swap3A_112] : memref<96x32xi32, #tpu.memory_space<vmem>>, vector<96x32xi32>
    tpu.vector_store %arg3[%swap3A_111, %swap3A_112], %reduce_max3A_110 {strides = array<i32>} : memref<96x32xi32, #tpu.memory_space<vmem>>, vector<96x32xi32>,
    return
  }
}

</mosaic_0001>

<sc_bundles>
// kernel: kernel.4.cloned.1.call-start
scs
__scs_entry_jumppad:
0x0: {  	(pc) =	sbr.rel $0x88, $3  }
0x1: {  	(tag) =	ssettag $0x0;
	lr =	simm.s32 $0x1  }
0x2: {  	[smem:$0x3F9F] =	sst lr;
	_ =	strace $0xD0000000  }
0x3: {  	_ = 	snop  }
0x4: {  	_ = 	snop  }
0x5: {  	_ = 	snop  }
0x6: {  	_ = 	snop  }
0x7: {  	_ = 	snop  }
__scs_overlays_trampoline_lowered:
0x8: {  	[smem:$0x3FAE] =	sst s0  }
0x9: {  	[smem:$0x3FAF] =	sst s1  }
0xa: {  	[smem:$0x3FB0] =	sst s2  }
0xb: {  	[smem:$0x3FB1] =	sst s3  }
0xc: {  	[smem:$0x3FB2] =	sst s4  }
0xd: {  	[smem:$0x3FB3] =	sst s5  }
0xe: {  	[smem:$0x3FB4] =	sst s6  }
0xf: {  	[smem:$0x3FB5] =	sst s7  }
0x10: {  	[smem:$0x3FB6] =	sst s8  }
0x11: {  	[smem:$0x3FB7] =	sst s9;
	s0 =	simm.s32 @!p0 $0x0  }
0x12: {  	s1 =	sld [smem:$0x3F9D];
	s0 =	simm.s32 @p0 $0x1  }
0x13: {  	[smem:$0x3FB8] =	sst s0;
	s0 =	simm.s32 @!p1 $0x0  }
0x14: {  	s2 =	sld [smem:$0x3F9C];
	s0 =	simm.s32 @p1 $0x1  }
0x15: {  	[smem:$0x3FB9] =	sst s0;
	s0 =	simm.s32 @!p2 $0x0  }
0x16: {  	s3 =	sld [smem:$0x3FDB];
	s0 =	simm.s32 @p2 $0x1  }
0x17: {  	s4 =	simm.s32 $0x1BF5;
	[smem:$0x3FBB] =	sst s0  }
0x18: {  	s0 =	sld [smem:$0x3F9E];
	_ =	swait.ge [sflag:s4], $0x0  }
0x19: {  	s7 =	sld [smem:$0x3F9F]  }
0x1a: {  	s8 =	sadd.s32 $0xFFFFE003, lr  }
0x1b: {  	s9 =	sadd.s32 $0xFFFFFEF7, lr;
	s5 =	simm.s32 $0xFFFFFFFF;
	p2 =	slt.u32 s8, $0xFFFFF086  }
0x1c: {  	p1 =	slt.u32 s9, $0xF7A;
	s5 =	simm.s32 @!p2 $0x0  }
0x1d: {  	s5 =	simm.s32 @p1 $0x1;
	p0 =	seq.s32 s7, s2  }
0x1e: {  	s7 =	smul.u32 @!p0 $0xF7A, s2;
	p2 =	seq.s32 @!p0 s5, $0x0  }
0x1f: {  	s9 =	smul.u32 $0xF7A, s1;
	s8 =	simm.s32 @!p0 $0x1BF5;
	p2 =	por !p2, p0  }
0x20: {  	[sflag:s8] =	ssyncset.s32 @!p0 $0xFFFFF086;
	s6 =	sadd.s32 @!p0 s3, s7;
	s7 =	simm.s32 @!p0 $0x108  }
0x21: {  	s3 =	sadd.s32 s3, s9;
	s6 =	sadd.s32 @!p0 $0x88, s6;
	s7 =	simm.s32 @p2 $0x1082  }
0x22: {  	[simem:s7], [sflag:s8] =	dma.local @!p0 [hbm:s6], $0xF7A  }
0x23: {  	s9 =	sor.u32 $0xD0000000, s2;
	s6 =	simm.s32 $0x108;
	_ =	swait.ge @!p0 [sflag:s8], $0x0  }
0x24: {  	s3 =	sadd.s32 $0x88, s3;
	s6 =	simm.s32 @!p1 $0x1082;
	[sflag:s4] =	ssyncset.s32 $0xFFFFF086  }
0x25: {  	[simem:s6], [sflag:s4] =	dma.local [hbm:s3], $0xF7A  }
0x26: {  	[smem:$0x3F9F] =	sst s1;
	(tag) =	ssettag s2;
	_ =	strace s9  }
0x27: {  	s1 =	sld [smem:$0x3FAF]  }
0x28: {  	s2 =	sld [smem:$0x3FB0]  }
0x29: {  	s4 =	sld [smem:$0x3FB2]  }
0x2a: {  	p0 =	seq.s32 s5, $0x0;
	s5 =	sld [smem:$0x3FB3]  }
0x2b: {  	s6 =	sld [smem:$0x3FB4]  }
0x2c: {  	s7 =	sld [smem:$0x3FB5]  }
0x2d: {  	s3 =	simm.s32 $0x108;
	s8 =	sld [smem:$0x3FB6]  }
0x2e: {  	s3 =	simm.s32 @!p0 $0x1082;
	s9 =	sld [smem:$0x3FB7]  }
0x2f: {  	lr =	sadd.s32 s0, s3;
	s0 =	sld [smem:$0x3FAE]  }
0x30: {  	s3 =	sld [smem:$0x3FB1]  }
0x31: {  	[smem:$0x3FBA] =	sst s10  }
0x32: {  	s10 =	sld [smem:$0x3FB8];
	_ =	sdelay $0x3  }
0x33: {  	p0 =	seq.s32 s10, $0x1;
	s10 =	sld [smem:$0x3FBA];
	_ =	sdelay $0x3  }
0x34: {  	[smem:$0x3FBA] =	sst s10  }
0x35: {  	s10 =	sld [smem:$0x3FB9];
	_ =	sdelay $0x3  }
0x36: {  	p1 =	seq.s32 s10, $0x1;
	s10 =	sld [smem:$0x3FBA];
	_ =	sdelay $0x3  }
0x37: {  	[smem:$0x3FBA] =	sst s10  }
0x38: {  	s10 =	sld [smem:$0x3FBB]  }
0x39: {  	_ = 	snop;
	(pc) =	sbr.ind lr, $3  }
0x3a: {  	_ = 	snop  }
0x3b: {  	_ = 	snop  }
0x3c: {  	p2 =	seq.s32 s10, $0x1;
	s10 =	sld [smem:$0x3FBA]  }
0x3d: {  	_ =	shalt  }
0x3e: {  	_ =	shalt  }
0x3f: {  	_ =	shalt  }
0x40: {  	_ =	shalt  }
0x41: {  	_ =	shalt  }
0x42: {  	_ =	shalt  }
0x43: {  	_ =	shalt  }
0x44: {  	_ =	shalt  }
0x45: {  	_ =	shalt  }
0x46: {  	_ =	shalt  }
0x47: {  	_ =	shalt  }
0x48: {  	_ =	shalt  }
0x49: {  	_ =	shalt  }
0x4a: {  	_ =	shalt  }
0x4b: {  	_ =	shalt  }
0x4c: {  	_ =	shalt  }
0x4d: {  	_ =	shalt  }
0x4e: {  	_ =	shalt  }
0x4f: {  	_ =	shalt  }
0x50: {  	_ =	shalt  }
0x51: {  	_ =	shalt  }
0x52: {  	_ =	shalt  }
0x53: {  	_ =	shalt  }
0x54: {  	_ =	shalt  }
0x55: {  	_ =	shalt  }
0x56: {  	_ =	shalt  }
0x57: {  	_ =	shalt  }
0x58: {  	_ =	shalt  }
0x59: {  	_ =	shalt  }
0x5a: {  	_ =	shalt  }
0x5b: {  	_ =	shalt  }
0x5c: {  	_ =	shalt  }
0x5d: {  	_ =	shalt  }
0x5e: {  	_ =	shalt  }
0x5f: {  	_ =	shalt  }
0x60: {  	_ =	shalt  }
0x61: {  	_ =	shalt  }
0x62: {  	_ =	shalt  }
0x63: {  	_ =	shalt  }
0x64: {  	_ =	shalt  }
0x65: {  	_ =	shalt  }
0x66: {  	_ =	shalt  }
0x67: {  	_ =	shalt  }
0x68: {  	_ =	shalt  }
0x69: {  	_ =	shalt  }
0x6a: {  	_ =	shalt  }
0x6b: {  	_ =	shalt  }
0x6c: {  	_ =	shalt  }
0x6d: {  	_ =	shalt  }
0x6e: {  	_ =	shalt  }
0x6f: {  	_ =	shalt  }
0x70: {  	_ =	shalt  }
0x71: {  	_ =	shalt  }
0x72: {  	_ =	shalt  }
0x73: {  	_ =	shalt  }
0x74: {  	_ =	shalt  }
0x75: {  	_ =	shalt  }
0x76: {  	_ =	shalt  }
0x77: {  	_ =	shalt  }
0x78: {  	_ =	shalt  }
0x79: {  	_ =	shalt  }
0x7a: {  	_ =	shalt  }
0x7b: {  	_ =	shalt  }
0x7c: {  	_ =	shalt  }
0x7d: {  	_ =	shalt  }
0x7e: {  	_ =	shalt  }
0x7f: {  	_ =	shalt  }
0x80: {  	_ =	shalt  }
0x81: {  	_ =	shalt  }
0x82: {  	_ =	shalt  }
0x83: {  	_ =	shalt  }
0x84: {  	_ =	shalt  }
0x85: {  	_ =	shalt  }
0x86: {  	_ =	shalt  }
0x87: {  	_ =	shalt  }
.Lfunc_end0:
.L_simem_size_0:
called_computation_lowered:
.L_overlay_start_0:
0x88: {  	s2 =	sld [smem:$0x3FD9]  }
0x89: {  	s3 =	sld [smem:$0x3FFE];
	_ =	sdelay $0x1  }
0x8a: {  	s1 =	srdreg.scid  }
0x8b: {  	s0 =	sand.u32 $0x1, s1  }
0x8c: {  	s17 =	sshll.u32 s0, $0xA;
	s2 =	sadd.s32 s3, s2  }
0x8d: {  	s2 =	sadd.s32 s2, s17  }
0x8e: {  	[smem:$0x3FC6] =	sst s2  }
0x8f: {  	_ = 	snop  }
0x90: {  	s2 =	sld [smem:$0x3FD0];
	(tm) =	ssettm $0x1  }
0x91: {  	s18 =	sld [smem:$0x3FFB];
	_ =	sdelay $0x3  }
0x92: {  	_ =	strace s18  }
0x93: {  	s3 =	sld [smem:$0x3FFC];
	_ =	sdelay $0x3  }
0x94: {  	_ =	strace s3  }
0x95: {  	s3 =	sld [smem:$0x3FFD];
	_ =	sdelay $0x3  }
0x96: {  	_ =	strace s3  }
0x97: {  	_ =	strace $0x8FFFFFFF  }
0x98: {  	s19 =	sld [smem:$0x3FDB];
	_ =	sdelay $0x1  }
0x99: {  	s4 =	simm.s32 $_scs_section_size  }
0x9a: {  	s5 =	simm.s32 $_size__tile_overlayer_lowered;
	s6 =	simm.s32 $_tile_overlayer_lowered  }
0x9b: {  	s22 =	simm.s32 $0x1BFF;
	s21 =	sshll.u32 s6, $0x1;
	s3 =	sadd.s32 s4, s19  }
0x9c: {  	s7 =	simm.s32 $0x0;
	s20 =	sshll.u32 s5, $0x1;
	s5 =	sadd.s32 s21, s3  }
0x9d: {  	[timem:s7], [sflag:s22] =	dma.local [hbm:s5], s20  }
0x9e: {  	_ =	swait.ge [sflag:s22], s20  }
0x9f: {  	s4 =	ssub.s32 $0x0, s20;
	[sflag:s22] =	ssyncset.done $0x0  }
0xa0: {  	[sflag:s22] =	ssyncadd.s32 s4;
	_ =	sdelay $0x1  }
0xa1: {  	s23 =	simm.s32 $0x1B8B  }
0xa2: {  	_ =	swait.ge [sflag:s23], $0x1  }
0xa3: {  	[sflag:s23] =	ssyncset.done $0x0  }
0xa4: {  	s25 =	simm.s32 $0x1B8E;
	s24 =	sld [smem:$0x3FFE];
	[sflag:s23] =	ssyncadd.s32 $0xFFFFFFFF  }
0xa5: {  	s26 =	simm.s32 $execute0_lowered;
	[smem:$0x3FD2] =	sst s25  }
0xa6: {  	s5 =	sshll.u32 s26, $0x1;
	_ =	strace $0x80000046;
	[dreg:$0x1] =	wrdreg $0xFFFFFFFF  }
0xa7: {  	s28 =	simm.s32 $_size_execute0_lowered;
	s3 =	sadd.s32 s3, s5;
	[dreg:$0x0] =	wrdreg $0x0  }
0xa8: {  	s5 =	sshll.u32 s28, $0x1;
	[dreg:$0x2] =	wrdreg s3  }
0xa9: {  	[dreg:$0x3] =	wrdreg s5  }
0xaa: {  	[dreg:$0x4] =	wrdreg $0xC0  }
0xab: {  	_ =	task [dreg:s7], $0x5FFFF  }
0xac: {  	[dreg:$0x1] =	wrdreg $0xFFFFFFFF  }
0xad: {  	[dreg:$0x0] =	wrdreg $0x60  }
0xae: {  	[dreg:$0x2] =	wrdreg s24  }
0xaf: {  	[dreg:$0x3] =	wrdreg s2  }
0xb0: {  	[dreg:$0x4] =	wrdreg $0x9  }
0xb1: {  	_ =	task.clear_ibuf [dreg:s7], $0x5FFFF;
	_ =	strace $0x90000046  }
0xb2: {  	s29 =	simm.s32 $0x9;
	_ =	strace $0x80000048  }
0xb3: {  	_ =	swait.ge [sflag:s29], $0x1  }
0xb4: {  	[sflag:s29] =	ssyncadd.s32 $0xFFFFFFFF  }
0xb5: {  	_ =	strace $0x90000048  }
0xb6: {  	_ =	sfence  }
0xb7: {  	s30 =	sld [smem:$0x0];
	_ =	sdelay $0x2  }
0xb8: {  	s31 =	sshll.u32 s1, $0xD;
	s1 =	sshrl.u32 s1, $0x2  }
0xb9: {  	s3 =	sand.u32 $0x4000, s31;
	s1 =	sadd.s32 s1, s30  }
0xba: {  	s0 =	sor.u32 s3, s0;
	s1 =	sshll.u32 s1, $0x11  }
0xbb: {  	s0 =	sor.u32 s1, s0  }
0xbc: {  	s0 =	sadd.s32 $0x8F2B, s0  }
0xbd: {  	[sflag:s0] =	ssyncadd.remote.s32 $0x1  }
0xbe: {  	_ =	sfence.sel $0xFFFF  }
0xbf: {  	[dreg:$0x0] =	wrdreg $0xFFFFFFFF;
	(pc) =	sbr.abs _section_cstart, $3  }
0xc0: {  	[dreg:$0x1] =	wrdreg $0xFFFFFFFF  }
0xc1: {  	_ =	task.clear_ibuf [dreg:s7], $0x2FFFF;
	_ =	strace $0x9FFFFFFF  }
0xc2: {  	(tm) =	ssettm $0x7FFFFFFF  }
0xc3: {  	_ =	shalt  }
tec
execute0_lowered:
.L_overlay_start_1:
0x0: {  	(tag) =	ssettag $0x1  }
0x1: {  	v0 =	vlaneseq.u32  }
0x2: {  	v1 =	vmul.u32 $0x60, v0  }
0x3: {  	v2 =	vimm.s32 $0x0;
	v4 =	vimm.s32 $0x1  }
0x4: {  	v3 =	vor.u32 $0x1, v1;
	v8 =	vor.u32 $0x5, v1;
	v9 =	vor.u32 $0x6, v1  }
0x5: {  	v10 =	vor.u32 $0x7, v1;
	v11 =	vor.u32 $0x8, v1;
	v12 =	vor.u32 $0x9, v1  }
0x6: {  	v13 =	vor.u32 $0xA, v1;
	v14 =	vor.u32 $0xB, v1;
	v15 =	vor.u32 $0xC, v1  }
0x7: {  	v16 =	vor.u32 $0xD, v1;
	v17 =	vor.u32 $0xE, v1;
	v18 =	vor.u32 $0xF, v1  }
0x8: {  	v19 =	vor.u32 $0x10, v1;
	v20 =	vor.u32 $0x11, v1;
	v21 =	vor.u32 $0x12, v1  }
0x9: {  	v22 =	vor.u32 $0x13, v1;
	v23 =	vor.u32 $0x14, v1;
	v24 =	vor.u32 $0x15, v1  }
0xa: {  	v25 =	vor.u32 $0x16, v1;
	v26 =	vor.u32 $0x17, v1;
	v27 =	vor.u32 $0x18, v1  }
0xb: {  	s4 =	rddreg [dreg:$0x0];
	v28 =	vor.u32 $0x19, v1;
	v29 =	vor.u32 $0x1A, v1;
	v30 =	vor.u32 $0x1B, v1  }
0xc: {  	s11 =	rddreg [dreg:$0x1];
	s2 =	srdreg.scid;
	v31 =	vor.u32 $0x1C, v1;
	v32 =	vor.u32 $0x1D, v1;
	v33 =	vor.u32 $0x1E, v1  }
0xd: {  	s0 =	rddreg [dreg:$0x2];
	s1 =	simm.s32 $0x0;
	s14 =	simm.s32 $0x3000;
	v34 =	vor.u32 $0x1F, v1;
	v35 =	vadd.s32 $0x20, v1;
	v36 =	vadd.s32 $0x21, v1  }
0xe: {  	s15 =	simm.s32 $0x3600;
	s16 =	simm.s32 $0x3C00;
	s17 =	simm.s32 $0x80;
	v37 =	vadd.s32 $0x22, v1;
	v38 =	vadd.s32 $0x23, v1;
	v39 =	vadd.s32 $0x24, v1  }
0xf: {  	s18 =	simm.s32 $0x400;
	s19 =	simm.s32 $0x0;
	s5 =	sand.u32 $0x1, s2;
	v40 =	vadd.s32 $0x25, v1;
	v41 =	vadd.s32 $0x26, v1;
	v42 =	vadd.s32 $0x27, v1  }
0x10: {  	[smem:$0x7FF] =	sst s1;
	s2 =	stileid.u32;
	s3 =	sshll.u32 s5, $0x4;
	v43 =	vadd.s32 $0x28, v1;
	v44 =	vadd.s32 $0x29, v1;
	v45 =	vadd.s32 $0x2A, v1  }
0x11: {  	s4 =	sadd.s32 $0xA00, s4;
	s7 =	ssub.s32 $0x2, s5;
	s6 =	sor.u32 s2, s3;
	v46 =	vadd.s32 $0x2B, v1;
	v47 =	vadd.s32 $0x2C, v1;
	v48 =	vadd.s32 $0x2D, v1  }
0x12: {  	s5 =	smul.u32 $0x60, s2;
	s10 =	sshll.u32 s2, $0x7;
	v49 =	vadd.s32 $0x2E, v1;
	v50 =	vadd.s32 $0x2F, v1;
	v51 =	vadd.s32 $0x30, v1;
	s6 =	sshrl.u32 s6, $0x3  }
0x13: {  	s8 =	sshrl.u32 s7, $0x1;
	s10 =	sand.u32 $0x380, s10;
	v52 =	vadd.s32 $0x31, v1;
	v53 =	vadd.s32 $0x32, v1;
	[tilespmem:$0x1FFC0] =	vst v3;
	v3 =	vor.u32 $0x2, v1;
	s9 =	smul.u32 $0x56000, s6  }
0x14: {  	v54 =	vadd.s32 $0x33, v1;
	v55 =	vadd.s32 $0x34, v1;
	s12 =	ssub.s32 s7, s8;
	s7 =	sadd.s32 $0x20, s5;
	s8 =	sadd.s32 $0x30, s5;
	[tilespmem:$0x1FFD0] =	vst v3;
	v3 =	vor.u32 $0x3, v1  }
0x15: {  	v56 =	vadd.s32 $0x35, v1;
	v57 =	vadd.s32 $0x36, v1;
	s6 =	sor.u32 $0x10, s5;
	s12 =	smax.u32 s12, $0x1;
	[tilespmem:$0x1FFE0] =	vst v3;
	v3 =	vor.u32 $0x4, v1;
	s13 =	sor.u32 s10, s9  }
0x16: {  	v58 =	vadd.s32 $0x37, v1;
	v59 =	vadd.s32 $0x38, v1;
	v60 =	vadd.s32 $0x39, v1;
	[tilespmem:$0x1FFF0] =	vst v3;
	s9 =	sadd.s32 $0x40, s5;
	s10 =	sadd.s32 $0x50, s5;
	s13 =	sshrl.u32 s13, $0x3  }
0x17: {  	v61 =	vadd.s32 $0x3A, v1;
	v62 =	vadd.s32 $0x3B, v1;
	v63 =	vadd.s32 $0x3C, v1;
	_ =	strace $0x80000047;
	s11 =	sadd.s32 s11, s13;
	s13 =	simm.s32 $0x1  }
.LBB2_1:
0x18: {  	[tilespmem:s1], [sflag:$0x1] =	stream.linear.gather [hbm4b:s4+s1], $0x3000, $0x38;
	[tilespmem:$0xE800] =	vst v63  }
0x19: {  	_ =	swait.ge [sflag:s13], $0x3000  }
0x1a: {  	[sflag:s13] =	ssyncset.done $0x0  }
0x1b: {  	s20 =	simm.s32 $0x0;
	s21 =	simm.s32 $0x200;
	[sflag:s13] =	ssyncadd.s32 $0xFFFFD000  }
.LBB2_2:
0x1c: {  	p0 =	sne.s32 s21, $0x2AE00;
	[tilespmem:s20+$0x3C70] =	vst v2  }
0x1d: {  	[tilespmem:s20+$0x3C00] =	vst v2  }
0x1e: {  	[tilespmem:s20+$0x3C10] =	vst v2  }
.Ltmp0:
0x1f: {  	[tilespmem:s20+$0x3C20] =	vst v2;
	(pc) =	sbr.rel @p0 .LBB2_2-.Ltmp0, $4  }
0x20: {  	[tilespmem:s20+$0x3C30] =	vst v2  }
0x21: {  	[tilespmem:s20+$0x3C40] =	vst v2  }
0x22: {  	[tilespmem:s20+$0x3C50] =	vst v2  }
0x23: {  	[tilespmem:s20+$0x3C60] =	vst v2;
	s20 =	sshra.s32 s21, $0x2;
	s21 =	sadd.s32 $0x200, s21  }
0x24: {  	[tilespmem:s20+$0x3C70] =	vst v2  }
0x25: {  	[tilespmem:s20+$0x3C00] =	vst v2  }
0x26: {  	[tilespmem:s20+$0x3C10] =	vst v2  }
0x27: {  	[tilespmem:s20+$0x3C20] =	vst v2  }
0x28: {  	[tilespmem:s20+$0x3C30] =	vst v2  }
0x29: {  	[tilespmem:s20+$0x3C40] =	vst v2  }
0x2a: {  	[tilespmem:s20+$0x3C50] =	vst v2  }
0x2b: {  	[tilespmem:s20+$0x3C60] =	vst v2  }
0x2c: {  	[tilespmem:$0x3000] =	vst v2  }
0x2d: {  	[tilespmem:$0x3600] =	vst v2  }
0x2e: {  	[tilespmem:$0x3010] =	vst v2  }
0x2f: {  	[tilespmem:$0x3610] =	vst v2  }
0x30: {  	[tilespmem:$0x3020] =	vst v2  }
0x31: {  	[tilespmem:$0x3620] =	vst v2  }
0x32: {  	[tilespmem:$0x3030] =	vst v2  }
0x33: {  	[tilespmem:$0x3630] =	vst v2  }
0x34: {  	[tilespmem:$0x3040] =	vst v2  }
0x35: {  	[tilespmem:$0x3640] =	vst v2  }
0x36: {  	[tilespmem:$0x3050] =	vst v2  }
0x37: {  	[tilespmem:$0x3650] =	vst v2  }
0x38: {  	[tilespmem:$0x3060] =	vst v2  }
0x39: {  	[tilespmem:$0x3660] =	vst v2  }
0x3a: {  	[tilespmem:$0x3070] =	vst v2  }
0x3b: {  	[tilespmem:$0x3670] =	vst v2  }
0x3c: {  	[tilespmem:$0x3080] =	vst v2  }
0x3d: {  	[tilespmem:$0x3680] =	vst v2  }
0x3e: {  	[tilespmem:$0x3090] =	vst v2  }
0x3f: {  	[tilespmem:$0x3690] =	vst v2  }
0x40: {  	[tilespmem:$0x30A0] =	vst v2  }
0x41: {  	[tilespmem:$0x36A0] =	vst v2  }
0x42: {  	[tilespmem:$0x30B0] =	vst v2  }
0x43: {  	[tilespmem:$0x36B0] =	vst v2  }
0x44: {  	[tilespmem:$0x30C0] =	vst v2  }
0x45: {  	[tilespmem:$0x36C0] =	vst v2  }
0x46: {  	[tilespmem:$0x30D0] =	vst v2  }
0x47: {  	[tilespmem:$0x36D0] =	vst v2  }
0x48: {  	[tilespmem:$0x30E0] =	vst v2  }
0x49: {  	[tilespmem:$0x36E0] =	vst v2  }
0x4a: {  	[tilespmem:$0x30F0] =	vst v2  }
0x4b: {  	[tilespmem:$0x36F0] =	vst v2  }
0x4c: {  	[tilespmem:$0x3100] =	vst v2  }
0x4d: {  	[tilespmem:$0x3700] =	vst v2  }
0x4e: {  	[tilespmem:$0x3110] =	vst v2  }
0x4f: {  	[tilespmem:$0x3710] =	vst v2  }
0x50: {  	[tilespmem:$0x3120] =	vst v2  }
0x51: {  	[tilespmem:$0x3720] =	vst v2  }
0x52: {  	[tilespmem:$0x3130] =	vst v2  }
0x53: {  	[tilespmem:$0x3730] =	vst v2  }
0x54: {  	[tilespmem:$0x3140] =	vst v2  }
0x55: {  	[tilespmem:$0x3740] =	vst v2  }
0x56: {  	[tilespmem:$0x3150] =	vst v2  }
0x57: {  	[tilespmem:$0x3750] =	vst v2  }
0x58: {  	[tilespmem:$0x3160] =	vst v2  }
0x59: {  	[tilespmem:$0x3760] =	vst v2  }
0x5a: {  	[tilespmem:$0x3170] =	vst v2  }
0x5b: {  	[tilespmem:$0x3770] =	vst v2  }
0x5c: {  	[tilespmem:$0x3180] =	vst v2  }
0x5d: {  	[tilespmem:$0x3780] =	vst v2  }
0x5e: {  	[tilespmem:$0x3190] =	vst v2  }
0x5f: {  	[tilespmem:$0x3790] =	vst v2  }
0x60: {  	[tilespmem:$0x31A0] =	vst v2  }
0x61: {  	[tilespmem:$0x37A0] =	vst v2  }
0x62: {  	[tilespmem:$0x31B0] =	vst v2  }
0x63: {  	[tilespmem:$0x37B0] =	vst v2  }
0x64: {  	[tilespmem:$0x31C0] =	vst v2  }
0x65: {  	[tilespmem:$0x37C0] =	vst v2  }
0x66: {  	[tilespmem:$0x31D0] =	vst v2  }
0x67: {  	[tilespmem:$0x37D0] =	vst v2  }
0x68: {  	[tilespmem:$0x31E0] =	vst v2  }
0x69: {  	[tilespmem:$0x37E0] =	vst v2  }
0x6a: {  	[tilespmem:$0x31F0] =	vst v2  }
0x6b: {  	[tilespmem:$0x37F0] =	vst v2  }
0x6c: {  	[tilespmem:$0x3200] =	vst v2  }
0x6d: {  	[tilespmem:$0x3800] =	vst v2  }
0x6e: {  	[tilespmem:$0x3210] =	vst v2  }
0x6f: {  	[tilespmem:$0x3810] =	vst v2  }
0x70: {  	[tilespmem:$0x3220] =	vst v2  }
0x71: {  	[tilespmem:$0x3820] =	vst v2  }
0x72: {  	[tilespmem:$0x3230] =	vst v2  }
0x73: {  	[tilespmem:$0x3830] =	vst v2  }
0x74: {  	[tilespmem:$0x3240] =	vst v2  }
0x75: {  	[tilespmem:$0x3840] =	vst v2  }
0x76: {  	[tilespmem:$0x3250] =	vst v2  }
0x77: {  	[tilespmem:$0x3850] =	vst v2  }
0x78: {  	[tilespmem:$0x3260] =	vst v2  }
0x79: {  	[tilespmem:$0x3860] =	vst v2  }
0x7a: {  	[tilespmem:$0x3270] =	vst v2  }
0x7b: {  	[tilespmem:$0x3870] =	vst v2  }
0x7c: {  	[tilespmem:$0x3280] =	vst v2  }
0x7d: {  	[tilespmem:$0x3880] =	vst v2  }
0x7e: {  	[tilespmem:$0x3290] =	vst v2  }
0x7f: {  	[tilespmem:$0x3890] =	vst v2  }
0x80: {  	[tilespmem:$0x32A0] =	vst v2  }
0x81: {  	[tilespmem:$0x38A0] =	vst v2  }
0x82: {  	[tilespmem:$0x32B0] =	vst v2  }
0x83: {  	[tilespmem:$0x38B0] =	vst v2  }
0x84: {  	[tilespmem:$0x32C0] =	vst v2  }
0x85: {  	[tilespmem:$0x38C0] =	vst v2  }
0x86: {  	[tilespmem:$0x32D0] =	vst v2  }
0x87: {  	[tilespmem:$0x38D0] =	vst v2  }
0x88: {  	[tilespmem:$0x32E0] =	vst v2  }
0x89: {  	[tilespmem:$0x38E0] =	vst v2  }
0x8a: {  	[tilespmem:$0x32F0] =	vst v2  }
0x8b: {  	[tilespmem:$0x38F0] =	vst v2  }
0x8c: {  	[tilespmem:$0x3300] =	vst v2  }
0x8d: {  	[tilespmem:$0x3900] =	vst v2  }
0x8e: {  	[tilespmem:$0x3310] =	vst v2  }
0x8f: {  	[tilespmem:$0x3910] =	vst v2  }
0x90: {  	[tilespmem:$0x3320] =	vst v2  }
0x91: {  	[tilespmem:$0x3920] =	vst v2  }
0x92: {  	[tilespmem:$0x3330] =	vst v2  }
0x93: {  	[tilespmem:$0x3930] =	vst v2  }
0x94: {  	[tilespmem:$0x3340] =	vst v2  }
0x95: {  	[tilespmem:$0x3940] =	vst v2  }
0x96: {  	[tilespmem:$0x3350] =	vst v2  }
0x97: {  	[tilespmem:$0x3950] =	vst v2  }
0x98: {  	[tilespmem:$0x3360] =	vst v2  }
0x99: {  	[tilespmem:$0x3960] =	vst v2  }
0x9a: {  	[tilespmem:$0x3370] =	vst v2  }
0x9b: {  	[tilespmem:$0x3970] =	vst v2  }
0x9c: {  	[tilespmem:$0x3380] =	vst v2  }
0x9d: {  	[tilespmem:$0x3980] =	vst v2  }
0x9e: {  	[tilespmem:$0x3390] =	vst v2  }
0x9f: {  	[tilespmem:$0x3990] =	vst v2  }
0xa0: {  	[tilespmem:$0x33A0] =	vst v2  }
0xa1: {  	[tilespmem:$0x39A0] =	vst v2  }
0xa2: {  	[tilespmem:$0x33B0] =	vst v2  }
0xa3: {  	[tilespmem:$0x39B0] =	vst v2  }
0xa4: {  	[tilespmem:$0x33C0] =	vst v2  }
0xa5: {  	[tilespmem:$0x39C0] =	vst v2  }
0xa6: {  	[tilespmem:$0x33D0] =	vst v2  }
0xa7: {  	[tilespmem:$0x39D0] =	vst v2  }
0xa8: {  	[tilespmem:$0x33E0] =	vst v2  }
0xa9: {  	[tilespmem:$0x39E0] =	vst v2  }
0xaa: {  	[tilespmem:$0x33F0] =	vst v2  }
0xab: {  	[tilespmem:$0x39F0] =	vst v2  }
0xac: {  	[tilespmem:$0x3400] =	vst v2  }
0xad: {  	[tilespmem:$0x3A00] =	vst v2  }
0xae: {  	[tilespmem:$0x3410] =	vst v2  }
0xaf: {  	[tilespmem:$0x3A10] =	vst v2  }
0xb0: {  	[tilespmem:$0x3420] =	vst v2  }
0xb1: {  	[tilespmem:$0x3A20] =	vst v2  }
0xb2: {  	[tilespmem:$0x3430] =	vst v2  }
0xb3: {  	[tilespmem:$0x3A30] =	vst v2  }
0xb4: {  	[tilespmem:$0x3440] =	vst v2  }
0xb5: {  	[tilespmem:$0x3A40] =	vst v2  }
0xb6: {  	[tilespmem:$0x3450] =	vst v2  }
0xb7: {  	[tilespmem:$0x3A50] =	vst v2  }
0xb8: {  	[tilespmem:$0x3460] =	vst v2  }
0xb9: {  	[tilespmem:$0x3A60] =	vst v2  }
0xba: {  	[tilespmem:$0x3470] =	vst v2  }
0xbb: {  	[tilespmem:$0x3A70] =	vst v2  }
0xbc: {  	[tilespmem:$0x3480] =	vst v2  }
0xbd: {  	[tilespmem:$0x3A80] =	vst v2  }
0xbe: {  	[tilespmem:$0x3490] =	vst v2  }
0xbf: {  	[tilespmem:$0x3A90] =	vst v2  }
0xc0: {  	[tilespmem:$0x34A0] =	vst v2  }
0xc1: {  	[tilespmem:$0x3AA0] =	vst v2  }
0xc2: {  	[tilespmem:$0x34B0] =	vst v2  }
0xc3: {  	[tilespmem:$0x3AB0] =	vst v2  }
0xc4: {  	[tilespmem:$0x34C0] =	vst v2  }
0xc5: {  	[tilespmem:$0x3AC0] =	vst v2  }
0xc6: {  	[tilespmem:$0x34D0] =	vst v2  }
0xc7: {  	[tilespmem:$0x3AD0] =	vst v2  }
0xc8: {  	[tilespmem:$0x34E0] =	vst v2  }
0xc9: {  	[tilespmem:$0x3AE0] =	vst v2  }
0xca: {  	[tilespmem:$0x34F0] =	vst v2  }
0xcb: {  	[tilespmem:$0x3AF0] =	vst v2  }
0xcc: {  	[tilespmem:$0x3500] =	vst v2  }
0xcd: {  	[tilespmem:$0x3B00] =	vst v2  }
0xce: {  	[tilespmem:$0x3510] =	vst v2  }
0xcf: {  	[tilespmem:$0x3B10] =	vst v2  }
0xd0: {  	[tilespmem:$0x3520] =	vst v2  }
0xd1: {  	[tilespmem:$0x3B20] =	vst v2  }
0xd2: {  	[tilespmem:$0x3530] =	vst v2  }
0xd3: {  	[tilespmem:$0x3B30] =	vst v2  }
0xd4: {  	[tilespmem:$0x3540] =	vst v2  }
0xd5: {  	[tilespmem:$0x3B40] =	vst v2  }
0xd6: {  	[tilespmem:$0x3550] =	vst v2  }
0xd7: {  	[tilespmem:$0x3B50] =	vst v2  }
0xd8: {  	[tilespmem:$0x3560] =	vst v2  }
0xd9: {  	[tilespmem:$0x3B60] =	vst v2  }
0xda: {  	[tilespmem:$0x3570] =	vst v2  }
0xdb: {  	[tilespmem:$0x3B70] =	vst v2  }
0xdc: {  	[tilespmem:$0x3580] =	vst v2  }
0xdd: {  	[tilespmem:$0x3B80] =	vst v2  }
0xde: {  	[tilespmem:$0x3590] =	vst v2  }
0xdf: {  	[tilespmem:$0x3B90] =	vst v2  }
0xe0: {  	[tilespmem:$0x35A0] =	vst v2  }
0xe1: {  	[tilespmem:$0x3BA0] =	vst v2  }
0xe2: {  	[tilespmem:$0x35B0] =	vst v2  }
0xe3: {  	[tilespmem:$0x3BB0] =	vst v2  }
0xe4: {  	[tilespmem:$0x35C0] =	vst v2  }
0xe5: {  	[tilespmem:$0x3BC0] =	vst v2  }
0xe6: {  	[tilespmem:$0x35D0] =	vst v2  }
0xe7: {  	[tilespmem:$0x3BD0] =	vst v2  }
0xe8: {  	[tilespmem:$0x35E0] =	vst v2  }
0xe9: {  	[tilespmem:$0x3BE0] =	vst v2  }
0xea: {  	[tilespmem:$0x35F0] =	vst v2  }
0xeb: {  	[tilespmem:$0x3BF0] =	vst v2  }
0xec: {  	v3 =	vld [tilespmem:s3+$0x0];
	_ =	sdelay $0x4  }
0xed: {  	vm0 =	vgt.s32 v3, $0x401FF  }
0xee: {  	v5 =	vsel vm0, $0x1, v2  }
0xef: {  	v6 =	vandn.u32 $0x1FF, v3;
	[tilespmem:v1+s14+$0x0] =	vst.idx.msk $0xffff, v5  }
0xf0: {  	[tilespmem:v1+s15+$0x0] =	vst.idx.msk $0xffff, v6;
	v6 =	vld [tilespmem:$0x1FFC0]  }
0xf1: {  	v5 =	vld [tilespmem:s3+$0x80];
	_ =	sdelay $0x4  }
0xf2: {  	vm1 =	vle.s32 v3, $0x401FF;
	vm2 =	vgt.s32 v5, $0x401FF  }
0xf3: {  	vm1 =	vmand vm2, vm1  }
0xf4: {  	v3 =	vsel vm1, $0x1, v2  }
0xf5: {  	v5 =	vandn.u32 $0x1FF, v5;
	[tilespmem:v6+s14+$0x0] =	vst.idx.msk $0xffff, v3  }
0xf6: {  	v7 =	vld [tilespmem:$0x1FFD0];
	[tilespmem:v6+s15+$0x0] =	vst.idx.msk $0xffff, v5  }
0xf7: {  	v3 =	vld [tilespmem:s3+$0x100];
	_ =	sdelay $0x2  }
0xf8: {  	v5 =	vsel vm0, $0x15, v2;
	v6 =	vsel vm1, $0x16, v2  }
0xf9: {  	v5 =	vadd.s32 v5, v6  }
0xfa: {  	vm5 =	vlt.u32 v5, $0x2;
	vm4 =	vgt.s32 v3, $0x401FF  }
0xfb: {  	vm0 =	vmand vm4, vm5  }
0xfc: {  	v6 =	vsel vm0, $0x1, v2  }
0xfd: {  	v3 =	vandn.u32 $0x1FF, v3;
	[tilespmem:v7+s14+$0x0] =	vst.idx.msk $0xffff, v6  }
0xfe: {  	[tilespmem:v7+s15+$0x0] =	vst.idx.msk $0xffff, v3;
	v7 =	vld [tilespmem:$0x1FFE0]  }
0xff: {  	v3 =	vld [tilespmem:s3+$0x180];
	_ =	sdelay $0x1  }
0x100: {  	v5 =	vmax.u32 v5, $0x1  }
0x101: {  	v5 =	vsub.s32 v5, v4;
	v6 =	vsel vm0, $0x16, v2  }
0x102: {  	v5 =	vadd.s32 v5, v6  }
0x103: {  	vm7 =	vlt.u32 v5, $0x2;
	vm6 =	vgt.s32 v3, $0x401FF  }
0x104: {  	vm0 =	vmand vm6, vm7  }
0x105: {  	v6 =	vsel vm0, $0x1, v2  }
0x106: {  	v3 =	vandn.u32 $0x1FF, v3;
	[tilespmem:v7+s14+$0x0] =	vst.idx.msk $0xffff, v6  }
0x107: {  	[tilespmem:v7+s15+$0x0] =	vst.idx.msk $0xffff, v3;
	v7 =	vld [tilespmem:$0x1FFF0]  }
0x108: {  	v3 =	vld [tilespmem:s3+$0x200];
	_ =	sdelay $0x1  }
0x109: {  	v5 =	vmax.u32 v5, $0x1  }
0x10a: {  	v5 =	vsub.s32 v5, v4;
	v6 =	vsel vm0, $0x16, v2  }
0x10b: {  	v5 =	vadd.s32 v5, v6  }
0x10c: {  	vm9 =	vlt.u32 v5, $0x2;
	vm8 =	vgt.s32 v3, $0x401FF  }
0x10d: {  	vm0 =	vmand vm8, vm9  }
0x10e: {  	v6 =	vsel vm0, $0x1, v2  }
0x10f: {  	v3 =	vandn.u32 $0x1FF, v3;
	[tilespmem:v7+s14+$0x0] =	vst.idx.msk $0xffff, v6  }
0x110: {  	[tilespmem:v7+s15+$0x0] =	vst.idx.msk $0xffff, v3  }
0x111: {  	v3 =	vld [tilespmem:s3+$0x280];
	_ =	sdelay $0x1  }
0x112: {  	v5 =	vmax.u32 v5, $0x1  }
0x113: {  	v5 =	vsub.s32 v5, v4;
	v6 =	vsel vm0, $0x16, v2  }
0x114: {  	v5 =	vadd.s32 v5, v6  }
0x115: {  	vm11 =	vlt.u32 v5, $0x2;
	vm10 =	vgt.s32 v3, $0x401FF  }
0x116: {  	vm0 =	vmand vm10, vm11  }
0x117: {  	v6 =	vsel vm0, $0x1, v2  }
0x118: {  	v3 =	vandn.u32 $0x1FF, v3;
	[tilespmem:v8+s14+$0x0] =	vst.idx.msk $0xffff, v6  }
0x119: {  	[tilespmem:v8+s15+$0x0] =	vst.idx.msk $0xffff, v3  }
0x11a: {  	v3 =	vld [tilespmem:s3+$0x300];
	_ =	sdelay $0x1  }
0x11b: {  	v5 =	vmax.u32 v5, $0x1  }
0x11c: {  	v5 =	vsub.s32 v5, v4;
	v6 =	vsel vm0, $0x16, v2  }
0x11d: {  	v5 =	vadd.s32 v5, v6  }
0x11e: {  	vm13 =	vlt.u32 v5, $0x2;
	vm12 =	vgt.s32 v3, $0x401FF  }
0x11f: {  	vm0 =	vmand vm12, vm13  }
0x120: {  	v6 =	vsel vm0, $0x1, v2  }
0x121: {  	v3 =	vandn.u32 $0x1FF, v3;
	[tilespmem:v9+s14+$0x0] =	vst.idx.msk $0xffff, v6  }
0x122: {  	[tilespmem:v9+s15+$0x0] =	vst.idx.msk $0xffff, v3  }
0x123: {  	v3 =	vld [tilespmem:s3+$0x380];
	_ =	sdelay $0x1  }
0x124: {  	v5 =	vmax.u32 v5, $0x1  }
0x125: {  	v5 =	vsub.s32 v5, v4;
	v6 =	vsel vm0, $0x16, v2  }
0x126: {  	v5 =	vadd.s32 v5, v6  }
0x127: {  	vm15 =	vlt.u32 v5, $0x2;
	vm14 =	vgt.s32 v3, $0x401FF  }
0x128: {  	vm0 =	vmand vm14, vm15  }
0x129: {  	v6 =	vsel vm0, $0x1, v2  }
0x12a: {  	v3 =	vandn.u32 $0x1FF, v3;
	[tilespmem:v10+s14+$0x0] =	vst.idx.msk $0xffff, v6  }
0x12b: {  	[tilespmem:v10+s15+$0x0] =	vst.idx.msk $0xffff, v3  }
0x12c: {  	v3 =	vld [tilespmem:s3+$0x400];
	_ =	sdelay $0x1  }
0x12d: {  	v5 =	vmax.u32 v5, $0x1  }
0x12e: {  	v5 =	vsub.s32 v5, v4;
	v6 =	vsel vm0, $0x16, v2  }
0x12f: {  	v5 =	vadd.s32 v5, v6  }
0x130: {  	vm5 =	vlt.u32 v5, $0x2;
	vm4 =	vgt.s32 v3, $0x401FF  }
0x131: {  	vm0 =	vmand vm4, vm5  }
0x132: {  	v6 =	vsel vm0, $0x1, v2  }
0x133: {  	v3 =	vandn.u32 $0x1FF, v3;
	[tilespmem:v11+s14+$0x0] =	vst.idx.msk $0xffff, v6  }
0x134: {  	[tilespmem:v11+s15+$0x0] =	vst.idx.msk $0xffff, v3  }
0x135: {  	v3 =	vld [tilespmem:s3+$0x480];
	_ =	sdelay $0x1  }
0x136: {  	v5 =	vmax.u32 v5, $0x1  }
0x137: {  	v5 =	vsub.s32 v5, v4;
	v6 =	vsel vm0, $0x16, v2  }
0x138: {  	v5 =	vadd.s32 v5, v6  }
0x139: {  	vm7 =	vlt.u32 v5, $0x2;
	vm6 =	vgt.s32 v3, $0x401FF  }
0x13a: {  	vm0 =	vmand vm6, vm7  }
0x13b: {  	v6 =	vsel vm0, $0x1, v2  }
0x13c: {  	v3 =	vandn.u32 $0x1FF, v3;
	[tilespmem:v12+s14+$0x0] =	vst.idx.msk $0xffff, v6  }
0x13d: {  	[tilespmem:v12+s15+$0x0] =	vst.idx.msk $0xffff, v3  }
0x13e: {  	v3 =	vld [tilespmem:s3+$0x500];
	_ =	sdelay $0x1  }
0x13f: {  	v5 =	vmax.u32 v5, $0x1  }
0x140: {  	v5 =	vsub.s32 v5, v4;
	v6 =	vsel vm0, $0x16, v2  }
0x141: {  	v5 =	vadd.s32 v5, v6  }
0x142: {  	vm9 =	vlt.u32 v5, $0x2;
	vm8 =	vgt.s32 v3, $0x401FF  }
0x143: {  	vm0 =	vmand vm8, vm9  }
0x144: {  	v6 =	vsel vm0, $0x1, v2  }
0x145: {  	v3 =	vandn.u32 $0x1FF, v3;
	[tilespmem:v13+s14+$0x0] =	vst.idx.msk $0xffff, v6  }
0x146: {  	[tilespmem:v13+s15+$0x0] =	vst.idx.msk $0xffff, v3  }
0x147: {  	v3 =	vld [tilespmem:s3+$0x580];
	_ =	sdelay $0x1  }
0x148: {  	v5 =	vmax.u32 v5, $0x1  }
0x149: {  	v5 =	vsub.s32 v5, v4;
	v6 =	vsel vm0, $0x16, v2  }
0x14a: {  	v5 =	vadd.s32 v5, v6  }
0x14b: {  	vm11 =	vlt.u32 v5, $0x2;
	vm10 =	vgt.s32 v3, $0x401FF  }
0x14c: {  	vm0 =	vmand vm10, vm11  }
0x14d: {  	v6 =	vsel vm0, $0x1, v2  }
0x14e: {  	v3 =	vandn.u32 $0x1FF, v3;
	[tilespmem:v14+s14+$0x0] =	vst.idx.msk $0xffff, v6  }
0x14f: {  	[tilespmem:v14+s15+$0x0] =	vst.idx.msk $0xffff, v3  }
0x150: {  	v3 =	vld [tilespmem:s3+$0x600];
	_ =	sdelay $0x1  }
0x151: {  	v5 =	vmax.u32 v5, $0x1  }
0x152: {  	v5 =	vsub.s32 v5, v4;
	v6 =	vsel vm0, $0x16, v2  }
0x153: {  	v5 =	vadd.s32 v5, v6  }
0x154: {  	vm13 =	vlt.u32 v5, $0x2;
	vm12 =	vgt.s32 v3, $0x401FF  }
0x155: {  	vm0 =	vmand vm12, vm13  }
0x156: {  	v6 =	vsel vm0, $0x1, v2  }
0x157: {  	v3 =	vandn.u32 $0x1FF, v3;
	[tilespmem:v15+s14+$0x0] =	vst.idx.msk $0xffff, v6  }
0x158: {  	[tilespmem:v15+s15+$0x0] =	vst.idx.msk $0xffff, v3  }
0x159: {  	v3 =	vld [tilespmem:s3+$0x680];
	_ =	sdelay $0x1  }
0x15a: {  	v5 =	vmax.u32 v5, $0x1  }
0x15b: {  	v5 =	vsub.s32 v5, v4;
	v6 =	vsel vm0, $0x16, v2  }
0x15c: {  	v5 =	vadd.s32 v5, v6  }
0x15d: {  	vm15 =	vlt.u32 v5, $0x2;
	vm14 =	vgt.s32 v3, $0x401FF  }
0x15e: {  	vm0 =	vmand vm14, vm15  }
0x15f: {  	v6 =	vsel vm0, $0x1, v2  }
0x160: {  	v3 =	vandn.u32 $0x1FF, v3;
	[tilespmem:v16+s14+$0x0] =	vst.idx.msk $0xffff, v6  }
0x161: {  	[tilespmem:v16+s15+$0x0] =	vst.idx.msk $0xffff, v3  }
0x162: {  	v3 =	vld [tilespmem:s3+$0x700];
	_ =	sdelay $0x1  }
0x163: {  	v5 =	vmax.u32 v5, $0x1  }
0x164: {  	v5 =	vsub.s32 v5, v4;
	v6 =	vsel vm0, $0x16, v2  }
0x165: {  	v5 =	vadd.s32 v5, v6  }
0x166: {  	vm5 =	vlt.u32 v5, $0x2;
	vm4 =	vgt.s32 v3, $0x401FF  }
0x167: {  	vm0 =	vmand vm4, vm5  }
0x168: {  	v6 =	vsel vm0, $0x1, v2  }
0x169: {  	v3 =	vandn.u32 $0x1FF, v3;
	[tilespmem:v17+s14+$0x0] =	vst.idx.msk $0xffff, v6  }
0x16a: {  	[tilespmem:v17+s15+$0x0] =	vst.idx.msk $0xffff, v3  }
0x16b: {  	v3 =	vld [tilespmem:s3+$0x780];
	_ =	sdelay $0x1  }
0x16c: {  	v5 =	vmax.u32 v5, $0x1  }
0x16d: {  	v5 =	vsub.s32 v5, v4;
	v6 =	vsel vm0, $0x16, v2  }
0x16e: {  	v5 =	vadd.s32 v5, v6  }
0x16f: {  	vm7 =	vlt.u32 v5, $0x2;
	vm6 =	vgt.s32 v3, $0x401FF  }
0x170: {  	vm0 =	vmand vm6, vm7  }
0x171: {  	v6 =	vsel vm0, $0x1, v2  }
0x172: {  	v3 =	vandn.u32 $0x1FF, v3;
	[tilespmem:v18+s14+$0x0] =	vst.idx.msk $0xffff, v6  }
0x173: {  	[tilespmem:v18+s15+$0x0] =	vst.idx.msk $0xffff, v3  }
0x174: {  	v3 =	vld [tilespmem:s3+$0x800];
	_ =	sdelay $0x1  }
0x175: {  	v5 =	vmax.u32 v5, $0x1  }
0x176: {  	v5 =	vsub.s32 v5, v4;
	v6 =	vsel vm0, $0x16, v2  }
0x177: {  	v5 =	vadd.s32 v5, v6  }
0x178: {  	vm9 =	vlt.u32 v5, $0x2;
	vm8 =	vgt.s32 v3, $0x401FF  }
0x179: {  	vm0 =	vmand vm8, vm9  }
0x17a: {  	v6 =	vsel vm0, $0x1, v2  }
0x17b: {  	v3 =	vandn.u32 $0x1FF, v3;
	[tilespmem:v19+s14+$0x0] =	vst.idx.msk $0xffff, v6  }
0x17c: {  	[tilespmem:v19+s15+$0x0] =	vst.idx.msk $0xffff, v3  }
0x17d: {  	v3 =	vld [tilespmem:s3+$0x880];
	_ =	sdelay $0x1  }
0x17e: {  	v5 =	vmax.u32 v5, $0x1  }
0x17f: {  	v5 =	vsub.s32 v5, v4;
	v6 =	vsel vm0, $0x16, v2  }
0x180: {  	v5 =	vadd.s32 v5, v6  }
0x181: {  	vm11 =	vlt.u32 v5, $0x2;
	vm10 =	vgt.s32 v3, $0x401FF  }
0x182: {  	vm0 =	vmand vm10, vm11  }
0x183: {  	v6 =	vsel vm0, $0x1, v2  }
0x184: {  	v3 =	vandn.u32 $0x1FF, v3;
	[tilespmem:v20+s14+$0x0] =	vst.idx.msk $0xffff, v6  }
0x185: {  	[tilespmem:v20+s15+$0x0] =	vst.idx.msk $0xffff, v3  }
0x186: {  	v3 =	vld [tilespmem:s3+$0x900];
	_ =	sdelay $0x1  }
0x187: {  	v5 =	vmax.u32 v5, $0x1  }
0x188: {  	v5 =	vsub.s32 v5, v4;
	v6 =	vsel vm0, $0x16, v2  }
0x189: {  	v5 =	vadd.s32 v5, v6  }
0x18a: {  	vm13 =	vlt.u32 v5, $0x2;
	vm12 =	vgt.s32 v3, $0x401FF  }
0x18b: {  	vm0 =	vmand vm12, vm13  }
0x18c: {  	v6 =	vsel vm0, $0x1, v2  }
0x18d: {  	v3 =	vandn.u32 $0x1FF, v3;
	[tilespmem:v21+s14+$0x0] =	vst.idx.msk $0xffff, v6  }
0x18e: {  	[tilespmem:v21+s15+$0x0] =	vst.idx.msk $0xffff, v3  }
0x18f: {  	v3 =	vld [tilespmem:s3+$0x980];
	_ =	sdelay $0x1  }
0x190: {  	v5 =	vmax.u32 v5, $0x1  }
0x191: {  	v5 =	vsub.s32 v5, v4;
	v6 =	vsel vm0, $0x16, v2  }
0x192: {  	v5 =	vadd.s32 v5, v6  }
0x193: {  	vm15 =	vlt.u32 v5, $0x2;
	vm14 =	vgt.s32 v3, $0x401FF  }
0x194: {  	vm0 =	vmand vm14, vm15  }
0x195: {  	v6 =	vsel vm0, $0x1, v2  }
0x196: {  	v3 =	vandn.u32 $0x1FF, v3;
	[tilespmem:v22+s14+$0x0] =	vst.idx.msk $0xffff, v6  }
0x197: {  	[tilespmem:v22+s15+$0x0] =	vst.idx.msk $0xffff, v3  }
0x198: {  	v3 =	vld [tilespmem:s3+$0xA00];
	_ =	sdelay $0x1  }
0x199: {  	v5 =	vmax.u32 v5, $0x1  }
0x19a: {  	v5 =	vsub.s32 v5, v4;
	v6 =	vsel vm0, $0x16, v2  }
0x19b: {  	v5 =	vadd.s32 v5, v6  }
0x19c: {  	vm5 =	vlt.u32 v5, $0x2;
	vm4 =	vgt.s32 v3, $0x401FF  }
0x19d: {  	vm0 =	vmand vm4, vm5  }
0x19e: {  	v6 =	vsel vm0, $0x1, v2  }
0x19f: {  	v3 =	vandn.u32 $0x1FF, v3;
	[tilespmem:v23+s14+$0x0] =	vst.idx.msk $0xffff, v6  }
0x1a0: {  	[tilespmem:v23+s15+$0x0] =	vst.idx.msk $0xffff, v3  }
0x1a1: {  	v3 =	vld [tilespmem:s3+$0xA80];
	_ =	sdelay $0x1  }
0x1a2: {  	v5 =	vmax.u32 v5, $0x1  }
0x1a3: {  	v5 =	vsub.s32 v5, v4;
	v6 =	vsel vm0, $0x16, v2  }
0x1a4: {  	v5 =	vadd.s32 v5, v6  }
0x1a5: {  	vm7 =	vlt.u32 v5, $0x2;
	vm6 =	vgt.s32 v3, $0x401FF  }
0x1a6: {  	vm0 =	vmand vm6, vm7  }
0x1a7: {  	v6 =	vsel vm0, $0x1, v2  }
0x1a8: {  	v3 =	vandn.u32 $0x1FF, v3;
	[tilespmem:v24+s14+$0x0] =	vst.idx.msk $0xffff, v6  }
0x1a9: {  	[tilespmem:v24+s15+$0x0] =	vst.idx.msk $0xffff, v3  }
0x1aa: {  	v3 =	vld [tilespmem:s3+$0xB00];
	_ =	sdelay $0x1  }
0x1ab: {  	v5 =	vmax.u32 v5, $0x1  }
0x1ac: {  	v5 =	vsub.s32 v5, v4;
	v6 =	vsel vm0, $0x16, v2  }
0x1ad: {  	v5 =	vadd.s32 v5, v6  }
0x1ae: {  	vm9 =	vlt.u32 v5, $0x2;
	vm8 =	vgt.s32 v3, $0x401FF  }
0x1af: {  	vm0 =	vmand vm8, vm9  }
0x1b0: {  	v6 =	vsel vm0, $0x1, v2  }
0x1b1: {  	v3 =	vandn.u32 $0x1FF, v3;
	[tilespmem:v25+s14+$0x0] =	vst.idx.msk $0xffff, v6  }
0x1b2: {  	[tilespmem:v25+s15+$0x0] =	vst.idx.msk $0xffff, v3  }
0x1b3: {  	v3 =	vld [tilespmem:s3+$0xB80];
	_ =	sdelay $0x1  }
0x1b4: {  	v5 =	vmax.u32 v5, $0x1  }
0x1b5: {  	v5 =	vsub.s32 v5, v4;
	v6 =	vsel vm0, $0x16, v2  }
0x1b6: {  	v5 =	vadd.s32 v5, v6  }
0x1b7: {  	vm11 =	vlt.u32 v5, $0x2;
	vm10 =	vgt.s32 v3, $0x401FF  }
0x1b8: {  	vm0 =	vmand vm10, vm11  }
0x1b9: {  	v6 =	vsel vm0, $0x1, v2  }
0x1ba: {  	v3 =	vandn.u32 $0x1FF, v3;
	[tilespmem:v26+s14+$0x0] =	vst.idx.msk $0xffff, v6  }
0x1bb: {  	[tilespmem:v26+s15+$0x0] =	vst.idx.msk $0xffff, v3  }
0x1bc: {  	v3 =	vld [tilespmem:s3+$0xC00];
	_ =	sdelay $0x1  }
0x1bd: {  	v5 =	vmax.u32 v5, $0x1  }
0x1be: {  	v5 =	vsub.s32 v5, v4;
	v6 =	vsel vm0, $0x16, v2  }
0x1bf: {  	v5 =	vadd.s32 v5, v6  }
0x1c0: {  	vm13 =	vlt.u32 v5, $0x2;
	vm12 =	vgt.s32 v3, $0x401FF  }
0x1c1: {  	vm0 =	vmand vm12, vm13  }
0x1c2: {  	v6 =	vsel vm0, $0x1, v2  }
0x1c3: {  	v3 =	vandn.u32 $0x1FF, v3;
	[tilespmem:v27+s14+$0x0] =	vst.idx.msk $0xffff, v6  }
0x1c4: {  	[tilespmem:v27+s15+$0x0] =	vst.idx.msk $0xffff, v3  }
0x1c5: {  	v3 =	vld [tilespmem:s3+$0xC80];
	_ =	sdelay $0x1  }
0x1c6: {  	v5 =	vmax.u32 v5, $0x1  }
0x1c7: {  	v5 =	vsub.s32 v5, v4;
	v6 =	vsel vm0, $0x16, v2  }
0x1c8: {  	v5 =	vadd.s32 v5, v6  }
0x1c9: {  	vm15 =	vlt.u32 v5, $0x2;
	vm14 =	vgt.s32 v3, $0x401FF  }
0x1ca: {  	vm0 =	vmand vm14, vm15  }
0x1cb: {  	v6 =	vsel vm0, $0x1, v2  }
0x1cc: {  	v3 =	vandn.u32 $0x1FF, v3;
	[tilespmem:v28+s14+$0x0] =	vst.idx.msk $0xffff, v6  }
0x1cd: {  	[tilespmem:v28+s15+$0x0] =	vst.idx.msk $0xffff, v3  }
0x1ce: {  	v3 =	vld [tilespmem:s3+$0xD00];
	_ =	sdelay $0x1  }
0x1cf: {  	v5 =	vmax.u32 v5, $0x1  }
0x1d0: {  	v5 =	vsub.s32 v5, v4;
	v6 =	vsel vm0, $0x16, v2  }
0x1d1: {  	v5 =	vadd.s32 v5, v6  }
0x1d2: {  	vm5 =	vlt.u32 v5, $0x2;
	vm4 =	vgt.s32 v3, $0x401FF  }
0x1d3: {  	vm0 =	vmand vm4, vm5  }
0x1d4: {  	v6 =	vsel vm0, $0x1, v2  }
0x1d5: {  	v3 =	vandn.u32 $0x1FF, v3;
	[tilespmem:v29+s14+$0x0] =	vst.idx.msk $0xffff, v6  }
0x1d6: {  	[tilespmem:v29+s15+$0x0] =	vst.idx.msk $0xffff, v3  }
0x1d7: {  	v3 =	vld [tilespmem:s3+$0xD80];
	_ =	sdelay $0x1  }
0x1d8: {  	v5 =	vmax.u32 v5, $0x1  }
0x1d9: {  	v5 =	vsub.s32 v5, v4;
	v6 =	vsel vm0, $0x16, v2  }
0x1da: {  	v5 =	vadd.s32 v5, v6  }
0x1db: {  	vm7 =	vlt.u32 v5, $0x2;
	vm6 =	vgt.s32 v3, $0x401FF  }
0x1dc: {  	vm0 =	vmand vm6, vm7  }
0x1dd: {  	v6 =	vsel vm0, $0x1, v2  }
0x1de: {  	v3 =	vandn.u32 $0x1FF, v3;
	[tilespmem:v30+s14+$0x0] =	vst.idx.msk $0xffff, v6  }
0x1df: {  	[tilespmem:v30+s15+$0x0] =	vst.idx.msk $0xffff, v3  }
0x1e0: {  	v3 =	vld [tilespmem:s3+$0xE00];
	_ =	sdelay $0x1  }
0x1e1: {  	v5 =	vmax.u32 v5, $0x1  }
0x1e2: {  	v5 =	vsub.s32 v5, v4;
	v6 =	vsel vm0, $0x16, v2  }
0x1e3: {  	v5 =	vadd.s32 v5, v6  }
0x1e4: {  	vm9 =	vlt.u32 v5, $0x2;
	vm8 =	vgt.s32 v3, $0x401FF  }
0x1e5: {  	vm0 =	vmand vm8, vm9  }
0x1e6: {  	v6 =	vsel vm0, $0x1, v2  }
0x1e7: {  	v3 =	vandn.u32 $0x1FF, v3;
	[tilespmem:v31+s14+$0x0] =	vst.idx.msk $0xffff, v6  }
0x1e8: {  	[tilespmem:v31+s15+$0x0] =	vst.idx.msk $0xffff, v3  }
0x1e9: {  	v3 =	vld [tilespmem:s3+$0xE80];
	_ =	sdelay $0x1  }
0x1ea: {  	v5 =	vmax.u32 v5, $0x1  }
0x1eb: {  	v5 =	vsub.s32 v5, v4;
	v6 =	vsel vm0, $0x16, v2  }
0x1ec: {  	v5 =	vadd.s32 v5, v6  }
0x1ed: {  	vm11 =	vlt.u32 v5, $0x2;
	vm10 =	vgt.s32 v3, $0x401FF  }
0x1ee: {  	vm0 =	vmand vm10, vm11  }
0x1ef: {  	v6 =	vsel vm0, $0x1, v2  }
0x1f0: {  	v3 =	vandn.u32 $0x1FF, v3;
	[tilespmem:v32+s14+$0x0] =	vst.idx.msk $0xffff, v6  }
0x1f1: {  	[tilespmem:v32+s15+$0x0] =	vst.idx.msk $0xffff, v3  }
0x1f2: {  	v3 =	vld [tilespmem:s3+$0xF00];
	_ =	sdelay $0x1  }
0x1f3: {  	v5 =	vmax.u32 v5, $0x1  }
0x1f4: {  	v5 =	vsub.s32 v5, v4;
	v6 =	vsel vm0, $0x16, v2  }
0x1f5: {  	v5 =	vadd.s32 v5, v6  }
0x1f6: {  	vm13 =	vlt.u32 v5, $0x2;
	vm12 =	vgt.s32 v3, $0x401FF  }
0x1f7: {  	vm0 =	vmand vm12, vm13  }
0x1f8: {  	v6 =	vsel vm0, $0x1, v2  }
0x1f9: {  	v3 =	vandn.u32 $0x1FF, v3;
	[tilespmem:v33+s14+$0x0] =	vst.idx.msk $0xffff, v6  }
0x1fa: {  	[tilespmem:v33+s15+$0x0] =	vst.idx.msk $0xffff, v3  }
0x1fb: {  	v3 =	vld [tilespmem:s3+$0xF80];
	_ =	sdelay $0x1  }
0x1fc: {  	v5 =	vmax.u32 v5, $0x1  }
0x1fd: {  	v5 =	vsub.s32 v5, v4;
	v6 =	vsel vm0, $0x16, v2  }
0x1fe: {  	v5 =	vadd.s32 v5, v6  }
0x1ff: {  	vm15 =	vlt.u32 v5, $0x2;
	vm14 =	vgt.s32 v3, $0x401FF  }
0x200: {  	vm0 =	vmand vm14, vm15  }
0x201: {  	v6 =	vsel vm0, $0x1, v2  }
0x202: {  	v3 =	vandn.u32 $0x1FF, v3;
	[tilespmem:v34+s14+$0x0] =	vst.idx.msk $0xffff, v6  }
0x203: {  	[tilespmem:v34+s15+$0x0] =	vst.idx.msk $0xffff, v3  }
0x204: {  	v3 =	vld [tilespmem:s3+$0x1000];
	_ =	sdelay $0x1  }
0x205: {  	v5 =	vmax.u32 v5, $0x1  }
0x206: {  	v5 =	vsub.s32 v5, v4;
	v6 =	vsel vm0, $0x16, v2  }
0x207: {  	v5 =	vadd.s32 v5, v6  }
0x208: {  	vm5 =	vlt.u32 v5, $0x2;
	vm4 =	vgt.s32 v3, $0x401FF  }
0x209: {  	vm0 =	vmand vm4, vm5  }
0x20a: {  	v6 =	vsel vm0, $0x1, v2  }
0x20b: {  	v3 =	vandn.u32 $0x1FF, v3;
	[tilespmem:v35+s14+$0x0] =	vst.idx.msk $0xffff, v6  }
0x20c: {  	[tilespmem:v35+s15+$0x0] =	vst.idx.msk $0xffff, v3  }
0x20d: {  	v3 =	vld [tilespmem:s3+$0x1080];
	_ =	sdelay $0x1  }
0x20e: {  	v5 =	vmax.u32 v5, $0x1  }
0x20f: {  	v5 =	vsub.s32 v5, v4;
	v6 =	vsel vm0, $0x16, v2  }
0x210: {  	v5 =	vadd.s32 v5, v6  }
0x211: {  	vm7 =	vlt.u32 v5, $0x2;
	vm6 =	vgt.s32 v3, $0x401FF  }
0x212: {  	vm0 =	vmand vm6, vm7  }
0x213: {  	v6 =	vsel vm0, $0x1, v2  }
0x214: {  	v3 =	vandn.u32 $0x1FF, v3;
	[tilespmem:v36+s14+$0x0] =	vst.idx.msk $0xffff, v6  }
0x215: {  	[tilespmem:v36+s15+$0x0] =	vst.idx.msk $0xffff, v3  }
0x216: {  	v3 =	vld [tilespmem:s3+$0x1100];
	_ =	sdelay $0x1  }
0x217: {  	v5 =	vmax.u32 v5, $0x1  }
0x218: {  	v5 =	vsub.s32 v5, v4;
	v6 =	vsel vm0, $0x16, v2  }
0x219: {  	v5 =	vadd.s32 v5, v6  }
0x21a: {  	vm9 =	vlt.u32 v5, $0x2;
	vm8 =	vgt.s32 v3, $0x401FF  }
0x21b: {  	vm0 =	vmand vm8, vm9  }
0x21c: {  	v6 =	vsel vm0, $0x1, v2  }
0x21d: {  	v3 =	vandn.u32 $0x1FF, v3;
	[tilespmem:v37+s14+$0x0] =	vst.idx.msk $0xffff, v6  }
0x21e: {  	[tilespmem:v37+s15+$0x0] =	vst.idx.msk $0xffff, v3  }
0x21f: {  	v3 =	vld [tilespmem:s3+$0x1180];
	_ =	sdelay $0x1  }
0x220: {  	v5 =	vmax.u32 v5, $0x1  }
0x221: {  	v5 =	vsub.s32 v5, v4;
	v6 =	vsel vm0, $0x16, v2  }
0x222: {  	v5 =	vadd.s32 v5, v6  }
0x223: {  	vm11 =	vlt.u32 v5, $0x2;
	vm10 =	vgt.s32 v3, $0x401FF  }
0x224: {  	vm0 =	vmand vm10, vm11  }
0x225: {  	v6 =	vsel vm0, $0x1, v2  }
0x226: {  	v3 =	vandn.u32 $0x1FF, v3;
	[tilespmem:v38+s14+$0x0] =	vst.idx.msk $0xffff, v6  }
0x227: {  	[tilespmem:v38+s15+$0x0] =	vst.idx.msk $0xffff, v3  }
0x228: {  	v3 =	vld [tilespmem:s3+$0x1200];
	_ =	sdelay $0x1  }
0x229: {  	v5 =	vmax.u32 v5, $0x1  }
0x22a: {  	v5 =	vsub.s32 v5, v4;
	v6 =	vsel vm0, $0x16, v2  }
0x22b: {  	v5 =	vadd.s32 v5, v6  }
0x22c: {  	vm13 =	vlt.u32 v5, $0x2;
	vm12 =	vgt.s32 v3, $0x401FF  }
0x22d: {  	vm0 =	vmand vm12, vm13  }
0x22e: {  	v6 =	vsel vm0, $0x1, v2  }
0x22f: {  	v3 =	vandn.u32 $0x1FF, v3;
	[tilespmem:v39+s14+$0x0] =	vst.idx.msk $0xffff, v6  }
0x230: {  	[tilespmem:v39+s15+$0x0] =	vst.idx.msk $0xffff, v3  }
0x231: {  	v3 =	vld [tilespmem:s3+$0x1280];
	_ =	sdelay $0x1  }
0x232: {  	v5 =	vmax.u32 v5, $0x1  }
0x233: {  	v5 =	vsub.s32 v5, v4;
	v6 =	vsel vm0, $0x16, v2  }
0x234: {  	v5 =	vadd.s32 v5, v6  }
0x235: {  	vm15 =	vlt.u32 v5, $0x2;
	vm14 =	vgt.s32 v3, $0x401FF  }
0x236: {  	vm0 =	vmand vm14, vm15  }
0x237: {  	v6 =	vsel vm0, $0x1, v2  }
0x238: {  	v3 =	vandn.u32 $0x1FF, v3;
	[tilespmem:v40+s14+$0x0] =	vst.idx.msk $0xffff, v6  }
0x239: {  	[tilespmem:v40+s15+$0x0] =	vst.idx.msk $0xffff, v3  }
0x23a: {  	v3 =	vld [tilespmem:s3+$0x1300];
	_ =	sdelay $0x1  }
0x23b: {  	v5 =	vmax.u32 v5, $0x1  }
0x23c: {  	v5 =	vsub.s32 v5, v4;
	v6 =	vsel vm0, $0x16, v2  }
0x23d: {  	v5 =	vadd.s32 v5, v6  }
0x23e: {  	vm5 =	vlt.u32 v5, $0x2;
	vm4 =	vgt.s32 v3, $0x401FF  }
0x23f: {  	vm0 =	vmand vm4, vm5  }
0x240: {  	v6 =	vsel vm0, $0x1, v2  }
0x241: {  	v3 =	vandn.u32 $0x1FF, v3;
	[tilespmem:v41+s14+$0x0] =	vst.idx.msk $0xffff, v6  }
0x242: {  	[tilespmem:v41+s15+$0x0] =	vst.idx.msk $0xffff, v3  }
0x243: {  	v3 =	vld [tilespmem:s3+$0x1380];
	_ =	sdelay $0x1  }
0x244: {  	v5 =	vmax.u32 v5, $0x1  }
0x245: {  	v5 =	vsub.s32 v5, v4;
	v6 =	vsel vm0, $0x16, v2  }
0x246: {  	v5 =	vadd.s32 v5, v6  }
0x247: {  	vm7 =	vlt.u32 v5, $0x2;
	vm6 =	vgt.s32 v3, $0x401FF  }
0x248: {  	vm0 =	vmand vm6, vm7  }
0x249: {  	v6 =	vsel vm0, $0x1, v2  }
0x24a: {  	v3 =	vandn.u32 $0x1FF, v3;
	[tilespmem:v42+s14+$0x0] =	vst.idx.msk $0xffff, v6  }
0x24b: {  	[tilespmem:v42+s15+$0x0] =	vst.idx.msk $0xffff, v3  }
0x24c: {  	v3 =	vld [tilespmem:s3+$0x1400];
	_ =	sdelay $0x1  }
0x24d: {  	v5 =	vmax.u32 v5, $0x1  }
0x24e: {  	v5 =	vsub.s32 v5, v4;
	v6 =	vsel vm0, $0x16, v2  }
0x24f: {  	v5 =	vadd.s32 v5, v6  }
0x250: {  	vm9 =	vlt.u32 v5, $0x2;
	vm8 =	vgt.s32 v3, $0x401FF  }
0x251: {  	vm0 =	vmand vm8, vm9  }
0x252: {  	v6 =	vsel vm0, $0x1, v2  }
0x253: {  	v3 =	vandn.u32 $0x1FF, v3;
	[tilespmem:v43+s14+$0x0] =	vst.idx.msk $0xffff, v6  }
0x254: {  	[tilespmem:v43+s15+$0x0] =	vst.idx.msk $0xffff, v3  }
0x255: {  	v3 =	vld [tilespmem:s3+$0x1480];
	_ =	sdelay $0x1  }
0x256: {  	v5 =	vmax.u32 v5, $0x1  }
0x257: {  	v5 =	vsub.s32 v5, v4;
	v6 =	vsel vm0, $0x16, v2  }
0x258: {  	v5 =	vadd.s32 v5, v6  }
0x259: {  	vm11 =	vlt.u32 v5, $0x2;
	vm10 =	vgt.s32 v3, $0x401FF  }
0x25a: {  	vm0 =	vmand vm10, vm11  }
0x25b: {  	v6 =	vsel vm0, $0x1, v2  }
0x25c: {  	v3 =	vandn.u32 $0x1FF, v3;
	[tilespmem:v44+s14+$0x0] =	vst.idx.msk $0xffff, v6  }
0x25d: {  	[tilespmem:v44+s15+$0x0] =	vst.idx.msk $0xffff, v3  }
0x25e: {  	v3 =	vld [tilespmem:s3+$0x1500];
	_ =	sdelay $0x1  }
0x25f: {  	v5 =	vmax.u32 v5, $0x1  }
0x260: {  	v5 =	vsub.s32 v5, v4;
	v6 =	vsel vm0, $0x16, v2  }
0x261: {  	v5 =	vadd.s32 v5, v6  }
0x262: {  	vm13 =	vlt.u32 v5, $0x2;
	vm12 =	vgt.s32 v3, $0x401FF  }
0x263: {  	vm0 =	vmand vm12, vm13  }
0x264: {  	v6 =	vsel vm0, $0x1, v2  }
0x265: {  	v3 =	vandn.u32 $0x1FF, v3;
	[tilespmem:v45+s14+$0x0] =	vst.idx.msk $0xffff, v6  }
0x266: {  	[tilespmem:v45+s15+$0x0] =	vst.idx.msk $0xffff, v3  }
0x267: {  	v3 =	vld [tilespmem:s3+$0x1580];
	_ =	sdelay $0x1  }
0x268: {  	v5 =	vmax.u32 v5, $0x1  }
0x269: {  	v5 =	vsub.s32 v5, v4;
	v6 =	vsel vm0, $0x16, v2  }
0x26a: {  	v5 =	vadd.s32 v5, v6  }
0x26b: {  	vm15 =	vlt.u32 v5, $0x2;
	vm14 =	vgt.s32 v3, $0x401FF  }
0x26c: {  	vm0 =	vmand vm14, vm15  }
0x26d: {  	v6 =	vsel vm0, $0x1, v2  }
0x26e: {  	v3 =	vandn.u32 $0x1FF, v3;
	[tilespmem:v46+s14+$0x0] =	vst.idx.msk $0xffff, v6  }
0x26f: {  	[tilespmem:v46+s15+$0x0] =	vst.idx.msk $0xffff, v3  }
0x270: {  	v3 =	vld [tilespmem:s3+$0x1600];
	_ =	sdelay $0x1  }
0x271: {  	v5 =	vmax.u32 v5, $0x1  }
0x272: {  	v5 =	vsub.s32 v5, v4;
	v6 =	vsel vm0, $0x16, v2  }
0x273: {  	v5 =	vadd.s32 v5, v6  }
0x274: {  	vm5 =	vlt.u32 v5, $0x2;
	vm4 =	vgt.s32 v3, $0x401FF  }
0x275: {  	vm0 =	vmand vm4, vm5  }
0x276: {  	v6 =	vsel vm0, $0x1, v2  }
0x277: {  	v3 =	vandn.u32 $0x1FF, v3;
	[tilespmem:v47+s14+$0x0] =	vst.idx.msk $0xffff, v6  }
0x278: {  	[tilespmem:v47+s15+$0x0] =	vst.idx.msk $0xffff, v3  }
0x279: {  	v3 =	vld [tilespmem:s3+$0x1680];
	_ =	sdelay $0x1  }
0x27a: {  	v5 =	vmax.u32 v5, $0x1  }
0x27b: {  	v5 =	vsub.s32 v5, v4;
	v6 =	vsel vm0, $0x16, v2  }
0x27c: {  	v5 =	vadd.s32 v5, v6  }
0x27d: {  	vm7 =	vlt.u32 v5, $0x2;
	vm6 =	vgt.s32 v3, $0x401FF  }
0x27e: {  	vm0 =	vmand vm6, vm7  }
0x27f: {  	v6 =	vsel vm0, $0x1, v2  }
0x280: {  	v3 =	vandn.u32 $0x1FF, v3;
	[tilespmem:v48+s14+$0x0] =	vst.idx.msk $0xffff, v6  }
0x281: {  	[tilespmem:v48+s15+$0x0] =	vst.idx.msk $0xffff, v3  }
0x282: {  	v3 =	vld [tilespmem:s3+$0x1700];
	_ =	sdelay $0x1  }
0x283: {  	v5 =	vmax.u32 v5, $0x1  }
0x284: {  	v5 =	vsub.s32 v5, v4;
	v6 =	vsel vm0, $0x16, v2  }
0x285: {  	v5 =	vadd.s32 v5, v6  }
0x286: {  	vm9 =	vlt.u32 v5, $0x2;
	vm8 =	vgt.s32 v3, $0x401FF  }
0x287: {  	vm0 =	vmand vm8, vm9  }
0x288: {  	v6 =	vsel vm0, $0x1, v2  }
0x289: {  	v3 =	vandn.u32 $0x1FF, v3;
	[tilespmem:v49+s14+$0x0] =	vst.idx.msk $0xffff, v6  }
0x28a: {  	[tilespmem:v49+s15+$0x0] =	vst.idx.msk $0xffff, v3  }
0x28b: {  	v3 =	vld [tilespmem:s3+$0x1780];
	_ =	sdelay $0x1  }
0x28c: {  	v5 =	vmax.u32 v5, $0x1  }
0x28d: {  	v5 =	vsub.s32 v5, v4;
	v6 =	vsel vm0, $0x16, v2  }
0x28e: {  	v5 =	vadd.s32 v5, v6  }
0x28f: {  	vm11 =	vlt.u32 v5, $0x2;
	vm10 =	vgt.s32 v3, $0x401FF  }
0x290: {  	vm0 =	vmand vm10, vm11  }
0x291: {  	v6 =	vsel vm0, $0x1, v2  }
0x292: {  	v3 =	vandn.u32 $0x1FF, v3;
	[tilespmem:v50+s14+$0x0] =	vst.idx.msk $0xffff, v6  }
0x293: {  	[tilespmem:v50+s15+$0x0] =	vst.idx.msk $0xffff, v3  }
0x294: {  	v3 =	vld [tilespmem:s3+$0x1800];
	_ =	sdelay $0x1  }
0x295: {  	v5 =	vmax.u32 v5, $0x1  }
0x296: {  	v5 =	vsub.s32 v5, v4;
	v6 =	vsel vm0, $0x16, v2  }
0x297: {  	v5 =	vadd.s32 v5, v6  }
0x298: {  	vm13 =	vlt.u32 v5, $0x2;
	vm12 =	vgt.s32 v3, $0x401FF  }
0x299: {  	vm0 =	vmand vm12, vm13  }
0x29a: {  	v6 =	vsel vm0, $0x1, v2  }
0x29b: {  	v3 =	vandn.u32 $0x1FF, v3;
	[tilespmem:v51+s14+$0x0] =	vst.idx.msk $0xffff, v6  }
0x29c: {  	[tilespmem:v51+s15+$0x0] =	vst.idx.msk $0xffff, v3  }
0x29d: {  	v3 =	vld [tilespmem:s3+$0x1880];
	_ =	sdelay $0x1  }
0x29e: {  	v5 =	vmax.u32 v5, $0x1  }
0x29f: {  	v5 =	vsub.s32 v5, v4;
	v6 =	vsel vm0, $0x16, v2  }
0x2a0: {  	v5 =	vadd.s32 v5, v6  }
0x2a1: {  	vm15 =	vlt.u32 v5, $0x2;
	vm14 =	vgt.s32 v3, $0x401FF  }
0x2a2: {  	vm0 =	vmand vm14, vm15  }
0x2a3: {  	v6 =	vsel vm0, $0x1, v2  }
0x2a4: {  	v3 =	vandn.u32 $0x1FF, v3;
	[tilespmem:v52+s14+$0x0] =	vst.idx.msk $0xffff, v6  }
0x2a5: {  	[tilespmem:v52+s15+$0x0] =	vst.idx.msk $0xffff, v3  }
0x2a6: {  	v3 =	vld [tilespmem:s3+$0x1900];
	_ =	sdelay $0x1  }
0x2a7: {  	v5 =	vmax.u32 v5, $0x1  }
0x2a8: {  	v5 =	vsub.s32 v5, v4;
	v6 =	vsel vm0, $0x16, v2  }
0x2a9: {  	v5 =	vadd.s32 v5, v6  }
0x2aa: {  	vm5 =	vlt.u32 v5, $0x2;
	vm4 =	vgt.s32 v3, $0x401FF  }
0x2ab: {  	vm0 =	vmand vm4, vm5  }
0x2ac: {  	v6 =	vsel vm0, $0x1, v2  }
0x2ad: {  	v3 =	vandn.u32 $0x1FF, v3;
	[tilespmem:v53+s14+$0x0] =	vst.idx.msk $0xffff, v6  }
0x2ae: {  	[tilespmem:v53+s15+$0x0] =	vst.idx.msk $0xffff, v3  }
0x2af: {  	v3 =	vld [tilespmem:s3+$0x1980];
	_ =	sdelay $0x1  }
0x2b0: {  	v5 =	vmax.u32 v5, $0x1  }
0x2b1: {  	v5 =	vsub.s32 v5, v4;
	v6 =	vsel vm0, $0x16, v2  }
0x2b2: {  	v5 =	vadd.s32 v5, v6  }
0x2b3: {  	vm7 =	vlt.u32 v5, $0x2;
	vm6 =	vgt.s32 v3, $0x401FF  }
0x2b4: {  	vm0 =	vmand vm6, vm7  }
0x2b5: {  	v6 =	vsel vm0, $0x1, v2  }
0x2b6: {  	v3 =	vandn.u32 $0x1FF, v3;
	[tilespmem:v54+s14+$0x0] =	vst.idx.msk $0xffff, v6  }
0x2b7: {  	[tilespmem:v54+s15+$0x0] =	vst.idx.msk $0xffff, v3  }
0x2b8: {  	v3 =	vld [tilespmem:s3+$0x1A00];
	_ =	sdelay $0x1  }
0x2b9: {  	v5 =	vmax.u32 v5, $0x1  }
0x2ba: {  	v5 =	vsub.s32 v5, v4;
	v6 =	vsel vm0, $0x16, v2  }
0x2bb: {  	v5 =	vadd.s32 v5, v6  }
0x2bc: {  	vm9 =	vlt.u32 v5, $0x2;
	vm8 =	vgt.s32 v3, $0x401FF  }
0x2bd: {  	vm0 =	vmand vm8, vm9  }
0x2be: {  	v6 =	vsel vm0, $0x1, v2  }
0x2bf: {  	v3 =	vandn.u32 $0x1FF, v3;
	[tilespmem:v55+s14+$0x0] =	vst.idx.msk $0xffff, v6  }
0x2c0: {  	[tilespmem:v55+s15+$0x0] =	vst.idx.msk $0xffff, v3  }
0x2c1: {  	v3 =	vld [tilespmem:s3+$0x1A80];
	_ =	sdelay $0x1  }
0x2c2: {  	v5 =	vmax.u32 v5, $0x1  }
0x2c3: {  	v5 =	vsub.s32 v5, v4;
	v6 =	vsel vm0, $0x16, v2  }
0x2c4: {  	v5 =	vadd.s32 v5, v6  }
0x2c5: {  	vm11 =	vlt.u32 v5, $0x2;
	vm10 =	vgt.s32 v3, $0x401FF  }
0x2c6: {  	vm0 =	vmand vm10, vm11  }
0x2c7: {  	v6 =	vsel vm0, $0x1, v2  }
0x2c8: {  	v3 =	vandn.u32 $0x1FF, v3;
	[tilespmem:v56+s14+$0x0] =	vst.idx.msk $0xffff, v6  }
0x2c9: {  	[tilespmem:v56+s15+$0x0] =	vst.idx.msk $0xffff, v3  }
0x2ca: {  	v3 =	vld [tilespmem:s3+$0x1B00];
	_ =	sdelay $0x1  }
0x2cb: {  	v5 =	vmax.u32 v5, $0x1  }
0x2cc: {  	v5 =	vsub.s32 v5, v4;
	v6 =	vsel vm0, $0x16, v2  }
0x2cd: {  	v5 =	vadd.s32 v5, v6  }
0x2ce: {  	vm13 =	vlt.u32 v5, $0x2;
	vm12 =	vgt.s32 v3, $0x401FF  }
0x2cf: {  	vm0 =	vmand vm12, vm13  }
0x2d0: {  	v6 =	vsel vm0, $0x1, v2  }
0x2d1: {  	v3 =	vandn.u32 $0x1FF, v3;
	[tilespmem:v57+s14+$0x0] =	vst.idx.msk $0xffff, v6  }
0x2d2: {  	[tilespmem:v57+s15+$0x0] =	vst.idx.msk $0xffff, v3  }
0x2d3: {  	v3 =	vld [tilespmem:s3+$0x1B80];
	_ =	sdelay $0x1  }
0x2d4: {  	v5 =	vmax.u32 v5, $0x1  }
0x2d5: {  	v5 =	vsub.s32 v5, v4;
	v6 =	vsel vm0, $0x16, v2  }
0x2d6: {  	v5 =	vadd.s32 v5, v6  }
0x2d7: {  	vm15 =	vlt.u32 v5, $0x2;
	vm14 =	vgt.s32 v3, $0x401FF  }
0x2d8: {  	vm0 =	vmand vm14, vm15  }
0x2d9: {  	v6 =	vsel vm0, $0x1, v2  }
0x2da: {  	v3 =	vandn.u32 $0x1FF, v3;
	[tilespmem:v58+s14+$0x0] =	vst.idx.msk $0xffff, v6  }
0x2db: {  	[tilespmem:v58+s15+$0x0] =	vst.idx.msk $0xffff, v3  }
0x2dc: {  	v3 =	vld [tilespmem:s3+$0x1C00];
	_ =	sdelay $0x1  }
0x2dd: {  	v5 =	vmax.u32 v5, $0x1  }
0x2de: {  	v5 =	vsub.s32 v5, v4;
	v6 =	vsel vm0, $0x16, v2  }
0x2df: {  	v5 =	vadd.s32 v5, v6  }
0x2e0: {  	vm5 =	vlt.u32 v5, $0x2;
	vm4 =	vgt.s32 v3, $0x401FF  }
0x2e1: {  	vm0 =	vmand vm4, vm5  }
0x2e2: {  	v6 =	vsel vm0, $0x1, v2  }
0x2e3: {  	v3 =	vandn.u32 $0x1FF, v3;
	[tilespmem:v59+s14+$0x0] =	vst.idx.msk $0xffff, v6  }
0x2e4: {  	[tilespmem:v59+s15+$0x0] =	vst.idx.msk $0xffff, v3  }
0x2e5: {  	v3 =	vld [tilespmem:s3+$0x1C80];
	_ =	sdelay $0x1  }
0x2e6: {  	v5 =	vmax.u32 v5, $0x1  }
0x2e7: {  	v5 =	vsub.s32 v5, v4;
	v6 =	vsel vm0, $0x16, v2  }
0x2e8: {  	v5 =	vadd.s32 v5, v6  }
0x2e9: {  	vm7 =	vlt.u32 v5, $0x2;
	vm6 =	vgt.s32 v3, $0x401FF  }
0x2ea: {  	vm0 =	vmand vm6, vm7  }
0x2eb: {  	v6 =	vsel vm0, $0x1, v2  }
0x2ec: {  	v3 =	vandn.u32 $0x1FF, v3;
	[tilespmem:v60+s14+$0x0] =	vst.idx.msk $0xffff, v6  }
0x2ed: {  	[tilespmem:v60+s15+$0x0] =	vst.idx.msk $0xffff, v3  }
0x2ee: {  	v3 =	vld [tilespmem:s3+$0x1D00];
	_ =	sdelay $0x1  }
0x2ef: {  	v5 =	vmax.u32 v5, $0x1  }
0x2f0: {  	v5 =	vsub.s32 v5, v4;
	v6 =	vsel vm0, $0x16, v2  }
0x2f1: {  	v5 =	vadd.s32 v5, v6  }
0x2f2: {  	vm9 =	vlt.u32 v5, $0x2;
	vm8 =	vgt.s32 v3, $0x401FF  }
0x2f3: {  	vm0 =	vmand vm8, vm9  }
0x2f4: {  	v6 =	vsel vm0, $0x1, v2  }
0x2f5: {  	v3 =	vandn.u32 $0x1FF, v3;
	[tilespmem:v61+s14+$0x0] =	vst.idx.msk $0xffff, v6  }
0x2f6: {  	[tilespmem:v61+s15+$0x0] =	vst.idx.msk $0xffff, v3  }
0x2f7: {  	v3 =	vld [tilespmem:s3+$0x1D80];
	_ =	sdelay $0x1  }
0x2f8: {  	v5 =	vmax.u32 v5, $0x1  }
0x2f9: {  	v5 =	vsub.s32 v5, v4;
	v6 =	vsel vm0, $0x16, v2  }
0x2fa: {  	v5 =	vadd.s32 v5, v6  }
0x2fb: {  	vm11 =	vlt.u32 v5, $0x2;
	vm10 =	vgt.s32 v3, $0x401FF  }
0x2fc: {  	vm0 =	vmand vm10, vm11  }
0x2fd: {  	v6 =	vsel vm0, $0x1, v2  }
0x2fe: {  	v3 =	vandn.u32 $0x1FF, v3;
	[tilespmem:v62+s14+$0x0] =	vst.idx.msk $0xffff, v6  }
0x2ff: {  	[tilespmem:v62+s15+$0x0] =	vst.idx.msk $0xffff, v3  }
0x300: {  	v3 =	vld [tilespmem:s3+$0x1E00];
	_ =	sdelay $0x1  }
0x301: {  	v5 =	vmax.u32 v5, $0x1  }
0x302: {  	v5 =	vsub.s32 v5, v4;
	v6 =	vsel vm0, $0x16, v2  }
0x303: {  	v5 =	vadd.s32 v5, v6  }
0x304: {  	vm13 =	vlt.u32 v5, $0x2;
	vm12 =	vgt.s32 v3, $0x401FF  }
0x305: {  	vm0 =	vmand vm12, vm13  }
0x306: {  	v6 =	vsel vm0, $0x1, v2  }
0x307: {  	v3 =	vandn.u32 $0x1FF, v3;
	[tilespmem:v63+s14+$0x0] =	vst.idx.msk $0xffff, v6  }
0x308: {  	[tilespmem:v63+s15+$0x0] =	vst.idx.msk $0xffff, v3  }
0x309: {  	v3 =	vld [tilespmem:s3+$0x1E80];
	_ =	sdelay $0x1  }
0x30a: {  	v5 =	vmax.u32 v5, $0x1  }
0x30b: {  	v7 =	vadd.s32 $0x3D, v1;
	v5 =	vsub.s32 v5, v4;
	v6 =	vsel vm0, $0x16, v2  }
0x30c: {  	v5 =	vadd.s32 v5, v6  }
0x30d: {  	vm15 =	vlt.u32 v5, $0x2;
	vm14 =	vgt.s32 v3, $0x401FF  }
0x30e: {  	vm0 =	vmand vm14, vm15  }
0x30f: {  	v6 =	vsel vm0, $0x1, v2  }
0x310: {  	v3 =	vandn.u32 $0x1FF, v3;
	[tilespmem:v7+s14+$0x0] =	vst.idx.msk $0xffff, v6  }
0x311: {  	[tilespmem:v7+s15+$0x0] =	vst.idx.msk $0xffff, v3  }
0x312: {  	v3 =	vld [tilespmem:s3+$0x1F00];
	_ =	sdelay $0x1  }
0x313: {  	v5 =	vmax.u32 v5, $0x1  }
0x314: {  	v5 =	vsub.s32 v5, v4;
	v6 =	vsel vm0, $0x16, v2;
	v7 =	vadd.s32 $0x3E, v1  }
0x315: {  	v5 =	vadd.s32 v5, v6  }
0x316: {  	vm5 =	vlt.u32 v5, $0x2;
	vm4 =	vgt.s32 v3, $0x401FF  }
0x317: {  	vm0 =	vmand vm4, vm5  }
0x318: {  	v6 =	vsel vm0, $0x1, v2  }
0x319: {  	v3 =	vandn.u32 $0x1FF, v3;
	[tilespmem:v7+s14+$0x0] =	vst.idx.msk $0xffff, v6  }
0x31a: {  	[tilespmem:v7+s15+$0x0] =	vst.idx.msk $0xffff, v3  }
0x31b: {  	v3 =	vld [tilespmem:s3+$0x1F80];
	_ =	sdelay $0x1  }
0x31c: {  	v5 =	vmax.u32 v5, $0x1  }
0x31d: {  	v5 =	vsub.s32 v5, v4;
	v6 =	vsel vm0, $0x16, v2;
	v7 =	vadd.s32 $0x3F, v1  }
0x31e: {  	v5 =	vadd.s32 v5, v6  }
0x31f: {  	vm7 =	vlt.u32 v5, $0x2;
	vm6 =	vgt.s32 v3, $0x401FF  }
0x320: {  	vm0 =	vmand vm6, vm7  }
0x321: {  	v6 =	vsel vm0, $0x1, v2  }
0x322: {  	v3 =	vandn.u32 $0x1FF, v3;
	[tilespmem:v7+s14+$0x0] =	vst.idx.msk $0xffff, v6  }
0x323: {  	[tilespmem:v7+s15+$0x0] =	vst.idx.msk $0xffff, v3  }
0x324: {  	v3 =	vld [tilespmem:s3+$0x2000];
	_ =	sdelay $0x1  }
0x325: {  	v5 =	vmax.u32 v5, $0x1  }
0x326: {  	v5 =	vsub.s32 v5, v4;
	v6 =	vsel vm0, $0x16, v2;
	v7 =	vadd.s32 $0x40, v1  }
0x327: {  	v5 =	vadd.s32 v5, v6  }
0x328: {  	vm9 =	vlt.u32 v5, $0x2;
	vm8 =	vgt.s32 v3, $0x401FF  }
0x329: {  	vm0 =	vmand vm8, vm9  }
0x32a: {  	v6 =	vsel vm0, $0x1, v2  }
0x32b: {  	v3 =	vandn.u32 $0x1FF, v3;
	[tilespmem:v7+s14+$0x0] =	vst.idx.msk $0xffff, v6  }
0x32c: {  	[tilespmem:v7+s15+$0x0] =	vst.idx.msk $0xffff, v3  }
0x32d: {  	v3 =	vld [tilespmem:s3+$0x2080];
	_ =	sdelay $0x1  }
0x32e: {  	v5 =	vmax.u32 v5, $0x1  }
0x32f: {  	v5 =	vsub.s32 v5, v4;
	v6 =	vsel vm0, $0x16, v2;
	v7 =	vadd.s32 $0x41, v1  }
0x330: {  	v5 =	vadd.s32 v5, v6  }
0x331: {  	vm11 =	vlt.u32 v5, $0x2;
	vm10 =	vgt.s32 v3, $0x401FF  }
0x332: {  	vm0 =	vmand vm10, vm11  }
0x333: {  	v6 =	vsel vm0, $0x1, v2  }
0x334: {  	v3 =	vandn.u32 $0x1FF, v3;
	[tilespmem:v7+s14+$0x0] =	vst.idx.msk $0xffff, v6  }
0x335: {  	[tilespmem:v7+s15+$0x0] =	vst.idx.msk $0xffff, v3  }
0x336: {  	v3 =	vld [tilespmem:s3+$0x2100];
	_ =	sdelay $0x1  }
0x337: {  	v5 =	vmax.u32 v5, $0x1  }
0x338: {  	v5 =	vsub.s32 v5, v4;
	v6 =	vsel vm0, $0x16, v2;
	v7 =	vadd.s32 $0x42, v1  }
0x339: {  	v5 =	vadd.s32 v5, v6  }
0x33a: {  	vm13 =	vlt.u32 v5, $0x2;
	vm12 =	vgt.s32 v3, $0x401FF  }
0x33b: {  	vm0 =	vmand vm12, vm13  }
0x33c: {  	v6 =	vsel vm0, $0x1, v2  }
0x33d: {  	v3 =	vandn.u32 $0x1FF, v3;
	[tilespmem:v7+s14+$0x0] =	vst.idx.msk $0xffff, v6  }
0x33e: {  	[tilespmem:v7+s15+$0x0] =	vst.idx.msk $0xffff, v3  }
0x33f: {  	v3 =	vld [tilespmem:s3+$0x2180];
	_ =	sdelay $0x1  }
0x340: {  	v5 =	vmax.u32 v5, $0x1  }
0x341: {  	v5 =	vsub.s32 v5, v4;
	v6 =	vsel vm0, $0x16, v2;
	v7 =	vadd.s32 $0x43, v1  }
0x342: {  	v5 =	vadd.s32 v5, v6  }
0x343: {  	vm15 =	vlt.u32 v5, $0x2;
	vm14 =	vgt.s32 v3, $0x401FF  }
0x344: {  	vm0 =	vmand vm14, vm15  }
0x345: {  	v6 =	vsel vm0, $0x1, v2  }
0x346: {  	v3 =	vandn.u32 $0x1FF, v3;
	[tilespmem:v7+s14+$0x0] =	vst.idx.msk $0xffff, v6  }
0x347: {  	[tilespmem:v7+s15+$0x0] =	vst.idx.msk $0xffff, v3  }
0x348: {  	v3 =	vld [tilespmem:s3+$0x2200];
	_ =	sdelay $0x1  }
0x349: {  	v5 =	vmax.u32 v5, $0x1  }
0x34a: {  	v5 =	vsub.s32 v5, v4;
	v6 =	vsel vm0, $0x16, v2;
	v7 =	vadd.s32 $0x44, v1  }
0x34b: {  	v5 =	vadd.s32 v5, v6  }
0x34c: {  	vm5 =	vlt.u32 v5, $0x2;
	vm4 =	vgt.s32 v3, $0x401FF  }
0x34d: {  	vm0 =	vmand vm4, vm5  }
0x34e: {  	v6 =	vsel vm0, $0x1, v2  }
0x34f: {  	v3 =	vandn.u32 $0x1FF, v3;
	[tilespmem:v7+s14+$0x0] =	vst.idx.msk $0xffff, v6  }
0x350: {  	[tilespmem:v7+s15+$0x0] =	vst.idx.msk $0xffff, v3  }
0x351: {  	v3 =	vld [tilespmem:s3+$0x2280];
	_ =	sdelay $0x1  }
0x352: {  	v5 =	vmax.u32 v5, $0x1  }
0x353: {  	v5 =	vsub.s32 v5, v4;
	v6 =	vsel vm0, $0x16, v2;
	v7 =	vadd.s32 $0x45, v1  }
0x354: {  	v5 =	vadd.s32 v5, v6  }
0x355: {  	vm7 =	vlt.u32 v5, $0x2;
	vm6 =	vgt.s32 v3, $0x401FF  }
0x356: {  	vm0 =	vmand vm6, vm7  }
0x357: {  	v6 =	vsel vm0, $0x1, v2  }
0x358: {  	v3 =	vandn.u32 $0x1FF, v3;
	[tilespmem:v7+s14+$0x0] =	vst.idx.msk $0xffff, v6  }
0x359: {  	[tilespmem:v7+s15+$0x0] =	vst.idx.msk $0xffff, v3  }
0x35a: {  	v3 =	vld [tilespmem:s3+$0x2300];
	_ =	sdelay $0x1  }
0x35b: {  	v5 =	vmax.u32 v5, $0x1  }
0x35c: {  	v5 =	vsub.s32 v5, v4;
	v6 =	vsel vm0, $0x16, v2;
	v7 =	vadd.s32 $0x46, v1  }
0x35d: {  	v5 =	vadd.s32 v5, v6  }
0x35e: {  	vm9 =	vlt.u32 v5, $0x2;
	vm8 =	vgt.s32 v3, $0x401FF  }
0x35f: {  	vm0 =	vmand vm8, vm9  }
0x360: {  	v6 =	vsel vm0, $0x1, v2  }
0x361: {  	v3 =	vandn.u32 $0x1FF, v3;
	[tilespmem:v7+s14+$0x0] =	vst.idx.msk $0xffff, v6  }
0x362: {  	[tilespmem:v7+s15+$0x0] =	vst.idx.msk $0xffff, v3  }
0x363: {  	v3 =	vld [tilespmem:s3+$0x2380];
	_ =	sdelay $0x1  }
0x364: {  	v5 =	vmax.u32 v5, $0x1  }
0x365: {  	v5 =	vsub.s32 v5, v4;
	v6 =	vsel vm0, $0x16, v2;
	v7 =	vadd.s32 $0x47, v1  }
0x366: {  	v5 =	vadd.s32 v5, v6  }
0x367: {  	vm11 =	vlt.u32 v5, $0x2;
	vm10 =	vgt.s32 v3, $0x401FF  }
0x368: {  	vm0 =	vmand vm10, vm11  }
0x369: {  	v6 =	vsel vm0, $0x1, v2  }
0x36a: {  	v3 =	vandn.u32 $0x1FF, v3;
	[tilespmem:v7+s14+$0x0] =	vst.idx.msk $0xffff, v6  }
0x36b: {  	[tilespmem:v7+s15+$0x0] =	vst.idx.msk $0xffff, v3  }
0x36c: {  	v3 =	vld [tilespmem:s3+$0x2400];
	_ =	sdelay $0x1  }
0x36d: {  	v5 =	vmax.u32 v5, $0x1  }
0x36e: {  	v5 =	vsub.s32 v5, v4;
	v6 =	vsel vm0, $0x16, v2;
	v7 =	vadd.s32 $0x48, v1  }
0x36f: {  	v5 =	vadd.s32 v5, v6  }
0x370: {  	vm13 =	vlt.u32 v5, $0x2;
	vm12 =	vgt.s32 v3, $0x401FF  }
0x371: {  	vm0 =	vmand vm12, vm13  }
0x372: {  	v6 =	vsel vm0, $0x1, v2  }
0x373: {  	v3 =	vandn.u32 $0x1FF, v3;
	[tilespmem:v7+s14+$0x0] =	vst.idx.msk $0xffff, v6  }
0x374: {  	[tilespmem:v7+s15+$0x0] =	vst.idx.msk $0xffff, v3  }
0x375: {  	v3 =	vld [tilespmem:s3+$0x2480];
	_ =	sdelay $0x1  }
0x376: {  	v5 =	vmax.u32 v5, $0x1  }
0x377: {  	v5 =	vsub.s32 v5, v4;
	v6 =	vsel vm0, $0x16, v2;
	v7 =	vadd.s32 $0x49, v1  }
0x378: {  	v5 =	vadd.s32 v5, v6  }
0x379: {  	vm15 =	vlt.u32 v5, $0x2;
	vm14 =	vgt.s32 v3, $0x401FF  }
0x37a: {  	vm0 =	vmand vm14, vm15  }
0x37b: {  	v6 =	vsel vm0, $0x1, v2  }
0x37c: {  	v3 =	vandn.u32 $0x1FF, v3;
	[tilespmem:v7+s14+$0x0] =	vst.idx.msk $0xffff, v6  }
0x37d: {  	[tilespmem:v7+s15+$0x0] =	vst.idx.msk $0xffff, v3  }
0x37e: {  	v3 =	vld [tilespmem:s3+$0x2500];
	_ =	sdelay $0x1  }
0x37f: {  	v5 =	vmax.u32 v5, $0x1  }
0x380: {  	v5 =	vsub.s32 v5, v4;
	v6 =	vsel vm0, $0x16, v2;
	v7 =	vadd.s32 $0x4A, v1  }
0x381: {  	v5 =	vadd.s32 v5, v6  }
0x382: {  	vm5 =	vlt.u32 v5, $0x2;
	vm4 =	vgt.s32 v3, $0x401FF  }
0x383: {  	vm0 =	vmand vm4, vm5  }
0x384: {  	v6 =	vsel vm0, $0x1, v2  }
0x385: {  	v3 =	vandn.u32 $0x1FF, v3;
	[tilespmem:v7+s14+$0x0] =	vst.idx.msk $0xffff, v6  }
0x386: {  	[tilespmem:v7+s15+$0x0] =	vst.idx.msk $0xffff, v3  }
0x387: {  	v3 =	vld [tilespmem:s3+$0x2580];
	_ =	sdelay $0x1  }
0x388: {  	v5 =	vmax.u32 v5, $0x1  }
0x389: {  	v5 =	vsub.s32 v5, v4;
	v6 =	vsel vm0, $0x16, v2;
	v7 =	vadd.s32 $0x4B, v1  }
0x38a: {  	v5 =	vadd.s32 v5, v6  }
0x38b: {  	vm7 =	vlt.u32 v5, $0x2;
	vm6 =	vgt.s32 v3, $0x401FF  }
0x38c: {  	vm0 =	vmand vm6, vm7  }
0x38d: {  	v6 =	vsel vm0, $0x1, v2  }
0x38e: {  	v3 =	vandn.u32 $0x1FF, v3;
	[tilespmem:v7+s14+$0x0] =	vst.idx.msk $0xffff, v6  }
0x38f: {  	[tilespmem:v7+s15+$0x0] =	vst.idx.msk $0xffff, v3  }
0x390: {  	v3 =	vld [tilespmem:s3+$0x2600];
	_ =	sdelay $0x1  }
0x391: {  	v5 =	vmax.u32 v5, $0x1  }
0x392: {  	v5 =	vsub.s32 v5, v4;
	v6 =	vsel vm0, $0x16, v2;
	v7 =	vadd.s32 $0x4C, v1  }
0x393: {  	v5 =	vadd.s32 v5, v6  }
0x394: {  	vm9 =	vlt.u32 v5, $0x2;
	vm8 =	vgt.s32 v3, $0x401FF  }
0x395: {  	vm0 =	vmand vm8, vm9  }
0x396: {  	v6 =	vsel vm0, $0x1, v2  }
0x397: {  	v3 =	vandn.u32 $0x1FF, v3;
	[tilespmem:v7+s14+$0x0] =	vst.idx.msk $0xffff, v6  }
0x398: {  	[tilespmem:v7+s15+$0x0] =	vst.idx.msk $0xffff, v3  }
0x399: {  	v3 =	vld [tilespmem:s3+$0x2680];
	_ =	sdelay $0x1  }
0x39a: {  	v5 =	vmax.u32 v5, $0x1  }
0x39b: {  	v5 =	vsub.s32 v5, v4;
	v6 =	vsel vm0, $0x16, v2;
	v7 =	vadd.s32 $0x4D, v1  }
0x39c: {  	v5 =	vadd.s32 v5, v6  }
0x39d: {  	vm11 =	vlt.u32 v5, $0x2;
	vm10 =	vgt.s32 v3, $0x401FF  }
0x39e: {  	vm0 =	vmand vm10, vm11  }
0x39f: {  	v6 =	vsel vm0, $0x1, v2  }
0x3a0: {  	v3 =	vandn.u32 $0x1FF, v3;
	[tilespmem:v7+s14+$0x0] =	vst.idx.msk $0xffff, v6  }
0x3a1: {  	[tilespmem:v7+s15+$0x0] =	vst.idx.msk $0xffff, v3  }
0x3a2: {  	v3 =	vld [tilespmem:s3+$0x2700];
	_ =	sdelay $0x1  }
0x3a3: {  	v5 =	vmax.u32 v5, $0x1  }
0x3a4: {  	v5 =	vsub.s32 v5, v4;
	v6 =	vsel vm0, $0x16, v2;
	v7 =	vadd.s32 $0x4E, v1  }
0x3a5: {  	v5 =	vadd.s32 v5, v6  }
0x3a6: {  	vm13 =	vlt.u32 v5, $0x2;
	vm12 =	vgt.s32 v3, $0x401FF  }
0x3a7: {  	vm0 =	vmand vm12, vm13  }
0x3a8: {  	v6 =	vsel vm0, $0x1, v2  }
0x3a9: {  	v3 =	vandn.u32 $0x1FF, v3;
	[tilespmem:v7+s14+$0x0] =	vst.idx.msk $0xffff, v6  }
0x3aa: {  	[tilespmem:v7+s15+$0x0] =	vst.idx.msk $0xffff, v3  }
0x3ab: {  	v3 =	vld [tilespmem:s3+$0x2780];
	_ =	sdelay $0x1  }
0x3ac: {  	v5 =	vmax.u32 v5, $0x1  }
0x3ad: {  	v5 =	vsub.s32 v5, v4;
	v6 =	vsel vm0, $0x16, v2;
	v7 =	vadd.s32 $0x4F, v1  }
0x3ae: {  	v5 =	vadd.s32 v5, v6  }
0x3af: {  	vm15 =	vlt.u32 v5, $0x2;
	vm14 =	vgt.s32 v3, $0x401FF  }
0x3b0: {  	vm0 =	vmand vm14, vm15  }
0x3b1: {  	v6 =	vsel vm0, $0x1, v2  }
0x3b2: {  	v3 =	vandn.u32 $0x1FF, v3;
	[tilespmem:v7+s14+$0x0] =	vst.idx.msk $0xffff, v6  }
0x3b3: {  	[tilespmem:v7+s15+$0x0] =	vst.idx.msk $0xffff, v3  }
0x3b4: {  	v3 =	vld [tilespmem:s3+$0x2800];
	_ =	sdelay $0x1  }
0x3b5: {  	v5 =	vmax.u32 v5, $0x1  }
0x3b6: {  	v5 =	vsub.s32 v5, v4;
	v6 =	vsel vm0, $0x16, v2;
	v7 =	vadd.s32 $0x50, v1  }
0x3b7: {  	v5 =	vadd.s32 v5, v6  }
0x3b8: {  	vm5 =	vlt.u32 v5, $0x2;
	vm4 =	vgt.s32 v3, $0x401FF  }
0x3b9: {  	vm0 =	vmand vm4, vm5  }
0x3ba: {  	v6 =	vsel vm0, $0x1, v2  }
0x3bb: {  	v3 =	vandn.u32 $0x1FF, v3;
	[tilespmem:v7+s14+$0x0] =	vst.idx.msk $0xffff, v6  }
0x3bc: {  	[tilespmem:v7+s15+$0x0] =	vst.idx.msk $0xffff, v3  }
0x3bd: {  	v3 =	vld [tilespmem:s3+$0x2880];
	_ =	sdelay $0x1  }
0x3be: {  	v5 =	vmax.u32 v5, $0x1  }
0x3bf: {  	v5 =	vsub.s32 v5, v4;
	v6 =	vsel vm0, $0x16, v2;
	v7 =	vadd.s32 $0x51, v1  }
0x3c0: {  	v5 =	vadd.s32 v5, v6  }
0x3c1: {  	vm7 =	vlt.u32 v5, $0x2;
	vm6 =	vgt.s32 v3, $0x401FF  }
0x3c2: {  	vm0 =	vmand vm6, vm7  }
0x3c3: {  	v6 =	vsel vm0, $0x1, v2  }
0x3c4: {  	v3 =	vandn.u32 $0x1FF, v3;
	[tilespmem:v7+s14+$0x0] =	vst.idx.msk $0xffff, v6  }
0x3c5: {  	[tilespmem:v7+s15+$0x0] =	vst.idx.msk $0xffff, v3  }
0x3c6: {  	v3 =	vld [tilespmem:s3+$0x2900];
	_ =	sdelay $0x1  }
0x3c7: {  	v5 =	vmax.u32 v5, $0x1  }
0x3c8: {  	v5 =	vsub.s32 v5, v4;
	v6 =	vsel vm0, $0x16, v2;
	v7 =	vadd.s32 $0x52, v1  }
0x3c9: {  	v5 =	vadd.s32 v5, v6  }
0x3ca: {  	vm9 =	vlt.u32 v5, $0x2;
	vm8 =	vgt.s32 v3, $0x401FF  }
0x3cb: {  	vm0 =	vmand vm8, vm9  }
0x3cc: {  	v6 =	vsel vm0, $0x1, v2  }
0x3cd: {  	v3 =	vandn.u32 $0x1FF, v3;
	[tilespmem:v7+s14+$0x0] =	vst.idx.msk $0xffff, v6  }
0x3ce: {  	[tilespmem:v7+s15+$0x0] =	vst.idx.msk $0xffff, v3  }
0x3cf: {  	v3 =	vld [tilespmem:s3+$0x2980];
	_ =	sdelay $0x1  }
0x3d0: {  	v5 =	vmax.u32 v5, $0x1  }
0x3d1: {  	v5 =	vsub.s32 v5, v4;
	v6 =	vsel vm0, $0x16, v2;
	v7 =	vadd.s32 $0x53, v1  }
0x3d2: {  	v5 =	vadd.s32 v5, v6  }
0x3d3: {  	vm11 =	vlt.u32 v5, $0x2;
	vm10 =	vgt.s32 v3, $0x401FF  }
0x3d4: {  	vm0 =	vmand vm10, vm11  }
0x3d5: {  	v6 =	vsel vm0, $0x1, v2  }
0x3d6: {  	v3 =	vandn.u32 $0x1FF, v3;
	[tilespmem:v7+s14+$0x0] =	vst.idx.msk $0xffff, v6  }
0x3d7: {  	[tilespmem:v7+s15+$0x0] =	vst.idx.msk $0xffff, v3  }
0x3d8: {  	v3 =	vld [tilespmem:s3+$0x2A00];
	_ =	sdelay $0x1  }
0x3d9: {  	v5 =	vmax.u32 v5, $0x1  }
0x3da: {  	v5 =	vsub.s32 v5, v4;
	v6 =	vsel vm0, $0x16, v2;
	v7 =	vadd.s32 $0x54, v1  }
0x3db: {  	v5 =	vadd.s32 v5, v6  }
0x3dc: {  	vm13 =	vlt.u32 v5, $0x2;
	vm12 =	vgt.s32 v3, $0x401FF  }
0x3dd: {  	vm0 =	vmand vm12, vm13  }
0x3de: {  	v6 =	vsel vm0, $0x1, v2  }
0x3df: {  	v3 =	vandn.u32 $0x1FF, v3;
	[tilespmem:v7+s14+$0x0] =	vst.idx.msk $0xffff, v6  }
0x3e0: {  	[tilespmem:v7+s15+$0x0] =	vst.idx.msk $0xffff, v3  }
0x3e1: {  	v3 =	vld [tilespmem:s3+$0x2A80];
	_ =	sdelay $0x1  }
0x3e2: {  	v5 =	vmax.u32 v5, $0x1  }
0x3e3: {  	v5 =	vsub.s32 v5, v4;
	v6 =	vsel vm0, $0x16, v2;
	v7 =	vadd.s32 $0x55, v1  }
0x3e4: {  	v5 =	vadd.s32 v5, v6  }
0x3e5: {  	vm15 =	vlt.u32 v5, $0x2;
	vm14 =	vgt.s32 v3, $0x401FF  }
0x3e6: {  	vm0 =	vmand vm14, vm15  }
0x3e7: {  	v5 =	vsel vm0, $0x1, v2  }
0x3e8: {  	v3 =	vandn.u32 $0x1FF, v3;
	[tilespmem:v7+s14+$0x0] =	vst.idx.msk $0xffff, v5  }
0x3e9: {  	[tilespmem:v7+s15+$0x0] =	vst.idx.msk $0xffff, v3  }
0x3ea: {  	v3 =	vld [tilespmem:s5+$0x3600];
	_ =	sdelay $0x4  }
0x3eb: {  	v3 =	vmul.u32 $0x56, v3;
	_ =	sdelay $0x1  }
0x3ec: {  	v5 =	vld [tilespmem:s5+$0x3000];
	v3 =	vadd.s32 v0, v3;
	_ =	sdelay $0x4  }
0x3ed: {  	[tilespmem:v3+s16+$0x0] =	vst.idx.msk $0xffff, v5  }
0x3ee: {  	v3 =	vld [tilespmem:s6+$0x3600];
	_ =	sdelay $0x4  }
0x3ef: {  	v3 =	vmul.u32 $0x56, v3  }
0x3f0: {  	v5 =	vor.u32 $0x10, v0  }
0x3f1: {  	v3 =	vadd.s32 v5, v3;
	v5 =	vld [tilespmem:s6+$0x3000];
	_ =	sdelay $0x4  }
0x3f2: {  	[tilespmem:v3+s16+$0x0] =	vst.idx.msk $0xffff, v5  }
0x3f3: {  	v3 =	vld [tilespmem:s7+$0x3600];
	_ =	sdelay $0x4  }
0x3f4: {  	v3 =	vmul.u32 $0x56, v3  }
0x3f5: {  	v5 =	vor.u32 $0x20, v0  }
0x3f6: {  	v3 =	vadd.s32 v5, v3;
	v5 =	vld [tilespmem:s7+$0x3000];
	_ =	sdelay $0x4  }
0x3f7: {  	[tilespmem:v3+s16+$0x0] =	vst.idx.msk $0xffff, v5  }
0x3f8: {  	v3 =	vld [tilespmem:s8+$0x3600];
	_ =	sdelay $0x4  }
0x3f9: {  	v3 =	vmul.u32 $0x56, v3  }
0x3fa: {  	v5 =	vor.u32 $0x30, v0  }
0x3fb: {  	v3 =	vadd.s32 v5, v3;
	v5 =	vld [tilespmem:s8+$0x3000];
	_ =	sdelay $0x4  }
0x3fc: {  	[tilespmem:v3+s16+$0x0] =	vst.idx.msk $0xffff, v5  }
0x3fd: {  	v3 =	vld [tilespmem:s9+$0x3600];
	_ =	sdelay $0x4  }
0x3fe: {  	v3 =	vmul.u32 $0x56, v3  }
0x3ff: {  	v5 =	vor.u32 $0x40, v0  }
0x400: {  	v3 =	vadd.s32 v5, v3;
	v5 =	vld [tilespmem:s9+$0x3000];
	_ =	sdelay $0x4  }
0x401: {  	[tilespmem:v3+s16+$0x0] =	vst.idx.msk $0xffff, v5  }
0x402: {  	v3 =	vld [tilespmem:s10+$0x3600];
	_ =	sdelay $0x4  }
0x403: {  	v3 =	vmul.u32 $0x56, v3  }
0x404: {  	v5 =	vor.u32 $0x50, v0  }
0x405: {  	v3 =	vadd.s32 v5, v3;
	v5 =	vld [tilespmem:s10+$0x3000];
	_ =	sdelay $0x2  }
0x406: {  	s19 =	sadd.s32 $0x1, s19  }
0x407: {  	p0 =	sne.s32 s19, s12  }
.Ltmp1:
0x408: {  	[tilespmem:v3+s16+$0x0] =	vst.idx.msk $0xffff, v5;
	(pc) =	sbr.rel @p0 .LBB2_1-.Ltmp1, $4  }
0x409: {  	[hbm4b:s11+s17] =	stream.strided.scatter [tilespmem:s16], [sflag:$0x1], $0xAC00, s18, s17, $0x38;
	[tilespmem:$0xE800] =	vst v63  }
0x40a: {  	_ =	swait.ge [sflag:s13], $0xAC00  }
0x40b: {  	[sflag:s13] =	ssyncset.done $0x0  }
0x40c: {  	[sflag:s13] =	ssyncadd.s32 $0xFFFF5400  }
0x40d: {  	_ =	sfence.sel $0x180000  }
0x40e: {  	[bflag:$0x0] =	sbarrier.arrive $0xFFFF  }
0x40f: {  	p0 =	sne.s32 s2, $0x0;
	_ =	strace $0x90000047  }
0x410: {  	s0 =	sadd.s32 @!p0 $0x100000, s0;
	[bflag:$0x2] =	sbarrier.arrive $0xFFFF  }
0x411: {  	[sflag:s0] =	ssyncadd.tile.s32 @!p0 $0x1;
	_ =	shalt  }
.Lfunc_end2:
_tile_overlayer_lowered:
.L_overlay_start_2:
0x412: {  	(tag) =	ssettag $0x2  }
0x413: {  	s0 =	rddreg [dreg:$0x0];
	s2 =	stileid.u32  }
0x414: {  	s1 =	rddreg [dreg:$0x1];
	p0 =	sne.s32 s2, $0x0  }
0x415: {  	s3 =	rddreg [dreg:$0x2];
	[bflag:$0x3] =	sbarrier.arrive $0xFFFF;
	s2 =	simm.s32 @!p0 $0x1C01  }
0x416: {  	[timem:s3], [sflag:s2] =	dma.local @!p0 [hbm:s0], s1  }
0x417: {  	s0 =	simm.s32 @!p0 $0x1  }
0x418: {  	_ =	swait.ge @!p0 [sflag:s0], s1  }
0x419: {  	s1 =	ssub.s32 @!p0 $0x0, s1;
	[sflag:s0] =	ssyncset.done @!p0 $0x0  }
0x41a: {  	[sflag:s0] =	ssyncadd.s32 @!p0 s1  }
0x41b: {  	[bflag:$0x3] =	sbarrier.arrive $0xFFFF  }
0x41c: {  	_ =	shalt  }

</sc_bundles>
